<compile_context>
chip_gen: v7x
topology: tpu7x:2x2x1
jax: 0.10.2.dev20260603
libtpu: 0.0.44.dev20260713+nightly
codegen_flags: <defaults>
</compile_context>

<pallas_src>
import functools

import jax
import jax.numpy as jnp
from jax import lax
from jax.experimental import pallas as pl
from jax.experimental.pallas import tpu as pltpu
from jax.experimental.pallas import tpu_sc as plsc

N = 10000
D = 128
E = 320000

RW = 144
NP = 10016
RPT = NP // 16
KC = 128
NW = 32
CPW = 81
ET = NW * CPW * KC
BN = 2504
NEG = -1.0e30

_f32 = jnp.float32
_i32 = jnp.int32



def _head(h, asrc, adst, hext_ref, as_ref, ad_ref):
    ones = jnp.ones((NP, 1), _f32)
    zer = jnp.zeros((NP, RW - D - 1), _f32)
    hext_ref[...] = jnp.concatenate([h, ones, zer], axis=1)
    valid = lax.broadcasted_iota(_i32, (1, NP), 1) < N
    a_s = jnp.sum(h * asrc, axis=1).reshape(1, NP)
    a_d = jnp.sum(h * adst, axis=1).reshape(1, NP)
    as_ref[...] = jnp.where(valid, a_s, NEG)
    ad_ref[...] = jnp.where(valid, a_d, NEG)


def _tc_first_body(x_ref, w_ref, asrc_ref, adst_ref, hext_ref, as_ref,
                   ad_ref):
    h = jnp.dot(x_ref[...], w_ref[...], preferred_element_type=_f32)
    _head(h, asrc_ref[...], adst_ref[...], hext_ref, as_ref, ad_ref)


def _combine(part_ref):
    p = part_ref[...]
    ssum = p[0] + p[1]
    numer = ssum[:, :D]
    denom = jnp.sum(ssum[:, D:RW], axis=1, keepdims=True)
    return numer / (denom + 1e-16)


def _tc_mid_body(part_ref, b_ref, w_ref, asrc_ref, adst_ref,
                 hext_ref, as_ref, ad_ref):
    h0 = _combine(part_ref) + b_ref[...]
    h0 = jnp.where(h0 >= 0.0, h0, 0.01 * h0)
    h = jnp.dot(h0, w_ref[...], preferred_element_type=_f32)
    _head(h, asrc_ref[...], adst_ref[...], hext_ref, as_ref, ad_ref)


def _tc_last_body(part_ref, b_ref, out_ref):
    out_ref[...] = _combine(part_ref) + b_ref[...]


_HEAD_OUT = [
    jax.ShapeDtypeStruct((NP, RW), _f32),
    jax.ShapeDtypeStruct((1, NP), _f32),
    jax.ShapeDtypeStruct((1, NP), _f32),
]

_tc_first = pl.pallas_call(_tc_first_body, out_shape=_HEAD_OUT)
_tc_mid = pl.pallas_call(_tc_mid_body, out_shape=_HEAD_OUT)
_tc_last = pl.pallas_call(
    _tc_last_body, out_shape=[jax.ShapeDtypeStruct((NP, D), _f32)])



_mesh = plsc.VectorSubcoreMesh(core_axis_name="c", subcore_axis_name="s")


@functools.partial(
    pl.kernel,
    out_type=jax.ShapeDtypeStruct((2 * NP, RW), _f32),
    mesh=_mesh,
    compiler_params=pltpu.CompilerParams(needs_layout_passes=False,
                                         use_tc_tiling_on_sc=False),
    scratch_types=[
        pltpu.VMEM((KC,), _i32),
        pltpu.VMEM((KC,), _i32),
        pltpu.VMEM((KC,), _i32),
        pltpu.VMEM((KC,), _i32),
        pltpu.VMEM((KC, RW), _f32),
        pltpu.VMEM((KC, RW), _f32),
        pltpu.VMEM((KC,), _i32),
        pltpu.VMEM((KC,), _f32),
        pltpu.VMEM((KC,), _f32),
        pltpu.VMEM((KC,), _f32),
        pltpu.VMEM((KC,), _f32),
        pltpu.VMEM((KC,), _f32),
        pltpu.VMEM_SHARED((NP, RW), _f32),
        pltpu.SemaphoreType.DMA,
        pltpu.SemaphoreType.DMA,
        pltpu.SemaphoreType.DMA,
        pltpu.SemaphoreType.DMA,
    ],
)
def _edge_kernel(hext, asarr, adarr, src, dst, zrows, out,
                 srcv0, dstv0, srcv1, dstv1, rows0, rows1, sidx, wv,
                 asg0, adg0, asg1, adg1, accum, semg0, semg1, sems, semi):
    c = lax.axis_index("c")
    s = lax.axis_index("s")
    wid = s * 2 + c
    gbase = wid * CPW

    pltpu.sync_copy(zrows.at[pl.ds(s * RPT, RPT)],
                    accum.at[pl.ds(s * RPT, RPT)])
    plsc.subcore_barrier()

    bufs = ((srcv0, dstv0, rows0, semg0, asg0, adg0),
            (srcv1, dstv1, rows1, semg1, asg1, adg1))

    def idx_issue(g, p):
        base = (gbase + g) * KC
        pltpu.async_copy(src.at[pl.ds(base, KC)], bufs[p][0], semi)
        pltpu.async_copy(dst.at[pl.ds(base, KC)], bufs[p][1], semi)

    def idx_wait(g, p):
        base = (gbase + g) * KC
        pltpu.make_async_copy(src.at[pl.ds(base, KC)], bufs[p][0],
                              semi).wait()
        pltpu.make_async_copy(dst.at[pl.ds(base, KC)], bufs[p][1],
                              semi).wait()

    def gather_issue(p):
        sv, dv, rows, semg, asg, adg = bufs[p]
        pltpu.async_copy(hext.at[sv], rows, semg)
        pltpu.async_copy(asarr.at[sv], asg, semg)
        pltpu.async_copy(adarr.at[dv], adg, semg)

    def gather_wait(p):
        sv, dv, rows, semg, asg, adg = bufs[p]
        pltpu.make_async_copy(hext.at[sv], rows, semg).wait()
        pltpu.make_async_copy(asarr.at[sv], asg, semg).wait()
        pltpu.make_async_copy(adarr.at[dv], adg, semg).wait()

    def scatter_wait(p):
        pltpu.make_async_copy(bufs[p][2], accum.at[sidx], sems).wait()

    def process(g, p, first=False, next_idx=True, next_gather=True):
        sv, dv, rows, _, asg, adg = bufs[p]
        if not first:
            scatter_wait(1 - p)
        if next_gather:
            idx_wait(g + 1, 1 - p)
            gather_issue(1 - p)
        gather_wait(p)
        for j in range(KC // 16):
            sl = pl.ds(j * 16, 16)
            e = asg[sl] + adg[sl]
            e = jnp.where(e >= 0.0, e, 0.2 * e)
            wv[sl] = jnp.exp(e)
            sidx[sl] = dv[sl]
        if next_idx:
            idx_issue(g + 2, p)

        @plsc.parallel_loop(0, KC, unroll=2)
        def _scale(j):
            wsp = plsc.load_gather(wv, [jnp.full((16,), j, _i32)])
            for k in range(RW // 16):
                sl2 = pl.ds(k * 16, 16)
                rows[j, sl2] = rows[j, sl2] * wsp

        pltpu.async_copy(rows, accum.at[sidx], sems, add=True)

    idx_issue(0, 0)
    idx_wait(0, 0)
    gather_issue(0)
    idx_issue(1, 1)
    process(0, 0, first=True)

    def body(i2, carry):
        g = 1 + 2 * i2
        process(g, 1)
        process(g + 1, 0)
        return carry

    lax.fori_loop(0, (CPW - 3) // 2, body, 0)
    process(CPW - 2, 1, next_idx=False)
    process(CPW - 1, 0, next_idx=False, next_gather=False)
    scatter_wait(0)

    plsc.subcore_barrier()
    pltpu.sync_copy(accum.at[pl.ds(s * RPT, RPT)],
                    out.at[pl.ds(c * NP + s * RPT, RPT)])



def kernel(x, edge_index, W1, a_src1, a_dst1, b1, W2, a_src2, a_dst2, b2):
    loop = jnp.arange(N, dtype=_i32)
    padi = jnp.full((ET - E - N,), N, dtype=_i32)
    src = jnp.concatenate([edge_index[0].astype(_i32), loop, padi])
    dst = jnp.concatenate([edge_index[1].astype(_i32), loop, padi])

    xp = jnp.zeros((NP, D), _f32).at[:N].set(x)
    zrows = jnp.zeros((NP, RW), _f32)

    asrc1 = a_src1.reshape(1, D)
    adst1 = a_dst1.reshape(1, D)
    asrc2 = a_src2.reshape(1, D)
    adst2 = a_dst2.reshape(1, D)

    hext1, as1, ad1 = _tc_first(xp, W1, asrc1, adst1)
    part1 = _edge_kernel(hext1, as1.reshape(NP), ad1.reshape(NP),
                         src, dst, zrows)
    hext2, as2, ad2 = _tc_mid(part1.reshape(2, NP, RW), b1.reshape(1, D),
                              W2, asrc2, adst2)
    part2 = _edge_kernel(hext2, as2.reshape(NP), ad2.reshape(NP),
                         src, dst, zrows)
    (outp,) = _tc_last(part2.reshape(2, NP, RW), b2.reshape(1, D))
    return outp[:N]

# --- scband reference (transcript-rebuilt; emitter-appended) ---
"""Pipeline reference for scband-res-encoding-block-55138790146251 (READ-ONLY COPY).

The authoritative reference and input builder live on the scoring server;
editing this copy changes nothing except your own understanding.
"""

import jax, jax.numpy as jnp
import numpy as np

N = 10000
E = 320000
D = 128


def leaky_relu(x, slope):
    return jnp.where(x >= 0, x, slope * x)


def gat_conv(x, edge_index, W, a_src, a_dst, b):
    # PyG GATConv with heads=1, concat=True, add_self_loops=True, negative_slope=0.2
    n = x.shape[0]
    h = x @ W
    loop = jnp.arange(n, dtype=edge_index.dtype)
    src = jnp.concatenate([edge_index[0], loop])
    dst = jnp.concatenate([edge_index[1], loop])
    alpha_s = h @ a_src
    alpha_d = h @ a_dst
    e = leaky_relu(alpha_s[src] + alpha_d[dst], 0.2)
    m = jax.ops.segment_max(e, dst, num_segments=n)
    ex = jnp.exp(e - jax.lax.stop_gradient(m)[dst])
    denom = jax.ops.segment_sum(ex, dst, num_segments=n)
    alpha = ex / (denom[dst] + 1e-16)
    out = jax.ops.segment_sum(alpha[:, None] * h[src], dst, num_segments=n)
    return out + b


def setup_inputs(seed: int = 0) -> dict:
    key = jax.random.key(seed)
    ks = jax.random.split(key, 12)
    scale = 1.0 / np.sqrt(D)
    x = jax.random.normal(ks[0], (N, D), dtype=jnp.float32)
    edge_index = jax.random.randint(ks[1], (2, E), 0, N, dtype=jnp.int32)
    W1 = jax.random.normal(ks[2], (D, D), dtype=jnp.float32) * scale
    a_src1 = jax.random.normal(ks[3], (D,), dtype=jnp.float32) * scale
    a_dst1 = jax.random.normal(ks[4], (D,), dtype=jnp.float32) * scale
    b1 = jnp.zeros((D,), dtype=jnp.float32)
    W2 = jax.random.normal(ks[5], (D, D), dtype=jnp.float32) * scale
    a_src2 = jax.random.normal(ks[6], (D,), dtype=jnp.float32) * scale
    a_dst2 = jax.random.normal(ks[7], (D,), dtype=jnp.float32) * scale
    b2 = jnp.zeros((D,), dtype=jnp.float32)
    return {"x": x, "edge_index": edge_index, "W1": W1, "a_src1": a_src1, "a_dst1": a_dst1, "b1": b1, "W2": W2, "a_src2": a_src2, "a_dst2": a_dst2, "b2": b2}


def reference(x, edge_index, W1, a_src1, a_dst1, b1, W2, a_src2, a_dst2, b2):
    # ResEncodingBlock with use_residual=False: conv1 -> LeakyReLU(0.01) -> conv2
    h = gat_conv(x, edge_index, W1, a_src1, a_dst1, b1)
    h = leaky_relu(h, 0.01)
    out = gat_conv(h, edge_index, W2, a_src2, a_dst2, b2)
    return out

if __name__ == "__main__":
    import jax
    _d = setup_inputs()
    print(jax.jit(kernel)(*tuple(_d.values())))

</pallas_src>

<mosaic_0001>
#map = affine_map<(d0, d1) -> (0, 0)>
#map1 = affine_map<(d0, d1) -> (0)>
module attributes {stable_mosaic.version = 14 : i64} {
  func.func @_edge_kernel(%arg0: i32, %arg1: i32, %arg2: memref<10016x144xf32, #tpu.memory_space<hbm>>, %arg3: memref<10016xf32, #tpu.memory_space<hbm>>, %arg4: memref<10016xf32, #tpu.memory_space<hbm>>, %arg5: memref<331776xi32, #tpu.memory_space<hbm>>, %arg6: memref<331776xi32, #tpu.memory_space<hbm>>, %arg7: memref<10016x144xf32, #tpu.memory_space<hbm>>, %arg8: memref<20032x144xf32, #tpu.memory_space<hbm>>, %arg9: memref<128xi32, #tpu.memory_space<vmem>>, %arg10: memref<128xi32, #tpu.memory_space<vmem>>, %arg11: memref<128xi32, #tpu.memory_space<vmem>>, %arg12: memref<128xi32, #tpu.memory_space<vmem>>, %arg13: memref<128x144xf32, #tpu.memory_space<vmem>>, %arg14: memref<128x144xf32, #tpu.memory_space<vmem>>, %arg15: memref<128xi32, #tpu.memory_space<vmem>>, %arg16: memref<128xf32, #tpu.memory_space<vmem>>, %arg17: memref<128xf32, #tpu.memory_space<vmem>>, %arg18: memref<128xf32, #tpu.memory_space<vmem>>, %arg19: memref<128xf32, #tpu.memory_space<vmem>>, %arg20: memref<128xf32, #tpu.memory_space<vmem>>, %arg21: memref<10016x144xf32, #tpu.memory_space<vmem_shared>>, %arg22: memref<!tpu.dma_semaphore, #tpu.memory_space<semaphore_mem>>, %arg23: memref<!tpu.dma_semaphore, #tpu.memory_space<semaphore_mem>>, %arg24: memref<!tpu.dma_semaphore, #tpu.memory_space<semaphore_mem>>, %arg25: memref<!tpu.dma_semaphore, #tpu.memory_space<semaphore_mem>>) attributes {dimension_semantics = [#tpu.dimension_semantics<core_parallel>, #tpu.dimension_semantics<subcore_parallel>], iteration_bounds = array<i64: 2, 16>, scalar_prefetch = 0 : i64, scratch_operands = 17 : i64, tpu.core_type = #tpu.core_type<sc_vector_subcore>, window_params = [{transform_indices = #map}, {transform_indices = #map1}, {transform_indices = #map1}, {transform_indices = #map1}, {transform_indices = #map1}, {transform_indices = #map}, {transform_indices = #map}]} {
    %mul3A = arith.constant 2 : i32
    %mul3A_0 = arith.muli %arg1, %mul3A : i32
    %add3A = arith.addi %mul3A_0, %arg0 : i32
    %mul3A_1 = arith.constant 81 : i32
    %mul3A_2 = arith.muli %add3A, %mul3A_1 : i32
    %mul3A_3 = arith.constant 626 : i32
    %mul3A_4 = arith.muli %arg1, %mul3A_3 : i32
    %mul3A_5 = arith.constant 626 : i32
    %mul3A_6 = arith.muli %arg1, %mul3A_5 : i32
    "tpu.region"() ({
      %run_scoped3A = tpu.sem_alloc : memref<!tpu.dma_semaphore, #tpu.memory_space<semaphore_mem>>
      %dma_start3A_585 = arith.constant 0 : i32
      %dma_start3A_586 = tpu.memref_slice %arg21[%mul3A_6, %dma_start3A_585] : memref<10016x144xf32, #tpu.memory_space<vmem_shared>> -> memref<626x144xf32, #tpu.memory_space<vmem_shared>>
      %dma_start3A_587 = arith.constant 0 : i32
      %dma_start3A_588 = tpu.memref_slice %arg7[%mul3A_4, %dma_start3A_587] : memref<10016x144xf32, #tpu.memory_space<hbm>> -> memref<626x144xf32, #tpu.memory_space<hbm>>
      tpu.enqueue_dma source(%dma_start3A_588 : memref<626x144xf32, #tpu.memory_space<hbm>>) target(%dma_start3A_586 : memref<626x144xf32, #tpu.memory_space<vmem_shared>>) target_semaphore(%run_scoped3A : memref<!tpu.dma_semaphore, #tpu.memory_space<semaphore_mem>>)
      %dma_wait3A_589 = arith.constant 0 : i32
      %dma_wait3A_590 = tpu.memref_slice %arg21[%mul3A_6, %dma_wait3A_589] : memref<10016x144xf32, #tpu.memory_space<vmem_shared>> -> memref<626x144xf32, #tpu.memory_space<vmem_shared>>
      %dma_wait3A_591 = arith.constant 0 : i32
      %dma_wait3A_592 = tpu.memref_slice %arg7[%mul3A_4, %dma_wait3A_591] : memref<10016x144xf32, #tpu.memory_space<hbm>> -> memref<626x144xf32, #tpu.memory_space<hbm>>
      tpu.wait_dma2 semaphore(%run_scoped3A : memref<!tpu.dma_semaphore, #tpu.memory_space<semaphore_mem>>) src(%dma_wait3A_592 : memref<626x144xf32, #tpu.memory_space<hbm>>) dst(%dma_wait3A_590 : memref<626x144xf32, #tpu.memory_space<vmem_shared>>)
      tpu.yield
    }) : () -> ()
    %barrier3A = arith.constant 0 : index
    tpu.barrier barrier_id(%barrier3A)
    %add3A_7 = arith.constant 0 : i32
    %add3A_8 = arith.addi %mul3A_2, %add3A_7 : i32
    %mul3A_9 = arith.constant 128 : i32
    %mul3A_10 = arith.muli %add3A_8, %mul3A_9 : i32
    %dma_start3A = tpu.memref_slice %arg5[%mul3A_10] : memref<331776xi32, #tpu.memory_space<hbm>> -> memref<128xi32, #tpu.memory_space<hbm>>
    %dma_start3A_11 = tpu.memref_slice %arg5[%mul3A_10] : memref<331776xi32, #tpu.memory_space<hbm>> -> memref<128xi32, #tpu.memory_space<hbm>>
    tpu.enqueue_dma source(%dma_start3A_11 : memref<128xi32, #tpu.memory_space<hbm>>) target(%arg9 : memref<128xi32, #tpu.memory_space<vmem>>) target_semaphore(%arg25 : memref<!tpu.dma_semaphore, #tpu.memory_space<semaphore_mem>>)
    %dma_start3A_12 = tpu.memref_slice %arg6[%mul3A_10] : memref<331776xi32, #tpu.memory_space<hbm>> -> memref<128xi32, #tpu.memory_space<hbm>>
    %dma_start3A_13 = tpu.memref_slice %arg6[%mul3A_10] : memref<331776xi32, #tpu.memory_space<hbm>> -> memref<128xi32, #tpu.memory_space<hbm>>
    tpu.enqueue_dma source(%dma_start3A_13 : memref<128xi32, #tpu.memory_space<hbm>>) target(%arg10 : memref<128xi32, #tpu.memory_space<vmem>>) target_semaphore(%arg25 : memref<!tpu.dma_semaphore, #tpu.memory_space<semaphore_mem>>)
    %add3A_14 = arith.constant 0 : i32
    %add3A_15 = arith.addi %mul3A_2, %add3A_14 : i32
    %mul3A_16 = arith.constant 128 : i32
    %mul3A_17 = arith.muli %add3A_15, %mul3A_16 : i32
    %dma_wait3A = tpu.memref_slice %arg5[%mul3A_17] : memref<331776xi32, #tpu.memory_space<hbm>> -> memref<128xi32, #tpu.memory_space<hbm>>
    %dma_wait3A_18 = tpu.memref_slice %arg5[%mul3A_17] : memref<331776xi32, #tpu.memory_space<hbm>> -> memref<128xi32, #tpu.memory_space<hbm>>
    tpu.wait_dma2 semaphore(%arg25 : memref<!tpu.dma_semaphore, #tpu.memory_space<semaphore_mem>>) src(%dma_wait3A_18 : memref<128xi32, #tpu.memory_space<hbm>>) dst(%arg9 : memref<128xi32, #tpu.memory_space<vmem>>)
    %dma_wait3A_19 = tpu.memref_slice %arg6[%mul3A_17] : memref<331776xi32, #tpu.memory_space<hbm>> -> memref<128xi32, #tpu.memory_space<hbm>>
    %dma_wait3A_20 = tpu.memref_slice %arg6[%mul3A_17] : memref<331776xi32, #tpu.memory_space<hbm>> -> memref<128xi32, #tpu.memory_space<hbm>>
    tpu.wait_dma2 semaphore(%arg25 : memref<!tpu.dma_semaphore, #tpu.memory_space<semaphore_mem>>) src(%dma_wait3A_20 : memref<128xi32, #tpu.memory_space<hbm>>) dst(%arg10 : memref<128xi32, #tpu.memory_space<vmem>>)
    %dma_start3A_21 = arith.constant 0 : i32
    %dma_start3A_22 = arith.constant 0 : i32
    %dma_start3A_23 = tpu.memref_slice %arg2[%dma_start3A_21, %dma_start3A_22] : memref<10016x144xf32, #tpu.memory_space<hbm>> -> memref<10016x144xf32, #tpu.memory_space<hbm>>
    tpu.enqueue_indirect_dma source(%dma_start3A_23 : memref<10016x144xf32, #tpu.memory_space<hbm>>) target(%arg13 : memref<128x144xf32, #tpu.memory_space<vmem>>) offsets(%arg9 : memref<128xi32, #tpu.memory_space<vmem>>) semaphore(%arg22 : memref<!tpu.dma_semaphore, #tpu.memory_space<semaphore_mem>>)
    %dma_start3A_24 = arith.constant 0 : i32
    %dma_start3A_25 = tpu.memref_slice %arg3[%dma_start3A_24] : memref<10016xf32, #tpu.memory_space<hbm>> -> memref<10016xf32, #tpu.memory_space<hbm>>
    tpu.enqueue_indirect_dma source(%dma_start3A_25 : memref<10016xf32, #tpu.memory_space<hbm>>) target(%arg17 : memref<128xf32, #tpu.memory_space<vmem>>) offsets(%arg9 : memref<128xi32, #tpu.memory_space<vmem>>) semaphore(%arg22 : memref<!tpu.dma_semaphore, #tpu.memory_space<semaphore_mem>>)
    %dma_start3A_26 = arith.constant 0 : i32
    %dma_start3A_27 = tpu.memref_slice %arg4[%dma_start3A_26] : memref<10016xf32, #tpu.memory_space<hbm>> -> memref<10016xf32, #tpu.memory_space<hbm>>
    tpu.enqueue_indirect_dma source(%dma_start3A_27 : memref<10016xf32, #tpu.memory_space<hbm>>) target(%arg18 : memref<128xf32, #tpu.memory_space<vmem>>) offsets(%arg10 : memref<128xi32, #tpu.memory_space<vmem>>) semaphore(%arg22 : memref<!tpu.dma_semaphore, #tpu.memory_space<semaphore_mem>>)
    %add3A_28 = arith.constant 1 : i32
    %add3A_29 = arith.addi %mul3A_2, %add3A_28 : i32
    %mul3A_30 = arith.constant 128 : i32
    %mul3A_31 = arith.muli %add3A_29, %mul3A_30 : i32
    %dma_start3A_32 = tpu.memref_slice %arg5[%mul3A_31] : memref<331776xi32, #tpu.memory_space<hbm>> -> memref<128xi32, #tpu.memory_space<hbm>>
    %dma_start3A_33 = tpu.memref_slice %arg5[%mul3A_31] : memref<331776xi32, #tpu.memory_space<hbm>> -> memref<128xi32, #tpu.memory_space<hbm>>
    tpu.enqueue_dma source(%dma_start3A_33 : memref<128xi32, #tpu.memory_space<hbm>>) target(%arg11 : memref<128xi32, #tpu.memory_space<vmem>>) target_semaphore(%arg25 : memref<!tpu.dma_semaphore, #tpu.memory_space<semaphore_mem>>)
    %dma_start3A_34 = tpu.memref_slice %arg6[%mul3A_31] : memref<331776xi32, #tpu.memory_space<hbm>> -> memref<128xi32, #tpu.memory_space<hbm>>
    %dma_start3A_35 = tpu.memref_slice %arg6[%mul3A_31] : memref<331776xi32, #tpu.memory_space<hbm>> -> memref<128xi32, #tpu.memory_space<hbm>>
    tpu.enqueue_dma source(%dma_start3A_35 : memref<128xi32, #tpu.memory_space<hbm>>) target(%arg12 : memref<128xi32, #tpu.memory_space<vmem>>) target_semaphore(%arg25 : memref<!tpu.dma_semaphore, #tpu.memory_space<semaphore_mem>>)
    %add3A_36 = arith.constant 1 : i32
    %add3A_37 = arith.addi %mul3A_2, %add3A_36 : i32
    %mul3A_38 = arith.constant 128 : i32
    %mul3A_39 = arith.muli %add3A_37, %mul3A_38 : i32
    %dma_wait3A_40 = tpu.memref_slice %arg5[%mul3A_39] : memref<331776xi32, #tpu.memory_space<hbm>> -> memref<128xi32, #tpu.memory_space<hbm>>
    %dma_wait3A_41 = tpu.memref_slice %arg5[%mul3A_39] : memref<331776xi32, #tpu.memory_space<hbm>> -> memref<128xi32, #tpu.memory_space<hbm>>
    tpu.wait_dma2 semaphore(%arg25 : memref<!tpu.dma_semaphore, #tpu.memory_space<semaphore_mem>>) src(%dma_wait3A_41 : memref<128xi32, #tpu.memory_space<hbm>>) dst(%arg11 : memref<128xi32, #tpu.memory_space<vmem>>)
    %dma_wait3A_42 = tpu.memref_slice %arg6[%mul3A_39] : memref<331776xi32, #tpu.memory_space<hbm>> -> memref<128xi32, #tpu.memory_space<hbm>>
    %dma_wait3A_43 = tpu.memref_slice %arg6[%mul3A_39] : memref<331776xi32, #tpu.memory_space<hbm>> -> memref<128xi32, #tpu.memory_space<hbm>>
    tpu.wait_dma2 semaphore(%arg25 : memref<!tpu.dma_semaphore, #tpu.memory_space<semaphore_mem>>) src(%dma_wait3A_43 : memref<128xi32, #tpu.memory_space<hbm>>) dst(%arg12 : memref<128xi32, #tpu.memory_space<vmem>>)
    %dma_start3A_44 = arith.constant 0 : i32
    %dma_start3A_45 = arith.constant 0 : i32
    %dma_start3A_46 = tpu.memref_slice %arg2[%dma_start3A_44, %dma_start3A_45] : memref<10016x144xf32, #tpu.memory_space<hbm>> -> memref<10016x144xf32, #tpu.memory_space<hbm>>
    tpu.enqueue_indirect_dma source(%dma_start3A_46 : memref<10016x144xf32, #tpu.memory_space<hbm>>) target(%arg14 : memref<128x144xf32, #tpu.memory_space<vmem>>) offsets(%arg11 : memref<128xi32, #tpu.memory_space<vmem>>) semaphore(%arg23 : memref<!tpu.dma_semaphore, #tpu.memory_space<semaphore_mem>>)
    %dma_start3A_47 = arith.constant 0 : i32
    %dma_start3A_48 = tpu.memref_slice %arg3[%dma_start3A_47] : memref<10016xf32, #tpu.memory_space<hbm>> -> memref<10016xf32, #tpu.memory_space<hbm>>
    tpu.enqueue_indirect_dma source(%dma_start3A_48 : memref<10016xf32, #tpu.memory_space<hbm>>) target(%arg19 : memref<128xf32, #tpu.memory_space<vmem>>) offsets(%arg11 : memref<128xi32, #tpu.memory_space<vmem>>) semaphore(%arg23 : memref<!tpu.dma_semaphore, #tpu.memory_space<semaphore_mem>>)
    %dma_start3A_49 = arith.constant 0 : i32
    %dma_start3A_50 = tpu.memref_slice %arg4[%dma_start3A_49] : memref<10016xf32, #tpu.memory_space<hbm>> -> memref<10016xf32, #tpu.memory_space<hbm>>
    tpu.enqueue_indirect_dma source(%dma_start3A_50 : memref<10016xf32, #tpu.memory_space<hbm>>) target(%arg20 : memref<128xf32, #tpu.memory_space<vmem>>) offsets(%arg12 : memref<128xi32, #tpu.memory_space<vmem>>) semaphore(%arg23 : memref<!tpu.dma_semaphore, #tpu.memory_space<semaphore_mem>>)
    %dma_wait3A_51 = arith.constant 0 : i32
    %dma_wait3A_52 = arith.constant 0 : i32
    %dma_wait3A_53 = tpu.memref_slice %arg2[%dma_wait3A_51, %dma_wait3A_52] : memref<10016x144xf32, #tpu.memory_space<hbm>> -> memref<10016x144xf32, #tpu.memory_space<hbm>>
    tpu.wait_indirect_dma semaphore(%arg22 : memref<!tpu.dma_semaphore, #tpu.memory_space<semaphore_mem>>) src(%dma_wait3A_53 : memref<10016x144xf32, #tpu.memory_space<hbm>>) dst(%arg13 : memref<128x144xf32, #tpu.memory_space<vmem>>)
    %dma_wait3A_54 = arith.constant 0 : i32
    %dma_wait3A_55 = tpu.memref_slice %arg3[%dma_wait3A_54] : memref<10016xf32, #tpu.memory_space<hbm>> -> memref<10016xf32, #tpu.memory_space<hbm>>
    tpu.wait_indirect_dma semaphore(%arg22 : memref<!tpu.dma_semaphore, #tpu.memory_space<semaphore_mem>>) src(%dma_wait3A_55 : memref<10016xf32, #tpu.memory_space<hbm>>) dst(%arg17 : memref<128xf32, #tpu.memory_space<vmem>>)
    %dma_wait3A_56 = arith.constant 0 : i32
    %dma_wait3A_57 = tpu.memref_slice %arg4[%dma_wait3A_56] : memref<10016xf32, #tpu.memory_space<hbm>> -> memref<10016xf32, #tpu.memory_space<hbm>>
    tpu.wait_indirect_dma semaphore(%arg22 : memref<!tpu.dma_semaphore, #tpu.memory_space<semaphore_mem>>) src(%dma_wait3A_57 : memref<10016xf32, #tpu.memory_space<hbm>>) dst(%arg18 : memref<128xf32, #tpu.memory_space<vmem>>)
    %get3A = arith.constant 0 : index
    %get3A_58 = tpu.vector_load %arg17[%get3A] {strides = array<i32>} : memref<128xf32, #tpu.memory_space<vmem>>, vector<16xf32>,
    %get3A_59 = arith.constant 0 : index
    %get3A_60 = tpu.vector_load %arg18[%get3A_59] {strides = array<i32>} : memref<128xf32, #tpu.memory_space<vmem>>, vector<16xf32>,
    %add3A_61 = arith.addf %get3A_58, %get3A_60 : vector<16xf32>
    %ge3A = arith.constant 0.000000e+00 : f32
    %ge3A_62 = vector.broadcast %ge3A : f32 to vector<16xf32>
    %ge3A_63 = arith.cmpf oge, %add3A_61, %ge3A_62 : vector<16xf32>
    %mul3A_64 = arith.constant 2.000000e-01 : f32
    %mul3A_65 = vector.broadcast %mul3A_64 : f32 to vector<16xf32>
    %mul3A_66 = arith.mulf %mul3A_65, %add3A_61 : vector<16xf32>
    %select_n3A = arith.select %ge3A_63, %add3A_61, %mul3A_66 : vector<16xi1>, vector<16xf32>
    %exp3A = math.exp %select_n3A : vector<16xf32>
    %swap3A = arith.constant 0 : index
    %swap3A_67 = tpu.vector_load %arg16[%swap3A] {strides = array<i32>} : memref<128xf32, #tpu.memory_space<vmem>>, vector<16xf32>,
    tpu.vector_store %arg16[%swap3A], %exp3A {strides = array<i32>} : memref<128xf32, #tpu.memory_space<vmem>>, vector<16xf32>,
    %get3A_68 = arith.constant 0 : index
    %get3A_69 = tpu.vector_load %arg10[%get3A_68] {strides = array<i32>} : memref<128xi32, #tpu.memory_space<vmem>>, vector<16xi32>,
    %swap3A_70 = arith.constant 0 : index
    %swap3A_71 = tpu.vector_load %arg15[%swap3A_70] {strides = array<i32>} : memref<128xi32, #tpu.memory_space<vmem>>, vector<16xi32>,
    tpu.vector_store %arg15[%swap3A_70], %get3A_69 {strides = array<i32>} : memref<128xi32, #tpu.memory_space<vmem>>, vector<16xi32>,
    %get3A_72 = arith.constant 16 : index
    %get3A_73 = tpu.vector_load %arg17[%get3A_72] {strides = array<i32>} : memref<128xf32, #tpu.memory_space<vmem>>, vector<16xf32>,
    %get3A_74 = arith.constant 16 : index
    %get3A_75 = tpu.vector_load %arg18[%get3A_74] {strides = array<i32>} : memref<128xf32, #tpu.memory_space<vmem>>, vector<16xf32>,
    %add3A_76 = arith.addf %get3A_73, %get3A_75 : vector<16xf32>
    %ge3A_77 = arith.constant 0.000000e+00 : f32
    %ge3A_78 = vector.broadcast %ge3A_77 : f32 to vector<16xf32>
    %ge3A_79 = arith.cmpf oge, %add3A_76, %ge3A_78 : vector<16xf32>
    %mul3A_80 = arith.constant 2.000000e-01 : f32
    %mul3A_81 = vector.broadcast %mul3A_80 : f32 to vector<16xf32>
    %mul3A_82 = arith.mulf %mul3A_81, %add3A_76 : vector<16xf32>
    %select_n3A_83 = arith.select %ge3A_79, %add3A_76, %mul3A_82 : vector<16xi1>, vector<16xf32>
    %exp3A_84 = math.exp %select_n3A_83 : vector<16xf32>
    %swap3A_85 = arith.constant 16 : index
    %swap3A_86 = tpu.vector_load %arg16[%swap3A_85] {strides = array<i32>} : memref<128xf32, #tpu.memory_space<vmem>>, vector<16xf32>,
    tpu.vector_store %arg16[%swap3A_85], %exp3A_84 {strides = array<i32>} : memref<128xf32, #tpu.memory_space<vmem>>, vector<16xf32>,
    %get3A_87 = arith.constant 16 : index
    %get3A_88 = tpu.vector_load %arg10[%get3A_87] {strides = array<i32>} : memref<128xi32, #tpu.memory_space<vmem>>, vector<16xi32>,
    %swap3A_89 = arith.constant 16 : index
    %swap3A_90 = tpu.vector_load %arg15[%swap3A_89] {strides = array<i32>} : memref<128xi32, #tpu.memory_space<vmem>>, vector<16xi32>,
    tpu.vector_store %arg15[%swap3A_89], %get3A_88 {strides = array<i32>} : memref<128xi32, #tpu.memory_space<vmem>>, vector<16xi32>,
    %get3A_91 = arith.constant 32 : index
    %get3A_92 = tpu.vector_load %arg17[%get3A_91] {strides = array<i32>} : memref<128xf32, #tpu.memory_space<vmem>>, vector<16xf32>,
    %get3A_93 = arith.constant 32 : index
    %get3A_94 = tpu.vector_load %arg18[%get3A_93] {strides = array<i32>} : memref<128xf32, #tpu.memory_space<vmem>>, vector<16xf32>,
    %add3A_95 = arith.addf %get3A_92, %get3A_94 : vector<16xf32>
    %ge3A_96 = arith.constant 0.000000e+00 : f32
    %ge3A_97 = vector.broadcast %ge3A_96 : f32 to vector<16xf32>
    %ge3A_98 = arith.cmpf oge, %add3A_95, %ge3A_97 : vector<16xf32>
    %mul3A_99 = arith.constant 2.000000e-01 : f32
    %mul3A_100 = vector.broadcast %mul3A_99 : f32 to vector<16xf32>
    %mul3A_101 = arith.mulf %mul3A_100, %add3A_95 : vector<16xf32>
    %select_n3A_102 = arith.select %ge3A_98, %add3A_95, %mul3A_101 : vector<16xi1>, vector<16xf32>
    %exp3A_103 = math.exp %select_n3A_102 : vector<16xf32>
    %swap3A_104 = arith.constant 32 : index
    %swap3A_105 = tpu.vector_load %arg16[%swap3A_104] {strides = array<i32>} : memref<128xf32, #tpu.memory_space<vmem>>, vector<16xf32>,
    tpu.vector_store %arg16[%swap3A_104], %exp3A_103 {strides = array<i32>} : memref<128xf32, #tpu.memory_space<vmem>>, vector<16xf32>,
    %get3A_106 = arith.constant 32 : index
    %get3A_107 = tpu.vector_load %arg10[%get3A_106] {strides = array<i32>} : memref<128xi32, #tpu.memory_space<vmem>>, vector<16xi32>,
    %swap3A_108 = arith.constant 32 : index
    %swap3A_109 = tpu.vector_load %arg15[%swap3A_108] {strides = array<i32>} : memref<128xi32, #tpu.memory_space<vmem>>, vector<16xi32>,
    tpu.vector_store %arg15[%swap3A_108], %get3A_107 {strides = array<i32>} : memref<128xi32, #tpu.memory_space<vmem>>, vector<16xi32>,
    %get3A_110 = arith.constant 48 : index
    %get3A_111 = tpu.vector_load %arg17[%get3A_110] {strides = array<i32>} : memref<128xf32, #tpu.memory_space<vmem>>, vector<16xf32>,
    %get3A_112 = arith.constant 48 : index
    %get3A_113 = tpu.vector_load %arg18[%get3A_112] {strides = array<i32>} : memref<128xf32, #tpu.memory_space<vmem>>, vector<16xf32>,
    %add3A_114 = arith.addf %get3A_111, %get3A_113 : vector<16xf32>
    %ge3A_115 = arith.constant 0.000000e+00 : f32
    %ge3A_116 = vector.broadcast %ge3A_115 : f32 to vector<16xf32>
    %ge3A_117 = arith.cmpf oge, %add3A_114, %ge3A_116 : vector<16xf32>
    %mul3A_118 = arith.constant 2.000000e-01 : f32
    %mul3A_119 = vector.broadcast %mul3A_118 : f32 to vector<16xf32>
    %mul3A_120 = arith.mulf %mul3A_119, %add3A_114 : vector<16xf32>
    %select_n3A_121 = arith.select %ge3A_117, %add3A_114, %mul3A_120 : vector<16xi1>, vector<16xf32>
    %exp3A_122 = math.exp %select_n3A_121 : vector<16xf32>
    %swap3A_123 = arith.constant 48 : index
    %swap3A_124 = tpu.vector_load %arg16[%swap3A_123] {strides = array<i32>} : memref<128xf32, #tpu.memory_space<vmem>>, vector<16xf32>,
    tpu.vector_store %arg16[%swap3A_123], %exp3A_122 {strides = array<i32>} : memref<128xf32, #tpu.memory_space<vmem>>, vector<16xf32>,
    %get3A_125 = arith.constant 48 : index
    %get3A_126 = tpu.vector_load %arg10[%get3A_125] {strides = array<i32>} : memref<128xi32, #tpu.memory_space<vmem>>, vector<16xi32>,
    %swap3A_127 = arith.constant 48 : index
    %swap3A_128 = tpu.vector_load %arg15[%swap3A_127] {strides = array<i32>} : memref<128xi32, #tpu.memory_space<vmem>>, vector<16xi32>,
    tpu.vector_store %arg15[%swap3A_127], %get3A_126 {strides = array<i32>} : memref<128xi32, #tpu.memory_space<vmem>>, vector<16xi32>,
    %get3A_129 = arith.constant 64 : index
    %get3A_130 = tpu.vector_load %arg17[%get3A_129] {strides = array<i32>} : memref<128xf32, #tpu.memory_space<vmem>>, vector<16xf32>,
    %get3A_131 = arith.constant 64 : index
    %get3A_132 = tpu.vector_load %arg18[%get3A_131] {strides = array<i32>} : memref<128xf32, #tpu.memory_space<vmem>>, vector<16xf32>,
    %add3A_133 = arith.addf %get3A_130, %get3A_132 : vector<16xf32>
    %ge3A_134 = arith.constant 0.000000e+00 : f32
    %ge3A_135 = vector.broadcast %ge3A_134 : f32 to vector<16xf32>
    %ge3A_136 = arith.cmpf oge, %add3A_133, %ge3A_135 : vector<16xf32>
    %mul3A_137 = arith.constant 2.000000e-01 : f32
    %mul3A_138 = vector.broadcast %mul3A_137 : f32 to vector<16xf32>
    %mul3A_139 = arith.mulf %mul3A_138, %add3A_133 : vector<16xf32>
    %select_n3A_140 = arith.select %ge3A_136, %add3A_133, %mul3A_139 : vector<16xi1>, vector<16xf32>
    %exp3A_141 = math.exp %select_n3A_140 : vector<16xf32>
    %swap3A_142 = arith.constant 64 : index
    %swap3A_143 = tpu.vector_load %arg16[%swap3A_142] {strides = array<i32>} : memref<128xf32, #tpu.memory_space<vmem>>, vector<16xf32>,
    tpu.vector_store %arg16[%swap3A_142], %exp3A_141 {strides = array<i32>} : memref<128xf32, #tpu.memory_space<vmem>>, vector<16xf32>,
    %get3A_144 = arith.constant 64 : index
    %get3A_145 = tpu.vector_load %arg10[%get3A_144] {strides = array<i32>} : memref<128xi32, #tpu.memory_space<vmem>>, vector<16xi32>,
    %swap3A_146 = arith.constant 64 : index
    %swap3A_147 = tpu.vector_load %arg15[%swap3A_146] {strides = array<i32>} : memref<128xi32, #tpu.memory_space<vmem>>, vector<16xi32>,
    tpu.vector_store %arg15[%swap3A_146], %get3A_145 {strides = array<i32>} : memref<128xi32, #tpu.memory_space<vmem>>, vector<16xi32>,
    %get3A_148 = arith.constant 80 : index
    %get3A_149 = tpu.vector_load %arg17[%get3A_148] {strides = array<i32>} : memref<128xf32, #tpu.memory_space<vmem>>, vector<16xf32>,
    %get3A_150 = arith.constant 80 : index
    %get3A_151 = tpu.vector_load %arg18[%get3A_150] {strides = array<i32>} : memref<128xf32, #tpu.memory_space<vmem>>, vector<16xf32>,
    %add3A_152 = arith.addf %get3A_149, %get3A_151 : vector<16xf32>
    %ge3A_153 = arith.constant 0.000000e+00 : f32
    %ge3A_154 = vector.broadcast %ge3A_153 : f32 to vector<16xf32>
    %ge3A_155 = arith.cmpf oge, %add3A_152, %ge3A_154 : vector<16xf32>
    %mul3A_156 = arith.constant 2.000000e-01 : f32
    %mul3A_157 = vector.broadcast %mul3A_156 : f32 to vector<16xf32>
    %mul3A_158 = arith.mulf %mul3A_157, %add3A_152 : vector<16xf32>
    %select_n3A_159 = arith.select %ge3A_155, %add3A_152, %mul3A_158 : vector<16xi1>, vector<16xf32>
    %exp3A_160 = math.exp %select_n3A_159 : vector<16xf32>
    %swap3A_161 = arith.constant 80 : index
    %swap3A_162 = tpu.vector_load %arg16[%swap3A_161] {strides = array<i32>} : memref<128xf32, #tpu.memory_space<vmem>>, vector<16xf32>,
    tpu.vector_store %arg16[%swap3A_161], %exp3A_160 {strides = array<i32>} : memref<128xf32, #tpu.memory_space<vmem>>, vector<16xf32>,
    %get3A_163 = arith.constant 80 : index
    %get3A_164 = tpu.vector_load %arg10[%get3A_163] {strides = array<i32>} : memref<128xi32, #tpu.memory_space<vmem>>, vector<16xi32>,
    %swap3A_165 = arith.constant 80 : index
    %swap3A_166 = tpu.vector_load %arg15[%swap3A_165] {strides = array<i32>} : memref<128xi32, #tpu.memory_space<vmem>>, vector<16xi32>,
    tpu.vector_store %arg15[%swap3A_165], %get3A_164 {strides = array<i32>} : memref<128xi32, #tpu.memory_space<vmem>>, vector<16xi32>,
    %get3A_167 = arith.constant 96 : index
    %get3A_168 = tpu.vector_load %arg17[%get3A_167] {strides = array<i32>} : memref<128xf32, #tpu.memory_space<vmem>>, vector<16xf32>,
    %get3A_169 = arith.constant 96 : index
    %get3A_170 = tpu.vector_load %arg18[%get3A_169] {strides = array<i32>} : memref<128xf32, #tpu.memory_space<vmem>>, vector<16xf32>,
    %add3A_171 = arith.addf %get3A_168, %get3A_170 : vector<16xf32>
    %ge3A_172 = arith.constant 0.000000e+00 : f32
    %ge3A_173 = vector.broadcast %ge3A_172 : f32 to vector<16xf32>
    %ge3A_174 = arith.cmpf oge, %add3A_171, %ge3A_173 : vector<16xf32>
    %mul3A_175 = arith.constant 2.000000e-01 : f32
    %mul3A_176 = vector.broadcast %mul3A_175 : f32 to vector<16xf32>
    %mul3A_177 = arith.mulf %mul3A_176, %add3A_171 : vector<16xf32>
    %select_n3A_178 = arith.select %ge3A_174, %add3A_171, %mul3A_177 : vector<16xi1>, vector<16xf32>
    %exp3A_179 = math.exp %select_n3A_178 : vector<16xf32>
    %swap3A_180 = arith.constant 96 : index
    %swap3A_181 = tpu.vector_load %arg16[%swap3A_180] {strides = array<i32>} : memref<128xf32, #tpu.memory_space<vmem>>, vector<16xf32>,
    tpu.vector_store %arg16[%swap3A_180], %exp3A_179 {strides = array<i32>} : memref<128xf32, #tpu.memory_space<vmem>>, vector<16xf32>,
    %get3A_182 = arith.constant 96 : index
    %get3A_183 = tpu.vector_load %arg10[%get3A_182] {strides = array<i32>} : memref<128xi32, #tpu.memory_space<vmem>>, vector<16xi32>,
    %swap3A_184 = arith.constant 96 : index
    %swap3A_185 = tpu.vector_load %arg15[%swap3A_184] {strides = array<i32>} : memref<128xi32, #tpu.memory_space<vmem>>, vector<16xi32>,
    tpu.vector_store %arg15[%swap3A_184], %get3A_183 {strides = array<i32>} : memref<128xi32, #tpu.memory_space<vmem>>, vector<16xi32>,
    %get3A_186 = arith.constant 112 : index
    %get3A_187 = tpu.vector_load %arg17[%get3A_186] {strides = array<i32>} : memref<128xf32, #tpu.memory_space<vmem>>, vector<16xf32>,
    %get3A_188 = arith.constant 112 : index
    %get3A_189 = tpu.vector_load %arg18[%get3A_188] {strides = array<i32>} : memref<128xf32, #tpu.memory_space<vmem>>, vector<16xf32>,
    %add3A_190 = arith.addf %get3A_187, %get3A_189 : vector<16xf32>
    %ge3A_191 = arith.constant 0.000000e+00 : f32
    %ge3A_192 = vector.broadcast %ge3A_191 : f32 to vector<16xf32>
    %ge3A_193 = arith.cmpf oge, %add3A_190, %ge3A_192 : vector<16xf32>
    %mul3A_194 = arith.constant 2.000000e-01 : f32
    %mul3A_195 = vector.broadcast %mul3A_194 : f32 to vector<16xf32>
    %mul3A_196 = arith.mulf %mul3A_195, %add3A_190 : vector<16xf32>
    %select_n3A_197 = arith.select %ge3A_193, %add3A_190, %mul3A_196 : vector<16xi1>, vector<16xf32>
    %exp3A_198 = math.exp %select_n3A_197 : vector<16xf32>
    %swap3A_199 = arith.constant 112 : index
    %swap3A_200 = tpu.vector_load %arg16[%swap3A_199] {strides = array<i32>} : memref<128xf32, #tpu.memory_space<vmem>>, vector<16xf32>,
    tpu.vector_store %arg16[%swap3A_199], %exp3A_198 {strides = array<i32>} : memref<128xf32, #tpu.memory_space<vmem>>, vector<16xf32>,
    %get3A_201 = arith.constant 112 : index
    %get3A_202 = tpu.vector_load %arg10[%get3A_201] {strides = array<i32>} : memref<128xi32, #tpu.memory_space<vmem>>, vector<16xi32>,
    %swap3A_203 = arith.constant 112 : index
    %swap3A_204 = tpu.vector_load %arg15[%swap3A_203] {strides = array<i32>} : memref<128xi32, #tpu.memory_space<vmem>>, vector<16xi32>,
    tpu.vector_store %arg15[%swap3A_203], %get3A_202 {strides = array<i32>} : memref<128xi32, #tpu.memory_space<vmem>>, vector<16xi32>,
    %add3A_205 = arith.constant 2 : i32
    %add3A_206 = arith.addi %mul3A_2, %add3A_205 : i32
    %mul3A_207 = arith.constant 128 : i32
    %mul3A_208 = arith.muli %add3A_206, %mul3A_207 : i32
    %dma_start3A_209 = tpu.memref_slice %arg5[%mul3A_208] : memref<331776xi32, #tpu.memory_space<hbm>> -> memref<128xi32, #tpu.memory_space<hbm>>
    %dma_start3A_210 = tpu.memref_slice %arg5[%mul3A_208] : memref<331776xi32, #tpu.memory_space<hbm>> -> memref<128xi32, #tpu.memory_space<hbm>>
    tpu.enqueue_dma source(%dma_start3A_210 : memref<128xi32, #tpu.memory_space<hbm>>) target(%arg9 : memref<128xi32, #tpu.memory_space<vmem>>) target_semaphore(%arg25 : memref<!tpu.dma_semaphore, #tpu.memory_space<semaphore_mem>>)
    %dma_start3A_211 = tpu.memref_slice %arg6[%mul3A_208] : memref<331776xi32, #tpu.memory_space<hbm>> -> memref<128xi32, #tpu.memory_space<hbm>>
    %dma_start3A_212 = tpu.memref_slice %arg6[%mul3A_208] : memref<331776xi32, #tpu.memory_space<hbm>> -> memref<128xi32, #tpu.memory_space<hbm>>
    tpu.enqueue_dma source(%dma_start3A_212 : memref<128xi32, #tpu.memory_space<hbm>>) target(%arg10 : memref<128xi32, #tpu.memory_space<vmem>>) target_semaphore(%arg25 : memref<!tpu.dma_semaphore, #tpu.memory_space<semaphore_mem>>)
    %parallel_loop3A = arith.constant 0 : i32
    %parallel_loop3A_213 = arith.constant 128 : i32
    %parallel_loop3A_214 = arith.constant 1 : i32
    scf.for %parallel_loop3A_585 = %parallel_loop3A to %parallel_loop3A_213 step %parallel_loop3A_214  : i32 {
      %parallel_loop3A_586 = vector.broadcast %parallel_loop3A_585 : i32 to vector<16xi32>
      %parallel_loop3A_587 = tpu.vector_load_idx %arg16[%parallel_loop3A_586] : memref<128xf32, #tpu.memory_space<vmem>>[vector<16xi32>], vector<16xf32>,
      %parallel_loop3A_588 = arith.index_cast %parallel_loop3A_585 : i32 to index
      %parallel_loop3A_589 = arith.constant 0 : index
      %parallel_loop3A_590 = tpu.vector_load %arg13[%parallel_loop3A_588, %parallel_loop3A_589] {strides = array<i32>} : memref<128x144xf32, #tpu.memory_space<vmem>>, vector<16xf32>,
      %parallel_loop3A_591 = arith.mulf %parallel_loop3A_590, %parallel_loop3A_587 : vector<16xf32>
      %parallel_loop3A_592 = arith.index_cast %parallel_loop3A_585 : i32 to index
      %parallel_loop3A_593 = arith.constant 0 : index
      %parallel_loop3A_594 = tpu.vector_load %arg13[%parallel_loop3A_592, %parallel_loop3A_593] {strides = array<i32>} : memref<128x144xf32, #tpu.memory_space<vmem>>, vector<16xf32>,
      tpu.vector_store %arg13[%parallel_loop3A_592, %parallel_loop3A_593], %parallel_loop3A_591 {strides = array<i32>} : memref<128x144xf32, #tpu.memory_space<vmem>>, vector<16xf32>,
      %parallel_loop3A_595 = arith.index_cast %parallel_loop3A_585 : i32 to index
      %parallel_loop3A_596 = arith.constant 16 : index
      %parallel_loop3A_597 = tpu.vector_load %arg13[%parallel_loop3A_595, %parallel_loop3A_596] {strides = array<i32>} : memref<128x144xf32, #tpu.memory_space<vmem>>, vector<16xf32>,
      %parallel_loop3A_598 = arith.mulf %parallel_loop3A_597, %parallel_loop3A_587 : vector<16xf32>
      %parallel_loop3A_599 = arith.index_cast %parallel_loop3A_585 : i32 to index
      %parallel_loop3A_600 = arith.constant 16 : index
      %parallel_loop3A_601 = tpu.vector_load %arg13[%parallel_loop3A_599, %parallel_loop3A_600] {strides = array<i32>} : memref<128x144xf32, #tpu.memory_space<vmem>>, vector<16xf32>,
      tpu.vector_store %arg13[%parallel_loop3A_599, %parallel_loop3A_600], %parallel_loop3A_598 {strides = array<i32>} : memref<128x144xf32, #tpu.memory_space<vmem>>, vector<16xf32>,
      %parallel_loop3A_602 = arith.index_cast %parallel_loop3A_585 : i32 to index
      %parallel_loop3A_603 = arith.constant 32 : index
      %parallel_loop3A_604 = tpu.vector_load %arg13[%parallel_loop3A_602, %parallel_loop3A_603] {strides = array<i32>} : memref<128x144xf32, #tpu.memory_space<vmem>>, vector<16xf32>,
      %parallel_loop3A_605 = arith.mulf %parallel_loop3A_604, %parallel_loop3A_587 : vector<16xf32>
      %parallel_loop3A_606 = arith.index_cast %parallel_loop3A_585 : i32 to index
      %parallel_loop3A_607 = arith.constant 32 : index
      %parallel_loop3A_608 = tpu.vector_load %arg13[%parallel_loop3A_606, %parallel_loop3A_607] {strides = array<i32>} : memref<128x144xf32, #tpu.memory_space<vmem>>, vector<16xf32>,
      tpu.vector_store %arg13[%parallel_loop3A_606, %parallel_loop3A_607], %parallel_loop3A_605 {strides = array<i32>} : memref<128x144xf32, #tpu.memory_space<vmem>>, vector<16xf32>,
      %parallel_loop3A_609 = arith.index_cast %parallel_loop3A_585 : i32 to index
      %parallel_loop3A_610 = arith.constant 48 : index
      %parallel_loop3A_611 = tpu.vector_load %arg13[%parallel_loop3A_609, %parallel_loop3A_610] {strides = array<i32>} : memref<128x144xf32, #tpu.memory_space<vmem>>, vector<16xf32>,
      %parallel_loop3A_612 = arith.mulf %parallel_loop3A_611, %parallel_loop3A_587 : vector<16xf32>
      %parallel_loop3A_613 = arith.index_cast %parallel_loop3A_585 : i32 to index
      %parallel_loop3A_614 = arith.constant 48 : index
      %parallel_loop3A_615 = tpu.vector_load %arg13[%parallel_loop3A_613, %parallel_loop3A_614] {strides = array<i32>} : memref<128x144xf32, #tpu.memory_space<vmem>>, vector<16xf32>,
      tpu.vector_store %arg13[%parallel_loop3A_613, %parallel_loop3A_614], %parallel_loop3A_612 {strides = array<i32>} : memref<128x144xf32, #tpu.memory_space<vmem>>, vector<16xf32>,
      %parallel_loop3A_616 = arith.index_cast %parallel_loop3A_585 : i32 to index
      %parallel_loop3A_617 = arith.constant 64 : index
      %parallel_loop3A_618 = tpu.vector_load %arg13[%parallel_loop3A_616, %parallel_loop3A_617] {strides = array<i32>} : memref<128x144xf32, #tpu.memory_space<vmem>>, vector<16xf32>,
      %parallel_loop3A_619 = arith.mulf %parallel_loop3A_618, %parallel_loop3A_587 : vector<16xf32>
      %parallel_loop3A_620 = arith.index_cast %parallel_loop3A_585 : i32 to index
      %parallel_loop3A_621 = arith.constant 64 : index
      %parallel_loop3A_622 = tpu.vector_load %arg13[%parallel_loop3A_620, %parallel_loop3A_621] {strides = array<i32>} : memref<128x144xf32, #tpu.memory_space<vmem>>, vector<16xf32>,
      tpu.vector_store %arg13[%parallel_loop3A_620, %parallel_loop3A_621], %parallel_loop3A_619 {strides = array<i32>} : memref<128x144xf32, #tpu.memory_space<vmem>>, vector<16xf32>,
      %parallel_loop3A_623 = arith.index_cast %parallel_loop3A_585 : i32 to index
      %parallel_loop3A_624 = arith.constant 80 : index
      %parallel_loop3A_625 = tpu.vector_load %arg13[%parallel_loop3A_623, %parallel_loop3A_624] {strides = array<i32>} : memref<128x144xf32, #tpu.memory_space<vmem>>, vector<16xf32>,
      %parallel_loop3A_626 = arith.mulf %parallel_loop3A_625, %parallel_loop3A_587 : vector<16xf32>
      %parallel_loop3A_627 = arith.index_cast %parallel_loop3A_585 : i32 to index
      %parallel_loop3A_628 = arith.constant 80 : index
      %parallel_loop3A_629 = tpu.vector_load %arg13[%parallel_loop3A_627, %parallel_loop3A_628] {strides = array<i32>} : memref<128x144xf32, #tpu.memory_space<vmem>>, vector<16xf32>,
      tpu.vector_store %arg13[%parallel_loop3A_627, %parallel_loop3A_628], %parallel_loop3A_626 {strides = array<i32>} : memref<128x144xf32, #tpu.memory_space<vmem>>, vector<16xf32>,
      %parallel_loop3A_630 = arith.index_cast %parallel_loop3A_585 : i32 to index
      %parallel_loop3A_631 = arith.constant 96 : index
      %parallel_loop3A_632 = tpu.vector_load %arg13[%parallel_loop3A_630, %parallel_loop3A_631] {strides = array<i32>} : memref<128x144xf32, #tpu.memory_space<vmem>>, vector<16xf32>,
      %parallel_loop3A_633 = arith.mulf %parallel_loop3A_632, %parallel_loop3A_587 : vector<16xf32>
      %parallel_loop3A_634 = arith.index_cast %parallel_loop3A_585 : i32 to index
      %parallel_loop3A_635 = arith.constant 96 : index
      %parallel_loop3A_636 = tpu.vector_load %arg13[%parallel_loop3A_634, %parallel_loop3A_635] {strides = array<i32>} : memref<128x144xf32, #tpu.memory_space<vmem>>, vector<16xf32>,
      tpu.vector_store %arg13[%parallel_loop3A_634, %parallel_loop3A_635], %parallel_loop3A_633 {strides = array<i32>} : memref<128x144xf32, #tpu.memory_space<vmem>>, vector<16xf32>,
      %parallel_loop3A_637 = arith.index_cast %parallel_loop3A_585 : i32 to index
      %parallel_loop3A_638 = arith.constant 112 : index
      %parallel_loop3A_639 = tpu.vector_load %arg13[%parallel_loop3A_637, %parallel_loop3A_638] {strides = array<i32>} : memref<128x144xf32, #tpu.memory_space<vmem>>, vector<16xf32>,
      %parallel_loop3A_640 = arith.mulf %parallel_loop3A_639, %parallel_loop3A_587 : vector<16xf32>
      %parallel_loop3A_641 = arith.index_cast %parallel_loop3A_585 : i32 to index
      %parallel_loop3A_642 = arith.constant 112 : index
      %parallel_loop3A_643 = tpu.vector_load %arg13[%parallel_loop3A_641, %parallel_loop3A_642] {strides = array<i32>} : memref<128x144xf32, #tpu.memory_space<vmem>>, vector<16xf32>,
      tpu.vector_store %arg13[%parallel_loop3A_641, %parallel_loop3A_642], %parallel_loop3A_640 {strides = array<i32>} : memref<128x144xf32, #tpu.memory_space<vmem>>, vector<16xf32>,
      %parallel_loop3A_644 = arith.index_cast %parallel_loop3A_585 : i32 to index
      %parallel_loop3A_645 = arith.constant 128 : index
      %parallel_loop3A_646 = tpu.vector_load %arg13[%parallel_loop3A_644, %parallel_loop3A_645] {strides = array<i32>} : memref<128x144xf32, #tpu.memory_space<vmem>>, vector<16xf32>,
      %parallel_loop3A_647 = arith.mulf %parallel_loop3A_646, %parallel_loop3A_587 : vector<16xf32>
      %parallel_loop3A_648 = arith.index_cast %parallel_loop3A_585 : i32 to index
      %parallel_loop3A_649 = arith.constant 128 : index
      %parallel_loop3A_650 = tpu.vector_load %arg13[%parallel_loop3A_648, %parallel_loop3A_649] {strides = array<i32>} : memref<128x144xf32, #tpu.memory_space<vmem>>, vector<16xf32>,
      tpu.vector_store %arg13[%parallel_loop3A_648, %parallel_loop3A_649], %parallel_loop3A_647 {strides = array<i32>} : memref<128x144xf32, #tpu.memory_space<vmem>>, vector<16xf32>,
    } {sc.loop_unroll_factor = 2 : i64, sc.parallel_access}
    %dma_start3A_215 = arith.constant 0 : i32
    %dma_start3A_216 = arith.constant 0 : i32
    %dma_start3A_217 = tpu.memref_slice %arg21[%dma_start3A_215, %dma_start3A_216] : memref<10016x144xf32, #tpu.memory_space<vmem_shared>> -> memref<10016x144xf32, #tpu.memory_space<vmem_shared>>
    tpu.enqueue_indirect_dma source(%arg13 : memref<128x144xf32, #tpu.memory_space<vmem>>) target(%dma_start3A_217 : memref<10016x144xf32, #tpu.memory_space<vmem_shared>>) offsets(%arg15 : memref<128xi32, #tpu.memory_space<vmem>>) semaphore(%arg24 : memref<!tpu.dma_semaphore, #tpu.memory_space<semaphore_mem>>) {add = true}
    %scan3A = arith.constant 0 : i32
    %scan3A_218 = arith.constant 0 : i32
    %scan3A_219 = arith.constant 39 : i32
    %scan3A_220 = arith.addi %scan3A_218, %scan3A_219 : i32
    %scan3A_221 = arith.constant 1 : i32
    scf.for %scan3A_585 = %scan3A_218 to %scan3A_220 step %scan3A_221  : i32 {
      %mul3A_586 = arith.constant 2 : i32
      %mul3A_587 = arith.muli %mul3A_586, %scan3A_585 : i32
      %add3A_588 = arith.constant 1 : i32
      %add3A_589 = arith.addi %add3A_588, %mul3A_587 : i32
      %dma_wait3A_590 = arith.constant 0 : i32
      %dma_wait3A_591 = arith.constant 0 : i32
      %dma_wait3A_592 = tpu.memref_slice %arg21[%dma_wait3A_590, %dma_wait3A_591] : memref<10016x144xf32, #tpu.memory_space<vmem_shared>> -> memref<10016x144xf32, #tpu.memory_space<vmem_shared>>
      tpu.wait_indirect_dma semaphore(%arg24 : memref<!tpu.dma_semaphore, #tpu.memory_space<semaphore_mem>>) src(%arg13 : memref<128x144xf32, #tpu.memory_space<vmem>>) dst(%dma_wait3A_592 : memref<10016x144xf32, #tpu.memory_space<vmem_shared>>)
      %add3A_593 = arith.constant 1 : i32
      %add3A_594 = arith.addi %add3A_589, %add3A_593 : i32
      %add3A_595 = arith.addi %mul3A_2, %add3A_594 : i32
      %mul3A_596 = arith.constant 128 : i32
      %mul3A_597 = arith.muli %add3A_595, %mul3A_596 : i32
      %dma_wait3A_598 = tpu.memref_slice %arg5[%mul3A_597] : memref<331776xi32, #tpu.memory_space<hbm>> -> memref<128xi32, #tpu.memory_space<hbm>>
      %dma_wait3A_599 = tpu.memref_slice %arg5[%mul3A_597] : memref<331776xi32, #tpu.memory_space<hbm>> -> memref<128xi32, #tpu.memory_space<hbm>>
      tpu.wait_dma2 semaphore(%arg25 : memref<!tpu.dma_semaphore, #tpu.memory_space<semaphore_mem>>) src(%dma_wait3A_599 : memref<128xi32, #tpu.memory_space<hbm>>) dst(%arg9 : memref<128xi32, #tpu.memory_space<vmem>>)
      %dma_wait3A_600 = tpu.memref_slice %arg6[%mul3A_597] : memref<331776xi32, #tpu.memory_space<hbm>> -> memref<128xi32, #tpu.memory_space<hbm>>
      %dma_wait3A_601 = tpu.memref_slice %arg6[%mul3A_597] : memref<331776xi32, #tpu.memory_space<hbm>> -> memref<128xi32, #tpu.memory_space<hbm>>
      tpu.wait_dma2 semaphore(%arg25 : memref<!tpu.dma_semaphore, #tpu.memory_space<semaphore_mem>>) src(%dma_wait3A_601 : memref<128xi32, #tpu.memory_space<hbm>>) dst(%arg10 : memref<128xi32, #tpu.memory_space<vmem>>)
      %dma_start3A_602 = arith.constant 0 : i32
      %dma_start3A_603 = arith.constant 0 : i32
      %dma_start3A_604 = tpu.memref_slice %arg2[%dma_start3A_602, %dma_start3A_603] : memref<10016x144xf32, #tpu.memory_space<hbm>> -> memref<10016x144xf32, #tpu.memory_space<hbm>>
      tpu.enqueue_indirect_dma source(%dma_start3A_604 : memref<10016x144xf32, #tpu.memory_space<hbm>>) target(%arg13 : memref<128x144xf32, #tpu.memory_space<vmem>>) offsets(%arg9 : memref<128xi32, #tpu.memory_space<vmem>>) semaphore(%arg22 : memref<!tpu.dma_semaphore, #tpu.memory_space<semaphore_mem>>)
      %dma_start3A_605 = arith.constant 0 : i32
      %dma_start3A_606 = tpu.memref_slice %arg3[%dma_start3A_605] : memref<10016xf32, #tpu.memory_space<hbm>> -> memref<10016xf32, #tpu.memory_space<hbm>>
      tpu.enqueue_indirect_dma source(%dma_start3A_606 : memref<10016xf32, #tpu.memory_space<hbm>>) target(%arg17 : memref<128xf32, #tpu.memory_space<vmem>>) offsets(%arg9 : memref<128xi32, #tpu.memory_space<vmem>>) semaphore(%arg22 : memref<!tpu.dma_semaphore, #tpu.memory_space<semaphore_mem>>)
      %dma_start3A_607 = arith.constant 0 : i32
      %dma_start3A_608 = tpu.memref_slice %arg4[%dma_start3A_607] : memref<10016xf32, #tpu.memory_space<hbm>> -> memref<10016xf32, #tpu.memory_space<hbm>>
      tpu.enqueue_indirect_dma source(%dma_start3A_608 : memref<10016xf32, #tpu.memory_space<hbm>>) target(%arg18 : memref<128xf32, #tpu.memory_space<vmem>>) offsets(%arg10 : memref<128xi32, #tpu.memory_space<vmem>>) semaphore(%arg22 : memref<!tpu.dma_semaphore, #tpu.memory_space<semaphore_mem>>)
      %dma_wait3A_609 = arith.constant 0 : i32
      %dma_wait3A_610 = arith.constant 0 : i32
      %dma_wait3A_611 = tpu.memref_slice %arg2[%dma_wait3A_609, %dma_wait3A_610] : memref<10016x144xf32, #tpu.memory_space<hbm>> -> memref<10016x144xf32, #tpu.memory_space<hbm>>
      tpu.wait_indirect_dma semaphore(%arg23 : memref<!tpu.dma_semaphore, #tpu.memory_space<semaphore_mem>>) src(%dma_wait3A_611 : memref<10016x144xf32, #tpu.memory_space<hbm>>) dst(%arg14 : memref<128x144xf32, #tpu.memory_space<vmem>>)
      %dma_wait3A_612 = arith.constant 0 : i32
      %dma_wait3A_613 = tpu.memref_slice %arg3[%dma_wait3A_612] : memref<10016xf32, #tpu.memory_space<hbm>> -> memref<10016xf32, #tpu.memory_space<hbm>>
      tpu.wait_indirect_dma semaphore(%arg23 : memref<!tpu.dma_semaphore, #tpu.memory_space<semaphore_mem>>) src(%dma_wait3A_613 : memref<10016xf32, #tpu.memory_space<hbm>>) dst(%arg19 : memref<128xf32, #tpu.memory_space<vmem>>)
      %dma_wait3A_614 = arith.constant 0 : i32
      %dma_wait3A_615 = tpu.memref_slice %arg4[%dma_wait3A_614] : memref<10016xf32, #tpu.memory_space<hbm>> -> memref<10016xf32, #tpu.memory_space<hbm>>
      tpu.wait_indirect_dma semaphore(%arg23 : memref<!tpu.dma_semaphore, #tpu.memory_space<semaphore_mem>>) src(%dma_wait3A_615 : memref<10016xf32, #tpu.memory_space<hbm>>) dst(%arg20 : memref<128xf32, #tpu.memory_space<vmem>>)
      %get3A_616 = arith.constant 0 : index
      %get3A_617 = tpu.vector_load %arg19[%get3A_616] {strides = array<i32>} : memref<128xf32, #tpu.memory_space<vmem>>, vector<16xf32>,
      %get3A_618 = arith.constant 0 : index
      %get3A_619 = tpu.vector_load %arg20[%get3A_618] {strides = array<i32>} : memref<128xf32, #tpu.memory_space<vmem>>, vector<16xf32>,
      %add3A_620 = arith.addf %get3A_617, %get3A_619 : vector<16xf32>
      %ge3A_621 = arith.constant 0.000000e+00 : f32
      %ge3A_622 = vector.broadcast %ge3A_621 : f32 to vector<16xf32>
      %ge3A_623 = arith.cmpf oge, %add3A_620, %ge3A_622 : vector<16xf32>
      %mul3A_624 = arith.constant 2.000000e-01 : f32
      %mul3A_625 = vector.broadcast %mul3A_624 : f32 to vector<16xf32>
      %mul3A_626 = arith.mulf %mul3A_625, %add3A_620 : vector<16xf32>
      %select_n3A_627 = arith.select %ge3A_623, %add3A_620, %mul3A_626 : vector<16xi1>, vector<16xf32>
      %exp3A_628 = math.exp %select_n3A_627 : vector<16xf32>
      %swap3A_629 = arith.constant 0 : index
      %swap3A_630 = tpu.vector_load %arg16[%swap3A_629] {strides = array<i32>} : memref<128xf32, #tpu.memory_space<vmem>>, vector<16xf32>,
      tpu.vector_store %arg16[%swap3A_629], %exp3A_628 {strides = array<i32>} : memref<128xf32, #tpu.memory_space<vmem>>, vector<16xf32>,
      %get3A_631 = arith.constant 0 : index
      %get3A_632 = tpu.vector_load %arg12[%get3A_631] {strides = array<i32>} : memref<128xi32, #tpu.memory_space<vmem>>, vector<16xi32>,
      %swap3A_633 = arith.constant 0 : index
      %swap3A_634 = tpu.vector_load %arg15[%swap3A_633] {strides = array<i32>} : memref<128xi32, #tpu.memory_space<vmem>>, vector<16xi32>,
      tpu.vector_store %arg15[%swap3A_633], %get3A_632 {strides = array<i32>} : memref<128xi32, #tpu.memory_space<vmem>>, vector<16xi32>,
      %get3A_635 = arith.constant 16 : index
      %get3A_636 = tpu.vector_load %arg19[%get3A_635] {strides = array<i32>} : memref<128xf32, #tpu.memory_space<vmem>>, vector<16xf32>,
      %get3A_637 = arith.constant 16 : index
      %get3A_638 = tpu.vector_load %arg20[%get3A_637] {strides = array<i32>} : memref<128xf32, #tpu.memory_space<vmem>>, vector<16xf32>,
      %add3A_639 = arith.addf %get3A_636, %get3A_638 : vector<16xf32>
      %ge3A_640 = arith.constant 0.000000e+00 : f32
      %ge3A_641 = vector.broadcast %ge3A_640 : f32 to vector<16xf32>
      %ge3A_642 = arith.cmpf oge, %add3A_639, %ge3A_641 : vector<16xf32>
      %mul3A_643 = arith.constant 2.000000e-01 : f32
      %mul3A_644 = vector.broadcast %mul3A_643 : f32 to vector<16xf32>
      %mul3A_645 = arith.mulf %mul3A_644, %add3A_639 : vector<16xf32>
      %select_n3A_646 = arith.select %ge3A_642, %add3A_639, %mul3A_645 : vector<16xi1>, vector<16xf32>
      %exp3A_647 = math.exp %select_n3A_646 : vector<16xf32>
      %swap3A_648 = arith.constant 16 : index
      %swap3A_649 = tpu.vector_load %arg16[%swap3A_648] {strides = array<i32>} : memref<128xf32, #tpu.memory_space<vmem>>, vector<16xf32>,
      tpu.vector_store %arg16[%swap3A_648], %exp3A_647 {strides = array<i32>} : memref<128xf32, #tpu.memory_space<vmem>>, vector<16xf32>,
      %get3A_650 = arith.constant 16 : index
      %get3A_651 = tpu.vector_load %arg12[%get3A_650] {strides = array<i32>} : memref<128xi32, #tpu.memory_space<vmem>>, vector<16xi32>,
      %swap3A_652 = arith.constant 16 : index
      %swap3A_653 = tpu.vector_load %arg15[%swap3A_652] {strides = array<i32>} : memref<128xi32, #tpu.memory_space<vmem>>, vector<16xi32>,
      tpu.vector_store %arg15[%swap3A_652], %get3A_651 {strides = array<i32>} : memref<128xi32, #tpu.memory_space<vmem>>, vector<16xi32>,
      %get3A_654 = arith.constant 32 : index
      %get3A_655 = tpu.vector_load %arg19[%get3A_654] {strides = array<i32>} : memref<128xf32, #tpu.memory_space<vmem>>, vector<16xf32>,
      %get3A_656 = arith.constant 32 : index
      %get3A_657 = tpu.vector_load %arg20[%get3A_656] {strides = array<i32>} : memref<128xf32, #tpu.memory_space<vmem>>, vector<16xf32>,
      %add3A_658 = arith.addf %get3A_655, %get3A_657 : vector<16xf32>
      %ge3A_659 = arith.constant 0.000000e+00 : f32
      %ge3A_660 = vector.broadcast %ge3A_659 : f32 to vector<16xf32>
      %ge3A_661 = arith.cmpf oge, %add3A_658, %ge3A_660 : vector<16xf32>
      %mul3A_662 = arith.constant 2.000000e-01 : f32
      %mul3A_663 = vector.broadcast %mul3A_662 : f32 to vector<16xf32>
      %mul3A_664 = arith.mulf %mul3A_663, %add3A_658 : vector<16xf32>
      %select_n3A_665 = arith.select %ge3A_661, %add3A_658, %mul3A_664 : vector<16xi1>, vector<16xf32>
      %exp3A_666 = math.exp %select_n3A_665 : vector<16xf32>
      %swap3A_667 = arith.constant 32 : index
      %swap3A_668 = tpu.vector_load %arg16[%swap3A_667] {strides = array<i32>} : memref<128xf32, #tpu.memory_space<vmem>>, vector<16xf32>,
      tpu.vector_store %arg16[%swap3A_667], %exp3A_666 {strides = array<i32>} : memref<128xf32, #tpu.memory_space<vmem>>, vector<16xf32>,
      %get3A_669 = arith.constant 32 : index
      %get3A_670 = tpu.vector_load %arg12[%get3A_669] {strides = array<i32>} : memref<128xi32, #tpu.memory_space<vmem>>, vector<16xi32>,
      %swap3A_671 = arith.constant 32 : index
      %swap3A_672 = tpu.vector_load %arg15[%swap3A_671] {strides = array<i32>} : memref<128xi32, #tpu.memory_space<vmem>>, vector<16xi32>,
      tpu.vector_store %arg15[%swap3A_671], %get3A_670 {strides = array<i32>} : memref<128xi32, #tpu.memory_space<vmem>>, vector<16xi32>,
      %get3A_673 = arith.constant 48 : index
      %get3A_674 = tpu.vector_load %arg19[%get3A_673] {strides = array<i32>} : memref<128xf32, #tpu.memory_space<vmem>>, vector<16xf32>,
      %get3A_675 = arith.constant 48 : index
      %get3A_676 = tpu.vector_load %arg20[%get3A_675] {strides = array<i32>} : memref<128xf32, #tpu.memory_space<vmem>>, vector<16xf32>,
      %add3A_677 = arith.addf %get3A_674, %get3A_676 : vector<16xf32>
      %ge3A_678 = arith.constant 0.000000e+00 : f32
      %ge3A_679 = vector.broadcast %ge3A_678 : f32 to vector<16xf32>
      %ge3A_680 = arith.cmpf oge, %add3A_677, %ge3A_679 : vector<16xf32>
      %mul3A_681 = arith.constant 2.000000e-01 : f32
      %mul3A_682 = vector.broadcast %mul3A_681 : f32 to vector<16xf32>
      %mul3A_683 = arith.mulf %mul3A_682, %add3A_677 : vector<16xf32>
      %select_n3A_684 = arith.select %ge3A_680, %add3A_677, %mul3A_683 : vector<16xi1>, vector<16xf32>
      %exp3A_685 = math.exp %select_n3A_684 : vector<16xf32>
      %swap3A_686 = arith.constant 48 : index
      %swap3A_687 = tpu.vector_load %arg16[%swap3A_686] {strides = array<i32>} : memref<128xf32, #tpu.memory_space<vmem>>, vector<16xf32>,
      tpu.vector_store %arg16[%swap3A_686], %exp3A_685 {strides = array<i32>} : memref<128xf32, #tpu.memory_space<vmem>>, vector<16xf32>,
      %get3A_688 = arith.constant 48 : index
      %get3A_689 = tpu.vector_load %arg12[%get3A_688] {strides = array<i32>} : memref<128xi32, #tpu.memory_space<vmem>>, vector<16xi32>,
      %swap3A_690 = arith.constant 48 : index
      %swap3A_691 = tpu.vector_load %arg15[%swap3A_690] {strides = array<i32>} : memref<128xi32, #tpu.memory_space<vmem>>, vector<16xi32>,
      tpu.vector_store %arg15[%swap3A_690], %get3A_689 {strides = array<i32>} : memref<128xi32, #tpu.memory_space<vmem>>, vector<16xi32>,
      %get3A_692 = arith.constant 64 : index
      %get3A_693 = tpu.vector_load %arg19[%get3A_692] {strides = array<i32>} : memref<128xf32, #tpu.memory_space<vmem>>, vector<16xf32>,
      %get3A_694 = arith.constant 64 : index
      %get3A_695 = tpu.vector_load %arg20[%get3A_694] {strides = array<i32>} : memref<128xf32, #tpu.memory_space<vmem>>, vector<16xf32>,
      %add3A_696 = arith.addf %get3A_693, %get3A_695 : vector<16xf32>
      %ge3A_697 = arith.constant 0.000000e+00 : f32
      %ge3A_698 = vector.broadcast %ge3A_697 : f32 to vector<16xf32>
      %ge3A_699 = arith.cmpf oge, %add3A_696, %ge3A_698 : vector<16xf32>
      %mul3A_700 = arith.constant 2.000000e-01 : f32
      %mul3A_701 = vector.broadcast %mul3A_700 : f32 to vector<16xf32>
      %mul3A_702 = arith.mulf %mul3A_701, %add3A_696 : vector<16xf32>
      %select_n3A_703 = arith.select %ge3A_699, %add3A_696, %mul3A_702 : vector<16xi1>, vector<16xf32>
      %exp3A_704 = math.exp %select_n3A_703 : vector<16xf32>
      %swap3A_705 = arith.constant 64 : index
      %swap3A_706 = tpu.vector_load %arg16[%swap3A_705] {strides = array<i32>} : memref<128xf32, #tpu.memory_space<vmem>>, vector<16xf32>,
      tpu.vector_store %arg16[%swap3A_705], %exp3A_704 {strides = array<i32>} : memref<128xf32, #tpu.memory_space<vmem>>, vector<16xf32>,
      %get3A_707 = arith.constant 64 : index
      %get3A_708 = tpu.vector_load %arg12[%get3A_707] {strides = array<i32>} : memref<128xi32, #tpu.memory_space<vmem>>, vector<16xi32>,
      %swap3A_709 = arith.constant 64 : index
      %swap3A_710 = tpu.vector_load %arg15[%swap3A_709] {strides = array<i32>} : memref<128xi32, #tpu.memory_space<vmem>>, vector<16xi32>,
      tpu.vector_store %arg15[%swap3A_709], %get3A_708 {strides = array<i32>} : memref<128xi32, #tpu.memory_space<vmem>>, vector<16xi32>,
      %get3A_711 = arith.constant 80 : index
      %get3A_712 = tpu.vector_load %arg19[%get3A_711] {strides = array<i32>} : memref<128xf32, #tpu.memory_space<vmem>>, vector<16xf32>,
      %get3A_713 = arith.constant 80 : index
      %get3A_714 = tpu.vector_load %arg20[%get3A_713] {strides = array<i32>} : memref<128xf32, #tpu.memory_space<vmem>>, vector<16xf32>,
      %add3A_715 = arith.addf %get3A_712, %get3A_714 : vector<16xf32>
      %ge3A_716 = arith.constant 0.000000e+00 : f32
      %ge3A_717 = vector.broadcast %ge3A_716 : f32 to vector<16xf32>
      %ge3A_718 = arith.cmpf oge, %add3A_715, %ge3A_717 : vector<16xf32>
      %mul3A_719 = arith.constant 2.000000e-01 : f32
      %mul3A_720 = vector.broadcast %mul3A_719 : f32 to vector<16xf32>
      %mul3A_721 = arith.mulf %mul3A_720, %add3A_715 : vector<16xf32>
      %select_n3A_722 = arith.select %ge3A_718, %add3A_715, %mul3A_721 : vector<16xi1>, vector<16xf32>
      %exp3A_723 = math.exp %select_n3A_722 : vector<16xf32>
      %swap3A_724 = arith.constant 80 : index
      %swap3A_725 = tpu.vector_load %arg16[%swap3A_724] {strides = array<i32>} : memref<128xf32, #tpu.memory_space<vmem>>, vector<16xf32>,
      tpu.vector_store %arg16[%swap3A_724], %exp3A_723 {strides = array<i32>} : memref<128xf32, #tpu.memory_space<vmem>>, vector<16xf32>,
      %get3A_726 = arith.constant 80 : index
      %get3A_727 = tpu.vector_load %arg12[%get3A_726] {strides = array<i32>} : memref<128xi32, #tpu.memory_space<vmem>>, vector<16xi32>,
      %swap3A_728 = arith.constant 80 : index
      %swap3A_729 = tpu.vector_load %arg15[%swap3A_728] {strides = array<i32>} : memref<128xi32, #tpu.memory_space<vmem>>, vector<16xi32>,
      tpu.vector_store %arg15[%swap3A_728], %get3A_727 {strides = array<i32>} : memref<128xi32, #tpu.memory_space<vmem>>, vector<16xi32>,
      %get3A_730 = arith.constant 96 : index
      %get3A_731 = tpu.vector_load %arg19[%get3A_730] {strides = array<i32>} : memref<128xf32, #tpu.memory_space<vmem>>, vector<16xf32>,
      %get3A_732 = arith.constant 96 : index
      %get3A_733 = tpu.vector_load %arg20[%get3A_732] {strides = array<i32>} : memref<128xf32, #tpu.memory_space<vmem>>, vector<16xf32>,
      %add3A_734 = arith.addf %get3A_731, %get3A_733 : vector<16xf32>
      %ge3A_735 = arith.constant 0.000000e+00 : f32
      %ge3A_736 = vector.broadcast %ge3A_735 : f32 to vector<16xf32>
      %ge3A_737 = arith.cmpf oge, %add3A_734, %ge3A_736 : vector<16xf32>
      %mul3A_738 = arith.constant 2.000000e-01 : f32
      %mul3A_739 = vector.broadcast %mul3A_738 : f32 to vector<16xf32>
      %mul3A_740 = arith.mulf %mul3A_739, %add3A_734 : vector<16xf32>
      %select_n3A_741 = arith.select %ge3A_737, %add3A_734, %mul3A_740 : vector<16xi1>, vector<16xf32>
      %exp3A_742 = math.exp %select_n3A_741 : vector<16xf32>
      %swap3A_743 = arith.constant 96 : index
      %swap3A_744 = tpu.vector_load %arg16[%swap3A_743] {strides = array<i32>} : memref<128xf32, #tpu.memory_space<vmem>>, vector<16xf32>,
      tpu.vector_store %arg16[%swap3A_743], %exp3A_742 {strides = array<i32>} : memref<128xf32, #tpu.memory_space<vmem>>, vector<16xf32>,
      %get3A_745 = arith.constant 96 : index
      %get3A_746 = tpu.vector_load %arg12[%get3A_745] {strides = array<i32>} : memref<128xi32, #tpu.memory_space<vmem>>, vector<16xi32>,
      %swap3A_747 = arith.constant 96 : index
      %swap3A_748 = tpu.vector_load %arg15[%swap3A_747] {strides = array<i32>} : memref<128xi32, #tpu.memory_space<vmem>>, vector<16xi32>,
      tpu.vector_store %arg15[%swap3A_747], %get3A_746 {strides = array<i32>} : memref<128xi32, #tpu.memory_space<vmem>>, vector<16xi32>,
      %get3A_749 = arith.constant 112 : index
      %get3A_750 = tpu.vector_load %arg19[%get3A_749] {strides = array<i32>} : memref<128xf32, #tpu.memory_space<vmem>>, vector<16xf32>,
      %get3A_751 = arith.constant 112 : index
      %get3A_752 = tpu.vector_load %arg20[%get3A_751] {strides = array<i32>} : memref<128xf32, #tpu.memory_space<vmem>>, vector<16xf32>,
      %add3A_753 = arith.addf %get3A_750, %get3A_752 : vector<16xf32>
      %ge3A_754 = arith.constant 0.000000e+00 : f32
      %ge3A_755 = vector.broadcast %ge3A_754 : f32 to vector<16xf32>
      %ge3A_756 = arith.cmpf oge, %add3A_753, %ge3A_755 : vector<16xf32>
      %mul3A_757 = arith.constant 2.000000e-01 : f32
      %mul3A_758 = vector.broadcast %mul3A_757 : f32 to vector<16xf32>
      %mul3A_759 = arith.mulf %mul3A_758, %add3A_753 : vector<16xf32>
      %select_n3A_760 = arith.select %ge3A_756, %add3A_753, %mul3A_759 : vector<16xi1>, vector<16xf32>
      %exp3A_761 = math.exp %select_n3A_760 : vector<16xf32>
      %swap3A_762 = arith.constant 112 : index
      %swap3A_763 = tpu.vector_load %arg16[%swap3A_762] {strides = array<i32>} : memref<128xf32, #tpu.memory_space<vmem>>, vector<16xf32>,
      tpu.vector_store %arg16[%swap3A_762], %exp3A_761 {strides = array<i32>} : memref<128xf32, #tpu.memory_space<vmem>>, vector<16xf32>,
      %get3A_764 = arith.constant 112 : index
      %get3A_765 = tpu.vector_load %arg12[%get3A_764] {strides = array<i32>} : memref<128xi32, #tpu.memory_space<vmem>>, vector<16xi32>,
      %swap3A_766 = arith.constant 112 : index
      %swap3A_767 = tpu.vector_load %arg15[%swap3A_766] {strides = array<i32>} : memref<128xi32, #tpu.memory_space<vmem>>, vector<16xi32>,
      tpu.vector_store %arg15[%swap3A_766], %get3A_765 {strides = array<i32>} : memref<128xi32, #tpu.memory_space<vmem>>, vector<16xi32>,
      %add3A_768 = arith.constant 2 : i32
      %add3A_769 = arith.addi %add3A_589, %add3A_768 : i32
      %add3A_770 = arith.addi %mul3A_2, %add3A_769 : i32
      %mul3A_771 = arith.constant 128 : i32
      %mul3A_772 = arith.muli %add3A_770, %mul3A_771 : i32
      %dma_start3A_773 = tpu.memref_slice %arg5[%mul3A_772] : memref<331776xi32, #tpu.memory_space<hbm>> -> memref<128xi32, #tpu.memory_space<hbm>>
      %dma_start3A_774 = tpu.memref_slice %arg5[%mul3A_772] : memref<331776xi32, #tpu.memory_space<hbm>> -> memref<128xi32, #tpu.memory_space<hbm>>
      tpu.enqueue_dma source(%dma_start3A_774 : memref<128xi32, #tpu.memory_space<hbm>>) target(%arg11 : memref<128xi32, #tpu.memory_space<vmem>>) target_semaphore(%arg25 : memref<!tpu.dma_semaphore, #tpu.memory_space<semaphore_mem>>)
      %dma_start3A_775 = tpu.memref_slice %arg6[%mul3A_772] : memref<331776xi32, #tpu.memory_space<hbm>> -> memref<128xi32, #tpu.memory_space<hbm>>
      %dma_start3A_776 = tpu.memref_slice %arg6[%mul3A_772] : memref<331776xi32, #tpu.memory_space<hbm>> -> memref<128xi32, #tpu.memory_space<hbm>>
      tpu.enqueue_dma source(%dma_start3A_776 : memref<128xi32, #tpu.memory_space<hbm>>) target(%arg12 : memref<128xi32, #tpu.memory_space<vmem>>) target_semaphore(%arg25 : memref<!tpu.dma_semaphore, #tpu.memory_space<semaphore_mem>>)
      %parallel_loop3A_777 = arith.constant 0 : i32
      %parallel_loop3A_778 = arith.constant 128 : i32
      %parallel_loop3A_779 = arith.constant 1 : i32
      scf.for %parallel_loop3A_978 = %parallel_loop3A_777 to %parallel_loop3A_778 step %parallel_loop3A_779  : i32 {
        %parallel_loop3A_979 = vector.broadcast %parallel_loop3A_978 : i32 to vector<16xi32>
        %parallel_loop3A_980 = tpu.vector_load_idx %arg16[%parallel_loop3A_979] : memref<128xf32, #tpu.memory_space<vmem>>[vector<16xi32>], vector<16xf32>,
        %parallel_loop3A_981 = arith.index_cast %parallel_loop3A_978 : i32 to index
        %parallel_loop3A_982 = arith.constant 0 : index
        %parallel_loop3A_983 = tpu.vector_load %arg14[%parallel_loop3A_981, %parallel_loop3A_982] {strides = array<i32>} : memref<128x144xf32, #tpu.memory_space<vmem>>, vector<16xf32>,
        %parallel_loop3A_984 = arith.mulf %parallel_loop3A_983, %parallel_loop3A_980 : vector<16xf32>
        %parallel_loop3A_985 = arith.index_cast %parallel_loop3A_978 : i32 to index
        %parallel_loop3A_986 = arith.constant 0 : index
        %parallel_loop3A_987 = tpu.vector_load %arg14[%parallel_loop3A_985, %parallel_loop3A_986] {strides = array<i32>} : memref<128x144xf32, #tpu.memory_space<vmem>>, vector<16xf32>,
        tpu.vector_store %arg14[%parallel_loop3A_985, %parallel_loop3A_986], %parallel_loop3A_984 {strides = array<i32>} : memref<128x144xf32, #tpu.memory_space<vmem>>, vector<16xf32>,
        %parallel_loop3A_988 = arith.index_cast %parallel_loop3A_978 : i32 to index
        %parallel_loop3A_989 = arith.constant 16 : index
        %parallel_loop3A_990 = tpu.vector_load %arg14[%parallel_loop3A_988, %parallel_loop3A_989] {strides = array<i32>} : memref<128x144xf32, #tpu.memory_space<vmem>>, vector<16xf32>,
        %parallel_loop3A_991 = arith.mulf %parallel_loop3A_990, %parallel_loop3A_980 : vector<16xf32>
        %parallel_loop3A_992 = arith.index_cast %parallel_loop3A_978 : i32 to index
        %parallel_loop3A_993 = arith.constant 16 : index
        %parallel_loop3A_994 = tpu.vector_load %arg14[%parallel_loop3A_992, %parallel_loop3A_993] {strides = array<i32>} : memref<128x144xf32, #tpu.memory_space<vmem>>, vector<16xf32>,
        tpu.vector_store %arg14[%parallel_loop3A_992, %parallel_loop3A_993], %parallel_loop3A_991 {strides = array<i32>} : memref<128x144xf32, #tpu.memory_space<vmem>>, vector<16xf32>,
        %parallel_loop3A_995 = arith.index_cast %parallel_loop3A_978 : i32 to index
        %parallel_loop3A_996 = arith.constant 32 : index
        %parallel_loop3A_997 = tpu.vector_load %arg14[%parallel_loop3A_995, %parallel_loop3A_996] {strides = array<i32>} : memref<128x144xf32, #tpu.memory_space<vmem>>, vector<16xf32>,
        %parallel_loop3A_998 = arith.mulf %parallel_loop3A_997, %parallel_loop3A_980 : vector<16xf32>
        %parallel_loop3A_999 = arith.index_cast %parallel_loop3A_978 : i32 to index
        %parallel_loop3A_1000 = arith.constant 32 : index
        %parallel_loop3A_1001 = tpu.vector_load %arg14[%parallel_loop3A_999, %parallel_loop3A_1000] {strides = array<i32>} : memref<128x144xf32, #tpu.memory_space<vmem>>, vector<16xf32>,
        tpu.vector_store %arg14[%parallel_loop3A_999, %parallel_loop3A_1000], %parallel_loop3A_998 {strides = array<i32>} : memref<128x144xf32, #tpu.memory_space<vmem>>, vector<16xf32>,
        %parallel_loop3A_1002 = arith.index_cast %parallel_loop3A_978 : i32 to index
        %parallel_loop3A_1003 = arith.constant 48 : index
        %parallel_loop3A_1004 = tpu.vector_load %arg14[%parallel_loop3A_1002, %parallel_loop3A_1003] {strides = array<i32>} : memref<128x144xf32, #tpu.memory_space<vmem>>, vector<16xf32>,
        %parallel_loop3A_1005 = arith.mulf %parallel_loop3A_1004, %parallel_loop3A_980 : vector<16xf32>
        %parallel_loop3A_1006 = arith.index_cast %parallel_loop3A_978 : i32 to index
        %parallel_loop3A_1007 = arith.constant 48 : index
        %parallel_loop3A_1008 = tpu.vector_load %arg14[%parallel_loop3A_1006, %parallel_loop3A_1007] {strides = array<i32>} : memref<128x144xf32, #tpu.memory_space<vmem>>, vector<16xf32>,
        tpu.vector_store %arg14[%parallel_loop3A_1006, %parallel_loop3A_1007], %parallel_loop3A_1005 {strides = array<i32>} : memref<128x144xf32, #tpu.memory_space<vmem>>, vector<16xf32>,
        %parallel_loop3A_1009 = arith.index_cast %parallel_loop3A_978 : i32 to index
        %parallel_loop3A_1010 = arith.constant 64 : index
        %parallel_loop3A_1011 = tpu.vector_load %arg14[%parallel_loop3A_1009, %parallel_loop3A_1010] {strides = array<i32>} : memref<128x144xf32, #tpu.memory_space<vmem>>, vector<16xf32>,
        %parallel_loop3A_1012 = arith.mulf %parallel_loop3A_1011, %parallel_loop3A_980 : vector<16xf32>
        %parallel_loop3A_1013 = arith.index_cast %parallel_loop3A_978 : i32 to index
        %parallel_loop3A_1014 = arith.constant 64 : index
        %parallel_loop3A_1015 = tpu.vector_load %arg14[%parallel_loop3A_1013, %parallel_loop3A_1014] {strides = array<i32>} : memref<128x144xf32, #tpu.memory_space<vmem>>, vector<16xf32>,
        tpu.vector_store %arg14[%parallel_loop3A_1013, %parallel_loop3A_1014], %parallel_loop3A_1012 {strides = array<i32>} : memref<128x144xf32, #tpu.memory_space<vmem>>, vector<16xf32>,
        %parallel_loop3A_1016 = arith.index_cast %parallel_loop3A_978 : i32 to index
        %parallel_loop3A_1017 = arith.constant 80 : index
        %parallel_loop3A_1018 = tpu.vector_load %arg14[%parallel_loop3A_1016, %parallel_loop3A_1017] {strides = array<i32>} : memref<128x144xf32, #tpu.memory_space<vmem>>, vector<16xf32>,
        %parallel_loop3A_1019 = arith.mulf %parallel_loop3A_1018, %parallel_loop3A_980 : vector<16xf32>
        %parallel_loop3A_1020 = arith.index_cast %parallel_loop3A_978 : i32 to index
        %parallel_loop3A_1021 = arith.constant 80 : index
        %parallel_loop3A_1022 = tpu.vector_load %arg14[%parallel_loop3A_1020, %parallel_loop3A_1021] {strides = array<i32>} : memref<128x144xf32, #tpu.memory_space<vmem>>, vector<16xf32>,
        tpu.vector_store %arg14[%parallel_loop3A_1020, %parallel_loop3A_1021], %parallel_loop3A_1019 {strides = array<i32>} : memref<128x144xf32, #tpu.memory_space<vmem>>, vector<16xf32>,
        %parallel_loop3A_1023 = arith.index_cast %parallel_loop3A_978 : i32 to index
        %parallel_loop3A_1024 = arith.constant 96 : index
        %parallel_loop3A_1025 = tpu.vector_load %arg14[%parallel_loop3A_1023, %parallel_loop3A_1024] {strides = array<i32>} : memref<128x144xf32, #tpu.memory_space<vmem>>, vector<16xf32>,
        %parallel_loop3A_1026 = arith.mulf %parallel_loop3A_1025, %parallel_loop3A_980 : vector<16xf32>
        %parallel_loop3A_1027 = arith.index_cast %parallel_loop3A_978 : i32 to index
        %parallel_loop3A_1028 = arith.constant 96 : index
        %parallel_loop3A_1029 = tpu.vector_load %arg14[%parallel_loop3A_1027, %parallel_loop3A_1028] {strides = array<i32>} : memref<128x144xf32, #tpu.memory_space<vmem>>, vector<16xf32>,
        tpu.vector_store %arg14[%parallel_loop3A_1027, %parallel_loop3A_1028], %parallel_loop3A_1026 {strides = array<i32>} : memref<128x144xf32, #tpu.memory_space<vmem>>, vector<16xf32>,
        %parallel_loop3A_1030 = arith.index_cast %parallel_loop3A_978 : i32 to index
        %parallel_loop3A_1031 = arith.constant 112 : index
        %parallel_loop3A_1032 = tpu.vector_load %arg14[%parallel_loop3A_1030, %parallel_loop3A_1031] {strides = array<i32>} : memref<128x144xf32, #tpu.memory_space<vmem>>, vector<16xf32>,
        %parallel_loop3A_1033 = arith.mulf %parallel_loop3A_1032, %parallel_loop3A_980 : vector<16xf32>
        %parallel_loop3A_1034 = arith.index_cast %parallel_loop3A_978 : i32 to index
        %parallel_loop3A_1035 = arith.constant 112 : index
        %parallel_loop3A_1036 = tpu.vector_load %arg14[%parallel_loop3A_1034, %parallel_loop3A_1035] {strides = array<i32>} : memref<128x144xf32, #tpu.memory_space<vmem>>, vector<16xf32>,
        tpu.vector_store %arg14[%parallel_loop3A_1034, %parallel_loop3A_1035], %parallel_loop3A_1033 {strides = array<i32>} : memref<128x144xf32, #tpu.memory_space<vmem>>, vector<16xf32>,
        %parallel_loop3A_1037 = arith.index_cast %parallel_loop3A_978 : i32 to index
        %parallel_loop3A_1038 = arith.constant 128 : index
        %parallel_loop3A_1039 = tpu.vector_load %arg14[%parallel_loop3A_1037, %parallel_loop3A_1038] {strides = array<i32>} : memref<128x144xf32, #tpu.memory_space<vmem>>, vector<16xf32>,
        %parallel_loop3A_1040 = arith.mulf %parallel_loop3A_1039, %parallel_loop3A_980 : vector<16xf32>
        %parallel_loop3A_1041 = arith.index_cast %parallel_loop3A_978 : i32 to index
        %parallel_loop3A_1042 = arith.constant 128 : index
        %parallel_loop3A_1043 = tpu.vector_load %arg14[%parallel_loop3A_1041, %parallel_loop3A_1042] {strides = array<i32>} : memref<128x144xf32, #tpu.memory_space<vmem>>, vector<16xf32>,
        tpu.vector_store %arg14[%parallel_loop3A_1041, %parallel_loop3A_1042], %parallel_loop3A_1040 {strides = array<i32>} : memref<128x144xf32, #tpu.memory_space<vmem>>, vector<16xf32>,
      } {sc.loop_unroll_factor = 2 : i64, sc.parallel_access}
      %dma_start3A_780 = arith.constant 0 : i32
      %dma_start3A_781 = arith.constant 0 : i32
      %dma_start3A_782 = tpu.memref_slice %arg21[%dma_start3A_780, %dma_start3A_781] : memref<10016x144xf32, #tpu.memory_space<vmem_shared>> -> memref<10016x144xf32, #tpu.memory_space<vmem_shared>>
      tpu.enqueue_indirect_dma source(%arg14 : memref<128x144xf32, #tpu.memory_space<vmem>>) target(%dma_start3A_782 : memref<10016x144xf32, #tpu.memory_space<vmem_shared>>) offsets(%arg15 : memref<128xi32, #tpu.memory_space<vmem>>) semaphore(%arg24 : memref<!tpu.dma_semaphore, #tpu.memory_space<semaphore_mem>>) {add = true}
      %add3A_783 = arith.constant 1 : i32
      %add3A_784 = arith.addi %add3A_589, %add3A_783 : i32
      %dma_wait3A_785 = arith.constant 0 : i32
      %dma_wait3A_786 = arith.constant 0 : i32
      %dma_wait3A_787 = tpu.memref_slice %arg21[%dma_wait3A_785, %dma_wait3A_786] : memref<10016x144xf32, #tpu.memory_space<vmem_shared>> -> memref<10016x144xf32, #tpu.memory_space<vmem_shared>>
      tpu.wait_indirect_dma semaphore(%arg24 : memref<!tpu.dma_semaphore, #tpu.memory_space<semaphore_mem>>) src(%arg14 : memref<128x144xf32, #tpu.memory_space<vmem>>) dst(%dma_wait3A_787 : memref<10016x144xf32, #tpu.memory_space<vmem_shared>>)
      %add3A_788 = arith.constant 1 : i32
      %add3A_789 = arith.addi %add3A_784, %add3A_788 : i32
      %add3A_790 = arith.addi %mul3A_2, %add3A_789 : i32
      %mul3A_791 = arith.constant 128 : i32
      %mul3A_792 = arith.muli %add3A_790, %mul3A_791 : i32
      %dma_wait3A_793 = tpu.memref_slice %arg5[%mul3A_792] : memref<331776xi32, #tpu.memory_space<hbm>> -> memref<128xi32, #tpu.memory_space<hbm>>
      %dma_wait3A_794 = tpu.memref_slice %arg5[%mul3A_792] : memref<331776xi32, #tpu.memory_space<hbm>> -> memref<128xi32, #tpu.memory_space<hbm>>
      tpu.wait_dma2 semaphore(%arg25 : memref<!tpu.dma_semaphore, #tpu.memory_space<semaphore_mem>>) src(%dma_wait3A_794 : memref<128xi32, #tpu.memory_space<hbm>>) dst(%arg11 : memref<128xi32, #tpu.memory_space<vmem>>)
      %dma_wait3A_795 = tpu.memref_slice %arg6[%mul3A_792] : memref<331776xi32, #tpu.memory_space<hbm>> -> memref<128xi32, #tpu.memory_space<hbm>>
      %dma_wait3A_796 = tpu.memref_slice %arg6[%mul3A_792] : memref<331776xi32, #tpu.memory_space<hbm>> -> memref<128xi32, #tpu.memory_space<hbm>>
      tpu.wait_dma2 semaphore(%arg25 : memref<!tpu.dma_semaphore, #tpu.memory_space<semaphore_mem>>) src(%dma_wait3A_796 : memref<128xi32, #tpu.memory_space<hbm>>) dst(%arg12 : memref<128xi32, #tpu.memory_space<vmem>>)
      %dma_start3A_797 = arith.constant 0 : i32
      %dma_start3A_798 = arith.constant 0 : i32
      %dma_start3A_799 = tpu.memref_slice %arg2[%dma_start3A_797, %dma_start3A_798] : memref<10016x144xf32, #tpu.memory_space<hbm>> -> memref<10016x144xf32, #tpu.memory_space<hbm>>
      tpu.enqueue_indirect_dma source(%dma_start3A_799 : memref<10016x144xf32, #tpu.memory_space<hbm>>) target(%arg14 : memref<128x144xf32, #tpu.memory_space<vmem>>) offsets(%arg11 : memref<128xi32, #tpu.memory_space<vmem>>) semaphore(%arg23 : memref<!tpu.dma_semaphore, #tpu.memory_space<semaphore_mem>>)
      %dma_start3A_800 = arith.constant 0 : i32
      %dma_start3A_801 = tpu.memref_slice %arg3[%dma_start3A_800] : memref<10016xf32, #tpu.memory_space<hbm>> -> memref<10016xf32, #tpu.memory_space<hbm>>
      tpu.enqueue_indirect_dma source(%dma_start3A_801 : memref<10016xf32, #tpu.memory_space<hbm>>) target(%arg19 : memref<128xf32, #tpu.memory_space<vmem>>) offsets(%arg11 : memref<128xi32, #tpu.memory_space<vmem>>) semaphore(%arg23 : memref<!tpu.dma_semaphore, #tpu.memory_space<semaphore_mem>>)
      %dma_start3A_802 = arith.constant 0 : i32
      %dma_start3A_803 = tpu.memref_slice %arg4[%dma_start3A_802] : memref<10016xf32, #tpu.memory_space<hbm>> -> memref<10016xf32, #tpu.memory_space<hbm>>
      tpu.enqueue_indirect_dma source(%dma_start3A_803 : memref<10016xf32, #tpu.memory_space<hbm>>) target(%arg20 : memref<128xf32, #tpu.memory_space<vmem>>) offsets(%arg12 : memref<128xi32, #tpu.memory_space<vmem>>) semaphore(%arg23 : memref<!tpu.dma_semaphore, #tpu.memory_space<semaphore_mem>>)
      %dma_wait3A_804 = arith.constant 0 : i32
      %dma_wait3A_805 = arith.constant 0 : i32
      %dma_wait3A_806 = tpu.memref_slice %arg2[%dma_wait3A_804, %dma_wait3A_805] : memref<10016x144xf32, #tpu.memory_space<hbm>> -> memref<10016x144xf32, #tpu.memory_space<hbm>>
      tpu.wait_indirect_dma semaphore(%arg22 : memref<!tpu.dma_semaphore, #tpu.memory_space<semaphore_mem>>) src(%dma_wait3A_806 : memref<10016x144xf32, #tpu.memory_space<hbm>>) dst(%arg13 : memref<128x144xf32, #tpu.memory_space<vmem>>)
      %dma_wait3A_807 = arith.constant 0 : i32
      %dma_wait3A_808 = tpu.memref_slice %arg3[%dma_wait3A_807] : memref<10016xf32, #tpu.memory_space<hbm>> -> memref<10016xf32, #tpu.memory_space<hbm>>
      tpu.wait_indirect_dma semaphore(%arg22 : memref<!tpu.dma_semaphore, #tpu.memory_space<semaphore_mem>>) src(%dma_wait3A_808 : memref<10016xf32, #tpu.memory_space<hbm>>) dst(%arg17 : memref<128xf32, #tpu.memory_space<vmem>>)
      %dma_wait3A_809 = arith.constant 0 : i32
      %dma_wait3A_810 = tpu.memref_slice %arg4[%dma_wait3A_809] : memref<10016xf32, #tpu.memory_space<hbm>> -> memref<10016xf32, #tpu.memory_space<hbm>>
      tpu.wait_indirect_dma semaphore(%arg22 : memref<!tpu.dma_semaphore, #tpu.memory_space<semaphore_mem>>) src(%dma_wait3A_810 : memref<10016xf32, #tpu.memory_space<hbm>>) dst(%arg18 : memref<128xf32, #tpu.memory_space<vmem>>)
      %get3A_811 = arith.constant 0 : index
      %get3A_812 = tpu.vector_load %arg17[%get3A_811] {strides = array<i32>} : memref<128xf32, #tpu.memory_space<vmem>>, vector<16xf32>,
      %get3A_813 = arith.constant 0 : index
      %get3A_814 = tpu.vector_load %arg18[%get3A_813] {strides = array<i32>} : memref<128xf32, #tpu.memory_space<vmem>>, vector<16xf32>,
      %add3A_815 = arith.addf %get3A_812, %get3A_814 : vector<16xf32>
      %ge3A_816 = arith.constant 0.000000e+00 : f32
      %ge3A_817 = vector.broadcast %ge3A_816 : f32 to vector<16xf32>
      %ge3A_818 = arith.cmpf oge, %add3A_815, %ge3A_817 : vector<16xf32>
      %mul3A_819 = arith.constant 2.000000e-01 : f32
      %mul3A_820 = vector.broadcast %mul3A_819 : f32 to vector<16xf32>
      %mul3A_821 = arith.mulf %mul3A_820, %add3A_815 : vector<16xf32>
      %select_n3A_822 = arith.select %ge3A_818, %add3A_815, %mul3A_821 : vector<16xi1>, vector<16xf32>
      %exp3A_823 = math.exp %select_n3A_822 : vector<16xf32>
      %swap3A_824 = arith.constant 0 : index
      %swap3A_825 = tpu.vector_load %arg16[%swap3A_824] {strides = array<i32>} : memref<128xf32, #tpu.memory_space<vmem>>, vector<16xf32>,
      tpu.vector_store %arg16[%swap3A_824], %exp3A_823 {strides = array<i32>} : memref<128xf32, #tpu.memory_space<vmem>>, vector<16xf32>,
      %get3A_826 = arith.constant 0 : index
      %get3A_827 = tpu.vector_load %arg10[%get3A_826] {strides = array<i32>} : memref<128xi32, #tpu.memory_space<vmem>>, vector<16xi32>,
      %swap3A_828 = arith.constant 0 : index
      %swap3A_829 = tpu.vector_load %arg15[%swap3A_828] {strides = array<i32>} : memref<128xi32, #tpu.memory_space<vmem>>, vector<16xi32>,
      tpu.vector_store %arg15[%swap3A_828], %get3A_827 {strides = array<i32>} : memref<128xi32, #tpu.memory_space<vmem>>, vector<16xi32>,
      %get3A_830 = arith.constant 16 : index
      %get3A_831 = tpu.vector_load %arg17[%get3A_830] {strides = array<i32>} : memref<128xf32, #tpu.memory_space<vmem>>, vector<16xf32>,
      %get3A_832 = arith.constant 16 : index
      %get3A_833 = tpu.vector_load %arg18[%get3A_832] {strides = array<i32>} : memref<128xf32, #tpu.memory_space<vmem>>, vector<16xf32>,
      %add3A_834 = arith.addf %get3A_831, %get3A_833 : vector<16xf32>
      %ge3A_835 = arith.constant 0.000000e+00 : f32
      %ge3A_836 = vector.broadcast %ge3A_835 : f32 to vector<16xf32>
      %ge3A_837 = arith.cmpf oge, %add3A_834, %ge3A_836 : vector<16xf32>
      %mul3A_838 = arith.constant 2.000000e-01 : f32
      %mul3A_839 = vector.broadcast %mul3A_838 : f32 to vector<16xf32>
      %mul3A_840 = arith.mulf %mul3A_839, %add3A_834 : vector<16xf32>
      %select_n3A_841 = arith.select %ge3A_837, %add3A_834, %mul3A_840 : vector<16xi1>, vector<16xf32>
      %exp3A_842 = math.exp %select_n3A_841 : vector<16xf32>
      %swap3A_843 = arith.constant 16 : index
      %swap3A_844 = tpu.vector_load %arg16[%swap3A_843] {strides = array<i32>} : memref<128xf32, #tpu.memory_space<vmem>>, vector<16xf32>,
      tpu.vector_store %arg16[%swap3A_843], %exp3A_842 {strides = array<i32>} : memref<128xf32, #tpu.memory_space<vmem>>, vector<16xf32>,
      %get3A_845 = arith.constant 16 : index
      %get3A_846 = tpu.vector_load %arg10[%get3A_845] {strides = array<i32>} : memref<128xi32, #tpu.memory_space<vmem>>, vector<16xi32>,
      %swap3A_847 = arith.constant 16 : index
      %swap3A_848 = tpu.vector_load %arg15[%swap3A_847] {strides = array<i32>} : memref<128xi32, #tpu.memory_space<vmem>>, vector<16xi32>,
      tpu.vector_store %arg15[%swap3A_847], %get3A_846 {strides = array<i32>} : memref<128xi32, #tpu.memory_space<vmem>>, vector<16xi32>,
      %get3A_849 = arith.constant 32 : index
      %get3A_850 = tpu.vector_load %arg17[%get3A_849] {strides = array<i32>} : memref<128xf32, #tpu.memory_space<vmem>>, vector<16xf32>,
      %get3A_851 = arith.constant 32 : index
      %get3A_852 = tpu.vector_load %arg18[%get3A_851] {strides = array<i32>} : memref<128xf32, #tpu.memory_space<vmem>>, vector<16xf32>,
      %add3A_853 = arith.addf %get3A_850, %get3A_852 : vector<16xf32>
      %ge3A_854 = arith.constant 0.000000e+00 : f32
      %ge3A_855 = vector.broadcast %ge3A_854 : f32 to vector<16xf32>
      %ge3A_856 = arith.cmpf oge, %add3A_853, %ge3A_855 : vector<16xf32>
      %mul3A_857 = arith.constant 2.000000e-01 : f32
      %mul3A_858 = vector.broadcast %mul3A_857 : f32 to vector<16xf32>
      %mul3A_859 = arith.mulf %mul3A_858, %add3A_853 : vector<16xf32>
      %select_n3A_860 = arith.select %ge3A_856, %add3A_853, %mul3A_859 : vector<16xi1>, vector<16xf32>
      %exp3A_861 = math.exp %select_n3A_860 : vector<16xf32>
      %swap3A_862 = arith.constant 32 : index
      %swap3A_863 = tpu.vector_load %arg16[%swap3A_862] {strides = array<i32>} : memref<128xf32, #tpu.memory_space<vmem>>, vector<16xf32>,
      tpu.vector_store %arg16[%swap3A_862], %exp3A_861 {strides = array<i32>} : memref<128xf32, #tpu.memory_space<vmem>>, vector<16xf32>,
      %get3A_864 = arith.constant 32 : index
      %get3A_865 = tpu.vector_load %arg10[%get3A_864] {strides = array<i32>} : memref<128xi32, #tpu.memory_space<vmem>>, vector<16xi32>,
      %swap3A_866 = arith.constant 32 : index
      %swap3A_867 = tpu.vector_load %arg15[%swap3A_866] {strides = array<i32>} : memref<128xi32, #tpu.memory_space<vmem>>, vector<16xi32>,
      tpu.vector_store %arg15[%swap3A_866], %get3A_865 {strides = array<i32>} : memref<128xi32, #tpu.memory_space<vmem>>, vector<16xi32>,
      %get3A_868 = arith.constant 48 : index
      %get3A_869 = tpu.vector_load %arg17[%get3A_868] {strides = array<i32>} : memref<128xf32, #tpu.memory_space<vmem>>, vector<16xf32>,
      %get3A_870 = arith.constant 48 : index
      %get3A_871 = tpu.vector_load %arg18[%get3A_870] {strides = array<i32>} : memref<128xf32, #tpu.memory_space<vmem>>, vector<16xf32>,
      %add3A_872 = arith.addf %get3A_869, %get3A_871 : vector<16xf32>
      %ge3A_873 = arith.constant 0.000000e+00 : f32
      %ge3A_874 = vector.broadcast %ge3A_873 : f32 to vector<16xf32>
      %ge3A_875 = arith.cmpf oge, %add3A_872, %ge3A_874 : vector<16xf32>
      %mul3A_876 = arith.constant 2.000000e-01 : f32
      %mul3A_877 = vector.broadcast %mul3A_876 : f32 to vector<16xf32>
      %mul3A_878 = arith.mulf %mul3A_877, %add3A_872 : vector<16xf32>
      %select_n3A_879 = arith.select %ge3A_875, %add3A_872, %mul3A_878 : vector<16xi1>, vector<16xf32>
      %exp3A_880 = math.exp %select_n3A_879 : vector<16xf32>
      %swap3A_881 = arith.constant 48 : index
      %swap3A_882 = tpu.vector_load %arg16[%swap3A_881] {strides = array<i32>} : memref<128xf32, #tpu.memory_space<vmem>>, vector<16xf32>,
      tpu.vector_store %arg16[%swap3A_881], %exp3A_880 {strides = array<i32>} : memref<128xf32, #tpu.memory_space<vmem>>, vector<16xf32>,
      %get3A_883 = arith.constant 48 : index
      %get3A_884 = tpu.vector_load %arg10[%get3A_883] {strides = array<i32>} : memref<128xi32, #tpu.memory_space<vmem>>, vector<16xi32>,
      %swap3A_885 = arith.constant 48 : index
      %swap3A_886 = tpu.vector_load %arg15[%swap3A_885] {strides = array<i32>} : memref<128xi32, #tpu.memory_space<vmem>>, vector<16xi32>,
      tpu.vector_store %arg15[%swap3A_885], %get3A_884 {strides = array<i32>} : memref<128xi32, #tpu.memory_space<vmem>>, vector<16xi32>,
      %get3A_887 = arith.constant 64 : index
      %get3A_888 = tpu.vector_load %arg17[%get3A_887] {strides = array<i32>} : memref<128xf32, #tpu.memory_space<vmem>>, vector<16xf32>,
      %get3A_889 = arith.constant 64 : index
      %get3A_890 = tpu.vector_load %arg18[%get3A_889] {strides = array<i32>} : memref<128xf32, #tpu.memory_space<vmem>>, vector<16xf32>,
      %add3A_891 = arith.addf %get3A_888, %get3A_890 : vector<16xf32>
      %ge3A_892 = arith.constant 0.000000e+00 : f32
      %ge3A_893 = vector.broadcast %ge3A_892 : f32 to vector<16xf32>
      %ge3A_894 = arith.cmpf oge, %add3A_891, %ge3A_893 : vector<16xf32>
      %mul3A_895 = arith.constant 2.000000e-01 : f32
      %mul3A_896 = vector.broadcast %mul3A_895 : f32 to vector<16xf32>
      %mul3A_897 = arith.mulf %mul3A_896, %add3A_891 : vector<16xf32>
      %select_n3A_898 = arith.select %ge3A_894, %add3A_891, %mul3A_897 : vector<16xi1>, vector<16xf32>
      %exp3A_899 = math.exp %select_n3A_898 : vector<16xf32>
      %swap3A_900 = arith.constant 64 : index
      %swap3A_901 = tpu.vector_load %arg16[%swap3A_900] {strides = array<i32>} : memref<128xf32, #tpu.memory_space<vmem>>, vector<16xf32>,
      tpu.vector_store %arg16[%swap3A_900], %exp3A_899 {strides = array<i32>} : memref<128xf32, #tpu.memory_space<vmem>>, vector<16xf32>,
      %get3A_902 = arith.constant 64 : index
      %get3A_903 = tpu.vector_load %arg10[%get3A_902] {strides = array<i32>} : memref<128xi32, #tpu.memory_space<vmem>>, vector<16xi32>,
      %swap3A_904 = arith.constant 64 : index
      %swap3A_905 = tpu.vector_load %arg15[%swap3A_904] {strides = array<i32>} : memref<128xi32, #tpu.memory_space<vmem>>, vector<16xi32>,
      tpu.vector_store %arg15[%swap3A_904], %get3A_903 {strides = array<i32>} : memref<128xi32, #tpu.memory_space<vmem>>, vector<16xi32>,
      %get3A_906 = arith.constant 80 : index
      %get3A_907 = tpu.vector_load %arg17[%get3A_906] {strides = array<i32>} : memref<128xf32, #tpu.memory_space<vmem>>, vector<16xf32>,
      %get3A_908 = arith.constant 80 : index
      %get3A_909 = tpu.vector_load %arg18[%get3A_908] {strides = array<i32>} : memref<128xf32, #tpu.memory_space<vmem>>, vector<16xf32>,
      %add3A_910 = arith.addf %get3A_907, %get3A_909 : vector<16xf32>
      %ge3A_911 = arith.constant 0.000000e+00 : f32
      %ge3A_912 = vector.broadcast %ge3A_911 : f32 to vector<16xf32>
      %ge3A_913 = arith.cmpf oge, %add3A_910, %ge3A_912 : vector<16xf32>
      %mul3A_914 = arith.constant 2.000000e-01 : f32
      %mul3A_915 = vector.broadcast %mul3A_914 : f32 to vector<16xf32>
      %mul3A_916 = arith.mulf %mul3A_915, %add3A_910 : vector<16xf32>
      %select_n3A_917 = arith.select %ge3A_913, %add3A_910, %mul3A_916 : vector<16xi1>, vector<16xf32>
      %exp3A_918 = math.exp %select_n3A_917 : vector<16xf32>
      %swap3A_919 = arith.constant 80 : index
      %swap3A_920 = tpu.vector_load %arg16[%swap3A_919] {strides = array<i32>} : memref<128xf32, #tpu.memory_space<vmem>>, vector<16xf32>,
      tpu.vector_store %arg16[%swap3A_919], %exp3A_918 {strides = array<i32>} : memref<128xf32, #tpu.memory_space<vmem>>, vector<16xf32>,
      %get3A_921 = arith.constant 80 : index
      %get3A_922 = tpu.vector_load %arg10[%get3A_921] {strides = array<i32>} : memref<128xi32, #tpu.memory_space<vmem>>, vector<16xi32>,
      %swap3A_923 = arith.constant 80 : index
      %swap3A_924 = tpu.vector_load %arg15[%swap3A_923] {strides = array<i32>} : memref<128xi32, #tpu.memory_space<vmem>>, vector<16xi32>,
      tpu.vector_store %arg15[%swap3A_923], %get3A_922 {strides = array<i32>} : memref<128xi32, #tpu.memory_space<vmem>>, vector<16xi32>,
      %get3A_925 = arith.constant 96 : index
      %get3A_926 = tpu.vector_load %arg17[%get3A_925] {strides = array<i32>} : memref<128xf32, #tpu.memory_space<vmem>>, vector<16xf32>,
      %get3A_927 = arith.constant 96 : index
      %get3A_928 = tpu.vector_load %arg18[%get3A_927] {strides = array<i32>} : memref<128xf32, #tpu.memory_space<vmem>>, vector<16xf32>,
      %add3A_929 = arith.addf %get3A_926, %get3A_928 : vector<16xf32>
      %ge3A_930 = arith.constant 0.000000e+00 : f32
      %ge3A_931 = vector.broadcast %ge3A_930 : f32 to vector<16xf32>
      %ge3A_932 = arith.cmpf oge, %add3A_929, %ge3A_931 : vector<16xf32>
      %mul3A_933 = arith.constant 2.000000e-01 : f32
      %mul3A_934 = vector.broadcast %mul3A_933 : f32 to vector<16xf32>
      %mul3A_935 = arith.mulf %mul3A_934, %add3A_929 : vector<16xf32>
      %select_n3A_936 = arith.select %ge3A_932, %add3A_929, %mul3A_935 : vector<16xi1>, vector<16xf32>
      %exp3A_937 = math.exp %select_n3A_936 : vector<16xf32>
      %swap3A_938 = arith.constant 96 : index
      %swap3A_939 = tpu.vector_load %arg16[%swap3A_938] {strides = array<i32>} : memref<128xf32, #tpu.memory_space<vmem>>, vector<16xf32>,
      tpu.vector_store %arg16[%swap3A_938], %exp3A_937 {strides = array<i32>} : memref<128xf32, #tpu.memory_space<vmem>>, vector<16xf32>,
      %get3A_940 = arith.constant 96 : index
      %get3A_941 = tpu.vector_load %arg10[%get3A_940] {strides = array<i32>} : memref<128xi32, #tpu.memory_space<vmem>>, vector<16xi32>,
      %swap3A_942 = arith.constant 96 : index
      %swap3A_943 = tpu.vector_load %arg15[%swap3A_942] {strides = array<i32>} : memref<128xi32, #tpu.memory_space<vmem>>, vector<16xi32>,
      tpu.vector_store %arg15[%swap3A_942], %get3A_941 {strides = array<i32>} : memref<128xi32, #tpu.memory_space<vmem>>, vector<16xi32>,
      %get3A_944 = arith.constant 112 : index
      %get3A_945 = tpu.vector_load %arg17[%get3A_944] {strides = array<i32>} : memref<128xf32, #tpu.memory_space<vmem>>, vector<16xf32>,
      %get3A_946 = arith.constant 112 : index
      %get3A_947 = tpu.vector_load %arg18[%get3A_946] {strides = array<i32>} : memref<128xf32, #tpu.memory_space<vmem>>, vector<16xf32>,
      %add3A_948 = arith.addf %get3A_945, %get3A_947 : vector<16xf32>
      %ge3A_949 = arith.constant 0.000000e+00 : f32
      %ge3A_950 = vector.broadcast %ge3A_949 : f32 to vector<16xf32>
      %ge3A_951 = arith.cmpf oge, %add3A_948, %ge3A_950 : vector<16xf32>
      %mul3A_952 = arith.constant 2.000000e-01 : f32
      %mul3A_953 = vector.broadcast %mul3A_952 : f32 to vector<16xf32>
      %mul3A_954 = arith.mulf %mul3A_953, %add3A_948 : vector<16xf32>
      %select_n3A_955 = arith.select %ge3A_951, %add3A_948, %mul3A_954 : vector<16xi1>, vector<16xf32>
      %exp3A_956 = math.exp %select_n3A_955 : vector<16xf32>
      %swap3A_957 = arith.constant 112 : index
      %swap3A_958 = tpu.vector_load %arg16[%swap3A_957] {strides = array<i32>} : memref<128xf32, #tpu.memory_space<vmem>>, vector<16xf32>,
      tpu.vector_store %arg16[%swap3A_957], %exp3A_956 {strides = array<i32>} : memref<128xf32, #tpu.memory_space<vmem>>, vector<16xf32>,
      %get3A_959 = arith.constant 112 : index
      %get3A_960 = tpu.vector_load %arg10[%get3A_959] {strides = array<i32>} : memref<128xi32, #tpu.memory_space<vmem>>, vector<16xi32>,
      %swap3A_961 = arith.constant 112 : index
      %swap3A_962 = tpu.vector_load %arg15[%swap3A_961] {strides = array<i32>} : memref<128xi32, #tpu.memory_space<vmem>>, vector<16xi32>,
      tpu.vector_store %arg15[%swap3A_961], %get3A_960 {strides = array<i32>} : memref<128xi32, #tpu.memory_space<vmem>>, vector<16xi32>,
      %add3A_963 = arith.constant 2 : i32
      %add3A_964 = arith.addi %add3A_784, %add3A_963 : i32
      %add3A_965 = arith.addi %mul3A_2, %add3A_964 : i32
      %mul3A_966 = arith.constant 128 : i32
      %mul3A_967 = arith.muli %add3A_965, %mul3A_966 : i32
      %dma_start3A_968 = tpu.memref_slice %arg5[%mul3A_967] : memref<331776xi32, #tpu.memory_space<hbm>> -> memref<128xi32, #tpu.memory_space<hbm>>
      %dma_start3A_969 = tpu.memref_slice %arg5[%mul3A_967] : memref<331776xi32, #tpu.memory_space<hbm>> -> memref<128xi32, #tpu.memory_space<hbm>>
      tpu.enqueue_dma source(%dma_start3A_969 : memref<128xi32, #tpu.memory_space<hbm>>) target(%arg9 : memref<128xi32, #tpu.memory_space<vmem>>) target_semaphore(%arg25 : memref<!tpu.dma_semaphore, #tpu.memory_space<semaphore_mem>>)
      %dma_start3A_970 = tpu.memref_slice %arg6[%mul3A_967] : memref<331776xi32, #tpu.memory_space<hbm>> -> memref<128xi32, #tpu.memory_space<hbm>>
      %dma_start3A_971 = tpu.memref_slice %arg6[%mul3A_967] : memref<331776xi32, #tpu.memory_space<hbm>> -> memref<128xi32, #tpu.memory_space<hbm>>
      tpu.enqueue_dma source(%dma_start3A_971 : memref<128xi32, #tpu.memory_space<hbm>>) target(%arg10 : memref<128xi32, #tpu.memory_space<vmem>>) target_semaphore(%arg25 : memref<!tpu.dma_semaphore, #tpu.memory_space<semaphore_mem>>)
      %parallel_loop3A_972 = arith.constant 0 : i32
      %parallel_loop3A_973 = arith.constant 128 : i32
      %parallel_loop3A_974 = arith.constant 1 : i32
      scf.for %parallel_loop3A_978 = %parallel_loop3A_972 to %parallel_loop3A_973 step %parallel_loop3A_974  : i32 {
        %parallel_loop3A_979 = vector.broadcast %parallel_loop3A_978 : i32 to vector<16xi32>
        %parallel_loop3A_980 = tpu.vector_load_idx %arg16[%parallel_loop3A_979] : memref<128xf32, #tpu.memory_space<vmem>>[vector<16xi32>], vector<16xf32>,
        %parallel_loop3A_981 = arith.index_cast %parallel_loop3A_978 : i32 to index
        %parallel_loop3A_982 = arith.constant 0 : index
        %parallel_loop3A_983 = tpu.vector_load %arg13[%parallel_loop3A_981, %parallel_loop3A_982] {strides = array<i32>} : memref<128x144xf32, #tpu.memory_space<vmem>>, vector<16xf32>,
        %parallel_loop3A_984 = arith.mulf %parallel_loop3A_983, %parallel_loop3A_980 : vector<16xf32>
        %parallel_loop3A_985 = arith.index_cast %parallel_loop3A_978 : i32 to index
        %parallel_loop3A_986 = arith.constant 0 : index
        %parallel_loop3A_987 = tpu.vector_load %arg13[%parallel_loop3A_985, %parallel_loop3A_986] {strides = array<i32>} : memref<128x144xf32, #tpu.memory_space<vmem>>, vector<16xf32>,
        tpu.vector_store %arg13[%parallel_loop3A_985, %parallel_loop3A_986], %parallel_loop3A_984 {strides = array<i32>} : memref<128x144xf32, #tpu.memory_space<vmem>>, vector<16xf32>,
        %parallel_loop3A_988 = arith.index_cast %parallel_loop3A_978 : i32 to index
        %parallel_loop3A_989 = arith.constant 16 : index
        %parallel_loop3A_990 = tpu.vector_load %arg13[%parallel_loop3A_988, %parallel_loop3A_989] {strides = array<i32>} : memref<128x144xf32, #tpu.memory_space<vmem>>, vector<16xf32>,
        %parallel_loop3A_991 = arith.mulf %parallel_loop3A_990, %parallel_loop3A_980 : vector<16xf32>
        %parallel_loop3A_992 = arith.index_cast %parallel_loop3A_978 : i32 to index
        %parallel_loop3A_993 = arith.constant 16 : index
        %parallel_loop3A_994 = tpu.vector_load %arg13[%parallel_loop3A_992, %parallel_loop3A_993] {strides = array<i32>} : memref<128x144xf32, #tpu.memory_space<vmem>>, vector<16xf32>,
        tpu.vector_store %arg13[%parallel_loop3A_992, %parallel_loop3A_993], %parallel_loop3A_991 {strides = array<i32>} : memref<128x144xf32, #tpu.memory_space<vmem>>, vector<16xf32>,
        %parallel_loop3A_995 = arith.index_cast %parallel_loop3A_978 : i32 to index
        %parallel_loop3A_996 = arith.constant 32 : index
        %parallel_loop3A_997 = tpu.vector_load %arg13[%parallel_loop3A_995, %parallel_loop3A_996] {strides = array<i32>} : memref<128x144xf32, #tpu.memory_space<vmem>>, vector<16xf32>,
        %parallel_loop3A_998 = arith.mulf %parallel_loop3A_997, %parallel_loop3A_980 : vector<16xf32>
        %parallel_loop3A_999 = arith.index_cast %parallel_loop3A_978 : i32 to index
        %parallel_loop3A_1000 = arith.constant 32 : index
        %parallel_loop3A_1001 = tpu.vector_load %arg13[%parallel_loop3A_999, %parallel_loop3A_1000] {strides = array<i32>} : memref<128x144xf32, #tpu.memory_space<vmem>>, vector<16xf32>,
        tpu.vector_store %arg13[%parallel_loop3A_999, %parallel_loop3A_1000], %parallel_loop3A_998 {strides = array<i32>} : memref<128x144xf32, #tpu.memory_space<vmem>>, vector<16xf32>,
        %parallel_loop3A_1002 = arith.index_cast %parallel_loop3A_978 : i32 to index
        %parallel_loop3A_1003 = arith.constant 48 : index
        %parallel_loop3A_1004 = tpu.vector_load %arg13[%parallel_loop3A_1002, %parallel_loop3A_1003] {strides = array<i32>} : memref<128x144xf32, #tpu.memory_space<vmem>>, vector<16xf32>,
        %parallel_loop3A_1005 = arith.mulf %parallel_loop3A_1004, %parallel_loop3A_980 : vector<16xf32>
        %parallel_loop3A_1006 = arith.index_cast %parallel_loop3A_978 : i32 to index
        %parallel_loop3A_1007 = arith.constant 48 : index
        %parallel_loop3A_1008 = tpu.vector_load %arg13[%parallel_loop3A_1006, %parallel_loop3A_1007] {strides = array<i32>} : memref<128x144xf32, #tpu.memory_space<vmem>>, vector<16xf32>,
        tpu.vector_store %arg13[%parallel_loop3A_1006, %parallel_loop3A_1007], %parallel_loop3A_1005 {strides = array<i32>} : memref<128x144xf32, #tpu.memory_space<vmem>>, vector<16xf32>,
        %parallel_loop3A_1009 = arith.index_cast %parallel_loop3A_978 : i32 to index
        %parallel_loop3A_1010 = arith.constant 64 : index
        %parallel_loop3A_1011 = tpu.vector_load %arg13[%parallel_loop3A_1009, %parallel_loop3A_1010] {strides = array<i32>} : memref<128x144xf32, #tpu.memory_space<vmem>>, vector<16xf32>,
        %parallel_loop3A_1012 = arith.mulf %parallel_loop3A_1011, %parallel_loop3A_980 : vector<16xf32>
        %parallel_loop3A_1013 = arith.index_cast %parallel_loop3A_978 : i32 to index
        %parallel_loop3A_1014 = arith.constant 64 : index
        %parallel_loop3A_1015 = tpu.vector_load %arg13[%parallel_loop3A_1013, %parallel_loop3A_1014] {strides = array<i32>} : memref<128x144xf32, #tpu.memory_space<vmem>>, vector<16xf32>,
        tpu.vector_store %arg13[%parallel_loop3A_1013, %parallel_loop3A_1014], %parallel_loop3A_1012 {strides = array<i32>} : memref<128x144xf32, #tpu.memory_space<vmem>>, vector<16xf32>,
        %parallel_loop3A_1016 = arith.index_cast %parallel_loop3A_978 : i32 to index
        %parallel_loop3A_1017 = arith.constant 80 : index
        %parallel_loop3A_1018 = tpu.vector_load %arg13[%parallel_loop3A_1016, %parallel_loop3A_1017] {strides = array<i32>} : memref<128x144xf32, #tpu.memory_space<vmem>>, vector<16xf32>,
        %parallel_loop3A_1019 = arith.mulf %parallel_loop3A_1018, %parallel_loop3A_980 : vector<16xf32>
        %parallel_loop3A_1020 = arith.index_cast %parallel_loop3A_978 : i32 to index
        %parallel_loop3A_1021 = arith.constant 80 : index
        %parallel_loop3A_1022 = tpu.vector_load %arg13[%parallel_loop3A_1020, %parallel_loop3A_1021] {strides = array<i32>} : memref<128x144xf32, #tpu.memory_space<vmem>>, vector<16xf32>,
        tpu.vector_store %arg13[%parallel_loop3A_1020, %parallel_loop3A_1021], %parallel_loop3A_1019 {strides = array<i32>} : memref<128x144xf32, #tpu.memory_space<vmem>>, vector<16xf32>,
        %parallel_loop3A_1023 = arith.index_cast %parallel_loop3A_978 : i32 to index
        %parallel_loop3A_1024 = arith.constant 96 : index
        %parallel_loop3A_1025 = tpu.vector_load %arg13[%parallel_loop3A_1023, %parallel_loop3A_1024] {strides = array<i32>} : memref<128x144xf32, #tpu.memory_space<vmem>>, vector<16xf32>,
        %parallel_loop3A_1026 = arith.mulf %parallel_loop3A_1025, %parallel_loop3A_980 : vector<16xf32>
        %parallel_loop3A_1027 = arith.index_cast %parallel_loop3A_978 : i32 to index
        %parallel_loop3A_1028 = arith.constant 96 : index
        %parallel_loop3A_1029 = tpu.vector_load %arg13[%parallel_loop3A_1027, %parallel_loop3A_1028] {strides = array<i32>} : memref<128x144xf32, #tpu.memory_space<vmem>>, vector<16xf32>,
        tpu.vector_store %arg13[%parallel_loop3A_1027, %parallel_loop3A_1028], %parallel_loop3A_1026 {strides = array<i32>} : memref<128x144xf32, #tpu.memory_space<vmem>>, vector<16xf32>,
        %parallel_loop3A_1030 = arith.index_cast %parallel_loop3A_978 : i32 to index
        %parallel_loop3A_1031 = arith.constant 112 : index
        %parallel_loop3A_1032 = tpu.vector_load %arg13[%parallel_loop3A_1030, %parallel_loop3A_1031] {strides = array<i32>} : memref<128x144xf32, #tpu.memory_space<vmem>>, vector<16xf32>,
        %parallel_loop3A_1033 = arith.mulf %parallel_loop3A_1032, %parallel_loop3A_980 : vector<16xf32>
        %parallel_loop3A_1034 = arith.index_cast %parallel_loop3A_978 : i32 to index
        %parallel_loop3A_1035 = arith.constant 112 : index
        %parallel_loop3A_1036 = tpu.vector_load %arg13[%parallel_loop3A_1034, %parallel_loop3A_1035] {strides = array<i32>} : memref<128x144xf32, #tpu.memory_space<vmem>>, vector<16xf32>,
        tpu.vector_store %arg13[%parallel_loop3A_1034, %parallel_loop3A_1035], %parallel_loop3A_1033 {strides = array<i32>} : memref<128x144xf32, #tpu.memory_space<vmem>>, vector<16xf32>,
        %parallel_loop3A_1037 = arith.index_cast %parallel_loop3A_978 : i32 to index
        %parallel_loop3A_1038 = arith.constant 128 : index
        %parallel_loop3A_1039 = tpu.vector_load %arg13[%parallel_loop3A_1037, %parallel_loop3A_1038] {strides = array<i32>} : memref<128x144xf32, #tpu.memory_space<vmem>>, vector<16xf32>,
        %parallel_loop3A_1040 = arith.mulf %parallel_loop3A_1039, %parallel_loop3A_980 : vector<16xf32>
        %parallel_loop3A_1041 = arith.index_cast %parallel_loop3A_978 : i32 to index
        %parallel_loop3A_1042 = arith.constant 128 : index
        %parallel_loop3A_1043 = tpu.vector_load %arg13[%parallel_loop3A_1041, %parallel_loop3A_1042] {strides = array<i32>} : memref<128x144xf32, #tpu.memory_space<vmem>>, vector<16xf32>,
        tpu.vector_store %arg13[%parallel_loop3A_1041, %parallel_loop3A_1042], %parallel_loop3A_1040 {strides = array<i32>} : memref<128x144xf32, #tpu.memory_space<vmem>>, vector<16xf32>,
      } {sc.loop_unroll_factor = 2 : i64, sc.parallel_access}
      %dma_start3A_975 = arith.constant 0 : i32
      %dma_start3A_976 = arith.constant 0 : i32
      %dma_start3A_977 = tpu.memref_slice %arg21[%dma_start3A_975, %dma_start3A_976] : memref<10016x144xf32, #tpu.memory_space<vmem_shared>> -> memref<10016x144xf32, #tpu.memory_space<vmem_shared>>
      tpu.enqueue_indirect_dma source(%arg13 : memref<128x144xf32, #tpu.memory_space<vmem>>) target(%dma_start3A_977 : memref<10016x144xf32, #tpu.memory_space<vmem_shared>>) offsets(%arg15 : memref<128xi32, #tpu.memory_space<vmem>>) semaphore(%arg24 : memref<!tpu.dma_semaphore, #tpu.memory_space<semaphore_mem>>) {add = true}
    }
    %scan3A_222 = arith.constant 39 : i32
    %dma_wait3A_223 = arith.constant 0 : i32
    %dma_wait3A_224 = arith.constant 0 : i32
    %dma_wait3A_225 = tpu.memref_slice %arg21[%dma_wait3A_223, %dma_wait3A_224] : memref<10016x144xf32, #tpu.memory_space<vmem_shared>> -> memref<10016x144xf32, #tpu.memory_space<vmem_shared>>
    tpu.wait_indirect_dma semaphore(%arg24 : memref<!tpu.dma_semaphore, #tpu.memory_space<semaphore_mem>>) src(%arg13 : memref<128x144xf32, #tpu.memory_space<vmem>>) dst(%dma_wait3A_225 : memref<10016x144xf32, #tpu.memory_space<vmem_shared>>)
    %add3A_226 = arith.constant 80 : i32
    %add3A_227 = arith.addi %mul3A_2, %add3A_226 : i32
    %mul3A_228 = arith.constant 128 : i32
    %mul3A_229 = arith.muli %add3A_227, %mul3A_228 : i32
    %dma_wait3A_230 = tpu.memref_slice %arg5[%mul3A_229] : memref<331776xi32, #tpu.memory_space<hbm>> -> memref<128xi32, #tpu.memory_space<hbm>>
    %dma_wait3A_231 = tpu.memref_slice %arg5[%mul3A_229] : memref<331776xi32, #tpu.memory_space<hbm>> -> memref<128xi32, #tpu.memory_space<hbm>>
    tpu.wait_dma2 semaphore(%arg25 : memref<!tpu.dma_semaphore, #tpu.memory_space<semaphore_mem>>) src(%dma_wait3A_231 : memref<128xi32, #tpu.memory_space<hbm>>) dst(%arg9 : memref<128xi32, #tpu.memory_space<vmem>>)
    %dma_wait3A_232 = tpu.memref_slice %arg6[%mul3A_229] : memref<331776xi32, #tpu.memory_space<hbm>> -> memref<128xi32, #tpu.memory_space<hbm>>
    %dma_wait3A_233 = tpu.memref_slice %arg6[%mul3A_229] : memref<331776xi32, #tpu.memory_space<hbm>> -> memref<128xi32, #tpu.memory_space<hbm>>
    tpu.wait_dma2 semaphore(%arg25 : memref<!tpu.dma_semaphore, #tpu.memory_space<semaphore_mem>>) src(%dma_wait3A_233 : memref<128xi32, #tpu.memory_space<hbm>>) dst(%arg10 : memref<128xi32, #tpu.memory_space<vmem>>)
    %dma_start3A_234 = arith.constant 0 : i32
    %dma_start3A_235 = arith.constant 0 : i32
    %dma_start3A_236 = tpu.memref_slice %arg2[%dma_start3A_234, %dma_start3A_235] : memref<10016x144xf32, #tpu.memory_space<hbm>> -> memref<10016x144xf32, #tpu.memory_space<hbm>>
    tpu.enqueue_indirect_dma source(%dma_start3A_236 : memref<10016x144xf32, #tpu.memory_space<hbm>>) target(%arg13 : memref<128x144xf32, #tpu.memory_space<vmem>>) offsets(%arg9 : memref<128xi32, #tpu.memory_space<vmem>>) semaphore(%arg22 : memref<!tpu.dma_semaphore, #tpu.memory_space<semaphore_mem>>)
    %dma_start3A_237 = arith.constant 0 : i32
    %dma_start3A_238 = tpu.memref_slice %arg3[%dma_start3A_237] : memref<10016xf32, #tpu.memory_space<hbm>> -> memref<10016xf32, #tpu.memory_space<hbm>>
    tpu.enqueue_indirect_dma source(%dma_start3A_238 : memref<10016xf32, #tpu.memory_space<hbm>>) target(%arg17 : memref<128xf32, #tpu.memory_space<vmem>>) offsets(%arg9 : memref<128xi32, #tpu.memory_space<vmem>>) semaphore(%arg22 : memref<!tpu.dma_semaphore, #tpu.memory_space<semaphore_mem>>)
    %dma_start3A_239 = arith.constant 0 : i32
    %dma_start3A_240 = tpu.memref_slice %arg4[%dma_start3A_239] : memref<10016xf32, #tpu.memory_space<hbm>> -> memref<10016xf32, #tpu.memory_space<hbm>>
    tpu.enqueue_indirect_dma source(%dma_start3A_240 : memref<10016xf32, #tpu.memory_space<hbm>>) target(%arg18 : memref<128xf32, #tpu.memory_space<vmem>>) offsets(%arg10 : memref<128xi32, #tpu.memory_space<vmem>>) semaphore(%arg22 : memref<!tpu.dma_semaphore, #tpu.memory_space<semaphore_mem>>)
    %dma_wait3A_241 = arith.constant 0 : i32
    %dma_wait3A_242 = arith.constant 0 : i32
    %dma_wait3A_243 = tpu.memref_slice %arg2[%dma_wait3A_241, %dma_wait3A_242] : memref<10016x144xf32, #tpu.memory_space<hbm>> -> memref<10016x144xf32, #tpu.memory_space<hbm>>
    tpu.wait_indirect_dma semaphore(%arg23 : memref<!tpu.dma_semaphore, #tpu.memory_space<semaphore_mem>>) src(%dma_wait3A_243 : memref<10016x144xf32, #tpu.memory_space<hbm>>) dst(%arg14 : memref<128x144xf32, #tpu.memory_space<vmem>>)
    %dma_wait3A_244 = arith.constant 0 : i32
    %dma_wait3A_245 = tpu.memref_slice %arg3[%dma_wait3A_244] : memref<10016xf32, #tpu.memory_space<hbm>> -> memref<10016xf32, #tpu.memory_space<hbm>>
    tpu.wait_indirect_dma semaphore(%arg23 : memref<!tpu.dma_semaphore, #tpu.memory_space<semaphore_mem>>) src(%dma_wait3A_245 : memref<10016xf32, #tpu.memory_space<hbm>>) dst(%arg19 : memref<128xf32, #tpu.memory_space<vmem>>)
    %dma_wait3A_246 = arith.constant 0 : i32
    %dma_wait3A_247 = tpu.memref_slice %arg4[%dma_wait3A_246] : memref<10016xf32, #tpu.memory_space<hbm>> -> memref<10016xf32, #tpu.memory_space<hbm>>
    tpu.wait_indirect_dma semaphore(%arg23 : memref<!tpu.dma_semaphore, #tpu.memory_space<semaphore_mem>>) src(%dma_wait3A_247 : memref<10016xf32, #tpu.memory_space<hbm>>) dst(%arg20 : memref<128xf32, #tpu.memory_space<vmem>>)
    %get3A_248 = arith.constant 0 : index
    %get3A_249 = tpu.vector_load %arg19[%get3A_248] {strides = array<i32>} : memref<128xf32, #tpu.memory_space<vmem>>, vector<16xf32>,
    %get3A_250 = arith.constant 0 : index
    %get3A_251 = tpu.vector_load %arg20[%get3A_250] {strides = array<i32>} : memref<128xf32, #tpu.memory_space<vmem>>, vector<16xf32>,
    %add3A_252 = arith.addf %get3A_249, %get3A_251 : vector<16xf32>
    %ge3A_253 = arith.constant 0.000000e+00 : f32
    %ge3A_254 = vector.broadcast %ge3A_253 : f32 to vector<16xf32>
    %ge3A_255 = arith.cmpf oge, %add3A_252, %ge3A_254 : vector<16xf32>
    %mul3A_256 = arith.constant 2.000000e-01 : f32
    %mul3A_257 = vector.broadcast %mul3A_256 : f32 to vector<16xf32>
    %mul3A_258 = arith.mulf %mul3A_257, %add3A_252 : vector<16xf32>
    %select_n3A_259 = arith.select %ge3A_255, %add3A_252, %mul3A_258 : vector<16xi1>, vector<16xf32>
    %exp3A_260 = math.exp %select_n3A_259 : vector<16xf32>
    %swap3A_261 = arith.constant 0 : index
    %swap3A_262 = tpu.vector_load %arg16[%swap3A_261] {strides = array<i32>} : memref<128xf32, #tpu.memory_space<vmem>>, vector<16xf32>,
    tpu.vector_store %arg16[%swap3A_261], %exp3A_260 {strides = array<i32>} : memref<128xf32, #tpu.memory_space<vmem>>, vector<16xf32>,
    %get3A_263 = arith.constant 0 : index
    %get3A_264 = tpu.vector_load %arg12[%get3A_263] {strides = array<i32>} : memref<128xi32, #tpu.memory_space<vmem>>, vector<16xi32>,
    %swap3A_265 = arith.constant 0 : index
    %swap3A_266 = tpu.vector_load %arg15[%swap3A_265] {strides = array<i32>} : memref<128xi32, #tpu.memory_space<vmem>>, vector<16xi32>,
    tpu.vector_store %arg15[%swap3A_265], %get3A_264 {strides = array<i32>} : memref<128xi32, #tpu.memory_space<vmem>>, vector<16xi32>,
    %get3A_267 = arith.constant 16 : index
    %get3A_268 = tpu.vector_load %arg19[%get3A_267] {strides = array<i32>} : memref<128xf32, #tpu.memory_space<vmem>>, vector<16xf32>,
    %get3A_269 = arith.constant 16 : index
    %get3A_270 = tpu.vector_load %arg20[%get3A_269] {strides = array<i32>} : memref<128xf32, #tpu.memory_space<vmem>>, vector<16xf32>,
    %add3A_271 = arith.addf %get3A_268, %get3A_270 : vector<16xf32>
    %ge3A_272 = arith.constant 0.000000e+00 : f32
    %ge3A_273 = vector.broadcast %ge3A_272 : f32 to vector<16xf32>
    %ge3A_274 = arith.cmpf oge, %add3A_271, %ge3A_273 : vector<16xf32>
    %mul3A_275 = arith.constant 2.000000e-01 : f32
    %mul3A_276 = vector.broadcast %mul3A_275 : f32 to vector<16xf32>
    %mul3A_277 = arith.mulf %mul3A_276, %add3A_271 : vector<16xf32>
    %select_n3A_278 = arith.select %ge3A_274, %add3A_271, %mul3A_277 : vector<16xi1>, vector<16xf32>
    %exp3A_279 = math.exp %select_n3A_278 : vector<16xf32>
    %swap3A_280 = arith.constant 16 : index
    %swap3A_281 = tpu.vector_load %arg16[%swap3A_280] {strides = array<i32>} : memref<128xf32, #tpu.memory_space<vmem>>, vector<16xf32>,
    tpu.vector_store %arg16[%swap3A_280], %exp3A_279 {strides = array<i32>} : memref<128xf32, #tpu.memory_space<vmem>>, vector<16xf32>,
    %get3A_282 = arith.constant 16 : index
    %get3A_283 = tpu.vector_load %arg12[%get3A_282] {strides = array<i32>} : memref<128xi32, #tpu.memory_space<vmem>>, vector<16xi32>,
    %swap3A_284 = arith.constant 16 : index
    %swap3A_285 = tpu.vector_load %arg15[%swap3A_284] {strides = array<i32>} : memref<128xi32, #tpu.memory_space<vmem>>, vector<16xi32>,
    tpu.vector_store %arg15[%swap3A_284], %get3A_283 {strides = array<i32>} : memref<128xi32, #tpu.memory_space<vmem>>, vector<16xi32>,
    %get3A_286 = arith.constant 32 : index
    %get3A_287 = tpu.vector_load %arg19[%get3A_286] {strides = array<i32>} : memref<128xf32, #tpu.memory_space<vmem>>, vector<16xf32>,
    %get3A_288 = arith.constant 32 : index
    %get3A_289 = tpu.vector_load %arg20[%get3A_288] {strides = array<i32>} : memref<128xf32, #tpu.memory_space<vmem>>, vector<16xf32>,
    %add3A_290 = arith.addf %get3A_287, %get3A_289 : vector<16xf32>
    %ge3A_291 = arith.constant 0.000000e+00 : f32
    %ge3A_292 = vector.broadcast %ge3A_291 : f32 to vector<16xf32>
    %ge3A_293 = arith.cmpf oge, %add3A_290, %ge3A_292 : vector<16xf32>
    %mul3A_294 = arith.constant 2.000000e-01 : f32
    %mul3A_295 = vector.broadcast %mul3A_294 : f32 to vector<16xf32>
    %mul3A_296 = arith.mulf %mul3A_295, %add3A_290 : vector<16xf32>
    %select_n3A_297 = arith.select %ge3A_293, %add3A_290, %mul3A_296 : vector<16xi1>, vector<16xf32>
    %exp3A_298 = math.exp %select_n3A_297 : vector<16xf32>
    %swap3A_299 = arith.constant 32 : index
    %swap3A_300 = tpu.vector_load %arg16[%swap3A_299] {strides = array<i32>} : memref<128xf32, #tpu.memory_space<vmem>>, vector<16xf32>,
    tpu.vector_store %arg16[%swap3A_299], %exp3A_298 {strides = array<i32>} : memref<128xf32, #tpu.memory_space<vmem>>, vector<16xf32>,
    %get3A_301 = arith.constant 32 : index
    %get3A_302 = tpu.vector_load %arg12[%get3A_301] {strides = array<i32>} : memref<128xi32, #tpu.memory_space<vmem>>, vector<16xi32>,
    %swap3A_303 = arith.constant 32 : index
    %swap3A_304 = tpu.vector_load %arg15[%swap3A_303] {strides = array<i32>} : memref<128xi32, #tpu.memory_space<vmem>>, vector<16xi32>,
    tpu.vector_store %arg15[%swap3A_303], %get3A_302 {strides = array<i32>} : memref<128xi32, #tpu.memory_space<vmem>>, vector<16xi32>,
    %get3A_305 = arith.constant 48 : index
    %get3A_306 = tpu.vector_load %arg19[%get3A_305] {strides = array<i32>} : memref<128xf32, #tpu.memory_space<vmem>>, vector<16xf32>,
    %get3A_307 = arith.constant 48 : index
    %get3A_308 = tpu.vector_load %arg20[%get3A_307] {strides = array<i32>} : memref<128xf32, #tpu.memory_space<vmem>>, vector<16xf32>,
    %add3A_309 = arith.addf %get3A_306, %get3A_308 : vector<16xf32>
    %ge3A_310 = arith.constant 0.000000e+00 : f32
    %ge3A_311 = vector.broadcast %ge3A_310 : f32 to vector<16xf32>
    %ge3A_312 = arith.cmpf oge, %add3A_309, %ge3A_311 : vector<16xf32>
    %mul3A_313 = arith.constant 2.000000e-01 : f32
    %mul3A_314 = vector.broadcast %mul3A_313 : f32 to vector<16xf32>
    %mul3A_315 = arith.mulf %mul3A_314, %add3A_309 : vector<16xf32>
    %select_n3A_316 = arith.select %ge3A_312, %add3A_309, %mul3A_315 : vector<16xi1>, vector<16xf32>
    %exp3A_317 = math.exp %select_n3A_316 : vector<16xf32>
    %swap3A_318 = arith.constant 48 : index
    %swap3A_319 = tpu.vector_load %arg16[%swap3A_318] {strides = array<i32>} : memref<128xf32, #tpu.memory_space<vmem>>, vector<16xf32>,
    tpu.vector_store %arg16[%swap3A_318], %exp3A_317 {strides = array<i32>} : memref<128xf32, #tpu.memory_space<vmem>>, vector<16xf32>,
    %get3A_320 = arith.constant 48 : index
    %get3A_321 = tpu.vector_load %arg12[%get3A_320] {strides = array<i32>} : memref<128xi32, #tpu.memory_space<vmem>>, vector<16xi32>,
    %swap3A_322 = arith.constant 48 : index
    %swap3A_323 = tpu.vector_load %arg15[%swap3A_322] {strides = array<i32>} : memref<128xi32, #tpu.memory_space<vmem>>, vector<16xi32>,
    tpu.vector_store %arg15[%swap3A_322], %get3A_321 {strides = array<i32>} : memref<128xi32, #tpu.memory_space<vmem>>, vector<16xi32>,
    %get3A_324 = arith.constant 64 : index
    %get3A_325 = tpu.vector_load %arg19[%get3A_324] {strides = array<i32>} : memref<128xf32, #tpu.memory_space<vmem>>, vector<16xf32>,
    %get3A_326 = arith.constant 64 : index
    %get3A_327 = tpu.vector_load %arg20[%get3A_326] {strides = array<i32>} : memref<128xf32, #tpu.memory_space<vmem>>, vector<16xf32>,
    %add3A_328 = arith.addf %get3A_325, %get3A_327 : vector<16xf32>
    %ge3A_329 = arith.constant 0.000000e+00 : f32
    %ge3A_330 = vector.broadcast %ge3A_329 : f32 to vector<16xf32>
    %ge3A_331 = arith.cmpf oge, %add3A_328, %ge3A_330 : vector<16xf32>
    %mul3A_332 = arith.constant 2.000000e-01 : f32
    %mul3A_333 = vector.broadcast %mul3A_332 : f32 to vector<16xf32>
    %mul3A_334 = arith.mulf %mul3A_333, %add3A_328 : vector<16xf32>
    %select_n3A_335 = arith.select %ge3A_331, %add3A_328, %mul3A_334 : vector<16xi1>, vector<16xf32>
    %exp3A_336 = math.exp %select_n3A_335 : vector<16xf32>
    %swap3A_337 = arith.constant 64 : index
    %swap3A_338 = tpu.vector_load %arg16[%swap3A_337] {strides = array<i32>} : memref<128xf32, #tpu.memory_space<vmem>>, vector<16xf32>,
    tpu.vector_store %arg16[%swap3A_337], %exp3A_336 {strides = array<i32>} : memref<128xf32, #tpu.memory_space<vmem>>, vector<16xf32>,
    %get3A_339 = arith.constant 64 : index
    %get3A_340 = tpu.vector_load %arg12[%get3A_339] {strides = array<i32>} : memref<128xi32, #tpu.memory_space<vmem>>, vector<16xi32>,
    %swap3A_341 = arith.constant 64 : index
    %swap3A_342 = tpu.vector_load %arg15[%swap3A_341] {strides = array<i32>} : memref<128xi32, #tpu.memory_space<vmem>>, vector<16xi32>,
    tpu.vector_store %arg15[%swap3A_341], %get3A_340 {strides = array<i32>} : memref<128xi32, #tpu.memory_space<vmem>>, vector<16xi32>,
    %get3A_343 = arith.constant 80 : index
    %get3A_344 = tpu.vector_load %arg19[%get3A_343] {strides = array<i32>} : memref<128xf32, #tpu.memory_space<vmem>>, vector<16xf32>,
    %get3A_345 = arith.constant 80 : index
    %get3A_346 = tpu.vector_load %arg20[%get3A_345] {strides = array<i32>} : memref<128xf32, #tpu.memory_space<vmem>>, vector<16xf32>,
    %add3A_347 = arith.addf %get3A_344, %get3A_346 : vector<16xf32>
    %ge3A_348 = arith.constant 0.000000e+00 : f32
    %ge3A_349 = vector.broadcast %ge3A_348 : f32 to vector<16xf32>
    %ge3A_350 = arith.cmpf oge, %add3A_347, %ge3A_349 : vector<16xf32>
    %mul3A_351 = arith.constant 2.000000e-01 : f32
    %mul3A_352 = vector.broadcast %mul3A_351 : f32 to vector<16xf32>
    %mul3A_353 = arith.mulf %mul3A_352, %add3A_347 : vector<16xf32>
    %select_n3A_354 = arith.select %ge3A_350, %add3A_347, %mul3A_353 : vector<16xi1>, vector<16xf32>
    %exp3A_355 = math.exp %select_n3A_354 : vector<16xf32>
    %swap3A_356 = arith.constant 80 : index
    %swap3A_357 = tpu.vector_load %arg16[%swap3A_356] {strides = array<i32>} : memref<128xf32, #tpu.memory_space<vmem>>, vector<16xf32>,
    tpu.vector_store %arg16[%swap3A_356], %exp3A_355 {strides = array<i32>} : memref<128xf32, #tpu.memory_space<vmem>>, vector<16xf32>,
    %get3A_358 = arith.constant 80 : index
    %get3A_359 = tpu.vector_load %arg12[%get3A_358] {strides = array<i32>} : memref<128xi32, #tpu.memory_space<vmem>>, vector<16xi32>,
    %swap3A_360 = arith.constant 80 : index
    %swap3A_361 = tpu.vector_load %arg15[%swap3A_360] {strides = array<i32>} : memref<128xi32, #tpu.memory_space<vmem>>, vector<16xi32>,
    tpu.vector_store %arg15[%swap3A_360], %get3A_359 {strides = array<i32>} : memref<128xi32, #tpu.memory_space<vmem>>, vector<16xi32>,
    %get3A_362 = arith.constant 96 : index
    %get3A_363 = tpu.vector_load %arg19[%get3A_362] {strides = array<i32>} : memref<128xf32, #tpu.memory_space<vmem>>, vector<16xf32>,
    %get3A_364 = arith.constant 96 : index
    %get3A_365 = tpu.vector_load %arg20[%get3A_364] {strides = array<i32>} : memref<128xf32, #tpu.memory_space<vmem>>, vector<16xf32>,
    %add3A_366 = arith.addf %get3A_363, %get3A_365 : vector<16xf32>
    %ge3A_367 = arith.constant 0.000000e+00 : f32
    %ge3A_368 = vector.broadcast %ge3A_367 : f32 to vector<16xf32>
    %ge3A_369 = arith.cmpf oge, %add3A_366, %ge3A_368 : vector<16xf32>
    %mul3A_370 = arith.constant 2.000000e-01 : f32
    %mul3A_371 = vector.broadcast %mul3A_370 : f32 to vector<16xf32>
    %mul3A_372 = arith.mulf %mul3A_371, %add3A_366 : vector<16xf32>
    %select_n3A_373 = arith.select %ge3A_369, %add3A_366, %mul3A_372 : vector<16xi1>, vector<16xf32>
    %exp3A_374 = math.exp %select_n3A_373 : vector<16xf32>
    %swap3A_375 = arith.constant 96 : index
    %swap3A_376 = tpu.vector_load %arg16[%swap3A_375] {strides = array<i32>} : memref<128xf32, #tpu.memory_space<vmem>>, vector<16xf32>,
    tpu.vector_store %arg16[%swap3A_375], %exp3A_374 {strides = array<i32>} : memref<128xf32, #tpu.memory_space<vmem>>, vector<16xf32>,
    %get3A_377 = arith.constant 96 : index
    %get3A_378 = tpu.vector_load %arg12[%get3A_377] {strides = array<i32>} : memref<128xi32, #tpu.memory_space<vmem>>, vector<16xi32>,
    %swap3A_379 = arith.constant 96 : index
    %swap3A_380 = tpu.vector_load %arg15[%swap3A_379] {strides = array<i32>} : memref<128xi32, #tpu.memory_space<vmem>>, vector<16xi32>,
    tpu.vector_store %arg15[%swap3A_379], %get3A_378 {strides = array<i32>} : memref<128xi32, #tpu.memory_space<vmem>>, vector<16xi32>,
    %get3A_381 = arith.constant 112 : index
    %get3A_382 = tpu.vector_load %arg19[%get3A_381] {strides = array<i32>} : memref<128xf32, #tpu.memory_space<vmem>>, vector<16xf32>,
    %get3A_383 = arith.constant 112 : index
    %get3A_384 = tpu.vector_load %arg20[%get3A_383] {strides = array<i32>} : memref<128xf32, #tpu.memory_space<vmem>>, vector<16xf32>,
    %add3A_385 = arith.addf %get3A_382, %get3A_384 : vector<16xf32>
    %ge3A_386 = arith.constant 0.000000e+00 : f32
    %ge3A_387 = vector.broadcast %ge3A_386 : f32 to vector<16xf32>
    %ge3A_388 = arith.cmpf oge, %add3A_385, %ge3A_387 : vector<16xf32>
    %mul3A_389 = arith.constant 2.000000e-01 : f32
    %mul3A_390 = vector.broadcast %mul3A_389 : f32 to vector<16xf32>
    %mul3A_391 = arith.mulf %mul3A_390, %add3A_385 : vector<16xf32>
    %select_n3A_392 = arith.select %ge3A_388, %add3A_385, %mul3A_391 : vector<16xi1>, vector<16xf32>
    %exp3A_393 = math.exp %select_n3A_392 : vector<16xf32>
    %swap3A_394 = arith.constant 112 : index
    %swap3A_395 = tpu.vector_load %arg16[%swap3A_394] {strides = array<i32>} : memref<128xf32, #tpu.memory_space<vmem>>, vector<16xf32>,
    tpu.vector_store %arg16[%swap3A_394], %exp3A_393 {strides = array<i32>} : memref<128xf32, #tpu.memory_space<vmem>>, vector<16xf32>,
    %get3A_396 = arith.constant 112 : index
    %get3A_397 = tpu.vector_load %arg12[%get3A_396] {strides = array<i32>} : memref<128xi32, #tpu.memory_space<vmem>>, vector<16xi32>,
    %swap3A_398 = arith.constant 112 : index
    %swap3A_399 = tpu.vector_load %arg15[%swap3A_398] {strides = array<i32>} : memref<128xi32, #tpu.memory_space<vmem>>, vector<16xi32>,
    tpu.vector_store %arg15[%swap3A_398], %get3A_397 {strides = array<i32>} : memref<128xi32, #tpu.memory_space<vmem>>, vector<16xi32>,
    %parallel_loop3A_400 = arith.constant 0 : i32
    %parallel_loop3A_401 = arith.constant 128 : i32
    %parallel_loop3A_402 = arith.constant 1 : i32
    scf.for %parallel_loop3A_585 = %parallel_loop3A_400 to %parallel_loop3A_401 step %parallel_loop3A_402  : i32 {
      %parallel_loop3A_586 = vector.broadcast %parallel_loop3A_585 : i32 to vector<16xi32>
      %parallel_loop3A_587 = tpu.vector_load_idx %arg16[%parallel_loop3A_586] : memref<128xf32, #tpu.memory_space<vmem>>[vector<16xi32>], vector<16xf32>,
      %parallel_loop3A_588 = arith.index_cast %parallel_loop3A_585 : i32 to index
      %parallel_loop3A_589 = arith.constant 0 : index
      %parallel_loop3A_590 = tpu.vector_load %arg14[%parallel_loop3A_588, %parallel_loop3A_589] {strides = array<i32>} : memref<128x144xf32, #tpu.memory_space<vmem>>, vector<16xf32>,
      %parallel_loop3A_591 = arith.mulf %parallel_loop3A_590, %parallel_loop3A_587 : vector<16xf32>
      %parallel_loop3A_592 = arith.index_cast %parallel_loop3A_585 : i32 to index
      %parallel_loop3A_593 = arith.constant 0 : index
      %parallel_loop3A_594 = tpu.vector_load %arg14[%parallel_loop3A_592, %parallel_loop3A_593] {strides = array<i32>} : memref<128x144xf32, #tpu.memory_space<vmem>>, vector<16xf32>,
      tpu.vector_store %arg14[%parallel_loop3A_592, %parallel_loop3A_593], %parallel_loop3A_591 {strides = array<i32>} : memref<128x144xf32, #tpu.memory_space<vmem>>, vector<16xf32>,
      %parallel_loop3A_595 = arith.index_cast %parallel_loop3A_585 : i32 to index
      %parallel_loop3A_596 = arith.constant 16 : index
      %parallel_loop3A_597 = tpu.vector_load %arg14[%parallel_loop3A_595, %parallel_loop3A_596] {strides = array<i32>} : memref<128x144xf32, #tpu.memory_space<vmem>>, vector<16xf32>,
      %parallel_loop3A_598 = arith.mulf %parallel_loop3A_597, %parallel_loop3A_587 : vector<16xf32>
      %parallel_loop3A_599 = arith.index_cast %parallel_loop3A_585 : i32 to index
      %parallel_loop3A_600 = arith.constant 16 : index
      %parallel_loop3A_601 = tpu.vector_load %arg14[%parallel_loop3A_599, %parallel_loop3A_600] {strides = array<i32>} : memref<128x144xf32, #tpu.memory_space<vmem>>, vector<16xf32>,
      tpu.vector_store %arg14[%parallel_loop3A_599, %parallel_loop3A_600], %parallel_loop3A_598 {strides = array<i32>} : memref<128x144xf32, #tpu.memory_space<vmem>>, vector<16xf32>,
      %parallel_loop3A_602 = arith.index_cast %parallel_loop3A_585 : i32 to index
      %parallel_loop3A_603 = arith.constant 32 : index
      %parallel_loop3A_604 = tpu.vector_load %arg14[%parallel_loop3A_602, %parallel_loop3A_603] {strides = array<i32>} : memref<128x144xf32, #tpu.memory_space<vmem>>, vector<16xf32>,
      %parallel_loop3A_605 = arith.mulf %parallel_loop3A_604, %parallel_loop3A_587 : vector<16xf32>
      %parallel_loop3A_606 = arith.index_cast %parallel_loop3A_585 : i32 to index
      %parallel_loop3A_607 = arith.constant 32 : index
      %parallel_loop3A_608 = tpu.vector_load %arg14[%parallel_loop3A_606, %parallel_loop3A_607] {strides = array<i32>} : memref<128x144xf32, #tpu.memory_space<vmem>>, vector<16xf32>,
      tpu.vector_store %arg14[%parallel_loop3A_606, %parallel_loop3A_607], %parallel_loop3A_605 {strides = array<i32>} : memref<128x144xf32, #tpu.memory_space<vmem>>, vector<16xf32>,
      %parallel_loop3A_609 = arith.index_cast %parallel_loop3A_585 : i32 to index
      %parallel_loop3A_610 = arith.constant 48 : index
      %parallel_loop3A_611 = tpu.vector_load %arg14[%parallel_loop3A_609, %parallel_loop3A_610] {strides = array<i32>} : memref<128x144xf32, #tpu.memory_space<vmem>>, vector<16xf32>,
      %parallel_loop3A_612 = arith.mulf %parallel_loop3A_611, %parallel_loop3A_587 : vector<16xf32>
      %parallel_loop3A_613 = arith.index_cast %parallel_loop3A_585 : i32 to index
      %parallel_loop3A_614 = arith.constant 48 : index
      %parallel_loop3A_615 = tpu.vector_load %arg14[%parallel_loop3A_613, %parallel_loop3A_614] {strides = array<i32>} : memref<128x144xf32, #tpu.memory_space<vmem>>, vector<16xf32>,
      tpu.vector_store %arg14[%parallel_loop3A_613, %parallel_loop3A_614], %parallel_loop3A_612 {strides = array<i32>} : memref<128x144xf32, #tpu.memory_space<vmem>>, vector<16xf32>,
      %parallel_loop3A_616 = arith.index_cast %parallel_loop3A_585 : i32 to index
      %parallel_loop3A_617 = arith.constant 64 : index
      %parallel_loop3A_618 = tpu.vector_load %arg14[%parallel_loop3A_616, %parallel_loop3A_617] {strides = array<i32>} : memref<128x144xf32, #tpu.memory_space<vmem>>, vector<16xf32>,
      %parallel_loop3A_619 = arith.mulf %parallel_loop3A_618, %parallel_loop3A_587 : vector<16xf32>
      %parallel_loop3A_620 = arith.index_cast %parallel_loop3A_585 : i32 to index
      %parallel_loop3A_621 = arith.constant 64 : index
      %parallel_loop3A_622 = tpu.vector_load %arg14[%parallel_loop3A_620, %parallel_loop3A_621] {strides = array<i32>} : memref<128x144xf32, #tpu.memory_space<vmem>>, vector<16xf32>,
      tpu.vector_store %arg14[%parallel_loop3A_620, %parallel_loop3A_621], %parallel_loop3A_619 {strides = array<i32>} : memref<128x144xf32, #tpu.memory_space<vmem>>, vector<16xf32>,
      %parallel_loop3A_623 = arith.index_cast %parallel_loop3A_585 : i32 to index
      %parallel_loop3A_624 = arith.constant 80 : index
      %parallel_loop3A_625 = tpu.vector_load %arg14[%parallel_loop3A_623, %parallel_loop3A_624] {strides = array<i32>} : memref<128x144xf32, #tpu.memory_space<vmem>>, vector<16xf32>,
      %parallel_loop3A_626 = arith.mulf %parallel_loop3A_625, %parallel_loop3A_587 : vector<16xf32>
      %parallel_loop3A_627 = arith.index_cast %parallel_loop3A_585 : i32 to index
      %parallel_loop3A_628 = arith.constant 80 : index
      %parallel_loop3A_629 = tpu.vector_load %arg14[%parallel_loop3A_627, %parallel_loop3A_628] {strides = array<i32>} : memref<128x144xf32, #tpu.memory_space<vmem>>, vector<16xf32>,
      tpu.vector_store %arg14[%parallel_loop3A_627, %parallel_loop3A_628], %parallel_loop3A_626 {strides = array<i32>} : memref<128x144xf32, #tpu.memory_space<vmem>>, vector<16xf32>,
      %parallel_loop3A_630 = arith.index_cast %parallel_loop3A_585 : i32 to index
      %parallel_loop3A_631 = arith.constant 96 : index
      %parallel_loop3A_632 = tpu.vector_load %arg14[%parallel_loop3A_630, %parallel_loop3A_631] {strides = array<i32>} : memref<128x144xf32, #tpu.memory_space<vmem>>, vector<16xf32>,
      %parallel_loop3A_633 = arith.mulf %parallel_loop3A_632, %parallel_loop3A_587 : vector<16xf32>
      %parallel_loop3A_634 = arith.index_cast %parallel_loop3A_585 : i32 to index
      %parallel_loop3A_635 = arith.constant 96 : index
      %parallel_loop3A_636 = tpu.vector_load %arg14[%parallel_loop3A_634, %parallel_loop3A_635] {strides = array<i32>} : memref<128x144xf32, #tpu.memory_space<vmem>>, vector<16xf32>,
      tpu.vector_store %arg14[%parallel_loop3A_634, %parallel_loop3A_635], %parallel_loop3A_633 {strides = array<i32>} : memref<128x144xf32, #tpu.memory_space<vmem>>, vector<16xf32>,
      %parallel_loop3A_637 = arith.index_cast %parallel_loop3A_585 : i32 to index
      %parallel_loop3A_638 = arith.constant 112 : index
      %parallel_loop3A_639 = tpu.vector_load %arg14[%parallel_loop3A_637, %parallel_loop3A_638] {strides = array<i32>} : memref<128x144xf32, #tpu.memory_space<vmem>>, vector<16xf32>,
      %parallel_loop3A_640 = arith.mulf %parallel_loop3A_639, %parallel_loop3A_587 : vector<16xf32>
      %parallel_loop3A_641 = arith.index_cast %parallel_loop3A_585 : i32 to index
      %parallel_loop3A_642 = arith.constant 112 : index
      %parallel_loop3A_643 = tpu.vector_load %arg14[%parallel_loop3A_641, %parallel_loop3A_642] {strides = array<i32>} : memref<128x144xf32, #tpu.memory_space<vmem>>, vector<16xf32>,
      tpu.vector_store %arg14[%parallel_loop3A_641, %parallel_loop3A_642], %parallel_loop3A_640 {strides = array<i32>} : memref<128x144xf32, #tpu.memory_space<vmem>>, vector<16xf32>,
      %parallel_loop3A_644 = arith.index_cast %parallel_loop3A_585 : i32 to index
      %parallel_loop3A_645 = arith.constant 128 : index
      %parallel_loop3A_646 = tpu.vector_load %arg14[%parallel_loop3A_644, %parallel_loop3A_645] {strides = array<i32>} : memref<128x144xf32, #tpu.memory_space<vmem>>, vector<16xf32>,
      %parallel_loop3A_647 = arith.mulf %parallel_loop3A_646, %parallel_loop3A_587 : vector<16xf32>
      %parallel_loop3A_648 = arith.index_cast %parallel_loop3A_585 : i32 to index
      %parallel_loop3A_649 = arith.constant 128 : index
      %parallel_loop3A_650 = tpu.vector_load %arg14[%parallel_loop3A_648, %parallel_loop3A_649] {strides = array<i32>} : memref<128x144xf32, #tpu.memory_space<vmem>>, vector<16xf32>,
      tpu.vector_store %arg14[%parallel_loop3A_648, %parallel_loop3A_649], %parallel_loop3A_647 {strides = array<i32>} : memref<128x144xf32, #tpu.memory_space<vmem>>, vector<16xf32>,
    } {sc.loop_unroll_factor = 2 : i64, sc.parallel_access}
    %dma_start3A_403 = arith.constant 0 : i32
    %dma_start3A_404 = arith.constant 0 : i32
    %dma_start3A_405 = tpu.memref_slice %arg21[%dma_start3A_403, %dma_start3A_404] : memref<10016x144xf32, #tpu.memory_space<vmem_shared>> -> memref<10016x144xf32, #tpu.memory_space<vmem_shared>>
    tpu.enqueue_indirect_dma source(%arg14 : memref<128x144xf32, #tpu.memory_space<vmem>>) target(%dma_start3A_405 : memref<10016x144xf32, #tpu.memory_space<vmem_shared>>) offsets(%arg15 : memref<128xi32, #tpu.memory_space<vmem>>) semaphore(%arg24 : memref<!tpu.dma_semaphore, #tpu.memory_space<semaphore_mem>>) {add = true}
    %dma_wait3A_406 = arith.constant 0 : i32
    %dma_wait3A_407 = arith.constant 0 : i32
    %dma_wait3A_408 = tpu.memref_slice %arg21[%dma_wait3A_406, %dma_wait3A_407] : memref<10016x144xf32, #tpu.memory_space<vmem_shared>> -> memref<10016x144xf32, #tpu.memory_space<vmem_shared>>
    tpu.wait_indirect_dma semaphore(%arg24 : memref<!tpu.dma_semaphore, #tpu.memory_space<semaphore_mem>>) src(%arg14 : memref<128x144xf32, #tpu.memory_space<vmem>>) dst(%dma_wait3A_408 : memref<10016x144xf32, #tpu.memory_space<vmem_shared>>)
    %dma_wait3A_409 = arith.constant 0 : i32
    %dma_wait3A_410 = arith.constant 0 : i32
    %dma_wait3A_411 = tpu.memref_slice %arg2[%dma_wait3A_409, %dma_wait3A_410] : memref<10016x144xf32, #tpu.memory_space<hbm>> -> memref<10016x144xf32, #tpu.memory_space<hbm>>
    tpu.wait_indirect_dma semaphore(%arg22 : memref<!tpu.dma_semaphore, #tpu.memory_space<semaphore_mem>>) src(%dma_wait3A_411 : memref<10016x144xf32, #tpu.memory_space<hbm>>) dst(%arg13 : memref<128x144xf32, #tpu.memory_space<vmem>>)
    %dma_wait3A_412 = arith.constant 0 : i32
    %dma_wait3A_413 = tpu.memref_slice %arg3[%dma_wait3A_412] : memref<10016xf32, #tpu.memory_space<hbm>> -> memref<10016xf32, #tpu.memory_space<hbm>>
    tpu.wait_indirect_dma semaphore(%arg22 : memref<!tpu.dma_semaphore, #tpu.memory_space<semaphore_mem>>) src(%dma_wait3A_413 : memref<10016xf32, #tpu.memory_space<hbm>>) dst(%arg17 : memref<128xf32, #tpu.memory_space<vmem>>)
    %dma_wait3A_414 = arith.constant 0 : i32
    %dma_wait3A_415 = tpu.memref_slice %arg4[%dma_wait3A_414] : memref<10016xf32, #tpu.memory_space<hbm>> -> memref<10016xf32, #tpu.memory_space<hbm>>
    tpu.wait_indirect_dma semaphore(%arg22 : memref<!tpu.dma_semaphore, #tpu.memory_space<semaphore_mem>>) src(%dma_wait3A_415 : memref<10016xf32, #tpu.memory_space<hbm>>) dst(%arg18 : memref<128xf32, #tpu.memory_space<vmem>>)
    %get3A_416 = arith.constant 0 : index
    %get3A_417 = tpu.vector_load %arg17[%get3A_416] {strides = array<i32>} : memref<128xf32, #tpu.memory_space<vmem>>, vector<16xf32>,
    %get3A_418 = arith.constant 0 : index
    %get3A_419 = tpu.vector_load %arg18[%get3A_418] {strides = array<i32>} : memref<128xf32, #tpu.memory_space<vmem>>, vector<16xf32>,
    %add3A_420 = arith.addf %get3A_417, %get3A_419 : vector<16xf32>
    %ge3A_421 = arith.constant 0.000000e+00 : f32
    %ge3A_422 = vector.broadcast %ge3A_421 : f32 to vector<16xf32>
    %ge3A_423 = arith.cmpf oge, %add3A_420, %ge3A_422 : vector<16xf32>
    %mul3A_424 = arith.constant 2.000000e-01 : f32
    %mul3A_425 = vector.broadcast %mul3A_424 : f32 to vector<16xf32>
    %mul3A_426 = arith.mulf %mul3A_425, %add3A_420 : vector<16xf32>
    %select_n3A_427 = arith.select %ge3A_423, %add3A_420, %mul3A_426 : vector<16xi1>, vector<16xf32>
    %exp3A_428 = math.exp %select_n3A_427 : vector<16xf32>
    %swap3A_429 = arith.constant 0 : index
    %swap3A_430 = tpu.vector_load %arg16[%swap3A_429] {strides = array<i32>} : memref<128xf32, #tpu.memory_space<vmem>>, vector<16xf32>,
    tpu.vector_store %arg16[%swap3A_429], %exp3A_428 {strides = array<i32>} : memref<128xf32, #tpu.memory_space<vmem>>, vector<16xf32>,
    %get3A_431 = arith.constant 0 : index
    %get3A_432 = tpu.vector_load %arg10[%get3A_431] {strides = array<i32>} : memref<128xi32, #tpu.memory_space<vmem>>, vector<16xi32>,
    %swap3A_433 = arith.constant 0 : index
    %swap3A_434 = tpu.vector_load %arg15[%swap3A_433] {strides = array<i32>} : memref<128xi32, #tpu.memory_space<vmem>>, vector<16xi32>,
    tpu.vector_store %arg15[%swap3A_433], %get3A_432 {strides = array<i32>} : memref<128xi32, #tpu.memory_space<vmem>>, vector<16xi32>,
    %get3A_435 = arith.constant 16 : index
    %get3A_436 = tpu.vector_load %arg17[%get3A_435] {strides = array<i32>} : memref<128xf32, #tpu.memory_space<vmem>>, vector<16xf32>,
    %get3A_437 = arith.constant 16 : index
    %get3A_438 = tpu.vector_load %arg18[%get3A_437] {strides = array<i32>} : memref<128xf32, #tpu.memory_space<vmem>>, vector<16xf32>,
    %add3A_439 = arith.addf %get3A_436, %get3A_438 : vector<16xf32>
    %ge3A_440 = arith.constant 0.000000e+00 : f32
    %ge3A_441 = vector.broadcast %ge3A_440 : f32 to vector<16xf32>
    %ge3A_442 = arith.cmpf oge, %add3A_439, %ge3A_441 : vector<16xf32>
    %mul3A_443 = arith.constant 2.000000e-01 : f32
    %mul3A_444 = vector.broadcast %mul3A_443 : f32 to vector<16xf32>
    %mul3A_445 = arith.mulf %mul3A_444, %add3A_439 : vector<16xf32>
    %select_n3A_446 = arith.select %ge3A_442, %add3A_439, %mul3A_445 : vector<16xi1>, vector<16xf32>
    %exp3A_447 = math.exp %select_n3A_446 : vector<16xf32>
    %swap3A_448 = arith.constant 16 : index
    %swap3A_449 = tpu.vector_load %arg16[%swap3A_448] {strides = array<i32>} : memref<128xf32, #tpu.memory_space<vmem>>, vector<16xf32>,
    tpu.vector_store %arg16[%swap3A_448], %exp3A_447 {strides = array<i32>} : memref<128xf32, #tpu.memory_space<vmem>>, vector<16xf32>,
    %get3A_450 = arith.constant 16 : index
    %get3A_451 = tpu.vector_load %arg10[%get3A_450] {strides = array<i32>} : memref<128xi32, #tpu.memory_space<vmem>>, vector<16xi32>,
    %swap3A_452 = arith.constant 16 : index
    %swap3A_453 = tpu.vector_load %arg15[%swap3A_452] {strides = array<i32>} : memref<128xi32, #tpu.memory_space<vmem>>, vector<16xi32>,
    tpu.vector_store %arg15[%swap3A_452], %get3A_451 {strides = array<i32>} : memref<128xi32, #tpu.memory_space<vmem>>, vector<16xi32>,
    %get3A_454 = arith.constant 32 : index
    %get3A_455 = tpu.vector_load %arg17[%get3A_454] {strides = array<i32>} : memref<128xf32, #tpu.memory_space<vmem>>, vector<16xf32>,
    %get3A_456 = arith.constant 32 : index
    %get3A_457 = tpu.vector_load %arg18[%get3A_456] {strides = array<i32>} : memref<128xf32, #tpu.memory_space<vmem>>, vector<16xf32>,
    %add3A_458 = arith.addf %get3A_455, %get3A_457 : vector<16xf32>
    %ge3A_459 = arith.constant 0.000000e+00 : f32
    %ge3A_460 = vector.broadcast %ge3A_459 : f32 to vector<16xf32>
    %ge3A_461 = arith.cmpf oge, %add3A_458, %ge3A_460 : vector<16xf32>
    %mul3A_462 = arith.constant 2.000000e-01 : f32
    %mul3A_463 = vector.broadcast %mul3A_462 : f32 to vector<16xf32>
    %mul3A_464 = arith.mulf %mul3A_463, %add3A_458 : vector<16xf32>
    %select_n3A_465 = arith.select %ge3A_461, %add3A_458, %mul3A_464 : vector<16xi1>, vector<16xf32>
    %exp3A_466 = math.exp %select_n3A_465 : vector<16xf32>
    %swap3A_467 = arith.constant 32 : index
    %swap3A_468 = tpu.vector_load %arg16[%swap3A_467] {strides = array<i32>} : memref<128xf32, #tpu.memory_space<vmem>>, vector<16xf32>,
    tpu.vector_store %arg16[%swap3A_467], %exp3A_466 {strides = array<i32>} : memref<128xf32, #tpu.memory_space<vmem>>, vector<16xf32>,
    %get3A_469 = arith.constant 32 : index
    %get3A_470 = tpu.vector_load %arg10[%get3A_469] {strides = array<i32>} : memref<128xi32, #tpu.memory_space<vmem>>, vector<16xi32>,
    %swap3A_471 = arith.constant 32 : index
    %swap3A_472 = tpu.vector_load %arg15[%swap3A_471] {strides = array<i32>} : memref<128xi32, #tpu.memory_space<vmem>>, vector<16xi32>,
    tpu.vector_store %arg15[%swap3A_471], %get3A_470 {strides = array<i32>} : memref<128xi32, #tpu.memory_space<vmem>>, vector<16xi32>,
    %get3A_473 = arith.constant 48 : index
    %get3A_474 = tpu.vector_load %arg17[%get3A_473] {strides = array<i32>} : memref<128xf32, #tpu.memory_space<vmem>>, vector<16xf32>,
    %get3A_475 = arith.constant 48 : index
    %get3A_476 = tpu.vector_load %arg18[%get3A_475] {strides = array<i32>} : memref<128xf32, #tpu.memory_space<vmem>>, vector<16xf32>,
    %add3A_477 = arith.addf %get3A_474, %get3A_476 : vector<16xf32>
    %ge3A_478 = arith.constant 0.000000e+00 : f32
    %ge3A_479 = vector.broadcast %ge3A_478 : f32 to vector<16xf32>
    %ge3A_480 = arith.cmpf oge, %add3A_477, %ge3A_479 : vector<16xf32>
    %mul3A_481 = arith.constant 2.000000e-01 : f32
    %mul3A_482 = vector.broadcast %mul3A_481 : f32 to vector<16xf32>
    %mul3A_483 = arith.mulf %mul3A_482, %add3A_477 : vector<16xf32>
    %select_n3A_484 = arith.select %ge3A_480, %add3A_477, %mul3A_483 : vector<16xi1>, vector<16xf32>
    %exp3A_485 = math.exp %select_n3A_484 : vector<16xf32>
    %swap3A_486 = arith.constant 48 : index
    %swap3A_487 = tpu.vector_load %arg16[%swap3A_486] {strides = array<i32>} : memref<128xf32, #tpu.memory_space<vmem>>, vector<16xf32>,
    tpu.vector_store %arg16[%swap3A_486], %exp3A_485 {strides = array<i32>} : memref<128xf32, #tpu.memory_space<vmem>>, vector<16xf32>,
    %get3A_488 = arith.constant 48 : index
    %get3A_489 = tpu.vector_load %arg10[%get3A_488] {strides = array<i32>} : memref<128xi32, #tpu.memory_space<vmem>>, vector<16xi32>,
    %swap3A_490 = arith.constant 48 : index
    %swap3A_491 = tpu.vector_load %arg15[%swap3A_490] {strides = array<i32>} : memref<128xi32, #tpu.memory_space<vmem>>, vector<16xi32>,
    tpu.vector_store %arg15[%swap3A_490], %get3A_489 {strides = array<i32>} : memref<128xi32, #tpu.memory_space<vmem>>, vector<16xi32>,
    %get3A_492 = arith.constant 64 : index
    %get3A_493 = tpu.vector_load %arg17[%get3A_492] {strides = array<i32>} : memref<128xf32, #tpu.memory_space<vmem>>, vector<16xf32>,
    %get3A_494 = arith.constant 64 : index
    %get3A_495 = tpu.vector_load %arg18[%get3A_494] {strides = array<i32>} : memref<128xf32, #tpu.memory_space<vmem>>, vector<16xf32>,
    %add3A_496 = arith.addf %get3A_493, %get3A_495 : vector<16xf32>
    %ge3A_497 = arith.constant 0.000000e+00 : f32
    %ge3A_498 = vector.broadcast %ge3A_497 : f32 to vector<16xf32>
    %ge3A_499 = arith.cmpf oge, %add3A_496, %ge3A_498 : vector<16xf32>
    %mul3A_500 = arith.constant 2.000000e-01 : f32
    %mul3A_501 = vector.broadcast %mul3A_500 : f32 to vector<16xf32>
    %mul3A_502 = arith.mulf %mul3A_501, %add3A_496 : vector<16xf32>
    %select_n3A_503 = arith.select %ge3A_499, %add3A_496, %mul3A_502 : vector<16xi1>, vector<16xf32>
    %exp3A_504 = math.exp %select_n3A_503 : vector<16xf32>
    %swap3A_505 = arith.constant 64 : index
    %swap3A_506 = tpu.vector_load %arg16[%swap3A_505] {strides = array<i32>} : memref<128xf32, #tpu.memory_space<vmem>>, vector<16xf32>,
    tpu.vector_store %arg16[%swap3A_505], %exp3A_504 {strides = array<i32>} : memref<128xf32, #tpu.memory_space<vmem>>, vector<16xf32>,
    %get3A_507 = arith.constant 64 : index
    %get3A_508 = tpu.vector_load %arg10[%get3A_507] {strides = array<i32>} : memref<128xi32, #tpu.memory_space<vmem>>, vector<16xi32>,
    %swap3A_509 = arith.constant 64 : index
    %swap3A_510 = tpu.vector_load %arg15[%swap3A_509] {strides = array<i32>} : memref<128xi32, #tpu.memory_space<vmem>>, vector<16xi32>,
    tpu.vector_store %arg15[%swap3A_509], %get3A_508 {strides = array<i32>} : memref<128xi32, #tpu.memory_space<vmem>>, vector<16xi32>,
    %get3A_511 = arith.constant 80 : index
    %get3A_512 = tpu.vector_load %arg17[%get3A_511] {strides = array<i32>} : memref<128xf32, #tpu.memory_space<vmem>>, vector<16xf32>,
    %get3A_513 = arith.constant 80 : index
    %get3A_514 = tpu.vector_load %arg18[%get3A_513] {strides = array<i32>} : memref<128xf32, #tpu.memory_space<vmem>>, vector<16xf32>,
    %add3A_515 = arith.addf %get3A_512, %get3A_514 : vector<16xf32>
    %ge3A_516 = arith.constant 0.000000e+00 : f32
    %ge3A_517 = vector.broadcast %ge3A_516 : f32 to vector<16xf32>
    %ge3A_518 = arith.cmpf oge, %add3A_515, %ge3A_517 : vector<16xf32>
    %mul3A_519 = arith.constant 2.000000e-01 : f32
    %mul3A_520 = vector.broadcast %mul3A_519 : f32 to vector<16xf32>
    %mul3A_521 = arith.mulf %mul3A_520, %add3A_515 : vector<16xf32>
    %select_n3A_522 = arith.select %ge3A_518, %add3A_515, %mul3A_521 : vector<16xi1>, vector<16xf32>
    %exp3A_523 = math.exp %select_n3A_522 : vector<16xf32>
    %swap3A_524 = arith.constant 80 : index
    %swap3A_525 = tpu.vector_load %arg16[%swap3A_524] {strides = array<i32>} : memref<128xf32, #tpu.memory_space<vmem>>, vector<16xf32>,
    tpu.vector_store %arg16[%swap3A_524], %exp3A_523 {strides = array<i32>} : memref<128xf32, #tpu.memory_space<vmem>>, vector<16xf32>,
    %get3A_526 = arith.constant 80 : index
    %get3A_527 = tpu.vector_load %arg10[%get3A_526] {strides = array<i32>} : memref<128xi32, #tpu.memory_space<vmem>>, vector<16xi32>,
    %swap3A_528 = arith.constant 80 : index
    %swap3A_529 = tpu.vector_load %arg15[%swap3A_528] {strides = array<i32>} : memref<128xi32, #tpu.memory_space<vmem>>, vector<16xi32>,
    tpu.vector_store %arg15[%swap3A_528], %get3A_527 {strides = array<i32>} : memref<128xi32, #tpu.memory_space<vmem>>, vector<16xi32>,
    %get3A_530 = arith.constant 96 : index
    %get3A_531 = tpu.vector_load %arg17[%get3A_530] {strides = array<i32>} : memref<128xf32, #tpu.memory_space<vmem>>, vector<16xf32>,
    %get3A_532 = arith.constant 96 : index
    %get3A_533 = tpu.vector_load %arg18[%get3A_532] {strides = array<i32>} : memref<128xf32, #tpu.memory_space<vmem>>, vector<16xf32>,
    %add3A_534 = arith.addf %get3A_531, %get3A_533 : vector<16xf32>
    %ge3A_535 = arith.constant 0.000000e+00 : f32
    %ge3A_536 = vector.broadcast %ge3A_535 : f32 to vector<16xf32>
    %ge3A_537 = arith.cmpf oge, %add3A_534, %ge3A_536 : vector<16xf32>
    %mul3A_538 = arith.constant 2.000000e-01 : f32
    %mul3A_539 = vector.broadcast %mul3A_538 : f32 to vector<16xf32>
    %mul3A_540 = arith.mulf %mul3A_539, %add3A_534 : vector<16xf32>
    %select_n3A_541 = arith.select %ge3A_537, %add3A_534, %mul3A_540 : vector<16xi1>, vector<16xf32>
    %exp3A_542 = math.exp %select_n3A_541 : vector<16xf32>
    %swap3A_543 = arith.constant 96 : index
    %swap3A_544 = tpu.vector_load %arg16[%swap3A_543] {strides = array<i32>} : memref<128xf32, #tpu.memory_space<vmem>>, vector<16xf32>,
    tpu.vector_store %arg16[%swap3A_543], %exp3A_542 {strides = array<i32>} : memref<128xf32, #tpu.memory_space<vmem>>, vector<16xf32>,
    %get3A_545 = arith.constant 96 : index
    %get3A_546 = tpu.vector_load %arg10[%get3A_545] {strides = array<i32>} : memref<128xi32, #tpu.memory_space<vmem>>, vector<16xi32>,
    %swap3A_547 = arith.constant 96 : index
    %swap3A_548 = tpu.vector_load %arg15[%swap3A_547] {strides = array<i32>} : memref<128xi32, #tpu.memory_space<vmem>>, vector<16xi32>,
    tpu.vector_store %arg15[%swap3A_547], %get3A_546 {strides = array<i32>} : memref<128xi32, #tpu.memory_space<vmem>>, vector<16xi32>,
    %get3A_549 = arith.constant 112 : index
    %get3A_550 = tpu.vector_load %arg17[%get3A_549] {strides = array<i32>} : memref<128xf32, #tpu.memory_space<vmem>>, vector<16xf32>,
    %get3A_551 = arith.constant 112 : index
    %get3A_552 = tpu.vector_load %arg18[%get3A_551] {strides = array<i32>} : memref<128xf32, #tpu.memory_space<vmem>>, vector<16xf32>,
    %add3A_553 = arith.addf %get3A_550, %get3A_552 : vector<16xf32>
    %ge3A_554 = arith.constant 0.000000e+00 : f32
    %ge3A_555 = vector.broadcast %ge3A_554 : f32 to vector<16xf32>
    %ge3A_556 = arith.cmpf oge, %add3A_553, %ge3A_555 : vector<16xf32>
    %mul3A_557 = arith.constant 2.000000e-01 : f32
    %mul3A_558 = vector.broadcast %mul3A_557 : f32 to vector<16xf32>
    %mul3A_559 = arith.mulf %mul3A_558, %add3A_553 : vector<16xf32>
    %select_n3A_560 = arith.select %ge3A_556, %add3A_553, %mul3A_559 : vector<16xi1>, vector<16xf32>
    %exp3A_561 = math.exp %select_n3A_560 : vector<16xf32>
    %swap3A_562 = arith.constant 112 : index
    %swap3A_563 = tpu.vector_load %arg16[%swap3A_562] {strides = array<i32>} : memref<128xf32, #tpu.memory_space<vmem>>, vector<16xf32>,
    tpu.vector_store %arg16[%swap3A_562], %exp3A_561 {strides = array<i32>} : memref<128xf32, #tpu.memory_space<vmem>>, vector<16xf32>,
    %get3A_564 = arith.constant 112 : index
    %get3A_565 = tpu.vector_load %arg10[%get3A_564] {strides = array<i32>} : memref<128xi32, #tpu.memory_space<vmem>>, vector<16xi32>,
    %swap3A_566 = arith.constant 112 : index
    %swap3A_567 = tpu.vector_load %arg15[%swap3A_566] {strides = array<i32>} : memref<128xi32, #tpu.memory_space<vmem>>, vector<16xi32>,
    tpu.vector_store %arg15[%swap3A_566], %get3A_565 {strides = array<i32>} : memref<128xi32, #tpu.memory_space<vmem>>, vector<16xi32>,
    %parallel_loop3A_568 = arith.constant 0 : i32
    %parallel_loop3A_569 = arith.constant 128 : i32
    %parallel_loop3A_570 = arith.constant 1 : i32
    scf.for %parallel_loop3A_585 = %parallel_loop3A_568 to %parallel_loop3A_569 step %parallel_loop3A_570  : i32 {
      %parallel_loop3A_586 = vector.broadcast %parallel_loop3A_585 : i32 to vector<16xi32>
      %parallel_loop3A_587 = tpu.vector_load_idx %arg16[%parallel_loop3A_586] : memref<128xf32, #tpu.memory_space<vmem>>[vector<16xi32>], vector<16xf32>,
      %parallel_loop3A_588 = arith.index_cast %parallel_loop3A_585 : i32 to index
      %parallel_loop3A_589 = arith.constant 0 : index
      %parallel_loop3A_590 = tpu.vector_load %arg13[%parallel_loop3A_588, %parallel_loop3A_589] {strides = array<i32>} : memref<128x144xf32, #tpu.memory_space<vmem>>, vector<16xf32>,
      %parallel_loop3A_591 = arith.mulf %parallel_loop3A_590, %parallel_loop3A_587 : vector<16xf32>
      %parallel_loop3A_592 = arith.index_cast %parallel_loop3A_585 : i32 to index
      %parallel_loop3A_593 = arith.constant 0 : index
      %parallel_loop3A_594 = tpu.vector_load %arg13[%parallel_loop3A_592, %parallel_loop3A_593] {strides = array<i32>} : memref<128x144xf32, #tpu.memory_space<vmem>>, vector<16xf32>,
      tpu.vector_store %arg13[%parallel_loop3A_592, %parallel_loop3A_593], %parallel_loop3A_591 {strides = array<i32>} : memref<128x144xf32, #tpu.memory_space<vmem>>, vector<16xf32>,
      %parallel_loop3A_595 = arith.index_cast %parallel_loop3A_585 : i32 to index
      %parallel_loop3A_596 = arith.constant 16 : index
      %parallel_loop3A_597 = tpu.vector_load %arg13[%parallel_loop3A_595, %parallel_loop3A_596] {strides = array<i32>} : memref<128x144xf32, #tpu.memory_space<vmem>>, vector<16xf32>,
      %parallel_loop3A_598 = arith.mulf %parallel_loop3A_597, %parallel_loop3A_587 : vector<16xf32>
      %parallel_loop3A_599 = arith.index_cast %parallel_loop3A_585 : i32 to index
      %parallel_loop3A_600 = arith.constant 16 : index
      %parallel_loop3A_601 = tpu.vector_load %arg13[%parallel_loop3A_599, %parallel_loop3A_600] {strides = array<i32>} : memref<128x144xf32, #tpu.memory_space<vmem>>, vector<16xf32>,
      tpu.vector_store %arg13[%parallel_loop3A_599, %parallel_loop3A_600], %parallel_loop3A_598 {strides = array<i32>} : memref<128x144xf32, #tpu.memory_space<vmem>>, vector<16xf32>,
      %parallel_loop3A_602 = arith.index_cast %parallel_loop3A_585 : i32 to index
      %parallel_loop3A_603 = arith.constant 32 : index
      %parallel_loop3A_604 = tpu.vector_load %arg13[%parallel_loop3A_602, %parallel_loop3A_603] {strides = array<i32>} : memref<128x144xf32, #tpu.memory_space<vmem>>, vector<16xf32>,
      %parallel_loop3A_605 = arith.mulf %parallel_loop3A_604, %parallel_loop3A_587 : vector<16xf32>
      %parallel_loop3A_606 = arith.index_cast %parallel_loop3A_585 : i32 to index
      %parallel_loop3A_607 = arith.constant 32 : index
      %parallel_loop3A_608 = tpu.vector_load %arg13[%parallel_loop3A_606, %parallel_loop3A_607] {strides = array<i32>} : memref<128x144xf32, #tpu.memory_space<vmem>>, vector<16xf32>,
      tpu.vector_store %arg13[%parallel_loop3A_606, %parallel_loop3A_607], %parallel_loop3A_605 {strides = array<i32>} : memref<128x144xf32, #tpu.memory_space<vmem>>, vector<16xf32>,
      %parallel_loop3A_609 = arith.index_cast %parallel_loop3A_585 : i32 to index
      %parallel_loop3A_610 = arith.constant 48 : index
      %parallel_loop3A_611 = tpu.vector_load %arg13[%parallel_loop3A_609, %parallel_loop3A_610] {strides = array<i32>} : memref<128x144xf32, #tpu.memory_space<vmem>>, vector<16xf32>,
      %parallel_loop3A_612 = arith.mulf %parallel_loop3A_611, %parallel_loop3A_587 : vector<16xf32>
      %parallel_loop3A_613 = arith.index_cast %parallel_loop3A_585 : i32 to index
      %parallel_loop3A_614 = arith.constant 48 : index
      %parallel_loop3A_615 = tpu.vector_load %arg13[%parallel_loop3A_613, %parallel_loop3A_614] {strides = array<i32>} : memref<128x144xf32, #tpu.memory_space<vmem>>, vector<16xf32>,
      tpu.vector_store %arg13[%parallel_loop3A_613, %parallel_loop3A_614], %parallel_loop3A_612 {strides = array<i32>} : memref<128x144xf32, #tpu.memory_space<vmem>>, vector<16xf32>,
      %parallel_loop3A_616 = arith.index_cast %parallel_loop3A_585 : i32 to index
      %parallel_loop3A_617 = arith.constant 64 : index
      %parallel_loop3A_618 = tpu.vector_load %arg13[%parallel_loop3A_616, %parallel_loop3A_617] {strides = array<i32>} : memref<128x144xf32, #tpu.memory_space<vmem>>, vector<16xf32>,
      %parallel_loop3A_619 = arith.mulf %parallel_loop3A_618, %parallel_loop3A_587 : vector<16xf32>
      %parallel_loop3A_620 = arith.index_cast %parallel_loop3A_585 : i32 to index
      %parallel_loop3A_621 = arith.constant 64 : index
      %parallel_loop3A_622 = tpu.vector_load %arg13[%parallel_loop3A_620, %parallel_loop3A_621] {strides = array<i32>} : memref<128x144xf32, #tpu.memory_space<vmem>>, vector<16xf32>,
      tpu.vector_store %arg13[%parallel_loop3A_620, %parallel_loop3A_621], %parallel_loop3A_619 {strides = array<i32>} : memref<128x144xf32, #tpu.memory_space<vmem>>, vector<16xf32>,
      %parallel_loop3A_623 = arith.index_cast %parallel_loop3A_585 : i32 to index
      %parallel_loop3A_624 = arith.constant 80 : index
      %parallel_loop3A_625 = tpu.vector_load %arg13[%parallel_loop3A_623, %parallel_loop3A_624] {strides = array<i32>} : memref<128x144xf32, #tpu.memory_space<vmem>>, vector<16xf32>,
      %parallel_loop3A_626 = arith.mulf %parallel_loop3A_625, %parallel_loop3A_587 : vector<16xf32>
      %parallel_loop3A_627 = arith.index_cast %parallel_loop3A_585 : i32 to index
      %parallel_loop3A_628 = arith.constant 80 : index
      %parallel_loop3A_629 = tpu.vector_load %arg13[%parallel_loop3A_627, %parallel_loop3A_628] {strides = array<i32>} : memref<128x144xf32, #tpu.memory_space<vmem>>, vector<16xf32>,
      tpu.vector_store %arg13[%parallel_loop3A_627, %parallel_loop3A_628], %parallel_loop3A_626 {strides = array<i32>} : memref<128x144xf32, #tpu.memory_space<vmem>>, vector<16xf32>,
      %parallel_loop3A_630 = arith.index_cast %parallel_loop3A_585 : i32 to index
      %parallel_loop3A_631 = arith.constant 96 : index
      %parallel_loop3A_632 = tpu.vector_load %arg13[%parallel_loop3A_630, %parallel_loop3A_631] {strides = array<i32>} : memref<128x144xf32, #tpu.memory_space<vmem>>, vector<16xf32>,
      %parallel_loop3A_633 = arith.mulf %parallel_loop3A_632, %parallel_loop3A_587 : vector<16xf32>
      %parallel_loop3A_634 = arith.index_cast %parallel_loop3A_585 : i32 to index
      %parallel_loop3A_635 = arith.constant 96 : index
      %parallel_loop3A_636 = tpu.vector_load %arg13[%parallel_loop3A_634, %parallel_loop3A_635] {strides = array<i32>} : memref<128x144xf32, #tpu.memory_space<vmem>>, vector<16xf32>,
      tpu.vector_store %arg13[%parallel_loop3A_634, %parallel_loop3A_635], %parallel_loop3A_633 {strides = array<i32>} : memref<128x144xf32, #tpu.memory_space<vmem>>, vector<16xf32>,
      %parallel_loop3A_637 = arith.index_cast %parallel_loop3A_585 : i32 to index
      %parallel_loop3A_638 = arith.constant 112 : index
      %parallel_loop3A_639 = tpu.vector_load %arg13[%parallel_loop3A_637, %parallel_loop3A_638] {strides = array<i32>} : memref<128x144xf32, #tpu.memory_space<vmem>>, vector<16xf32>,
      %parallel_loop3A_640 = arith.mulf %parallel_loop3A_639, %parallel_loop3A_587 : vector<16xf32>
      %parallel_loop3A_641 = arith.index_cast %parallel_loop3A_585 : i32 to index
      %parallel_loop3A_642 = arith.constant 112 : index
      %parallel_loop3A_643 = tpu.vector_load %arg13[%parallel_loop3A_641, %parallel_loop3A_642] {strides = array<i32>} : memref<128x144xf32, #tpu.memory_space<vmem>>, vector<16xf32>,
      tpu.vector_store %arg13[%parallel_loop3A_641, %parallel_loop3A_642], %parallel_loop3A_640 {strides = array<i32>} : memref<128x144xf32, #tpu.memory_space<vmem>>, vector<16xf32>,
      %parallel_loop3A_644 = arith.index_cast %parallel_loop3A_585 : i32 to index
      %parallel_loop3A_645 = arith.constant 128 : index
      %parallel_loop3A_646 = tpu.vector_load %arg13[%parallel_loop3A_644, %parallel_loop3A_645] {strides = array<i32>} : memref<128x144xf32, #tpu.memory_space<vmem>>, vector<16xf32>,
      %parallel_loop3A_647 = arith.mulf %parallel_loop3A_646, %parallel_loop3A_587 : vector<16xf32>
      %parallel_loop3A_648 = arith.index_cast %parallel_loop3A_585 : i32 to index
      %parallel_loop3A_649 = arith.constant 128 : index
      %parallel_loop3A_650 = tpu.vector_load %arg13[%parallel_loop3A_648, %parallel_loop3A_649] {strides = array<i32>} : memref<128x144xf32, #tpu.memory_space<vmem>>, vector<16xf32>,
      tpu.vector_store %arg13[%parallel_loop3A_648, %parallel_loop3A_649], %parallel_loop3A_647 {strides = array<i32>} : memref<128x144xf32, #tpu.memory_space<vmem>>, vector<16xf32>,
    } {sc.loop_unroll_factor = 2 : i64, sc.parallel_access}
    %dma_start3A_571 = arith.constant 0 : i32
    %dma_start3A_572 = arith.constant 0 : i32
    %dma_start3A_573 = tpu.memref_slice %arg21[%dma_start3A_571, %dma_start3A_572] : memref<10016x144xf32, #tpu.memory_space<vmem_shared>> -> memref<10016x144xf32, #tpu.memory_space<vmem_shared>>
    tpu.enqueue_indirect_dma source(%arg13 : memref<128x144xf32, #tpu.memory_space<vmem>>) target(%dma_start3A_573 : memref<10016x144xf32, #tpu.memory_space<vmem_shared>>) offsets(%arg15 : memref<128xi32, #tpu.memory_space<vmem>>) semaphore(%arg24 : memref<!tpu.dma_semaphore, #tpu.memory_space<semaphore_mem>>) {add = true}
    %dma_wait3A_574 = arith.constant 0 : i32
    %dma_wait3A_575 = arith.constant 0 : i32
    %dma_wait3A_576 = tpu.memref_slice %arg21[%dma_wait3A_574, %dma_wait3A_575] : memref<10016x144xf32, #tpu.memory_space<vmem_shared>> -> memref<10016x144xf32, #tpu.memory_space<vmem_shared>>
    tpu.wait_indirect_dma semaphore(%arg24 : memref<!tpu.dma_semaphore, #tpu.memory_space<semaphore_mem>>) src(%arg13 : memref<128x144xf32, #tpu.memory_space<vmem>>) dst(%dma_wait3A_576 : memref<10016x144xf32, #tpu.memory_space<vmem_shared>>)
    %barrier3A_577 = arith.constant 0 : index
    tpu.barrier barrier_id(%barrier3A_577)
    %mul3A_578 = arith.constant 626 : i32
    %mul3A_579 = arith.muli %arg1, %mul3A_578 : i32
    %mul3A_580 = arith.constant 10016 : i32
    %mul3A_581 = arith.muli %arg0, %mul3A_580 : i32
    %mul3A_582 = arith.constant 626 : i32
    %mul3A_583 = arith.muli %arg1, %mul3A_582 : i32
    %add3A_584 = arith.addi %mul3A_581, %mul3A_583 : i32
    "tpu.region"() ({
      %run_scoped3A = tpu.sem_alloc : memref<!tpu.dma_semaphore, #tpu.memory_space<semaphore_mem>>
      %dma_start3A_585 = arith.constant 0 : i32
      %dma_start3A_586 = tpu.memref_slice %arg8[%add3A_584, %dma_start3A_585] : memref<20032x144xf32, #tpu.memory_space<hbm>> -> memref<626x144xf32, #tpu.memory_space<hbm>>
      %dma_start3A_587 = arith.constant 0 : i32
      %dma_start3A_588 = tpu.memref_slice %arg21[%mul3A_579, %dma_start3A_587] : memref<10016x144xf32, #tpu.memory_space<vmem_shared>> -> memref<626x144xf32, #tpu.memory_space<vmem_shared>>
      tpu.enqueue_dma source(%dma_start3A_588 : memref<626x144xf32, #tpu.memory_space<vmem_shared>>) target(%dma_start3A_586 : memref<626x144xf32, #tpu.memory_space<hbm>>) target_semaphore(%run_scoped3A : memref<!tpu.dma_semaphore, #tpu.memory_space<semaphore_mem>>)
      %dma_wait3A_589 = arith.constant 0 : i32
      %dma_wait3A_590 = tpu.memref_slice %arg8[%add3A_584, %dma_wait3A_589] : memref<20032x144xf32, #tpu.memory_space<hbm>> -> memref<626x144xf32, #tpu.memory_space<hbm>>
      %dma_wait3A_591 = arith.constant 0 : i32
      %dma_wait3A_592 = tpu.memref_slice %arg21[%mul3A_579, %dma_wait3A_591] : memref<10016x144xf32, #tpu.memory_space<vmem_shared>> -> memref<626x144xf32, #tpu.memory_space<vmem_shared>>
      tpu.wait_dma2 semaphore(%run_scoped3A : memref<!tpu.dma_semaphore, #tpu.memory_space<semaphore_mem>>) src(%dma_wait3A_592 : memref<626x144xf32, #tpu.memory_space<vmem_shared>>) dst(%dma_wait3A_590 : memref<626x144xf32, #tpu.memory_space<hbm>>)
      tpu.yield
    }) : () -> ()
    return
  }
}

#map = affine_map<(d0, d1) -> (0, 0)>
#map1 = affine_map<(d0, d1) -> (0)>
module attributes {stable_mosaic.version = 14 : i64} {
  func.func @_edge_kernel(%arg0: i32, %arg1: i32, %arg2: memref<10016x144xf32, #tpu.memory_space<hbm>>, %arg3: memref<10016xf32, #tpu.memory_space<hbm>>, %arg4: memref<10016xf32, #tpu.memory_space<hbm>>, %arg5: memref<331776xi32, #tpu.memory_space<hbm>>, %arg6: memref<331776xi32, #tpu.memory_space<hbm>>, %arg7: memref<10016x144xf32, #tpu.memory_space<hbm>>, %arg8: memref<20032x144xf32, #tpu.memory_space<hbm>>, %arg9: memref<128xi32, #tpu.memory_space<vmem>>, %arg10: memref<128xi32, #tpu.memory_space<vmem>>, %arg11: memref<128xi32, #tpu.memory_space<vmem>>, %arg12: memref<128xi32, #tpu.memory_space<vmem>>, %arg13: memref<128x144xf32, #tpu.memory_space<vmem>>, %arg14: memref<128x144xf32, #tpu.memory_space<vmem>>, %arg15: memref<128xi32, #tpu.memory_space<vmem>>, %arg16: memref<128xf32, #tpu.memory_space<vmem>>, %arg17: memref<128xf32, #tpu.memory_space<vmem>>, %arg18: memref<128xf32, #tpu.memory_space<vmem>>, %arg19: memref<128xf32, #tpu.memory_space<vmem>>, %arg20: memref<128xf32, #tpu.memory_space<vmem>>, %arg21: memref<10016x144xf32, #tpu.memory_space<vmem_shared>>, %arg22: memref<!tpu.dma_semaphore, #tpu.memory_space<semaphore_mem>>, %arg23: memref<!tpu.dma_semaphore, #tpu.memory_space<semaphore_mem>>, %arg24: memref<!tpu.dma_semaphore, #tpu.memory_space<semaphore_mem>>, %arg25: memref<!tpu.dma_semaphore, #tpu.memory_space<semaphore_mem>>) attributes {dimension_semantics = [#tpu.dimension_semantics<core_parallel>, #tpu.dimension_semantics<subcore_parallel>], iteration_bounds = array<i64: 2, 16>, scalar_prefetch = 0 : i64, scratch_operands = 17 : i64, tpu.core_type = #tpu.core_type<sc_vector_subcore>, window_params = [{transform_indices = #map}, {transform_indices = #map1}, {transform_indices = #map1}, {transform_indices = #map1}, {transform_indices = #map1}, {transform_indices = #map}, {transform_indices = #map}]} {
    %mul3A = arith.constant 2 : i32
    %mul3A_0 = arith.muli %arg1, %mul3A : i32
    %add3A = arith.addi %mul3A_0, %arg0 : i32
    %mul3A_1 = arith.constant 81 : i32
    %mul3A_2 = arith.muli %add3A, %mul3A_1 : i32
    %mul3A_3 = arith.constant 626 : i32
    %mul3A_4 = arith.muli %arg1, %mul3A_3 : i32
    %mul3A_5 = arith.constant 626 : i32
    %mul3A_6 = arith.muli %arg1, %mul3A_5 : i32
    "tpu.region"() ({
      %run_scoped3A = tpu.sem_alloc : memref<!tpu.dma_semaphore, #tpu.memory_space<semaphore_mem>>
      %dma_start3A_585 = arith.constant 0 : i32
      %dma_start3A_586 = tpu.memref_slice %arg21[%mul3A_6, %dma_start3A_585] : memref<10016x144xf32, #tpu.memory_space<vmem_shared>> -> memref<626x144xf32, #tpu.memory_space<vmem_shared>>
      %dma_start3A_587 = arith.constant 0 : i32
      %dma_start3A_588 = tpu.memref_slice %arg7[%mul3A_4, %dma_start3A_587] : memref<10016x144xf32, #tpu.memory_space<hbm>> -> memref<626x144xf32, #tpu.memory_space<hbm>>
      tpu.enqueue_dma source(%dma_start3A_588 : memref<626x144xf32, #tpu.memory_space<hbm>>) target(%dma_start3A_586 : memref<626x144xf32, #tpu.memory_space<vmem_shared>>) target_semaphore(%run_scoped3A : memref<!tpu.dma_semaphore, #tpu.memory_space<semaphore_mem>>)
      %dma_wait3A_589 = arith.constant 0 : i32
      %dma_wait3A_590 = tpu.memref_slice %arg21[%mul3A_6, %dma_wait3A_589] : memref<10016x144xf32, #tpu.memory_space<vmem_shared>> -> memref<626x144xf32, #tpu.memory_space<vmem_shared>>
      %dma_wait3A_591 = arith.constant 0 : i32
      %dma_wait3A_592 = tpu.memref_slice %arg7[%mul3A_4, %dma_wait3A_591] : memref<10016x144xf32, #tpu.memory_space<hbm>> -> memref<626x144xf32, #tpu.memory_space<hbm>>
      tpu.wait_dma2 semaphore(%run_scoped3A : memref<!tpu.dma_semaphore, #tpu.memory_space<semaphore_mem>>) src(%dma_wait3A_592 : memref<626x144xf32, #tpu.memory_space<hbm>>) dst(%dma_wait3A_590 : memref<626x144xf32, #tpu.memory_space<vmem_shared>>)
      tpu.yield
    }) : () -> ()
    %barrier3A = arith.constant 0 : index
    tpu.barrier barrier_id(%barrier3A)
    %add3A_7 = arith.constant 0 : i32
    %add3A_8 = arith.addi %mul3A_2, %add3A_7 : i32
    %mul3A_9 = arith.constant 128 : i32
    %mul3A_10 = arith.muli %add3A_8, %mul3A_9 : i32
    %dma_start3A = tpu.memref_slice %arg5[%mul3A_10] : memref<331776xi32, #tpu.memory_space<hbm>> -> memref<128xi32, #tpu.memory_space<hbm>>
    %dma_start3A_11 = tpu.memref_slice %arg5[%mul3A_10] : memref<331776xi32, #tpu.memory_space<hbm>> -> memref<128xi32, #tpu.memory_space<hbm>>
    tpu.enqueue_dma source(%dma_start3A_11 : memref<128xi32, #tpu.memory_space<hbm>>) target(%arg9 : memref<128xi32, #tpu.memory_space<vmem>>) target_semaphore(%arg25 : memref<!tpu.dma_semaphore, #tpu.memory_space<semaphore_mem>>)
    %dma_start3A_12 = tpu.memref_slice %arg6[%mul3A_10] : memref<331776xi32, #tpu.memory_space<hbm>> -> memref<128xi32, #tpu.memory_space<hbm>>
    %dma_start3A_13 = tpu.memref_slice %arg6[%mul3A_10] : memref<331776xi32, #tpu.memory_space<hbm>> -> memref<128xi32, #tpu.memory_space<hbm>>
    tpu.enqueue_dma source(%dma_start3A_13 : memref<128xi32, #tpu.memory_space<hbm>>) target(%arg10 : memref<128xi32, #tpu.memory_space<vmem>>) target_semaphore(%arg25 : memref<!tpu.dma_semaphore, #tpu.memory_space<semaphore_mem>>)
    %add3A_14 = arith.constant 0 : i32
    %add3A_15 = arith.addi %mul3A_2, %add3A_14 : i32
    %mul3A_16 = arith.constant 128 : i32
    %mul3A_17 = arith.muli %add3A_15, %mul3A_16 : i32
    %dma_wait3A = tpu.memref_slice %arg5[%mul3A_17] : memref<331776xi32, #tpu.memory_space<hbm>> -> memref<128xi32, #tpu.memory_space<hbm>>
    %dma_wait3A_18 = tpu.memref_slice %arg5[%mul3A_17] : memref<331776xi32, #tpu.memory_space<hbm>> -> memref<128xi32, #tpu.memory_space<hbm>>
    tpu.wait_dma2 semaphore(%arg25 : memref<!tpu.dma_semaphore, #tpu.memory_space<semaphore_mem>>) src(%dma_wait3A_18 : memref<128xi32, #tpu.memory_space<hbm>>) dst(%arg9 : memref<128xi32, #tpu.memory_space<vmem>>)
    %dma_wait3A_19 = tpu.memref_slice %arg6[%mul3A_17] : memref<331776xi32, #tpu.memory_space<hbm>> -> memref<128xi32, #tpu.memory_space<hbm>>
    %dma_wait3A_20 = tpu.memref_slice %arg6[%mul3A_17] : memref<331776xi32, #tpu.memory_space<hbm>> -> memref<128xi32, #tpu.memory_space<hbm>>
    tpu.wait_dma2 semaphore(%arg25 : memref<!tpu.dma_semaphore, #tpu.memory_space<semaphore_mem>>) src(%dma_wait3A_20 : memref<128xi32, #tpu.memory_space<hbm>>) dst(%arg10 : memref<128xi32, #tpu.memory_space<vmem>>)
    %dma_start3A_21 = arith.constant 0 : i32
    %dma_start3A_22 = arith.constant 0 : i32
    %dma_start3A_23 = tpu.memref_slice %arg2[%dma_start3A_21, %dma_start3A_22] : memref<10016x144xf32, #tpu.memory_space<hbm>> -> memref<10016x144xf32, #tpu.memory_space<hbm>>
    tpu.enqueue_indirect_dma source(%dma_start3A_23 : memref<10016x144xf32, #tpu.memory_space<hbm>>) target(%arg13 : memref<128x144xf32, #tpu.memory_space<vmem>>) offsets(%arg9 : memref<128xi32, #tpu.memory_space<vmem>>) semaphore(%arg22 : memref<!tpu.dma_semaphore, #tpu.memory_space<semaphore_mem>>)
    %dma_start3A_24 = arith.constant 0 : i32
    %dma_start3A_25 = tpu.memref_slice %arg3[%dma_start3A_24] : memref<10016xf32, #tpu.memory_space<hbm>> -> memref<10016xf32, #tpu.memory_space<hbm>>
    tpu.enqueue_indirect_dma source(%dma_start3A_25 : memref<10016xf32, #tpu.memory_space<hbm>>) target(%arg17 : memref<128xf32, #tpu.memory_space<vmem>>) offsets(%arg9 : memref<128xi32, #tpu.memory_space<vmem>>) semaphore(%arg22 : memref<!tpu.dma_semaphore, #tpu.memory_space<semaphore_mem>>)
    %dma_start3A_26 = arith.constant 0 : i32
    %dma_start3A_27 = tpu.memref_slice %arg4[%dma_start3A_26] : memref<10016xf32, #tpu.memory_space<hbm>> -> memref<10016xf32, #tpu.memory_space<hbm>>
    tpu.enqueue_indirect_dma source(%dma_start3A_27 : memref<10016xf32, #tpu.memory_space<hbm>>) target(%arg18 : memref<128xf32, #tpu.memory_space<vmem>>) offsets(%arg10 : memref<128xi32, #tpu.memory_space<vmem>>) semaphore(%arg22 : memref<!tpu.dma_semaphore, #tpu.memory_space<semaphore_mem>>)
    %add3A_28 = arith.constant 1 : i32
    %add3A_29 = arith.addi %mul3A_2, %add3A_28 : i32
    %mul3A_30 = arith.constant 128 : i32
    %mul3A_31 = arith.muli %add3A_29, %mul3A_30 : i32
    %dma_start3A_32 = tpu.memref_slice %arg5[%mul3A_31] : memref<331776xi32, #tpu.memory_space<hbm>> -> memref<128xi32, #tpu.memory_space<hbm>>
    %dma_start3A_33 = tpu.memref_slice %arg5[%mul3A_31] : memref<331776xi32, #tpu.memory_space<hbm>> -> memref<128xi32, #tpu.memory_space<hbm>>
    tpu.enqueue_dma source(%dma_start3A_33 : memref<128xi32, #tpu.memory_space<hbm>>) target(%arg11 : memref<128xi32, #tpu.memory_space<vmem>>) target_semaphore(%arg25 : memref<!tpu.dma_semaphore, #tpu.memory_space<semaphore_mem>>)
    %dma_start3A_34 = tpu.memref_slice %arg6[%mul3A_31] : memref<331776xi32, #tpu.memory_space<hbm>> -> memref<128xi32, #tpu.memory_space<hbm>>
    %dma_start3A_35 = tpu.memref_slice %arg6[%mul3A_31] : memref<331776xi32, #tpu.memory_space<hbm>> -> memref<128xi32, #tpu.memory_space<hbm>>
    tpu.enqueue_dma source(%dma_start3A_35 : memref<128xi32, #tpu.memory_space<hbm>>) target(%arg12 : memref<128xi32, #tpu.memory_space<vmem>>) target_semaphore(%arg25 : memref<!tpu.dma_semaphore, #tpu.memory_space<semaphore_mem>>)
    %add3A_36 = arith.constant 1 : i32
    %add3A_37 = arith.addi %mul3A_2, %add3A_36 : i32
    %mul3A_38 = arith.constant 128 : i32
    %mul3A_39 = arith.muli %add3A_37, %mul3A_38 : i32
    %dma_wait3A_40 = tpu.memref_slice %arg5[%mul3A_39] : memref<331776xi32, #tpu.memory_space<hbm>> -> memref<128xi32, #tpu.memory_space<hbm>>
    %dma_wait3A_41 = tpu.memref_slice %arg5[%mul3A_39] : memref<331776xi32, #tpu.memory_space<hbm>> -> memref<128xi32, #tpu.memory_space<hbm>>
    tpu.wait_dma2 semaphore(%arg25 : memref<!tpu.dma_semaphore, #tpu.memory_space<semaphore_mem>>) src(%dma_wait3A_41 : memref<128xi32, #tpu.memory_space<hbm>>) dst(%arg11 : memref<128xi32, #tpu.memory_space<vmem>>)
    %dma_wait3A_42 = tpu.memref_slice %arg6[%mul3A_39] : memref<331776xi32, #tpu.memory_space<hbm>> -> memref<128xi32, #tpu.memory_space<hbm>>
    %dma_wait3A_43 = tpu.memref_slice %arg6[%mul3A_39] : memref<331776xi32, #tpu.memory_space<hbm>> -> memref<128xi32, #tpu.memory_space<hbm>>
    tpu.wait_dma2 semaphore(%arg25 : memref<!tpu.dma_semaphore, #tpu.memory_space<semaphore_mem>>) src(%dma_wait3A_43 : memref<128xi32, #tpu.memory_space<hbm>>) dst(%arg12 : memref<128xi32, #tpu.memory_space<vmem>>)
    %dma_start3A_44 = arith.constant 0 : i32
    %dma_start3A_45 = arith.constant 0 : i32
    %dma_start3A_46 = tpu.memref_slice %arg2[%dma_start3A_44, %dma_start3A_45] : memref<10016x144xf32, #tpu.memory_space<hbm>> -> memref<10016x144xf32, #tpu.memory_space<hbm>>
    tpu.enqueue_indirect_dma source(%dma_start3A_46 : memref<10016x144xf32, #tpu.memory_space<hbm>>) target(%arg14 : memref<128x144xf32, #tpu.memory_space<vmem>>) offsets(%arg11 : memref<128xi32, #tpu.memory_space<vmem>>) semaphore(%arg23 : memref<!tpu.dma_semaphore, #tpu.memory_space<semaphore_mem>>)
    %dma_start3A_47 = arith.constant 0 : i32
    %dma_start3A_48 = tpu.memref_slice %arg3[%dma_start3A_47] : memref<10016xf32, #tpu.memory_space<hbm>> -> memref<10016xf32, #tpu.memory_space<hbm>>
    tpu.enqueue_indirect_dma source(%dma_start3A_48 : memref<10016xf32, #tpu.memory_space<hbm>>) target(%arg19 : memref<128xf32, #tpu.memory_space<vmem>>) offsets(%arg11 : memref<128xi32, #tpu.memory_space<vmem>>) semaphore(%arg23 : memref<!tpu.dma_semaphore, #tpu.memory_space<semaphore_mem>>)
    %dma_start3A_49 = arith.constant 0 : i32
    %dma_start3A_50 = tpu.memref_slice %arg4[%dma_start3A_49] : memref<10016xf32, #tpu.memory_space<hbm>> -> memref<10016xf32, #tpu.memory_space<hbm>>
    tpu.enqueue_indirect_dma source(%dma_start3A_50 : memref<10016xf32, #tpu.memory_space<hbm>>) target(%arg20 : memref<128xf32, #tpu.memory_space<vmem>>) offsets(%arg12 : memref<128xi32, #tpu.memory_space<vmem>>) semaphore(%arg23 : memref<!tpu.dma_semaphore, #tpu.memory_space<semaphore_mem>>)
    %dma_wait3A_51 = arith.constant 0 : i32
    %dma_wait3A_52 = arith.constant 0 : i32
    %dma_wait3A_53 = tpu.memref_slice %arg2[%dma_wait3A_51, %dma_wait3A_52] : memref<10016x144xf32, #tpu.memory_space<hbm>> -> memref<10016x144xf32, #tpu.memory_space<hbm>>
    tpu.wait_indirect_dma semaphore(%arg22 : memref<!tpu.dma_semaphore, #tpu.memory_space<semaphore_mem>>) src(%dma_wait3A_53 : memref<10016x144xf32, #tpu.memory_space<hbm>>) dst(%arg13 : memref<128x144xf32, #tpu.memory_space<vmem>>)
    %dma_wait3A_54 = arith.constant 0 : i32
    %dma_wait3A_55 = tpu.memref_slice %arg3[%dma_wait3A_54] : memref<10016xf32, #tpu.memory_space<hbm>> -> memref<10016xf32, #tpu.memory_space<hbm>>
    tpu.wait_indirect_dma semaphore(%arg22 : memref<!tpu.dma_semaphore, #tpu.memory_space<semaphore_mem>>) src(%dma_wait3A_55 : memref<10016xf32, #tpu.memory_space<hbm>>) dst(%arg17 : memref<128xf32, #tpu.memory_space<vmem>>)
    %dma_wait3A_56 = arith.constant 0 : i32
    %dma_wait3A_57 = tpu.memref_slice %arg4[%dma_wait3A_56] : memref<10016xf32, #tpu.memory_space<hbm>> -> memref<10016xf32, #tpu.memory_space<hbm>>
    tpu.wait_indirect_dma semaphore(%arg22 : memref<!tpu.dma_semaphore, #tpu.memory_space<semaphore_mem>>) src(%dma_wait3A_57 : memref<10016xf32, #tpu.memory_space<hbm>>) dst(%arg18 : memref<128xf32, #tpu.memory_space<vmem>>)
    %get3A = arith.constant 0 : index
    %get3A_58 = tpu.vector_load %arg17[%get3A] {strides = array<i32>} : memref<128xf32, #tpu.memory_space<vmem>>, vector<16xf32>,
    %get3A_59 = arith.constant 0 : index
    %get3A_60 = tpu.vector_load %arg18[%get3A_59] {strides = array<i32>} : memref<128xf32, #tpu.memory_space<vmem>>, vector<16xf32>,
    %add3A_61 = arith.addf %get3A_58, %get3A_60 : vector<16xf32>
    %ge3A = arith.constant 0.000000e+00 : f32
    %ge3A_62 = vector.broadcast %ge3A : f32 to vector<16xf32>
    %ge3A_63 = arith.cmpf oge, %add3A_61, %ge3A_62 : vector<16xf32>
    %mul3A_64 = arith.constant 2.000000e-01 : f32
    %mul3A_65 = vector.broadcast %mul3A_64 : f32 to vector<16xf32>
    %mul3A_66 = arith.mulf %mul3A_65, %add3A_61 : vector<16xf32>
    %select_n3A = arith.select %ge3A_63, %add3A_61, %mul3A_66 : vector<16xi1>, vector<16xf32>
    %exp3A = math.exp %select_n3A : vector<16xf32>
    %swap3A = arith.constant 0 : index
    %swap3A_67 = tpu.vector_load %arg16[%swap3A] {strides = array<i32>} : memref<128xf32, #tpu.memory_space<vmem>>, vector<16xf32>,
    tpu.vector_store %arg16[%swap3A], %exp3A {strides = array<i32>} : memref<128xf32, #tpu.memory_space<vmem>>, vector<16xf32>,
    %get3A_68 = arith.constant 0 : index
    %get3A_69 = tpu.vector_load %arg10[%get3A_68] {strides = array<i32>} : memref<128xi32, #tpu.memory_space<vmem>>, vector<16xi32>,
    %swap3A_70 = arith.constant 0 : index
    %swap3A_71 = tpu.vector_load %arg15[%swap3A_70] {strides = array<i32>} : memref<128xi32, #tpu.memory_space<vmem>>, vector<16xi32>,
    tpu.vector_store %arg15[%swap3A_70], %get3A_69 {strides = array<i32>} : memref<128xi32, #tpu.memory_space<vmem>>, vector<16xi32>,
    %get3A_72 = arith.constant 16 : index
    %get3A_73 = tpu.vector_load %arg17[%get3A_72] {strides = array<i32>} : memref<128xf32, #tpu.memory_space<vmem>>, vector<16xf32>,
    %get3A_74 = arith.constant 16 : index
    %get3A_75 = tpu.vector_load %arg18[%get3A_74] {strides = array<i32>} : memref<128xf32, #tpu.memory_space<vmem>>, vector<16xf32>,
    %add3A_76 = arith.addf %get3A_73, %get3A_75 : vector<16xf32>
    %ge3A_77 = arith.constant 0.000000e+00 : f32
    %ge3A_78 = vector.broadcast %ge3A_77 : f32 to vector<16xf32>
    %ge3A_79 = arith.cmpf oge, %add3A_76, %ge3A_78 : vector<16xf32>
    %mul3A_80 = arith.constant 2.000000e-01 : f32
    %mul3A_81 = vector.broadcast %mul3A_80 : f32 to vector<16xf32>
    %mul3A_82 = arith.mulf %mul3A_81, %add3A_76 : vector<16xf32>
    %select_n3A_83 = arith.select %ge3A_79, %add3A_76, %mul3A_82 : vector<16xi1>, vector<16xf32>
    %exp3A_84 = math.exp %select_n3A_83 : vector<16xf32>
    %swap3A_85 = arith.constant 16 : index
    %swap3A_86 = tpu.vector_load %arg16[%swap3A_85] {strides = array<i32>} : memref<128xf32, #tpu.memory_space<vmem>>, vector<16xf32>,
    tpu.vector_store %arg16[%swap3A_85], %exp3A_84 {strides = array<i32>} : memref<128xf32, #tpu.memory_space<vmem>>, vector<16xf32>,
    %get3A_87 = arith.constant 16 : index
    %get3A_88 = tpu.vector_load %arg10[%get3A_87] {strides = array<i32>} : memref<128xi32, #tpu.memory_space<vmem>>, vector<16xi32>,
    %swap3A_89 = arith.constant 16 : index
    %swap3A_90 = tpu.vector_load %arg15[%swap3A_89] {strides = array<i32>} : memref<128xi32, #tpu.memory_space<vmem>>, vector<16xi32>,
    tpu.vector_store %arg15[%swap3A_89], %get3A_88 {strides = array<i32>} : memref<128xi32, #tpu.memory_space<vmem>>, vector<16xi32>,
    %get3A_91 = arith.constant 32 : index
    %get3A_92 = tpu.vector_load %arg17[%get3A_91] {strides = array<i32>} : memref<128xf32, #tpu.memory_space<vmem>>, vector<16xf32>,
    %get3A_93 = arith.constant 32 : index
    %get3A_94 = tpu.vector_load %arg18[%get3A_93] {strides = array<i32>} : memref<128xf32, #tpu.memory_space<vmem>>, vector<16xf32>,
    %add3A_95 = arith.addf %get3A_92, %get3A_94 : vector<16xf32>
    %ge3A_96 = arith.constant 0.000000e+00 : f32
    %ge3A_97 = vector.broadcast %ge3A_96 : f32 to vector<16xf32>
    %ge3A_98 = arith.cmpf oge, %add3A_95, %ge3A_97 : vector<16xf32>
    %mul3A_99 = arith.constant 2.000000e-01 : f32
    %mul3A_100 = vector.broadcast %mul3A_99 : f32 to vector<16xf32>
    %mul3A_101 = arith.mulf %mul3A_100, %add3A_95 : vector<16xf32>
    %select_n3A_102 = arith.select %ge3A_98, %add3A_95, %mul3A_101 : vector<16xi1>, vector<16xf32>
    %exp3A_103 = math.exp %select_n3A_102 : vector<16xf32>
    %swap3A_104 = arith.constant 32 : index
    %swap3A_105 = tpu.vector_load %arg16[%swap3A_104] {strides = array<i32>} : memref<128xf32, #tpu.memory_space<vmem>>, vector<16xf32>,
    tpu.vector_store %arg16[%swap3A_104], %exp3A_103 {strides = array<i32>} : memref<128xf32, #tpu.memory_space<vmem>>, vector<16xf32>,
    %get3A_106 = arith.constant 32 : index
    %get3A_107 = tpu.vector_load %arg10[%get3A_106] {strides = array<i32>} : memref<128xi32, #tpu.memory_space<vmem>>, vector<16xi32>,
    %swap3A_108 = arith.constant 32 : index
    %swap3A_109 = tpu.vector_load %arg15[%swap3A_108] {strides = array<i32>} : memref<128xi32, #tpu.memory_space<vmem>>, vector<16xi32>,
    tpu.vector_store %arg15[%swap3A_108], %get3A_107 {strides = array<i32>} : memref<128xi32, #tpu.memory_space<vmem>>, vector<16xi32>,
    %get3A_110 = arith.constant 48 : index
    %get3A_111 = tpu.vector_load %arg17[%get3A_110] {strides = array<i32>} : memref<128xf32, #tpu.memory_space<vmem>>, vector<16xf32>,
    %get3A_112 = arith.constant 48 : index
    %get3A_113 = tpu.vector_load %arg18[%get3A_112] {strides = array<i32>} : memref<128xf32, #tpu.memory_space<vmem>>, vector<16xf32>,
    %add3A_114 = arith.addf %get3A_111, %get3A_113 : vector<16xf32>
    %ge3A_115 = arith.constant 0.000000e+00 : f32
    %ge3A_116 = vector.broadcast %ge3A_115 : f32 to vector<16xf32>
    %ge3A_117 = arith.cmpf oge, %add3A_114, %ge3A_116 : vector<16xf32>
    %mul3A_118 = arith.constant 2.000000e-01 : f32
    %mul3A_119 = vector.broadcast %mul3A_118 : f32 to vector<16xf32>
    %mul3A_120 = arith.mulf %mul3A_119, %add3A_114 : vector<16xf32>
    %select_n3A_121 = arith.select %ge3A_117, %add3A_114, %mul3A_120 : vector<16xi1>, vector<16xf32>
    %exp3A_122 = math.exp %select_n3A_121 : vector<16xf32>
    %swap3A_123 = arith.constant 48 : index
    %swap3A_124 = tpu.vector_load %arg16[%swap3A_123] {strides = array<i32>} : memref<128xf32, #tpu.memory_space<vmem>>, vector<16xf32>,
    tpu.vector_store %arg16[%swap3A_123], %exp3A_122 {strides = array<i32>} : memref<128xf32, #tpu.memory_space<vmem>>, vector<16xf32>,
    %get3A_125 = arith.constant 48 : index
    %get3A_126 = tpu.vector_load %arg10[%get3A_125] {strides = array<i32>} : memref<128xi32, #tpu.memory_space<vmem>>, vector<16xi32>,
    %swap3A_127 = arith.constant 48 : index
    %swap3A_128 = tpu.vector_load %arg15[%swap3A_127] {strides = array<i32>} : memref<128xi32, #tpu.memory_space<vmem>>, vector<16xi32>,
    tpu.vector_store %arg15[%swap3A_127], %get3A_126 {strides = array<i32>} : memref<128xi32, #tpu.memory_space<vmem>>, vector<16xi32>,
    %get3A_129 = arith.constant 64 : index
    %get3A_130 = tpu.vector_load %arg17[%get3A_129] {strides = array<i32>} : memref<128xf32, #tpu.memory_space<vmem>>, vector<16xf32>,
    %get3A_131 = arith.constant 64 : index
    %get3A_132 = tpu.vector_load %arg18[%get3A_131] {strides = array<i32>} : memref<128xf32, #tpu.memory_space<vmem>>, vector<16xf32>,
    %add3A_133 = arith.addf %get3A_130, %get3A_132 : vector<16xf32>
    %ge3A_134 = arith.constant 0.000000e+00 : f32
    %ge3A_135 = vector.broadcast %ge3A_134 : f32 to vector<16xf32>
    %ge3A_136 = arith.cmpf oge, %add3A_133, %ge3A_135 : vector<16xf32>
    %mul3A_137 = arith.constant 2.000000e-01 : f32
    %mul3A_138 = vector.broadcast %mul3A_137 : f32 to vector<16xf32>
    %mul3A_139 = arith.mulf %mul3A_138, %add3A_133 : vector<16xf32>
    %select_n3A_140 = arith.select %ge3A_136, %add3A_133, %mul3A_139 : vector<16xi1>, vector<16xf32>
    %exp3A_141 = math.exp %select_n3A_140 : vector<16xf32>
    %swap3A_142 = arith.constant 64 : index
    %swap3A_143 = tpu.vector_load %arg16[%swap3A_142] {strides = array<i32>} : memref<128xf32, #tpu.memory_space<vmem>>, vector<16xf32>,
    tpu.vector_store %arg16[%swap3A_142], %exp3A_141 {strides = array<i32>} : memref<128xf32, #tpu.memory_space<vmem>>, vector<16xf32>,
    %get3A_144 = arith.constant 64 : index
    %get3A_145 = tpu.vector_load %arg10[%get3A_144] {strides = array<i32>} : memref<128xi32, #tpu.memory_space<vmem>>, vector<16xi32>,
    %swap3A_146 = arith.constant 64 : index
    %swap3A_147 = tpu.vector_load %arg15[%swap3A_146] {strides = array<i32>} : memref<128xi32, #tpu.memory_space<vmem>>, vector<16xi32>,
    tpu.vector_store %arg15[%swap3A_146], %get3A_145 {strides = array<i32>} : memref<128xi32, #tpu.memory_space<vmem>>, vector<16xi32>,
    %get3A_148 = arith.constant 80 : index
    %get3A_149 = tpu.vector_load %arg17[%get3A_148] {strides = array<i32>} : memref<128xf32, #tpu.memory_space<vmem>>, vector<16xf32>,
    %get3A_150 = arith.constant 80 : index
    %get3A_151 = tpu.vector_load %arg18[%get3A_150] {strides = array<i32>} : memref<128xf32, #tpu.memory_space<vmem>>, vector<16xf32>,
    %add3A_152 = arith.addf %get3A_149, %get3A_151 : vector<16xf32>
    %ge3A_153 = arith.constant 0.000000e+00 : f32
    %ge3A_154 = vector.broadcast %ge3A_153 : f32 to vector<16xf32>
    %ge3A_155 = arith.cmpf oge, %add3A_152, %ge3A_154 : vector<16xf32>
    %mul3A_156 = arith.constant 2.000000e-01 : f32
    %mul3A_157 = vector.broadcast %mul3A_156 : f32 to vector<16xf32>
    %mul3A_158 = arith.mulf %mul3A_157, %add3A_152 : vector<16xf32>
    %select_n3A_159 = arith.select %ge3A_155, %add3A_152, %mul3A_158 : vector<16xi1>, vector<16xf32>
    %exp3A_160 = math.exp %select_n3A_159 : vector<16xf32>
    %swap3A_161 = arith.constant 80 : index
    %swap3A_162 = tpu.vector_load %arg16[%swap3A_161] {strides = array<i32>} : memref<128xf32, #tpu.memory_space<vmem>>, vector<16xf32>,
    tpu.vector_store %arg16[%swap3A_161], %exp3A_160 {strides = array<i32>} : memref<128xf32, #tpu.memory_space<vmem>>, vector<16xf32>,
    %get3A_163 = arith.constant 80 : index
    %get3A_164 = tpu.vector_load %arg10[%get3A_163] {strides = array<i32>} : memref<128xi32, #tpu.memory_space<vmem>>, vector<16xi32>,
    %swap3A_165 = arith.constant 80 : index
    %swap3A_166 = tpu.vector_load %arg15[%swap3A_165] {strides = array<i32>} : memref<128xi32, #tpu.memory_space<vmem>>, vector<16xi32>,
    tpu.vector_store %arg15[%swap3A_165], %get3A_164 {strides = array<i32>} : memref<128xi32, #tpu.memory_space<vmem>>, vector<16xi32>,
    %get3A_167 = arith.constant 96 : index
    %get3A_168 = tpu.vector_load %arg17[%get3A_167] {strides = array<i32>} : memref<128xf32, #tpu.memory_space<vmem>>, vector<16xf32>,
    %get3A_169 = arith.constant 96 : index
    %get3A_170 = tpu.vector_load %arg18[%get3A_169] {strides = array<i32>} : memref<128xf32, #tpu.memory_space<vmem>>, vector<16xf32>,
    %add3A_171 = arith.addf %get3A_168, %get3A_170 : vector<16xf32>
    %ge3A_172 = arith.constant 0.000000e+00 : f32
    %ge3A_173 = vector.broadcast %ge3A_172 : f32 to vector<16xf32>
    %ge3A_174 = arith.cmpf oge, %add3A_171, %ge3A_173 : vector<16xf32>
    %mul3A_175 = arith.constant 2.000000e-01 : f32
    %mul3A_176 = vector.broadcast %mul3A_175 : f32 to vector<16xf32>
    %mul3A_177 = arith.mulf %mul3A_176, %add3A_171 : vector<16xf32>
    %select_n3A_178 = arith.select %ge3A_174, %add3A_171, %mul3A_177 : vector<16xi1>, vector<16xf32>
    %exp3A_179 = math.exp %select_n3A_178 : vector<16xf32>
    %swap3A_180 = arith.constant 96 : index
    %swap3A_181 = tpu.vector_load %arg16[%swap3A_180] {strides = array<i32>} : memref<128xf32, #tpu.memory_space<vmem>>, vector<16xf32>,
    tpu.vector_store %arg16[%swap3A_180], %exp3A_179 {strides = array<i32>} : memref<128xf32, #tpu.memory_space<vmem>>, vector<16xf32>,
    %get3A_182 = arith.constant 96 : index
    %get3A_183 = tpu.vector_load %arg10[%get3A_182] {strides = array<i32>} : memref<128xi32, #tpu.memory_space<vmem>>, vector<16xi32>,
    %swap3A_184 = arith.constant 96 : index
    %swap3A_185 = tpu.vector_load %arg15[%swap3A_184] {strides = array<i32>} : memref<128xi32, #tpu.memory_space<vmem>>, vector<16xi32>,
    tpu.vector_store %arg15[%swap3A_184], %get3A_183 {strides = array<i32>} : memref<128xi32, #tpu.memory_space<vmem>>, vector<16xi32>,
    %get3A_186 = arith.constant 112 : index
    %get3A_187 = tpu.vector_load %arg17[%get3A_186] {strides = array<i32>} : memref<128xf32, #tpu.memory_space<vmem>>, vector<16xf32>,
    %get3A_188 = arith.constant 112 : index
    %get3A_189 = tpu.vector_load %arg18[%get3A_188] {strides = array<i32>} : memref<128xf32, #tpu.memory_space<vmem>>, vector<16xf32>,
    %add3A_190 = arith.addf %get3A_187, %get3A_189 : vector<16xf32>
    %ge3A_191 = arith.constant 0.000000e+00 : f32
    %ge3A_192 = vector.broadcast %ge3A_191 : f32 to vector<16xf32>
    %ge3A_193 = arith.cmpf oge, %add3A_190, %ge3A_192 : vector<16xf32>
    %mul3A_194 = arith.constant 2.000000e-01 : f32
    %mul3A_195 = vector.broadcast %mul3A_194 : f32 to vector<16xf32>
    %mul3A_196 = arith.mulf %mul3A_195, %add3A_190 : vector<16xf32>
    %select_n3A_197 = arith.select %ge3A_193, %add3A_190, %mul3A_196 : vector<16xi1>, vector<16xf32>
    %exp3A_198 = math.exp %select_n3A_197 : vector<16xf32>
    %swap3A_199 = arith.constant 112 : index
    %swap3A_200 = tpu.vector_load %arg16[%swap3A_199] {strides = array<i32>} : memref<128xf32, #tpu.memory_space<vmem>>, vector<16xf32>,
    tpu.vector_store %arg16[%swap3A_199], %exp3A_198 {strides = array<i32>} : memref<128xf32, #tpu.memory_space<vmem>>, vector<16xf32>,
    %get3A_201 = arith.constant 112 : index
    %get3A_202 = tpu.vector_load %arg10[%get3A_201] {strides = array<i32>} : memref<128xi32, #tpu.memory_space<vmem>>, vector<16xi32>,
    %swap3A_203 = arith.constant 112 : index
    %swap3A_204 = tpu.vector_load %arg15[%swap3A_203] {strides = array<i32>} : memref<128xi32, #tpu.memory_space<vmem>>, vector<16xi32>,
    tpu.vector_store %arg15[%swap3A_203], %get3A_202 {strides = array<i32>} : memref<128xi32, #tpu.memory_space<vmem>>, vector<16xi32>,
    %add3A_205 = arith.constant 2 : i32
    %add3A_206 = arith.addi %mul3A_2, %add3A_205 : i32
    %mul3A_207 = arith.constant 128 : i32
    %mul3A_208 = arith.muli %add3A_206, %mul3A_207 : i32
    %dma_start3A_209 = tpu.memref_slice %arg5[%mul3A_208] : memref<331776xi32, #tpu.memory_space<hbm>> -> memref<128xi32, #tpu.memory_space<hbm>>
    %dma_start3A_210 = tpu.memref_slice %arg5[%mul3A_208] : memref<331776xi32, #tpu.memory_space<hbm>> -> memref<128xi32, #tpu.memory_space<hbm>>
    tpu.enqueue_dma source(%dma_start3A_210 : memref<128xi32, #tpu.memory_space<hbm>>) target(%arg9 : memref<128xi32, #tpu.memory_space<vmem>>) target_semaphore(%arg25 : memref<!tpu.dma_semaphore, #tpu.memory_space<semaphore_mem>>)
    %dma_start3A_211 = tpu.memref_slice %arg6[%mul3A_208] : memref<331776xi32, #tpu.memory_space<hbm>> -> memref<128xi32, #tpu.memory_space<hbm>>
    %dma_start3A_212 = tpu.memref_slice %arg6[%mul3A_208] : memref<331776xi32, #tpu.memory_space<hbm>> -> memref<128xi32, #tpu.memory_space<hbm>>
    tpu.enqueue_dma source(%dma_start3A_212 : memref<128xi32, #tpu.memory_space<hbm>>) target(%arg10 : memref<128xi32, #tpu.memory_space<vmem>>) target_semaphore(%arg25 : memref<!tpu.dma_semaphore, #tpu.memory_space<semaphore_mem>>)
    %parallel_loop3A = arith.constant 0 : i32
    %parallel_loop3A_213 = arith.constant 128 : i32
    %parallel_loop3A_214 = arith.constant 1 : i32
    scf.for %parallel_loop3A_585 = %parallel_loop3A to %parallel_loop3A_213 step %parallel_loop3A_214  : i32 {
      %parallel_loop3A_586 = vector.broadcast %parallel_loop3A_585 : i32 to vector<16xi32>
      %parallel_loop3A_587 = tpu.vector_load_idx %arg16[%parallel_loop3A_586] : memref<128xf32, #tpu.memory_space<vmem>>[vector<16xi32>], vector<16xf32>,
      %parallel_loop3A_588 = arith.index_cast %parallel_loop3A_585 : i32 to index
      %parallel_loop3A_589 = arith.constant 0 : index
      %parallel_loop3A_590 = tpu.vector_load %arg13[%parallel_loop3A_588, %parallel_loop3A_589] {strides = array<i32>} : memref<128x144xf32, #tpu.memory_space<vmem>>, vector<16xf32>,
      %parallel_loop3A_591 = arith.mulf %parallel_loop3A_590, %parallel_loop3A_587 : vector<16xf32>
      %parallel_loop3A_592 = arith.index_cast %parallel_loop3A_585 : i32 to index
      %parallel_loop3A_593 = arith.constant 0 : index
      %parallel_loop3A_594 = tpu.vector_load %arg13[%parallel_loop3A_592, %parallel_loop3A_593] {strides = array<i32>} : memref<128x144xf32, #tpu.memory_space<vmem>>, vector<16xf32>,
      tpu.vector_store %arg13[%parallel_loop3A_592, %parallel_loop3A_593], %parallel_loop3A_591 {strides = array<i32>} : memref<128x144xf32, #tpu.memory_space<vmem>>, vector<16xf32>,
      %parallel_loop3A_595 = arith.index_cast %parallel_loop3A_585 : i32 to index
      %parallel_loop3A_596 = arith.constant 16 : index
      %parallel_loop3A_597 = tpu.vector_load %arg13[%parallel_loop3A_595, %parallel_loop3A_596] {strides = array<i32>} : memref<128x144xf32, #tpu.memory_space<vmem>>, vector<16xf32>,
      %parallel_loop3A_598 = arith.mulf %parallel_loop3A_597, %parallel_loop3A_587 : vector<16xf32>
      %parallel_loop3A_599 = arith.index_cast %parallel_loop3A_585 : i32 to index
      %parallel_loop3A_600 = arith.constant 16 : index
      %parallel_loop3A_601 = tpu.vector_load %arg13[%parallel_loop3A_599, %parallel_loop3A_600] {strides = array<i32>} : memref<128x144xf32, #tpu.memory_space<vmem>>, vector<16xf32>,
      tpu.vector_store %arg13[%parallel_loop3A_599, %parallel_loop3A_600], %parallel_loop3A_598 {strides = array<i32>} : memref<128x144xf32, #tpu.memory_space<vmem>>, vector<16xf32>,
      %parallel_loop3A_602 = arith.index_cast %parallel_loop3A_585 : i32 to index
      %parallel_loop3A_603 = arith.constant 32 : index
      %parallel_loop3A_604 = tpu.vector_load %arg13[%parallel_loop3A_602, %parallel_loop3A_603] {strides = array<i32>} : memref<128x144xf32, #tpu.memory_space<vmem>>, vector<16xf32>,
      %parallel_loop3A_605 = arith.mulf %parallel_loop3A_604, %parallel_loop3A_587 : vector<16xf32>
      %parallel_loop3A_606 = arith.index_cast %parallel_loop3A_585 : i32 to index
      %parallel_loop3A_607 = arith.constant 32 : index
      %parallel_loop3A_608 = tpu.vector_load %arg13[%parallel_loop3A_606, %parallel_loop3A_607] {strides = array<i32>} : memref<128x144xf32, #tpu.memory_space<vmem>>, vector<16xf32>,
      tpu.vector_store %arg13[%parallel_loop3A_606, %parallel_loop3A_607], %parallel_loop3A_605 {strides = array<i32>} : memref<128x144xf32, #tpu.memory_space<vmem>>, vector<16xf32>,
      %parallel_loop3A_609 = arith.index_cast %parallel_loop3A_585 : i32 to index
      %parallel_loop3A_610 = arith.constant 48 : index
      %parallel_loop3A_611 = tpu.vector_load %arg13[%parallel_loop3A_609, %parallel_loop3A_610] {strides = array<i32>} : memref<128x144xf32, #tpu.memory_space<vmem>>, vector<16xf32>,
      %parallel_loop3A_612 = arith.mulf %parallel_loop3A_611, %parallel_loop3A_587 : vector<16xf32>
      %parallel_loop3A_613 = arith.index_cast %parallel_loop3A_585 : i32 to index
      %parallel_loop3A_614 = arith.constant 48 : index
      %parallel_loop3A_615 = tpu.vector_load %arg13[%parallel_loop3A_613, %parallel_loop3A_614] {strides = array<i32>} : memref<128x144xf32, #tpu.memory_space<vmem>>, vector<16xf32>,
      tpu.vector_store %arg13[%parallel_loop3A_613, %parallel_loop3A_614], %parallel_loop3A_612 {strides = array<i32>} : memref<128x144xf32, #tpu.memory_space<vmem>>, vector<16xf32>,
      %parallel_loop3A_616 = arith.index_cast %parallel_loop3A_585 : i32 to index
      %parallel_loop3A_617 = arith.constant 64 : index
      %parallel_loop3A_618 = tpu.vector_load %arg13[%parallel_loop3A_616, %parallel_loop3A_617] {strides = array<i32>} : memref<128x144xf32, #tpu.memory_space<vmem>>, vector<16xf32>,
      %parallel_loop3A_619 = arith.mulf %parallel_loop3A_618, %parallel_loop3A_587 : vector<16xf32>
      %parallel_loop3A_620 = arith.index_cast %parallel_loop3A_585 : i32 to index
      %parallel_loop3A_621 = arith.constant 64 : index
      %parallel_loop3A_622 = tpu.vector_load %arg13[%parallel_loop3A_620, %parallel_loop3A_621] {strides = array<i32>} : memref<128x144xf32, #tpu.memory_space<vmem>>, vector<16xf32>,
      tpu.vector_store %arg13[%parallel_loop3A_620, %parallel_loop3A_621], %parallel_loop3A_619 {strides = array<i32>} : memref<128x144xf32, #tpu.memory_space<vmem>>, vector<16xf32>,
      %parallel_loop3A_623 = arith.index_cast %parallel_loop3A_585 : i32 to index
      %parallel_loop3A_624 = arith.constant 80 : index
      %parallel_loop3A_625 = tpu.vector_load %arg13[%parallel_loop3A_623, %parallel_loop3A_624] {strides = array<i32>} : memref<128x144xf32, #tpu.memory_space<vmem>>, vector<16xf32>,
      %parallel_loop3A_626 = arith.mulf %parallel_loop3A_625, %parallel_loop3A_587 : vector<16xf32>
      %parallel_loop3A_627 = arith.index_cast %parallel_loop3A_585 : i32 to index
      %parallel_loop3A_628 = arith.constant 80 : index
      %parallel_loop3A_629 = tpu.vector_load %arg13[%parallel_loop3A_627, %parallel_loop3A_628] {strides = array<i32>} : memref<128x144xf32, #tpu.memory_space<vmem>>, vector<16xf32>,
      tpu.vector_store %arg13[%parallel_loop3A_627, %parallel_loop3A_628], %parallel_loop3A_626 {strides = array<i32>} : memref<128x144xf32, #tpu.memory_space<vmem>>, vector<16xf32>,
      %parallel_loop3A_630 = arith.index_cast %parallel_loop3A_585 : i32 to index
      %parallel_loop3A_631 = arith.constant 96 : index
      %parallel_loop3A_632 = tpu.vector_load %arg13[%parallel_loop3A_630, %parallel_loop3A_631] {strides = array<i32>} : memref<128x144xf32, #tpu.memory_space<vmem>>, vector<16xf32>,
      %parallel_loop3A_633 = arith.mulf %parallel_loop3A_632, %parallel_loop3A_587 : vector<16xf32>
      %parallel_loop3A_634 = arith.index_cast %parallel_loop3A_585 : i32 to index
      %parallel_loop3A_635 = arith.constant 96 : index
      %parallel_loop3A_636 = tpu.vector_load %arg13[%parallel_loop3A_634, %parallel_loop3A_635] {strides = array<i32>} : memref<128x144xf32, #tpu.memory_space<vmem>>, vector<16xf32>,
      tpu.vector_store %arg13[%parallel_loop3A_634, %parallel_loop3A_635], %parallel_loop3A_633 {strides = array<i32>} : memref<128x144xf32, #tpu.memory_space<vmem>>, vector<16xf32>,
      %parallel_loop3A_637 = arith.index_cast %parallel_loop3A_585 : i32 to index
      %parallel_loop3A_638 = arith.constant 112 : index
      %parallel_loop3A_639 = tpu.vector_load %arg13[%parallel_loop3A_637, %parallel_loop3A_638] {strides = array<i32>} : memref<128x144xf32, #tpu.memory_space<vmem>>, vector<16xf32>,
      %parallel_loop3A_640 = arith.mulf %parallel_loop3A_639, %parallel_loop3A_587 : vector<16xf32>
      %parallel_loop3A_641 = arith.index_cast %parallel_loop3A_585 : i32 to index
      %parallel_loop3A_642 = arith.constant 112 : index
      %parallel_loop3A_643 = tpu.vector_load %arg13[%parallel_loop3A_641, %parallel_loop3A_642] {strides = array<i32>} : memref<128x144xf32, #tpu.memory_space<vmem>>, vector<16xf32>,
      tpu.vector_store %arg13[%parallel_loop3A_641, %parallel_loop3A_642], %parallel_loop3A_640 {strides = array<i32>} : memref<128x144xf32, #tpu.memory_space<vmem>>, vector<16xf32>,
      %parallel_loop3A_644 = arith.index_cast %parallel_loop3A_585 : i32 to index
      %parallel_loop3A_645 = arith.constant 128 : index
      %parallel_loop3A_646 = tpu.vector_load %arg13[%parallel_loop3A_644, %parallel_loop3A_645] {strides = array<i32>} : memref<128x144xf32, #tpu.memory_space<vmem>>, vector<16xf32>,
      %parallel_loop3A_647 = arith.mulf %parallel_loop3A_646, %parallel_loop3A_587 : vector<16xf32>
      %parallel_loop3A_648 = arith.index_cast %parallel_loop3A_585 : i32 to index
      %parallel_loop3A_649 = arith.constant 128 : index
      %parallel_loop3A_650 = tpu.vector_load %arg13[%parallel_loop3A_648, %parallel_loop3A_649] {strides = array<i32>} : memref<128x144xf32, #tpu.memory_space<vmem>>, vector<16xf32>,
      tpu.vector_store %arg13[%parallel_loop3A_648, %parallel_loop3A_649], %parallel_loop3A_647 {strides = array<i32>} : memref<128x144xf32, #tpu.memory_space<vmem>>, vector<16xf32>,
    } {sc.loop_unroll_factor = 2 : i64, sc.parallel_access}
    %dma_start3A_215 = arith.constant 0 : i32
    %dma_start3A_216 = arith.constant 0 : i32
    %dma_start3A_217 = tpu.memref_slice %arg21[%dma_start3A_215, %dma_start3A_216] : memref<10016x144xf32, #tpu.memory_space<vmem_shared>> -> memref<10016x144xf32, #tpu.memory_space<vmem_shared>>
    tpu.enqueue_indirect_dma source(%arg13 : memref<128x144xf32, #tpu.memory_space<vmem>>) target(%dma_start3A_217 : memref<10016x144xf32, #tpu.memory_space<vmem_shared>>) offsets(%arg15 : memref<128xi32, #tpu.memory_space<vmem>>) semaphore(%arg24 : memref<!tpu.dma_semaphore, #tpu.memory_space<semaphore_mem>>) {add = true}
    %scan3A = arith.constant 0 : i32
    %scan3A_218 = arith.constant 0 : i32
    %scan3A_219 = arith.constant 39 : i32
    %scan3A_220 = arith.addi %scan3A_218, %scan3A_219 : i32
    %scan3A_221 = arith.constant 1 : i32
    scf.for %scan3A_585 = %scan3A_218 to %scan3A_220 step %scan3A_221  : i32 {
      %mul3A_586 = arith.constant 2 : i32
      %mul3A_587 = arith.muli %mul3A_586, %scan3A_585 : i32
      %add3A_588 = arith.constant 1 : i32
      %add3A_589 = arith.addi %add3A_588, %mul3A_587 : i32
      %dma_wait3A_590 = arith.constant 0 : i32
      %dma_wait3A_591 = arith.constant 0 : i32
      %dma_wait3A_592 = tpu.memref_slice %arg21[%dma_wait3A_590, %dma_wait3A_591] : memref<10016x144xf32, #tpu.memory_space<vmem_shared>> -> memref<10016x144xf32, #tpu.memory_space<vmem_shared>>
      tpu.wait_indirect_dma semaphore(%arg24 : memref<!tpu.dma_semaphore, #tpu.memory_space<semaphore_mem>>) src(%arg13 : memref<128x144xf32, #tpu.memory_space<vmem>>) dst(%dma_wait3A_592 : memref<10016x144xf32, #tpu.memory_space<vmem_shared>>)
      %add3A_593 = arith.constant 1 : i32
      %add3A_594 = arith.addi %add3A_589, %add3A_593 : i32
      %add3A_595 = arith.addi %mul3A_2, %add3A_594 : i32
      %mul3A_596 = arith.constant 128 : i32
      %mul3A_597 = arith.muli %add3A_595, %mul3A_596 : i32
      %dma_wait3A_598 = tpu.memref_slice %arg5[%mul3A_597] : memref<331776xi32, #tpu.memory_space<hbm>> -> memref<128xi32, #tpu.memory_space<hbm>>
      %dma_wait3A_599 = tpu.memref_slice %arg5[%mul3A_597] : memref<331776xi32, #tpu.memory_space<hbm>> -> memref<128xi32, #tpu.memory_space<hbm>>
      tpu.wait_dma2 semaphore(%arg25 : memref<!tpu.dma_semaphore, #tpu.memory_space<semaphore_mem>>) src(%dma_wait3A_599 : memref<128xi32, #tpu.memory_space<hbm>>) dst(%arg9 : memref<128xi32, #tpu.memory_space<vmem>>)
      %dma_wait3A_600 = tpu.memref_slice %arg6[%mul3A_597] : memref<331776xi32, #tpu.memory_space<hbm>> -> memref<128xi32, #tpu.memory_space<hbm>>
      %dma_wait3A_601 = tpu.memref_slice %arg6[%mul3A_597] : memref<331776xi32, #tpu.memory_space<hbm>> -> memref<128xi32, #tpu.memory_space<hbm>>
      tpu.wait_dma2 semaphore(%arg25 : memref<!tpu.dma_semaphore, #tpu.memory_space<semaphore_mem>>) src(%dma_wait3A_601 : memref<128xi32, #tpu.memory_space<hbm>>) dst(%arg10 : memref<128xi32, #tpu.memory_space<vmem>>)
      %dma_start3A_602 = arith.constant 0 : i32
      %dma_start3A_603 = arith.constant 0 : i32
      %dma_start3A_604 = tpu.memref_slice %arg2[%dma_start3A_602, %dma_start3A_603] : memref<10016x144xf32, #tpu.memory_space<hbm>> -> memref<10016x144xf32, #tpu.memory_space<hbm>>
      tpu.enqueue_indirect_dma source(%dma_start3A_604 : memref<10016x144xf32, #tpu.memory_space<hbm>>) target(%arg13 : memref<128x144xf32, #tpu.memory_space<vmem>>) offsets(%arg9 : memref<128xi32, #tpu.memory_space<vmem>>) semaphore(%arg22 : memref<!tpu.dma_semaphore, #tpu.memory_space<semaphore_mem>>)
      %dma_start3A_605 = arith.constant 0 : i32
      %dma_start3A_606 = tpu.memref_slice %arg3[%dma_start3A_605] : memref<10016xf32, #tpu.memory_space<hbm>> -> memref<10016xf32, #tpu.memory_space<hbm>>
      tpu.enqueue_indirect_dma source(%dma_start3A_606 : memref<10016xf32, #tpu.memory_space<hbm>>) target(%arg17 : memref<128xf32, #tpu.memory_space<vmem>>) offsets(%arg9 : memref<128xi32, #tpu.memory_space<vmem>>) semaphore(%arg22 : memref<!tpu.dma_semaphore, #tpu.memory_space<semaphore_mem>>)
      %dma_start3A_607 = arith.constant 0 : i32
      %dma_start3A_608 = tpu.memref_slice %arg4[%dma_start3A_607] : memref<10016xf32, #tpu.memory_space<hbm>> -> memref<10016xf32, #tpu.memory_space<hbm>>
      tpu.enqueue_indirect_dma source(%dma_start3A_608 : memref<10016xf32, #tpu.memory_space<hbm>>) target(%arg18 : memref<128xf32, #tpu.memory_space<vmem>>) offsets(%arg10 : memref<128xi32, #tpu.memory_space<vmem>>) semaphore(%arg22 : memref<!tpu.dma_semaphore, #tpu.memory_space<semaphore_mem>>)
      %dma_wait3A_609 = arith.constant 0 : i32
      %dma_wait3A_610 = arith.constant 0 : i32
      %dma_wait3A_611 = tpu.memref_slice %arg2[%dma_wait3A_609, %dma_wait3A_610] : memref<10016x144xf32, #tpu.memory_space<hbm>> -> memref<10016x144xf32, #tpu.memory_space<hbm>>
      tpu.wait_indirect_dma semaphore(%arg23 : memref<!tpu.dma_semaphore, #tpu.memory_space<semaphore_mem>>) src(%dma_wait3A_611 : memref<10016x144xf32, #tpu.memory_space<hbm>>) dst(%arg14 : memref<128x144xf32, #tpu.memory_space<vmem>>)
      %dma_wait3A_612 = arith.constant 0 : i32
      %dma_wait3A_613 = tpu.memref_slice %arg3[%dma_wait3A_612] : memref<10016xf32, #tpu.memory_space<hbm>> -> memref<10016xf32, #tpu.memory_space<hbm>>
      tpu.wait_indirect_dma semaphore(%arg23 : memref<!tpu.dma_semaphore, #tpu.memory_space<semaphore_mem>>) src(%dma_wait3A_613 : memref<10016xf32, #tpu.memory_space<hbm>>) dst(%arg19 : memref<128xf32, #tpu.memory_space<vmem>>)
      %dma_wait3A_614 = arith.constant 0 : i32
      %dma_wait3A_615 = tpu.memref_slice %arg4[%dma_wait3A_614] : memref<10016xf32, #tpu.memory_space<hbm>> -> memref<10016xf32, #tpu.memory_space<hbm>>
      tpu.wait_indirect_dma semaphore(%arg23 : memref<!tpu.dma_semaphore, #tpu.memory_space<semaphore_mem>>) src(%dma_wait3A_615 : memref<10016xf32, #tpu.memory_space<hbm>>) dst(%arg20 : memref<128xf32, #tpu.memory_space<vmem>>)
      %get3A_616 = arith.constant 0 : index
      %get3A_617 = tpu.vector_load %arg19[%get3A_616] {strides = array<i32>} : memref<128xf32, #tpu.memory_space<vmem>>, vector<16xf32>,
      %get3A_618 = arith.constant 0 : index
      %get3A_619 = tpu.vector_load %arg20[%get3A_618] {strides = array<i32>} : memref<128xf32, #tpu.memory_space<vmem>>, vector<16xf32>,
      %add3A_620 = arith.addf %get3A_617, %get3A_619 : vector<16xf32>
      %ge3A_621 = arith.constant 0.000000e+00 : f32
      %ge3A_622 = vector.broadcast %ge3A_621 : f32 to vector<16xf32>
      %ge3A_623 = arith.cmpf oge, %add3A_620, %ge3A_622 : vector<16xf32>
      %mul3A_624 = arith.constant 2.000000e-01 : f32
      %mul3A_625 = vector.broadcast %mul3A_624 : f32 to vector<16xf32>
      %mul3A_626 = arith.mulf %mul3A_625, %add3A_620 : vector<16xf32>
      %select_n3A_627 = arith.select %ge3A_623, %add3A_620, %mul3A_626 : vector<16xi1>, vector<16xf32>
      %exp3A_628 = math.exp %select_n3A_627 : vector<16xf32>
      %swap3A_629 = arith.constant 0 : index
      %swap3A_630 = tpu.vector_load %arg16[%swap3A_629] {strides = array<i32>} : memref<128xf32, #tpu.memory_space<vmem>>, vector<16xf32>,
      tpu.vector_store %arg16[%swap3A_629], %exp3A_628 {strides = array<i32>} : memref<128xf32, #tpu.memory_space<vmem>>, vector<16xf32>,
      %get3A_631 = arith.constant 0 : index
      %get3A_632 = tpu.vector_load %arg12[%get3A_631] {strides = array<i32>} : memref<128xi32, #tpu.memory_space<vmem>>, vector<16xi32>,
      %swap3A_633 = arith.constant 0 : index
      %swap3A_634 = tpu.vector_load %arg15[%swap3A_633] {strides = array<i32>} : memref<128xi32, #tpu.memory_space<vmem>>, vector<16xi32>,
      tpu.vector_store %arg15[%swap3A_633], %get3A_632 {strides = array<i32>} : memref<128xi32, #tpu.memory_space<vmem>>, vector<16xi32>,
      %get3A_635 = arith.constant 16 : index
      %get3A_636 = tpu.vector_load %arg19[%get3A_635] {strides = array<i32>} : memref<128xf32, #tpu.memory_space<vmem>>, vector<16xf32>,
      %get3A_637 = arith.constant 16 : index
      %get3A_638 = tpu.vector_load %arg20[%get3A_637] {strides = array<i32>} : memref<128xf32, #tpu.memory_space<vmem>>, vector<16xf32>,
      %add3A_639 = arith.addf %get3A_636, %get3A_638 : vector<16xf32>
      %ge3A_640 = arith.constant 0.000000e+00 : f32
      %ge3A_641 = vector.broadcast %ge3A_640 : f32 to vector<16xf32>
      %ge3A_642 = arith.cmpf oge, %add3A_639, %ge3A_641 : vector<16xf32>
      %mul3A_643 = arith.constant 2.000000e-01 : f32
      %mul3A_644 = vector.broadcast %mul3A_643 : f32 to vector<16xf32>
      %mul3A_645 = arith.mulf %mul3A_644, %add3A_639 : vector<16xf32>
      %select_n3A_646 = arith.select %ge3A_642, %add3A_639, %mul3A_645 : vector<16xi1>, vector<16xf32>
      %exp3A_647 = math.exp %select_n3A_646 : vector<16xf32>
      %swap3A_648 = arith.constant 16 : index
      %swap3A_649 = tpu.vector_load %arg16[%swap3A_648] {strides = array<i32>} : memref<128xf32, #tpu.memory_space<vmem>>, vector<16xf32>,
      tpu.vector_store %arg16[%swap3A_648], %exp3A_647 {strides = array<i32>} : memref<128xf32, #tpu.memory_space<vmem>>, vector<16xf32>,
      %get3A_650 = arith.constant 16 : index
      %get3A_651 = tpu.vector_load %arg12[%get3A_650] {strides = array<i32>} : memref<128xi32, #tpu.memory_space<vmem>>, vector<16xi32>,
      %swap3A_652 = arith.constant 16 : index
      %swap3A_653 = tpu.vector_load %arg15[%swap3A_652] {strides = array<i32>} : memref<128xi32, #tpu.memory_space<vmem>>, vector<16xi32>,
      tpu.vector_store %arg15[%swap3A_652], %get3A_651 {strides = array<i32>} : memref<128xi32, #tpu.memory_space<vmem>>, vector<16xi32>,
      %get3A_654 = arith.constant 32 : index
      %get3A_655 = tpu.vector_load %arg19[%get3A_654] {strides = array<i32>} : memref<128xf32, #tpu.memory_space<vmem>>, vector<16xf32>,
      %get3A_656 = arith.constant 32 : index
      %get3A_657 = tpu.vector_load %arg20[%get3A_656] {strides = array<i32>} : memref<128xf32, #tpu.memory_space<vmem>>, vector<16xf32>,
      %add3A_658 = arith.addf %get3A_655, %get3A_657 : vector<16xf32>
      %ge3A_659 = arith.constant 0.000000e+00 : f32
      %ge3A_660 = vector.broadcast %ge3A_659 : f32 to vector<16xf32>
      %ge3A_661 = arith.cmpf oge, %add3A_658, %ge3A_660 : vector<16xf32>
      %mul3A_662 = arith.constant 2.000000e-01 : f32
      %mul3A_663 = vector.broadcast %mul3A_662 : f32 to vector<16xf32>
      %mul3A_664 = arith.mulf %mul3A_663, %add3A_658 : vector<16xf32>
      %select_n3A_665 = arith.select %ge3A_661, %add3A_658, %mul3A_664 : vector<16xi1>, vector<16xf32>
      %exp3A_666 = math.exp %select_n3A_665 : vector<16xf32>
      %swap3A_667 = arith.constant 32 : index
      %swap3A_668 = tpu.vector_load %arg16[%swap3A_667] {strides = array<i32>} : memref<128xf32, #tpu.memory_space<vmem>>, vector<16xf32>,
      tpu.vector_store %arg16[%swap3A_667], %exp3A_666 {strides = array<i32>} : memref<128xf32, #tpu.memory_space<vmem>>, vector<16xf32>,
      %get3A_669 = arith.constant 32 : index
      %get3A_670 = tpu.vector_load %arg12[%get3A_669] {strides = array<i32>} : memref<128xi32, #tpu.memory_space<vmem>>, vector<16xi32>,
      %swap3A_671 = arith.constant 32 : index
      %swap3A_672 = tpu.vector_load %arg15[%swap3A_671] {strides = array<i32>} : memref<128xi32, #tpu.memory_space<vmem>>, vector<16xi32>,
      tpu.vector_store %arg15[%swap3A_671], %get3A_670 {strides = array<i32>} : memref<128xi32, #tpu.memory_space<vmem>>, vector<16xi32>,
      %get3A_673 = arith.constant 48 : index
      %get3A_674 = tpu.vector_load %arg19[%get3A_673] {strides = array<i32>} : memref<128xf32, #tpu.memory_space<vmem>>, vector<16xf32>,
      %get3A_675 = arith.constant 48 : index
      %get3A_676 = tpu.vector_load %arg20[%get3A_675] {strides = array<i32>} : memref<128xf32, #tpu.memory_space<vmem>>, vector<16xf32>,
      %add3A_677 = arith.addf %get3A_674, %get3A_676 : vector<16xf32>
      %ge3A_678 = arith.constant 0.000000e+00 : f32
      %ge3A_679 = vector.broadcast %ge3A_678 : f32 to vector<16xf32>
      %ge3A_680 = arith.cmpf oge, %add3A_677, %ge3A_679 : vector<16xf32>
      %mul3A_681 = arith.constant 2.000000e-01 : f32
      %mul3A_682 = vector.broadcast %mul3A_681 : f32 to vector<16xf32>
      %mul3A_683 = arith.mulf %mul3A_682, %add3A_677 : vector<16xf32>
      %select_n3A_684 = arith.select %ge3A_680, %add3A_677, %mul3A_683 : vector<16xi1>, vector<16xf32>
      %exp3A_685 = math.exp %select_n3A_684 : vector<16xf32>
      %swap3A_686 = arith.constant 48 : index
      %swap3A_687 = tpu.vector_load %arg16[%swap3A_686] {strides = array<i32>} : memref<128xf32, #tpu.memory_space<vmem>>, vector<16xf32>,
      tpu.vector_store %arg16[%swap3A_686], %exp3A_685 {strides = array<i32>} : memref<128xf32, #tpu.memory_space<vmem>>, vector<16xf32>,
      %get3A_688 = arith.constant 48 : index
      %get3A_689 = tpu.vector_load %arg12[%get3A_688] {strides = array<i32>} : memref<128xi32, #tpu.memory_space<vmem>>, vector<16xi32>,
      %swap3A_690 = arith.constant 48 : index
      %swap3A_691 = tpu.vector_load %arg15[%swap3A_690] {strides = array<i32>} : memref<128xi32, #tpu.memory_space<vmem>>, vector<16xi32>,
      tpu.vector_store %arg15[%swap3A_690], %get3A_689 {strides = array<i32>} : memref<128xi32, #tpu.memory_space<vmem>>, vector<16xi32>,
      %get3A_692 = arith.constant 64 : index
      %get3A_693 = tpu.vector_load %arg19[%get3A_692] {strides = array<i32>} : memref<128xf32, #tpu.memory_space<vmem>>, vector<16xf32>,
      %get3A_694 = arith.constant 64 : index
      %get3A_695 = tpu.vector_load %arg20[%get3A_694] {strides = array<i32>} : memref<128xf32, #tpu.memory_space<vmem>>, vector<16xf32>,
      %add3A_696 = arith.addf %get3A_693, %get3A_695 : vector<16xf32>
      %ge3A_697 = arith.constant 0.000000e+00 : f32
      %ge3A_698 = vector.broadcast %ge3A_697 : f32 to vector<16xf32>
      %ge3A_699 = arith.cmpf oge, %add3A_696, %ge3A_698 : vector<16xf32>
      %mul3A_700 = arith.constant 2.000000e-01 : f32
      %mul3A_701 = vector.broadcast %mul3A_700 : f32 to vector<16xf32>
      %mul3A_702 = arith.mulf %mul3A_701, %add3A_696 : vector<16xf32>
      %select_n3A_703 = arith.select %ge3A_699, %add3A_696, %mul3A_702 : vector<16xi1>, vector<16xf32>
      %exp3A_704 = math.exp %select_n3A_703 : vector<16xf32>
      %swap3A_705 = arith.constant 64 : index
      %swap3A_706 = tpu.vector_load %arg16[%swap3A_705] {strides = array<i32>} : memref<128xf32, #tpu.memory_space<vmem>>, vector<16xf32>,
      tpu.vector_store %arg16[%swap3A_705], %exp3A_704 {strides = array<i32>} : memref<128xf32, #tpu.memory_space<vmem>>, vector<16xf32>,
      %get3A_707 = arith.constant 64 : index
      %get3A_708 = tpu.vector_load %arg12[%get3A_707] {strides = array<i32>} : memref<128xi32, #tpu.memory_space<vmem>>, vector<16xi32>,
      %swap3A_709 = arith.constant 64 : index
      %swap3A_710 = tpu.vector_load %arg15[%swap3A_709] {strides = array<i32>} : memref<128xi32, #tpu.memory_space<vmem>>, vector<16xi32>,
      tpu.vector_store %arg15[%swap3A_709], %get3A_708 {strides = array<i32>} : memref<128xi32, #tpu.memory_space<vmem>>, vector<16xi32>,
      %get3A_711 = arith.constant 80 : index
      %get3A_712 = tpu.vector_load %arg19[%get3A_711] {strides = array<i32>} : memref<128xf32, #tpu.memory_space<vmem>>, vector<16xf32>,
      %get3A_713 = arith.constant 80 : index
      %get3A_714 = tpu.vector_load %arg20[%get3A_713] {strides = array<i32>} : memref<128xf32, #tpu.memory_space<vmem>>, vector<16xf32>,
      %add3A_715 = arith.addf %get3A_712, %get3A_714 : vector<16xf32>
      %ge3A_716 = arith.constant 0.000000e+00 : f32
      %ge3A_717 = vector.broadcast %ge3A_716 : f32 to vector<16xf32>
      %ge3A_718 = arith.cmpf oge, %add3A_715, %ge3A_717 : vector<16xf32>
      %mul3A_719 = arith.constant 2.000000e-01 : f32
      %mul3A_720 = vector.broadcast %mul3A_719 : f32 to vector<16xf32>
      %mul3A_721 = arith.mulf %mul3A_720, %add3A_715 : vector<16xf32>
      %select_n3A_722 = arith.select %ge3A_718, %add3A_715, %mul3A_721 : vector<16xi1>, vector<16xf32>
      %exp3A_723 = math.exp %select_n3A_722 : vector<16xf32>
      %swap3A_724 = arith.constant 80 : index
      %swap3A_725 = tpu.vector_load %arg16[%swap3A_724] {strides = array<i32>} : memref<128xf32, #tpu.memory_space<vmem>>, vector<16xf32>,
      tpu.vector_store %arg16[%swap3A_724], %exp3A_723 {strides = array<i32>} : memref<128xf32, #tpu.memory_space<vmem>>, vector<16xf32>,
      %get3A_726 = arith.constant 80 : index
      %get3A_727 = tpu.vector_load %arg12[%get3A_726] {strides = array<i32>} : memref<128xi32, #tpu.memory_space<vmem>>, vector<16xi32>,
      %swap3A_728 = arith.constant 80 : index
      %swap3A_729 = tpu.vector_load %arg15[%swap3A_728] {strides = array<i32>} : memref<128xi32, #tpu.memory_space<vmem>>, vector<16xi32>,
      tpu.vector_store %arg15[%swap3A_728], %get3A_727 {strides = array<i32>} : memref<128xi32, #tpu.memory_space<vmem>>, vector<16xi32>,
      %get3A_730 = arith.constant 96 : index
      %get3A_731 = tpu.vector_load %arg19[%get3A_730] {strides = array<i32>} : memref<128xf32, #tpu.memory_space<vmem>>, vector<16xf32>,
      %get3A_732 = arith.constant 96 : index
      %get3A_733 = tpu.vector_load %arg20[%get3A_732] {strides = array<i32>} : memref<128xf32, #tpu.memory_space<vmem>>, vector<16xf32>,
      %add3A_734 = arith.addf %get3A_731, %get3A_733 : vector<16xf32>
      %ge3A_735 = arith.constant 0.000000e+00 : f32
      %ge3A_736 = vector.broadcast %ge3A_735 : f32 to vector<16xf32>
      %ge3A_737 = arith.cmpf oge, %add3A_734, %ge3A_736 : vector<16xf32>
      %mul3A_738 = arith.constant 2.000000e-01 : f32
      %mul3A_739 = vector.broadcast %mul3A_738 : f32 to vector<16xf32>
      %mul3A_740 = arith.mulf %mul3A_739, %add3A_734 : vector<16xf32>
      %select_n3A_741 = arith.select %ge3A_737, %add3A_734, %mul3A_740 : vector<16xi1>, vector<16xf32>
      %exp3A_742 = math.exp %select_n3A_741 : vector<16xf32>
      %swap3A_743 = arith.constant 96 : index
      %swap3A_744 = tpu.vector_load %arg16[%swap3A_743] {strides = array<i32>} : memref<128xf32, #tpu.memory_space<vmem>>, vector<16xf32>,
      tpu.vector_store %arg16[%swap3A_743], %exp3A_742 {strides = array<i32>} : memref<128xf32, #tpu.memory_space<vmem>>, vector<16xf32>,
      %get3A_745 = arith.constant 96 : index
      %get3A_746 = tpu.vector_load %arg12[%get3A_745] {strides = array<i32>} : memref<128xi32, #tpu.memory_space<vmem>>, vector<16xi32>,
      %swap3A_747 = arith.constant 96 : index
      %swap3A_748 = tpu.vector_load %arg15[%swap3A_747] {strides = array<i32>} : memref<128xi32, #tpu.memory_space<vmem>>, vector<16xi32>,
      tpu.vector_store %arg15[%swap3A_747], %get3A_746 {strides = array<i32>} : memref<128xi32, #tpu.memory_space<vmem>>, vector<16xi32>,
      %get3A_749 = arith.constant 112 : index
      %get3A_750 = tpu.vector_load %arg19[%get3A_749] {strides = array<i32>} : memref<128xf32, #tpu.memory_space<vmem>>, vector<16xf32>,
      %get3A_751 = arith.constant 112 : index
      %get3A_752 = tpu.vector_load %arg20[%get3A_751] {strides = array<i32>} : memref<128xf32, #tpu.memory_space<vmem>>, vector<16xf32>,
      %add3A_753 = arith.addf %get3A_750, %get3A_752 : vector<16xf32>
      %ge3A_754 = arith.constant 0.000000e+00 : f32
      %ge3A_755 = vector.broadcast %ge3A_754 : f32 to vector<16xf32>
      %ge3A_756 = arith.cmpf oge, %add3A_753, %ge3A_755 : vector<16xf32>
      %mul3A_757 = arith.constant 2.000000e-01 : f32
      %mul3A_758 = vector.broadcast %mul3A_757 : f32 to vector<16xf32>
      %mul3A_759 = arith.mulf %mul3A_758, %add3A_753 : vector<16xf32>
      %select_n3A_760 = arith.select %ge3A_756, %add3A_753, %mul3A_759 : vector<16xi1>, vector<16xf32>
      %exp3A_761 = math.exp %select_n3A_760 : vector<16xf32>
      %swap3A_762 = arith.constant 112 : index
      %swap3A_763 = tpu.vector_load %arg16[%swap3A_762] {strides = array<i32>} : memref<128xf32, #tpu.memory_space<vmem>>, vector<16xf32>,
      tpu.vector_store %arg16[%swap3A_762], %exp3A_761 {strides = array<i32>} : memref<128xf32, #tpu.memory_space<vmem>>, vector<16xf32>,
      %get3A_764 = arith.constant 112 : index
      %get3A_765 = tpu.vector_load %arg12[%get3A_764] {strides = array<i32>} : memref<128xi32, #tpu.memory_space<vmem>>, vector<16xi32>,
      %swap3A_766 = arith.constant 112 : index
      %swap3A_767 = tpu.vector_load %arg15[%swap3A_766] {strides = array<i32>} : memref<128xi32, #tpu.memory_space<vmem>>, vector<16xi32>,
      tpu.vector_store %arg15[%swap3A_766], %get3A_765 {strides = array<i32>} : memref<128xi32, #tpu.memory_space<vmem>>, vector<16xi32>,
      %add3A_768 = arith.constant 2 : i32
      %add3A_769 = arith.addi %add3A_589, %add3A_768 : i32
      %add3A_770 = arith.addi %mul3A_2, %add3A_769 : i32
      %mul3A_771 = arith.constant 128 : i32
      %mul3A_772 = arith.muli %add3A_770, %mul3A_771 : i32
      %dma_start3A_773 = tpu.memref_slice %arg5[%mul3A_772] : memref<331776xi32, #tpu.memory_space<hbm>> -> memref<128xi32, #tpu.memory_space<hbm>>
      %dma_start3A_774 = tpu.memref_slice %arg5[%mul3A_772] : memref<331776xi32, #tpu.memory_space<hbm>> -> memref<128xi32, #tpu.memory_space<hbm>>
      tpu.enqueue_dma source(%dma_start3A_774 : memref<128xi32, #tpu.memory_space<hbm>>) target(%arg11 : memref<128xi32, #tpu.memory_space<vmem>>) target_semaphore(%arg25 : memref<!tpu.dma_semaphore, #tpu.memory_space<semaphore_mem>>)
      %dma_start3A_775 = tpu.memref_slice %arg6[%mul3A_772] : memref<331776xi32, #tpu.memory_space<hbm>> -> memref<128xi32, #tpu.memory_space<hbm>>
      %dma_start3A_776 = tpu.memref_slice %arg6[%mul3A_772] : memref<331776xi32, #tpu.memory_space<hbm>> -> memref<128xi32, #tpu.memory_space<hbm>>
      tpu.enqueue_dma source(%dma_start3A_776 : memref<128xi32, #tpu.memory_space<hbm>>) target(%arg12 : memref<128xi32, #tpu.memory_space<vmem>>) target_semaphore(%arg25 : memref<!tpu.dma_semaphore, #tpu.memory_space<semaphore_mem>>)
      %parallel_loop3A_777 = arith.constant 0 : i32
      %parallel_loop3A_778 = arith.constant 128 : i32
      %parallel_loop3A_779 = arith.constant 1 : i32
      scf.for %parallel_loop3A_978 = %parallel_loop3A_777 to %parallel_loop3A_778 step %parallel_loop3A_779  : i32 {
        %parallel_loop3A_979 = vector.broadcast %parallel_loop3A_978 : i32 to vector<16xi32>
        %parallel_loop3A_980 = tpu.vector_load_idx %arg16[%parallel_loop3A_979] : memref<128xf32, #tpu.memory_space<vmem>>[vector<16xi32>], vector<16xf32>,
        %parallel_loop3A_981 = arith.index_cast %parallel_loop3A_978 : i32 to index
        %parallel_loop3A_982 = arith.constant 0 : index
        %parallel_loop3A_983 = tpu.vector_load %arg14[%parallel_loop3A_981, %parallel_loop3A_982] {strides = array<i32>} : memref<128x144xf32, #tpu.memory_space<vmem>>, vector<16xf32>,
        %parallel_loop3A_984 = arith.mulf %parallel_loop3A_983, %parallel_loop3A_980 : vector<16xf32>
        %parallel_loop3A_985 = arith.index_cast %parallel_loop3A_978 : i32 to index
        %parallel_loop3A_986 = arith.constant 0 : index
        %parallel_loop3A_987 = tpu.vector_load %arg14[%parallel_loop3A_985, %parallel_loop3A_986] {strides = array<i32>} : memref<128x144xf32, #tpu.memory_space<vmem>>, vector<16xf32>,
        tpu.vector_store %arg14[%parallel_loop3A_985, %parallel_loop3A_986], %parallel_loop3A_984 {strides = array<i32>} : memref<128x144xf32, #tpu.memory_space<vmem>>, vector<16xf32>,
        %parallel_loop3A_988 = arith.index_cast %parallel_loop3A_978 : i32 to index
        %parallel_loop3A_989 = arith.constant 16 : index
        %parallel_loop3A_990 = tpu.vector_load %arg14[%parallel_loop3A_988, %parallel_loop3A_989] {strides = array<i32>} : memref<128x144xf32, #tpu.memory_space<vmem>>, vector<16xf32>,
        %parallel_loop3A_991 = arith.mulf %parallel_loop3A_990, %parallel_loop3A_980 : vector<16xf32>
        %parallel_loop3A_992 = arith.index_cast %parallel_loop3A_978 : i32 to index
        %parallel_loop3A_993 = arith.constant 16 : index
        %parallel_loop3A_994 = tpu.vector_load %arg14[%parallel_loop3A_992, %parallel_loop3A_993] {strides = array<i32>} : memref<128x144xf32, #tpu.memory_space<vmem>>, vector<16xf32>,
        tpu.vector_store %arg14[%parallel_loop3A_992, %parallel_loop3A_993], %parallel_loop3A_991 {strides = array<i32>} : memref<128x144xf32, #tpu.memory_space<vmem>>, vector<16xf32>,
        %parallel_loop3A_995 = arith.index_cast %parallel_loop3A_978 : i32 to index
        %parallel_loop3A_996 = arith.constant 32 : index
        %parallel_loop3A_997 = tpu.vector_load %arg14[%parallel_loop3A_995, %parallel_loop3A_996] {strides = array<i32>} : memref<128x144xf32, #tpu.memory_space<vmem>>, vector<16xf32>,
        %parallel_loop3A_998 = arith.mulf %parallel_loop3A_997, %parallel_loop3A_980 : vector<16xf32>
        %parallel_loop3A_999 = arith.index_cast %parallel_loop3A_978 : i32 to index
        %parallel_loop3A_1000 = arith.constant 32 : index
        %parallel_loop3A_1001 = tpu.vector_load %arg14[%parallel_loop3A_999, %parallel_loop3A_1000] {strides = array<i32>} : memref<128x144xf32, #tpu.memory_space<vmem>>, vector<16xf32>,
        tpu.vector_store %arg14[%parallel_loop3A_999, %parallel_loop3A_1000], %parallel_loop3A_998 {strides = array<i32>} : memref<128x144xf32, #tpu.memory_space<vmem>>, vector<16xf32>,
        %parallel_loop3A_1002 = arith.index_cast %parallel_loop3A_978 : i32 to index
        %parallel_loop3A_1003 = arith.constant 48 : index
        %parallel_loop3A_1004 = tpu.vector_load %arg14[%parallel_loop3A_1002, %parallel_loop3A_1003] {strides = array<i32>} : memref<128x144xf32, #tpu.memory_space<vmem>>, vector<16xf32>,
        %parallel_loop3A_1005 = arith.mulf %parallel_loop3A_1004, %parallel_loop3A_980 : vector<16xf32>
        %parallel_loop3A_1006 = arith.index_cast %parallel_loop3A_978 : i32 to index
        %parallel_loop3A_1007 = arith.constant 48 : index
        %parallel_loop3A_1008 = tpu.vector_load %arg14[%parallel_loop3A_1006, %parallel_loop3A_1007] {strides = array<i32>} : memref<128x144xf32, #tpu.memory_space<vmem>>, vector<16xf32>,
        tpu.vector_store %arg14[%parallel_loop3A_1006, %parallel_loop3A_1007], %parallel_loop3A_1005 {strides = array<i32>} : memref<128x144xf32, #tpu.memory_space<vmem>>, vector<16xf32>,
        %parallel_loop3A_1009 = arith.index_cast %parallel_loop3A_978 : i32 to index
        %parallel_loop3A_1010 = arith.constant 64 : index
        %parallel_loop3A_1011 = tpu.vector_load %arg14[%parallel_loop3A_1009, %parallel_loop3A_1010] {strides = array<i32>} : memref<128x144xf32, #tpu.memory_space<vmem>>, vector<16xf32>,
        %parallel_loop3A_1012 = arith.mulf %parallel_loop3A_1011, %parallel_loop3A_980 : vector<16xf32>
        %parallel_loop3A_1013 = arith.index_cast %parallel_loop3A_978 : i32 to index
        %parallel_loop3A_1014 = arith.constant 64 : index
        %parallel_loop3A_1015 = tpu.vector_load %arg14[%parallel_loop3A_1013, %parallel_loop3A_1014] {strides = array<i32>} : memref<128x144xf32, #tpu.memory_space<vmem>>, vector<16xf32>,
        tpu.vector_store %arg14[%parallel_loop3A_1013, %parallel_loop3A_1014], %parallel_loop3A_1012 {strides = array<i32>} : memref<128x144xf32, #tpu.memory_space<vmem>>, vector<16xf32>,
        %parallel_loop3A_1016 = arith.index_cast %parallel_loop3A_978 : i32 to index
        %parallel_loop3A_1017 = arith.constant 80 : index
        %parallel_loop3A_1018 = tpu.vector_load %arg14[%parallel_loop3A_1016, %parallel_loop3A_1017] {strides = array<i32>} : memref<128x144xf32, #tpu.memory_space<vmem>>, vector<16xf32>,
        %parallel_loop3A_1019 = arith.mulf %parallel_loop3A_1018, %parallel_loop3A_980 : vector<16xf32>
        %parallel_loop3A_1020 = arith.index_cast %parallel_loop3A_978 : i32 to index
        %parallel_loop3A_1021 = arith.constant 80 : index
        %parallel_loop3A_1022 = tpu.vector_load %arg14[%parallel_loop3A_1020, %parallel_loop3A_1021] {strides = array<i32>} : memref<128x144xf32, #tpu.memory_space<vmem>>, vector<16xf32>,
        tpu.vector_store %arg14[%parallel_loop3A_1020, %parallel_loop3A_1021], %parallel_loop3A_1019 {strides = array<i32>} : memref<128x144xf32, #tpu.memory_space<vmem>>, vector<16xf32>,
        %parallel_loop3A_1023 = arith.index_cast %parallel_loop3A_978 : i32 to index
        %parallel_loop3A_1024 = arith.constant 96 : index
        %parallel_loop3A_1025 = tpu.vector_load %arg14[%parallel_loop3A_1023, %parallel_loop3A_1024] {strides = array<i32>} : memref<128x144xf32, #tpu.memory_space<vmem>>, vector<16xf32>,
        %parallel_loop3A_1026 = arith.mulf %parallel_loop3A_1025, %parallel_loop3A_980 : vector<16xf32>
        %parallel_loop3A_1027 = arith.index_cast %parallel_loop3A_978 : i32 to index
        %parallel_loop3A_1028 = arith.constant 96 : index
        %parallel_loop3A_1029 = tpu.vector_load %arg14[%parallel_loop3A_1027, %parallel_loop3A_1028] {strides = array<i32>} : memref<128x144xf32, #tpu.memory_space<vmem>>, vector<16xf32>,
        tpu.vector_store %arg14[%parallel_loop3A_1027, %parallel_loop3A_1028], %parallel_loop3A_1026 {strides = array<i32>} : memref<128x144xf32, #tpu.memory_space<vmem>>, vector<16xf32>,
        %parallel_loop3A_1030 = arith.index_cast %parallel_loop3A_978 : i32 to index
        %parallel_loop3A_1031 = arith.constant 112 : index
        %parallel_loop3A_1032 = tpu.vector_load %arg14[%parallel_loop3A_1030, %parallel_loop3A_1031] {strides = array<i32>} : memref<128x144xf32, #tpu.memory_space<vmem>>, vector<16xf32>,
        %parallel_loop3A_1033 = arith.mulf %parallel_loop3A_1032, %parallel_loop3A_980 : vector<16xf32>
        %parallel_loop3A_1034 = arith.index_cast %parallel_loop3A_978 : i32 to index
        %parallel_loop3A_1035 = arith.constant 112 : index
        %parallel_loop3A_1036 = tpu.vector_load %arg14[%parallel_loop3A_1034, %parallel_loop3A_1035] {strides = array<i32>} : memref<128x144xf32, #tpu.memory_space<vmem>>, vector<16xf32>,
        tpu.vector_store %arg14[%parallel_loop3A_1034, %parallel_loop3A_1035], %parallel_loop3A_1033 {strides = array<i32>} : memref<128x144xf32, #tpu.memory_space<vmem>>, vector<16xf32>,
        %parallel_loop3A_1037 = arith.index_cast %parallel_loop3A_978 : i32 to index
        %parallel_loop3A_1038 = arith.constant 128 : index
        %parallel_loop3A_1039 = tpu.vector_load %arg14[%parallel_loop3A_1037, %parallel_loop3A_1038] {strides = array<i32>} : memref<128x144xf32, #tpu.memory_space<vmem>>, vector<16xf32>,
        %parallel_loop3A_1040 = arith.mulf %parallel_loop3A_1039, %parallel_loop3A_980 : vector<16xf32>
        %parallel_loop3A_1041 = arith.index_cast %parallel_loop3A_978 : i32 to index
        %parallel_loop3A_1042 = arith.constant 128 : index
        %parallel_loop3A_1043 = tpu.vector_load %arg14[%parallel_loop3A_1041, %parallel_loop3A_1042] {strides = array<i32>} : memref<128x144xf32, #tpu.memory_space<vmem>>, vector<16xf32>,
        tpu.vector_store %arg14[%parallel_loop3A_1041, %parallel_loop3A_1042], %parallel_loop3A_1040 {strides = array<i32>} : memref<128x144xf32, #tpu.memory_space<vmem>>, vector<16xf32>,
      } {sc.loop_unroll_factor = 2 : i64, sc.parallel_access}
      %dma_start3A_780 = arith.constant 0 : i32
      %dma_start3A_781 = arith.constant 0 : i32
      %dma_start3A_782 = tpu.memref_slice %arg21[%dma_start3A_780, %dma_start3A_781] : memref<10016x144xf32, #tpu.memory_space<vmem_shared>> -> memref<10016x144xf32, #tpu.memory_space<vmem_shared>>
      tpu.enqueue_indirect_dma source(%arg14 : memref<128x144xf32, #tpu.memory_space<vmem>>) target(%dma_start3A_782 : memref<10016x144xf32, #tpu.memory_space<vmem_shared>>) offsets(%arg15 : memref<128xi32, #tpu.memory_space<vmem>>) semaphore(%arg24 : memref<!tpu.dma_semaphore, #tpu.memory_space<semaphore_mem>>) {add = true}
      %add3A_783 = arith.constant 1 : i32
      %add3A_784 = arith.addi %add3A_589, %add3A_783 : i32
      %dma_wait3A_785 = arith.constant 0 : i32
      %dma_wait3A_786 = arith.constant 0 : i32
      %dma_wait3A_787 = tpu.memref_slice %arg21[%dma_wait3A_785, %dma_wait3A_786] : memref<10016x144xf32, #tpu.memory_space<vmem_shared>> -> memref<10016x144xf32, #tpu.memory_space<vmem_shared>>
      tpu.wait_indirect_dma semaphore(%arg24 : memref<!tpu.dma_semaphore, #tpu.memory_space<semaphore_mem>>) src(%arg14 : memref<128x144xf32, #tpu.memory_space<vmem>>) dst(%dma_wait3A_787 : memref<10016x144xf32, #tpu.memory_space<vmem_shared>>)
      %add3A_788 = arith.constant 1 : i32
      %add3A_789 = arith.addi %add3A_784, %add3A_788 : i32
      %add3A_790 = arith.addi %mul3A_2, %add3A_789 : i32
      %mul3A_791 = arith.constant 128 : i32
      %mul3A_792 = arith.muli %add3A_790, %mul3A_791 : i32
      %dma_wait3A_793 = tpu.memref_slice %arg5[%mul3A_792] : memref<331776xi32, #tpu.memory_space<hbm>> -> memref<128xi32, #tpu.memory_space<hbm>>
      %dma_wait3A_794 = tpu.memref_slice %arg5[%mul3A_792] : memref<331776xi32, #tpu.memory_space<hbm>> -> memref<128xi32, #tpu.memory_space<hbm>>
      tpu.wait_dma2 semaphore(%arg25 : memref<!tpu.dma_semaphore, #tpu.memory_space<semaphore_mem>>) src(%dma_wait3A_794 : memref<128xi32, #tpu.memory_space<hbm>>) dst(%arg11 : memref<128xi32, #tpu.memory_space<vmem>>)
      %dma_wait3A_795 = tpu.memref_slice %arg6[%mul3A_792] : memref<331776xi32, #tpu.memory_space<hbm>> -> memref<128xi32, #tpu.memory_space<hbm>>
      %dma_wait3A_796 = tpu.memref_slice %arg6[%mul3A_792] : memref<331776xi32, #tpu.memory_space<hbm>> -> memref<128xi32, #tpu.memory_space<hbm>>
      tpu.wait_dma2 semaphore(%arg25 : memref<!tpu.dma_semaphore, #tpu.memory_space<semaphore_mem>>) src(%dma_wait3A_796 : memref<128xi32, #tpu.memory_space<hbm>>) dst(%arg12 : memref<128xi32, #tpu.memory_space<vmem>>)
      %dma_start3A_797 = arith.constant 0 : i32
      %dma_start3A_798 = arith.constant 0 : i32
      %dma_start3A_799 = tpu.memref_slice %arg2[%dma_start3A_797, %dma_start3A_798] : memref<10016x144xf32, #tpu.memory_space<hbm>> -> memref<10016x144xf32, #tpu.memory_space<hbm>>
      tpu.enqueue_indirect_dma source(%dma_start3A_799 : memref<10016x144xf32, #tpu.memory_space<hbm>>) target(%arg14 : memref<128x144xf32, #tpu.memory_space<vmem>>) offsets(%arg11 : memref<128xi32, #tpu.memory_space<vmem>>) semaphore(%arg23 : memref<!tpu.dma_semaphore, #tpu.memory_space<semaphore_mem>>)
      %dma_start3A_800 = arith.constant 0 : i32
      %dma_start3A_801 = tpu.memref_slice %arg3[%dma_start3A_800] : memref<10016xf32, #tpu.memory_space<hbm>> -> memref<10016xf32, #tpu.memory_space<hbm>>
      tpu.enqueue_indirect_dma source(%dma_start3A_801 : memref<10016xf32, #tpu.memory_space<hbm>>) target(%arg19 : memref<128xf32, #tpu.memory_space<vmem>>) offsets(%arg11 : memref<128xi32, #tpu.memory_space<vmem>>) semaphore(%arg23 : memref<!tpu.dma_semaphore, #tpu.memory_space<semaphore_mem>>)
      %dma_start3A_802 = arith.constant 0 : i32
      %dma_start3A_803 = tpu.memref_slice %arg4[%dma_start3A_802] : memref<10016xf32, #tpu.memory_space<hbm>> -> memref<10016xf32, #tpu.memory_space<hbm>>
      tpu.enqueue_indirect_dma source(%dma_start3A_803 : memref<10016xf32, #tpu.memory_space<hbm>>) target(%arg20 : memref<128xf32, #tpu.memory_space<vmem>>) offsets(%arg12 : memref<128xi32, #tpu.memory_space<vmem>>) semaphore(%arg23 : memref<!tpu.dma_semaphore, #tpu.memory_space<semaphore_mem>>)
      %dma_wait3A_804 = arith.constant 0 : i32
      %dma_wait3A_805 = arith.constant 0 : i32
      %dma_wait3A_806 = tpu.memref_slice %arg2[%dma_wait3A_804, %dma_wait3A_805] : memref<10016x144xf32, #tpu.memory_space<hbm>> -> memref<10016x144xf32, #tpu.memory_space<hbm>>
      tpu.wait_indirect_dma semaphore(%arg22 : memref<!tpu.dma_semaphore, #tpu.memory_space<semaphore_mem>>) src(%dma_wait3A_806 : memref<10016x144xf32, #tpu.memory_space<hbm>>) dst(%arg13 : memref<128x144xf32, #tpu.memory_space<vmem>>)
      %dma_wait3A_807 = arith.constant 0 : i32
      %dma_wait3A_808 = tpu.memref_slice %arg3[%dma_wait3A_807] : memref<10016xf32, #tpu.memory_space<hbm>> -> memref<10016xf32, #tpu.memory_space<hbm>>
      tpu.wait_indirect_dma semaphore(%arg22 : memref<!tpu.dma_semaphore, #tpu.memory_space<semaphore_mem>>) src(%dma_wait3A_808 : memref<10016xf32, #tpu.memory_space<hbm>>) dst(%arg17 : memref<128xf32, #tpu.memory_space<vmem>>)
      %dma_wait3A_809 = arith.constant 0 : i32
      %dma_wait3A_810 = tpu.memref_slice %arg4[%dma_wait3A_809] : memref<10016xf32, #tpu.memory_space<hbm>> -> memref<10016xf32, #tpu.memory_space<hbm>>
      tpu.wait_indirect_dma semaphore(%arg22 : memref<!tpu.dma_semaphore, #tpu.memory_space<semaphore_mem>>) src(%dma_wait3A_810 : memref<10016xf32, #tpu.memory_space<hbm>>) dst(%arg18 : memref<128xf32, #tpu.memory_space<vmem>>)
      %get3A_811 = arith.constant 0 : index
      %get3A_812 = tpu.vector_load %arg17[%get3A_811] {strides = array<i32>} : memref<128xf32, #tpu.memory_space<vmem>>, vector<16xf32>,
      %get3A_813 = arith.constant 0 : index
      %get3A_814 = tpu.vector_load %arg18[%get3A_813] {strides = array<i32>} : memref<128xf32, #tpu.memory_space<vmem>>, vector<16xf32>,
      %add3A_815 = arith.addf %get3A_812, %get3A_814 : vector<16xf32>
      %ge3A_816 = arith.constant 0.000000e+00 : f32
      %ge3A_817 = vector.broadcast %ge3A_816 : f32 to vector<16xf32>
      %ge3A_818 = arith.cmpf oge, %add3A_815, %ge3A_817 : vector<16xf32>
      %mul3A_819 = arith.constant 2.000000e-01 : f32
      %mul3A_820 = vector.broadcast %mul3A_819 : f32 to vector<16xf32>
      %mul3A_821 = arith.mulf %mul3A_820, %add3A_815 : vector<16xf32>
      %select_n3A_822 = arith.select %ge3A_818, %add3A_815, %mul3A_821 : vector<16xi1>, vector<16xf32>
      %exp3A_823 = math.exp %select_n3A_822 : vector<16xf32>
      %swap3A_824 = arith.constant 0 : index
      %swap3A_825 = tpu.vector_load %arg16[%swap3A_824] {strides = array<i32>} : memref<128xf32, #tpu.memory_space<vmem>>, vector<16xf32>,
      tpu.vector_store %arg16[%swap3A_824], %exp3A_823 {strides = array<i32>} : memref<128xf32, #tpu.memory_space<vmem>>, vector<16xf32>,
      %get3A_826 = arith.constant 0 : index
      %get3A_827 = tpu.vector_load %arg10[%get3A_826] {strides = array<i32>} : memref<128xi32, #tpu.memory_space<vmem>>, vector<16xi32>,
      %swap3A_828 = arith.constant 0 : index
      %swap3A_829 = tpu.vector_load %arg15[%swap3A_828] {strides = array<i32>} : memref<128xi32, #tpu.memory_space<vmem>>, vector<16xi32>,
      tpu.vector_store %arg15[%swap3A_828], %get3A_827 {strides = array<i32>} : memref<128xi32, #tpu.memory_space<vmem>>, vector<16xi32>,
      %get3A_830 = arith.constant 16 : index
      %get3A_831 = tpu.vector_load %arg17[%get3A_830] {strides = array<i32>} : memref<128xf32, #tpu.memory_space<vmem>>, vector<16xf32>,
      %get3A_832 = arith.constant 16 : index
      %get3A_833 = tpu.vector_load %arg18[%get3A_832] {strides = array<i32>} : memref<128xf32, #tpu.memory_space<vmem>>, vector<16xf32>,
      %add3A_834 = arith.addf %get3A_831, %get3A_833 : vector<16xf32>
      %ge3A_835 = arith.constant 0.000000e+00 : f32
      %ge3A_836 = vector.broadcast %ge3A_835 : f32 to vector<16xf32>
      %ge3A_837 = arith.cmpf oge, %add3A_834, %ge3A_836 : vector<16xf32>
      %mul3A_838 = arith.constant 2.000000e-01 : f32
      %mul3A_839 = vector.broadcast %mul3A_838 : f32 to vector<16xf32>
      %mul3A_840 = arith.mulf %mul3A_839, %add3A_834 : vector<16xf32>
      %select_n3A_841 = arith.select %ge3A_837, %add3A_834, %mul3A_840 : vector<16xi1>, vector<16xf32>
      %exp3A_842 = math.exp %select_n3A_841 : vector<16xf32>
      %swap3A_843 = arith.constant 16 : index
      %swap3A_844 = tpu.vector_load %arg16[%swap3A_843] {strides = array<i32>} : memref<128xf32, #tpu.memory_space<vmem>>, vector<16xf32>,
      tpu.vector_store %arg16[%swap3A_843], %exp3A_842 {strides = array<i32>} : memref<128xf32, #tpu.memory_space<vmem>>, vector<16xf32>,
      %get3A_845 = arith.constant 16 : index
      %get3A_846 = tpu.vector_load %arg10[%get3A_845] {strides = array<i32>} : memref<128xi32, #tpu.memory_space<vmem>>, vector<16xi32>,
      %swap3A_847 = arith.constant 16 : index
      %swap3A_848 = tpu.vector_load %arg15[%swap3A_847] {strides = array<i32>} : memref<128xi32, #tpu.memory_space<vmem>>, vector<16xi32>,
      tpu.vector_store %arg15[%swap3A_847], %get3A_846 {strides = array<i32>} : memref<128xi32, #tpu.memory_space<vmem>>, vector<16xi32>,
      %get3A_849 = arith.constant 32 : index
      %get3A_850 = tpu.vector_load %arg17[%get3A_849] {strides = array<i32>} : memref<128xf32, #tpu.memory_space<vmem>>, vector<16xf32>,
      %get3A_851 = arith.constant 32 : index
      %get3A_852 = tpu.vector_load %arg18[%get3A_851] {strides = array<i32>} : memref<128xf32, #tpu.memory_space<vmem>>, vector<16xf32>,
      %add3A_853 = arith.addf %get3A_850, %get3A_852 : vector<16xf32>
      %ge3A_854 = arith.constant 0.000000e+00 : f32
      %ge3A_855 = vector.broadcast %ge3A_854 : f32 to vector<16xf32>
      %ge3A_856 = arith.cmpf oge, %add3A_853, %ge3A_855 : vector<16xf32>
      %mul3A_857 = arith.constant 2.000000e-01 : f32
      %mul3A_858 = vector.broadcast %mul3A_857 : f32 to vector<16xf32>
      %mul3A_859 = arith.mulf %mul3A_858, %add3A_853 : vector<16xf32>
      %select_n3A_860 = arith.select %ge3A_856, %add3A_853, %mul3A_859 : vector<16xi1>, vector<16xf32>
      %exp3A_861 = math.exp %select_n3A_860 : vector<16xf32>
      %swap3A_862 = arith.constant 32 : index
      %swap3A_863 = tpu.vector_load %arg16[%swap3A_862] {strides = array<i32>} : memref<128xf32, #tpu.memory_space<vmem>>, vector<16xf32>,
      tpu.vector_store %arg16[%swap3A_862], %exp3A_861 {strides = array<i32>} : memref<128xf32, #tpu.memory_space<vmem>>, vector<16xf32>,
      %get3A_864 = arith.constant 32 : index
      %get3A_865 = tpu.vector_load %arg10[%get3A_864] {strides = array<i32>} : memref<128xi32, #tpu.memory_space<vmem>>, vector<16xi32>,
      %swap3A_866 = arith.constant 32 : index
      %swap3A_867 = tpu.vector_load %arg15[%swap3A_866] {strides = array<i32>} : memref<128xi32, #tpu.memory_space<vmem>>, vector<16xi32>,
      tpu.vector_store %arg15[%swap3A_866], %get3A_865 {strides = array<i32>} : memref<128xi32, #tpu.memory_space<vmem>>, vector<16xi32>,
      %get3A_868 = arith.constant 48 : index
      %get3A_869 = tpu.vector_load %arg17[%get3A_868] {strides = array<i32>} : memref<128xf32, #tpu.memory_space<vmem>>, vector<16xf32>,
      %get3A_870 = arith.constant 48 : index
      %get3A_871 = tpu.vector_load %arg18[%get3A_870] {strides = array<i32>} : memref<128xf32, #tpu.memory_space<vmem>>, vector<16xf32>,
      %add3A_872 = arith.addf %get3A_869, %get3A_871 : vector<16xf32>
      %ge3A_873 = arith.constant 0.000000e+00 : f32
      %ge3A_874 = vector.broadcast %ge3A_873 : f32 to vector<16xf32>
      %ge3A_875 = arith.cmpf oge, %add3A_872, %ge3A_874 : vector<16xf32>
      %mul3A_876 = arith.constant 2.000000e-01 : f32
      %mul3A_877 = vector.broadcast %mul3A_876 : f32 to vector<16xf32>
      %mul3A_878 = arith.mulf %mul3A_877, %add3A_872 : vector<16xf32>
      %select_n3A_879 = arith.select %ge3A_875, %add3A_872, %mul3A_878 : vector<16xi1>, vector<16xf32>
      %exp3A_880 = math.exp %select_n3A_879 : vector<16xf32>
      %swap3A_881 = arith.constant 48 : index
      %swap3A_882 = tpu.vector_load %arg16[%swap3A_881] {strides = array<i32>} : memref<128xf32, #tpu.memory_space<vmem>>, vector<16xf32>,
      tpu.vector_store %arg16[%swap3A_881], %exp3A_880 {strides = array<i32>} : memref<128xf32, #tpu.memory_space<vmem>>, vector<16xf32>,
      %get3A_883 = arith.constant 48 : index
      %get3A_884 = tpu.vector_load %arg10[%get3A_883] {strides = array<i32>} : memref<128xi32, #tpu.memory_space<vmem>>, vector<16xi32>,
      %swap3A_885 = arith.constant 48 : index
      %swap3A_886 = tpu.vector_load %arg15[%swap3A_885] {strides = array<i32>} : memref<128xi32, #tpu.memory_space<vmem>>, vector<16xi32>,
      tpu.vector_store %arg15[%swap3A_885], %get3A_884 {strides = array<i32>} : memref<128xi32, #tpu.memory_space<vmem>>, vector<16xi32>,
      %get3A_887 = arith.constant 64 : index
      %get3A_888 = tpu.vector_load %arg17[%get3A_887] {strides = array<i32>} : memref<128xf32, #tpu.memory_space<vmem>>, vector<16xf32>,
      %get3A_889 = arith.constant 64 : index
      %get3A_890 = tpu.vector_load %arg18[%get3A_889] {strides = array<i32>} : memref<128xf32, #tpu.memory_space<vmem>>, vector<16xf32>,
      %add3A_891 = arith.addf %get3A_888, %get3A_890 : vector<16xf32>
      %ge3A_892 = arith.constant 0.000000e+00 : f32
      %ge3A_893 = vector.broadcast %ge3A_892 : f32 to vector<16xf32>
      %ge3A_894 = arith.cmpf oge, %add3A_891, %ge3A_893 : vector<16xf32>
      %mul3A_895 = arith.constant 2.000000e-01 : f32
      %mul3A_896 = vector.broadcast %mul3A_895 : f32 to vector<16xf32>
      %mul3A_897 = arith.mulf %mul3A_896, %add3A_891 : vector<16xf32>
      %select_n3A_898 = arith.select %ge3A_894, %add3A_891, %mul3A_897 : vector<16xi1>, vector<16xf32>
      %exp3A_899 = math.exp %select_n3A_898 : vector<16xf32>
      %swap3A_900 = arith.constant 64 : index
      %swap3A_901 = tpu.vector_load %arg16[%swap3A_900] {strides = array<i32>} : memref<128xf32, #tpu.memory_space<vmem>>, vector<16xf32>,
      tpu.vector_store %arg16[%swap3A_900], %exp3A_899 {strides = array<i32>} : memref<128xf32, #tpu.memory_space<vmem>>, vector<16xf32>,
      %get3A_902 = arith.constant 64 : index
      %get3A_903 = tpu.vector_load %arg10[%get3A_902] {strides = array<i32>} : memref<128xi32, #tpu.memory_space<vmem>>, vector<16xi32>,
      %swap3A_904 = arith.constant 64 : index
      %swap3A_905 = tpu.vector_load %arg15[%swap3A_904] {strides = array<i32>} : memref<128xi32, #tpu.memory_space<vmem>>, vector<16xi32>,
      tpu.vector_store %arg15[%swap3A_904], %get3A_903 {strides = array<i32>} : memref<128xi32, #tpu.memory_space<vmem>>, vector<16xi32>,
      %get3A_906 = arith.constant 80 : index
      %get3A_907 = tpu.vector_load %arg17[%get3A_906] {strides = array<i32>} : memref<128xf32, #tpu.memory_space<vmem>>, vector<16xf32>,
      %get3A_908 = arith.constant 80 : index
      %get3A_909 = tpu.vector_load %arg18[%get3A_908] {strides = array<i32>} : memref<128xf32, #tpu.memory_space<vmem>>, vector<16xf32>,
      %add3A_910 = arith.addf %get3A_907, %get3A_909 : vector<16xf32>
      %ge3A_911 = arith.constant 0.000000e+00 : f32
      %ge3A_912 = vector.broadcast %ge3A_911 : f32 to vector<16xf32>
      %ge3A_913 = arith.cmpf oge, %add3A_910, %ge3A_912 : vector<16xf32>
      %mul3A_914 = arith.constant 2.000000e-01 : f32
      %mul3A_915 = vector.broadcast %mul3A_914 : f32 to vector<16xf32>
      %mul3A_916 = arith.mulf %mul3A_915, %add3A_910 : vector<16xf32>
      %select_n3A_917 = arith.select %ge3A_913, %add3A_910, %mul3A_916 : vector<16xi1>, vector<16xf32>
      %exp3A_918 = math.exp %select_n3A_917 : vector<16xf32>
      %swap3A_919 = arith.constant 80 : index
      %swap3A_920 = tpu.vector_load %arg16[%swap3A_919] {strides = array<i32>} : memref<128xf32, #tpu.memory_space<vmem>>, vector<16xf32>,
      tpu.vector_store %arg16[%swap3A_919], %exp3A_918 {strides = array<i32>} : memref<128xf32, #tpu.memory_space<vmem>>, vector<16xf32>,
      %get3A_921 = arith.constant 80 : index
      %get3A_922 = tpu.vector_load %arg10[%get3A_921] {strides = array<i32>} : memref<128xi32, #tpu.memory_space<vmem>>, vector<16xi32>,
      %swap3A_923 = arith.constant 80 : index
      %swap3A_924 = tpu.vector_load %arg15[%swap3A_923] {strides = array<i32>} : memref<128xi32, #tpu.memory_space<vmem>>, vector<16xi32>,
      tpu.vector_store %arg15[%swap3A_923], %get3A_922 {strides = array<i32>} : memref<128xi32, #tpu.memory_space<vmem>>, vector<16xi32>,
      %get3A_925 = arith.constant 96 : index
      %get3A_926 = tpu.vector_load %arg17[%get3A_925] {strides = array<i32>} : memref<128xf32, #tpu.memory_space<vmem>>, vector<16xf32>,
      %get3A_927 = arith.constant 96 : index
      %get3A_928 = tpu.vector_load %arg18[%get3A_927] {strides = array<i32>} : memref<128xf32, #tpu.memory_space<vmem>>, vector<16xf32>,
      %add3A_929 = arith.addf %get3A_926, %get3A_928 : vector<16xf32>
      %ge3A_930 = arith.constant 0.000000e+00 : f32
      %ge3A_931 = vector.broadcast %ge3A_930 : f32 to vector<16xf32>
      %ge3A_932 = arith.cmpf oge, %add3A_929, %ge3A_931 : vector<16xf32>
      %mul3A_933 = arith.constant 2.000000e-01 : f32
      %mul3A_934 = vector.broadcast %mul3A_933 : f32 to vector<16xf32>
      %mul3A_935 = arith.mulf %mul3A_934, %add3A_929 : vector<16xf32>
      %select_n3A_936 = arith.select %ge3A_932, %add3A_929, %mul3A_935 : vector<16xi1>, vector<16xf32>
      %exp3A_937 = math.exp %select_n3A_936 : vector<16xf32>
      %swap3A_938 = arith.constant 96 : index
      %swap3A_939 = tpu.vector_load %arg16[%swap3A_938] {strides = array<i32>} : memref<128xf32, #tpu.memory_space<vmem>>, vector<16xf32>,
      tpu.vector_store %arg16[%swap3A_938], %exp3A_937 {strides = array<i32>} : memref<128xf32, #tpu.memory_space<vmem>>, vector<16xf32>,
      %get3A_940 = arith.constant 96 : index
      %get3A_941 = tpu.vector_load %arg10[%get3A_940] {strides = array<i32>} : memref<128xi32, #tpu.memory_space<vmem>>, vector<16xi32>,
      %swap3A_942 = arith.constant 96 : index
      %swap3A_943 = tpu.vector_load %arg15[%swap3A_942] {strides = array<i32>} : memref<128xi32, #tpu.memory_space<vmem>>, vector<16xi32>,
      tpu.vector_store %arg15[%swap3A_942], %get3A_941 {strides = array<i32>} : memref<128xi32, #tpu.memory_space<vmem>>, vector<16xi32>,
      %get3A_944 = arith.constant 112 : index
      %get3A_945 = tpu.vector_load %arg17[%get3A_944] {strides = array<i32>} : memref<128xf32, #tpu.memory_space<vmem>>, vector<16xf32>,
      %get3A_946 = arith.constant 112 : index
      %get3A_947 = tpu.vector_load %arg18[%get3A_946] {strides = array<i32>} : memref<128xf32, #tpu.memory_space<vmem>>, vector<16xf32>,
      %add3A_948 = arith.addf %get3A_945, %get3A_947 : vector<16xf32>
      %ge3A_949 = arith.constant 0.000000e+00 : f32
      %ge3A_950 = vector.broadcast %ge3A_949 : f32 to vector<16xf32>
      %ge3A_951 = arith.cmpf oge, %add3A_948, %ge3A_950 : vector<16xf32>
      %mul3A_952 = arith.constant 2.000000e-01 : f32
      %mul3A_953 = vector.broadcast %mul3A_952 : f32 to vector<16xf32>
      %mul3A_954 = arith.mulf %mul3A_953, %add3A_948 : vector<16xf32>
      %select_n3A_955 = arith.select %ge3A_951, %add3A_948, %mul3A_954 : vector<16xi1>, vector<16xf32>
      %exp3A_956 = math.exp %select_n3A_955 : vector<16xf32>
      %swap3A_957 = arith.constant 112 : index
      %swap3A_958 = tpu.vector_load %arg16[%swap3A_957] {strides = array<i32>} : memref<128xf32, #tpu.memory_space<vmem>>, vector<16xf32>,
      tpu.vector_store %arg16[%swap3A_957], %exp3A_956 {strides = array<i32>} : memref<128xf32, #tpu.memory_space<vmem>>, vector<16xf32>,
      %get3A_959 = arith.constant 112 : index
      %get3A_960 = tpu.vector_load %arg10[%get3A_959] {strides = array<i32>} : memref<128xi32, #tpu.memory_space<vmem>>, vector<16xi32>,
      %swap3A_961 = arith.constant 112 : index
      %swap3A_962 = tpu.vector_load %arg15[%swap3A_961] {strides = array<i32>} : memref<128xi32, #tpu.memory_space<vmem>>, vector<16xi32>,
      tpu.vector_store %arg15[%swap3A_961], %get3A_960 {strides = array<i32>} : memref<128xi32, #tpu.memory_space<vmem>>, vector<16xi32>,
      %add3A_963 = arith.constant 2 : i32
      %add3A_964 = arith.addi %add3A_784, %add3A_963 : i32
      %add3A_965 = arith.addi %mul3A_2, %add3A_964 : i32
      %mul3A_966 = arith.constant 128 : i32
      %mul3A_967 = arith.muli %add3A_965, %mul3A_966 : i32
      %dma_start3A_968 = tpu.memref_slice %arg5[%mul3A_967] : memref<331776xi32, #tpu.memory_space<hbm>> -> memref<128xi32, #tpu.memory_space<hbm>>
      %dma_start3A_969 = tpu.memref_slice %arg5[%mul3A_967] : memref<331776xi32, #tpu.memory_space<hbm>> -> memref<128xi32, #tpu.memory_space<hbm>>
      tpu.enqueue_dma source(%dma_start3A_969 : memref<128xi32, #tpu.memory_space<hbm>>) target(%arg9 : memref<128xi32, #tpu.memory_space<vmem>>) target_semaphore(%arg25 : memref<!tpu.dma_semaphore, #tpu.memory_space<semaphore_mem>>)
      %dma_start3A_970 = tpu.memref_slice %arg6[%mul3A_967] : memref<331776xi32, #tpu.memory_space<hbm>> -> memref<128xi32, #tpu.memory_space<hbm>>
      %dma_start3A_971 = tpu.memref_slice %arg6[%mul3A_967] : memref<331776xi32, #tpu.memory_space<hbm>> -> memref<128xi32, #tpu.memory_space<hbm>>
      tpu.enqueue_dma source(%dma_start3A_971 : memref<128xi32, #tpu.memory_space<hbm>>) target(%arg10 : memref<128xi32, #tpu.memory_space<vmem>>) target_semaphore(%arg25 : memref<!tpu.dma_semaphore, #tpu.memory_space<semaphore_mem>>)
      %parallel_loop3A_972 = arith.constant 0 : i32
      %parallel_loop3A_973 = arith.constant 128 : i32
      %parallel_loop3A_974 = arith.constant 1 : i32
      scf.for %parallel_loop3A_978 = %parallel_loop3A_972 to %parallel_loop3A_973 step %parallel_loop3A_974  : i32 {
        %parallel_loop3A_979 = vector.broadcast %parallel_loop3A_978 : i32 to vector<16xi32>
        %parallel_loop3A_980 = tpu.vector_load_idx %arg16[%parallel_loop3A_979] : memref<128xf32, #tpu.memory_space<vmem>>[vector<16xi32>], vector<16xf32>,
        %parallel_loop3A_981 = arith.index_cast %parallel_loop3A_978 : i32 to index
        %parallel_loop3A_982 = arith.constant 0 : index
        %parallel_loop3A_983 = tpu.vector_load %arg13[%parallel_loop3A_981, %parallel_loop3A_982] {strides = array<i32>} : memref<128x144xf32, #tpu.memory_space<vmem>>, vector<16xf32>,
        %parallel_loop3A_984 = arith.mulf %parallel_loop3A_983, %parallel_loop3A_980 : vector<16xf32>
        %parallel_loop3A_985 = arith.index_cast %parallel_loop3A_978 : i32 to index
        %parallel_loop3A_986 = arith.constant 0 : index
        %parallel_loop3A_987 = tpu.vector_load %arg13[%parallel_loop3A_985, %parallel_loop3A_986] {strides = array<i32>} : memref<128x144xf32, #tpu.memory_space<vmem>>, vector<16xf32>,
        tpu.vector_store %arg13[%parallel_loop3A_985, %parallel_loop3A_986], %parallel_loop3A_984 {strides = array<i32>} : memref<128x144xf32, #tpu.memory_space<vmem>>, vector<16xf32>,
        %parallel_loop3A_988 = arith.index_cast %parallel_loop3A_978 : i32 to index
        %parallel_loop3A_989 = arith.constant 16 : index
        %parallel_loop3A_990 = tpu.vector_load %arg13[%parallel_loop3A_988, %parallel_loop3A_989] {strides = array<i32>} : memref<128x144xf32, #tpu.memory_space<vmem>>, vector<16xf32>,
        %parallel_loop3A_991 = arith.mulf %parallel_loop3A_990, %parallel_loop3A_980 : vector<16xf32>
        %parallel_loop3A_992 = arith.index_cast %parallel_loop3A_978 : i32 to index
        %parallel_loop3A_993 = arith.constant 16 : index
        %parallel_loop3A_994 = tpu.vector_load %arg13[%parallel_loop3A_992, %parallel_loop3A_993] {strides = array<i32>} : memref<128x144xf32, #tpu.memory_space<vmem>>, vector<16xf32>,
        tpu.vector_store %arg13[%parallel_loop3A_992, %parallel_loop3A_993], %parallel_loop3A_991 {strides = array<i32>} : memref<128x144xf32, #tpu.memory_space<vmem>>, vector<16xf32>,
        %parallel_loop3A_995 = arith.index_cast %parallel_loop3A_978 : i32 to index
        %parallel_loop3A_996 = arith.constant 32 : index
        %parallel_loop3A_997 = tpu.vector_load %arg13[%parallel_loop3A_995, %parallel_loop3A_996] {strides = array<i32>} : memref<128x144xf32, #tpu.memory_space<vmem>>, vector<16xf32>,
        %parallel_loop3A_998 = arith.mulf %parallel_loop3A_997, %parallel_loop3A_980 : vector<16xf32>
        %parallel_loop3A_999 = arith.index_cast %parallel_loop3A_978 : i32 to index
        %parallel_loop3A_1000 = arith.constant 32 : index
        %parallel_loop3A_1001 = tpu.vector_load %arg13[%parallel_loop3A_999, %parallel_loop3A_1000] {strides = array<i32>} : memref<128x144xf32, #tpu.memory_space<vmem>>, vector<16xf32>,
        tpu.vector_store %arg13[%parallel_loop3A_999, %parallel_loop3A_1000], %parallel_loop3A_998 {strides = array<i32>} : memref<128x144xf32, #tpu.memory_space<vmem>>, vector<16xf32>,
        %parallel_loop3A_1002 = arith.index_cast %parallel_loop3A_978 : i32 to index
        %parallel_loop3A_1003 = arith.constant 48 : index
        %parallel_loop3A_1004 = tpu.vector_load %arg13[%parallel_loop3A_1002, %parallel_loop3A_1003] {strides = array<i32>} : memref<128x144xf32, #tpu.memory_space<vmem>>, vector<16xf32>,
        %parallel_loop3A_1005 = arith.mulf %parallel_loop3A_1004, %parallel_loop3A_980 : vector<16xf32>
        %parallel_loop3A_1006 = arith.index_cast %parallel_loop3A_978 : i32 to index
        %parallel_loop3A_1007 = arith.constant 48 : index
        %parallel_loop3A_1008 = tpu.vector_load %arg13[%parallel_loop3A_1006, %parallel_loop3A_1007] {strides = array<i32>} : memref<128x144xf32, #tpu.memory_space<vmem>>, vector<16xf32>,
        tpu.vector_store %arg13[%parallel_loop3A_1006, %parallel_loop3A_1007], %parallel_loop3A_1005 {strides = array<i32>} : memref<128x144xf32, #tpu.memory_space<vmem>>, vector<16xf32>,
        %parallel_loop3A_1009 = arith.index_cast %parallel_loop3A_978 : i32 to index
        %parallel_loop3A_1010 = arith.constant 64 : index
        %parallel_loop3A_1011 = tpu.vector_load %arg13[%parallel_loop3A_1009, %parallel_loop3A_1010] {strides = array<i32>} : memref<128x144xf32, #tpu.memory_space<vmem>>, vector<16xf32>,
        %parallel_loop3A_1012 = arith.mulf %parallel_loop3A_1011, %parallel_loop3A_980 : vector<16xf32>
        %parallel_loop3A_1013 = arith.index_cast %parallel_loop3A_978 : i32 to index
        %parallel_loop3A_1014 = arith.constant 64 : index
        %parallel_loop3A_1015 = tpu.vector_load %arg13[%parallel_loop3A_1013, %parallel_loop3A_1014] {strides = array<i32>} : memref<128x144xf32, #tpu.memory_space<vmem>>, vector<16xf32>,
        tpu.vector_store %arg13[%parallel_loop3A_1013, %parallel_loop3A_1014], %parallel_loop3A_1012 {strides = array<i32>} : memref<128x144xf32, #tpu.memory_space<vmem>>, vector<16xf32>,
        %parallel_loop3A_1016 = arith.index_cast %parallel_loop3A_978 : i32 to index
        %parallel_loop3A_1017 = arith.constant 80 : index
        %parallel_loop3A_1018 = tpu.vector_load %arg13[%parallel_loop3A_1016, %parallel_loop3A_1017] {strides = array<i32>} : memref<128x144xf32, #tpu.memory_space<vmem>>, vector<16xf32>,
        %parallel_loop3A_1019 = arith.mulf %parallel_loop3A_1018, %parallel_loop3A_980 : vector<16xf32>
        %parallel_loop3A_1020 = arith.index_cast %parallel_loop3A_978 : i32 to index
        %parallel_loop3A_1021 = arith.constant 80 : index
        %parallel_loop3A_1022 = tpu.vector_load %arg13[%parallel_loop3A_1020, %parallel_loop3A_1021] {strides = array<i32>} : memref<128x144xf32, #tpu.memory_space<vmem>>, vector<16xf32>,
        tpu.vector_store %arg13[%parallel_loop3A_1020, %parallel_loop3A_1021], %parallel_loop3A_1019 {strides = array<i32>} : memref<128x144xf32, #tpu.memory_space<vmem>>, vector<16xf32>,
        %parallel_loop3A_1023 = arith.index_cast %parallel_loop3A_978 : i32 to index
        %parallel_loop3A_1024 = arith.constant 96 : index
        %parallel_loop3A_1025 = tpu.vector_load %arg13[%parallel_loop3A_1023, %parallel_loop3A_1024] {strides = array<i32>} : memref<128x144xf32, #tpu.memory_space<vmem>>, vector<16xf32>,
        %parallel_loop3A_1026 = arith.mulf %parallel_loop3A_1025, %parallel_loop3A_980 : vector<16xf32>
        %parallel_loop3A_1027 = arith.index_cast %parallel_loop3A_978 : i32 to index
        %parallel_loop3A_1028 = arith.constant 96 : index
        %parallel_loop3A_1029 = tpu.vector_load %arg13[%parallel_loop3A_1027, %parallel_loop3A_1028] {strides = array<i32>} : memref<128x144xf32, #tpu.memory_space<vmem>>, vector<16xf32>,
        tpu.vector_store %arg13[%parallel_loop3A_1027, %parallel_loop3A_1028], %parallel_loop3A_1026 {strides = array<i32>} : memref<128x144xf32, #tpu.memory_space<vmem>>, vector<16xf32>,
        %parallel_loop3A_1030 = arith.index_cast %parallel_loop3A_978 : i32 to index
        %parallel_loop3A_1031 = arith.constant 112 : index
        %parallel_loop3A_1032 = tpu.vector_load %arg13[%parallel_loop3A_1030, %parallel_loop3A_1031] {strides = array<i32>} : memref<128x144xf32, #tpu.memory_space<vmem>>, vector<16xf32>,
        %parallel_loop3A_1033 = arith.mulf %parallel_loop3A_1032, %parallel_loop3A_980 : vector<16xf32>
        %parallel_loop3A_1034 = arith.index_cast %parallel_loop3A_978 : i32 to index
        %parallel_loop3A_1035 = arith.constant 112 : index
        %parallel_loop3A_1036 = tpu.vector_load %arg13[%parallel_loop3A_1034, %parallel_loop3A_1035] {strides = array<i32>} : memref<128x144xf32, #tpu.memory_space<vmem>>, vector<16xf32>,
        tpu.vector_store %arg13[%parallel_loop3A_1034, %parallel_loop3A_1035], %parallel_loop3A_1033 {strides = array<i32>} : memref<128x144xf32, #tpu.memory_space<vmem>>, vector<16xf32>,
        %parallel_loop3A_1037 = arith.index_cast %parallel_loop3A_978 : i32 to index
        %parallel_loop3A_1038 = arith.constant 128 : index
        %parallel_loop3A_1039 = tpu.vector_load %arg13[%parallel_loop3A_1037, %parallel_loop3A_1038] {strides = array<i32>} : memref<128x144xf32, #tpu.memory_space<vmem>>, vector<16xf32>,
        %parallel_loop3A_1040 = arith.mulf %parallel_loop3A_1039, %parallel_loop3A_980 : vector<16xf32>
        %parallel_loop3A_1041 = arith.index_cast %parallel_loop3A_978 : i32 to index
        %parallel_loop3A_1042 = arith.constant 128 : index
        %parallel_loop3A_1043 = tpu.vector_load %arg13[%parallel_loop3A_1041, %parallel_loop3A_1042] {strides = array<i32>} : memref<128x144xf32, #tpu.memory_space<vmem>>, vector<16xf32>,
        tpu.vector_store %arg13[%parallel_loop3A_1041, %parallel_loop3A_1042], %parallel_loop3A_1040 {strides = array<i32>} : memref<128x144xf32, #tpu.memory_space<vmem>>, vector<16xf32>,
      } {sc.loop_unroll_factor = 2 : i64, sc.parallel_access}
      %dma_start3A_975 = arith.constant 0 : i32
      %dma_start3A_976 = arith.constant 0 : i32
      %dma_start3A_977 = tpu.memref_slice %arg21[%dma_start3A_975, %dma_start3A_976] : memref<10016x144xf32, #tpu.memory_space<vmem_shared>> -> memref<10016x144xf32, #tpu.memory_space<vmem_shared>>
      tpu.enqueue_indirect_dma source(%arg13 : memref<128x144xf32, #tpu.memory_space<vmem>>) target(%dma_start3A_977 : memref<10016x144xf32, #tpu.memory_space<vmem_shared>>) offsets(%arg15 : memref<128xi32, #tpu.memory_space<vmem>>) semaphore(%arg24 : memref<!tpu.dma_semaphore, #tpu.memory_space<semaphore_mem>>) {add = true}
    }
    %scan3A_222 = arith.constant 39 : i32
    %dma_wait3A_223 = arith.constant 0 : i32
    %dma_wait3A_224 = arith.constant 0 : i32
    %dma_wait3A_225 = tpu.memref_slice %arg21[%dma_wait3A_223, %dma_wait3A_224] : memref<10016x144xf32, #tpu.memory_space<vmem_shared>> -> memref<10016x144xf32, #tpu.memory_space<vmem_shared>>
    tpu.wait_indirect_dma semaphore(%arg24 : memref<!tpu.dma_semaphore, #tpu.memory_space<semaphore_mem>>) src(%arg13 : memref<128x144xf32, #tpu.memory_space<vmem>>) dst(%dma_wait3A_225 : memref<10016x144xf32, #tpu.memory_space<vmem_shared>>)
    %add3A_226 = arith.constant 80 : i32
    %add3A_227 = arith.addi %mul3A_2, %add3A_226 : i32
    %mul3A_228 = arith.constant 128 : i32
    %mul3A_229 = arith.muli %add3A_227, %mul3A_228 : i32
    %dma_wait3A_230 = tpu.memref_slice %arg5[%mul3A_229] : memref<331776xi32, #tpu.memory_space<hbm>> -> memref<128xi32, #tpu.memory_space<hbm>>
    %dma_wait3A_231 = tpu.memref_slice %arg5[%mul3A_229] : memref<331776xi32, #tpu.memory_space<hbm>> -> memref<128xi32, #tpu.memory_space<hbm>>
    tpu.wait_dma2 semaphore(%arg25 : memref<!tpu.dma_semaphore, #tpu.memory_space<semaphore_mem>>) src(%dma_wait3A_231 : memref<128xi32, #tpu.memory_space<hbm>>) dst(%arg9 : memref<128xi32, #tpu.memory_space<vmem>>)
    %dma_wait3A_232 = tpu.memref_slice %arg6[%mul3A_229] : memref<331776xi32, #tpu.memory_space<hbm>> -> memref<128xi32, #tpu.memory_space<hbm>>
    %dma_wait3A_233 = tpu.memref_slice %arg6[%mul3A_229] : memref<331776xi32, #tpu.memory_space<hbm>> -> memref<128xi32, #tpu.memory_space<hbm>>
    tpu.wait_dma2 semaphore(%arg25 : memref<!tpu.dma_semaphore, #tpu.memory_space<semaphore_mem>>) src(%dma_wait3A_233 : memref<128xi32, #tpu.memory_space<hbm>>) dst(%arg10 : memref<128xi32, #tpu.memory_space<vmem>>)
    %dma_start3A_234 = arith.constant 0 : i32
    %dma_start3A_235 = arith.constant 0 : i32
    %dma_start3A_236 = tpu.memref_slice %arg2[%dma_start3A_234, %dma_start3A_235] : memref<10016x144xf32, #tpu.memory_space<hbm>> -> memref<10016x144xf32, #tpu.memory_space<hbm>>
    tpu.enqueue_indirect_dma source(%dma_start3A_236 : memref<10016x144xf32, #tpu.memory_space<hbm>>) target(%arg13 : memref<128x144xf32, #tpu.memory_space<vmem>>) offsets(%arg9 : memref<128xi32, #tpu.memory_space<vmem>>) semaphore(%arg22 : memref<!tpu.dma_semaphore, #tpu.memory_space<semaphore_mem>>)
    %dma_start3A_237 = arith.constant 0 : i32
    %dma_start3A_238 = tpu.memref_slice %arg3[%dma_start3A_237] : memref<10016xf32, #tpu.memory_space<hbm>> -> memref<10016xf32, #tpu.memory_space<hbm>>
    tpu.enqueue_indirect_dma source(%dma_start3A_238 : memref<10016xf32, #tpu.memory_space<hbm>>) target(%arg17 : memref<128xf32, #tpu.memory_space<vmem>>) offsets(%arg9 : memref<128xi32, #tpu.memory_space<vmem>>) semaphore(%arg22 : memref<!tpu.dma_semaphore, #tpu.memory_space<semaphore_mem>>)
    %dma_start3A_239 = arith.constant 0 : i32
    %dma_start3A_240 = tpu.memref_slice %arg4[%dma_start3A_239] : memref<10016xf32, #tpu.memory_space<hbm>> -> memref<10016xf32, #tpu.memory_space<hbm>>
    tpu.enqueue_indirect_dma source(%dma_start3A_240 : memref<10016xf32, #tpu.memory_space<hbm>>) target(%arg18 : memref<128xf32, #tpu.memory_space<vmem>>) offsets(%arg10 : memref<128xi32, #tpu.memory_space<vmem>>) semaphore(%arg22 : memref<!tpu.dma_semaphore, #tpu.memory_space<semaphore_mem>>)
    %dma_wait3A_241 = arith.constant 0 : i32
    %dma_wait3A_242 = arith.constant 0 : i32
    %dma_wait3A_243 = tpu.memref_slice %arg2[%dma_wait3A_241, %dma_wait3A_242] : memref<10016x144xf32, #tpu.memory_space<hbm>> -> memref<10016x144xf32, #tpu.memory_space<hbm>>
    tpu.wait_indirect_dma semaphore(%arg23 : memref<!tpu.dma_semaphore, #tpu.memory_space<semaphore_mem>>) src(%dma_wait3A_243 : memref<10016x144xf32, #tpu.memory_space<hbm>>) dst(%arg14 : memref<128x144xf32, #tpu.memory_space<vmem>>)
    %dma_wait3A_244 = arith.constant 0 : i32
    %dma_wait3A_245 = tpu.memref_slice %arg3[%dma_wait3A_244] : memref<10016xf32, #tpu.memory_space<hbm>> -> memref<10016xf32, #tpu.memory_space<hbm>>
    tpu.wait_indirect_dma semaphore(%arg23 : memref<!tpu.dma_semaphore, #tpu.memory_space<semaphore_mem>>) src(%dma_wait3A_245 : memref<10016xf32, #tpu.memory_space<hbm>>) dst(%arg19 : memref<128xf32, #tpu.memory_space<vmem>>)
    %dma_wait3A_246 = arith.constant 0 : i32
    %dma_wait3A_247 = tpu.memref_slice %arg4[%dma_wait3A_246] : memref<10016xf32, #tpu.memory_space<hbm>> -> memref<10016xf32, #tpu.memory_space<hbm>>
    tpu.wait_indirect_dma semaphore(%arg23 : memref<!tpu.dma_semaphore, #tpu.memory_space<semaphore_mem>>) src(%dma_wait3A_247 : memref<10016xf32, #tpu.memory_space<hbm>>) dst(%arg20 : memref<128xf32, #tpu.memory_space<vmem>>)
    %get3A_248 = arith.constant 0 : index
    %get3A_249 = tpu.vector_load %arg19[%get3A_248] {strides = array<i32>} : memref<128xf32, #tpu.memory_space<vmem>>, vector<16xf32>,
    %get3A_250 = arith.constant 0 : index
    %get3A_251 = tpu.vector_load %arg20[%get3A_250] {strides = array<i32>} : memref<128xf32, #tpu.memory_space<vmem>>, vector<16xf32>,
    %add3A_252 = arith.addf %get3A_249, %get3A_251 : vector<16xf32>
    %ge3A_253 = arith.constant 0.000000e+00 : f32
    %ge3A_254 = vector.broadcast %ge3A_253 : f32 to vector<16xf32>
    %ge3A_255 = arith.cmpf oge, %add3A_252, %ge3A_254 : vector<16xf32>
    %mul3A_256 = arith.constant 2.000000e-01 : f32
    %mul3A_257 = vector.broadcast %mul3A_256 : f32 to vector<16xf32>
    %mul3A_258 = arith.mulf %mul3A_257, %add3A_252 : vector<16xf32>
    %select_n3A_259 = arith.select %ge3A_255, %add3A_252, %mul3A_258 : vector<16xi1>, vector<16xf32>
    %exp3A_260 = math.exp %select_n3A_259 : vector<16xf32>
    %swap3A_261 = arith.constant 0 : index
    %swap3A_262 = tpu.vector_load %arg16[%swap3A_261] {strides = array<i32>} : memref<128xf32, #tpu.memory_space<vmem>>, vector<16xf32>,
    tpu.vector_store %arg16[%swap3A_261], %exp3A_260 {strides = array<i32>} : memref<128xf32, #tpu.memory_space<vmem>>, vector<16xf32>,
    %get3A_263 = arith.constant 0 : index
    %get3A_264 = tpu.vector_load %arg12[%get3A_263] {strides = array<i32>} : memref<128xi32, #tpu.memory_space<vmem>>, vector<16xi32>,
    %swap3A_265 = arith.constant 0 : index
    %swap3A_266 = tpu.vector_load %arg15[%swap3A_265] {strides = array<i32>} : memref<128xi32, #tpu.memory_space<vmem>>, vector<16xi32>,
    tpu.vector_store %arg15[%swap3A_265], %get3A_264 {strides = array<i32>} : memref<128xi32, #tpu.memory_space<vmem>>, vector<16xi32>,
    %get3A_267 = arith.constant 16 : index
    %get3A_268 = tpu.vector_load %arg19[%get3A_267] {strides = array<i32>} : memref<128xf32, #tpu.memory_space<vmem>>, vector<16xf32>,
    %get3A_269 = arith.constant 16 : index
    %get3A_270 = tpu.vector_load %arg20[%get3A_269] {strides = array<i32>} : memref<128xf32, #tpu.memory_space<vmem>>, vector<16xf32>,
    %add3A_271 = arith.addf %get3A_268, %get3A_270 : vector<16xf32>
    %ge3A_272 = arith.constant 0.000000e+00 : f32
    %ge3A_273 = vector.broadcast %ge3A_272 : f32 to vector<16xf32>
    %ge3A_274 = arith.cmpf oge, %add3A_271, %ge3A_273 : vector<16xf32>
    %mul3A_275 = arith.constant 2.000000e-01 : f32
    %mul3A_276 = vector.broadcast %mul3A_275 : f32 to vector<16xf32>
    %mul3A_277 = arith.mulf %mul3A_276, %add3A_271 : vector<16xf32>
    %select_n3A_278 = arith.select %ge3A_274, %add3A_271, %mul3A_277 : vector<16xi1>, vector<16xf32>
    %exp3A_279 = math.exp %select_n3A_278 : vector<16xf32>
    %swap3A_280 = arith.constant 16 : index
    %swap3A_281 = tpu.vector_load %arg16[%swap3A_280] {strides = array<i32>} : memref<128xf32, #tpu.memory_space<vmem>>, vector<16xf32>,
    tpu.vector_store %arg16[%swap3A_280], %exp3A_279 {strides = array<i32>} : memref<128xf32, #tpu.memory_space<vmem>>, vector<16xf32>,
    %get3A_282 = arith.constant 16 : index
    %get3A_283 = tpu.vector_load %arg12[%get3A_282] {strides = array<i32>} : memref<128xi32, #tpu.memory_space<vmem>>, vector<16xi32>,
    %swap3A_284 = arith.constant 16 : index
    %swap3A_285 = tpu.vector_load %arg15[%swap3A_284] {strides = array<i32>} : memref<128xi32, #tpu.memory_space<vmem>>, vector<16xi32>,
    tpu.vector_store %arg15[%swap3A_284], %get3A_283 {strides = array<i32>} : memref<128xi32, #tpu.memory_space<vmem>>, vector<16xi32>,
    %get3A_286 = arith.constant 32 : index
    %get3A_287 = tpu.vector_load %arg19[%get3A_286] {strides = array<i32>} : memref<128xf32, #tpu.memory_space<vmem>>, vector<16xf32>,
    %get3A_288 = arith.constant 32 : index
    %get3A_289 = tpu.vector_load %arg20[%get3A_288] {strides = array<i32>} : memref<128xf32, #tpu.memory_space<vmem>>, vector<16xf32>,
    %add3A_290 = arith.addf %get3A_287, %get3A_289 : vector<16xf32>
    %ge3A_291 = arith.constant 0.000000e+00 : f32
    %ge3A_292 = vector.broadcast %ge3A_291 : f32 to vector<16xf32>
    %ge3A_293 = arith.cmpf oge, %add3A_290, %ge3A_292 : vector<16xf32>
    %mul3A_294 = arith.constant 2.000000e-01 : f32
    %mul3A_295 = vector.broadcast %mul3A_294 : f32 to vector<16xf32>
    %mul3A_296 = arith.mulf %mul3A_295, %add3A_290 : vector<16xf32>
    %select_n3A_297 = arith.select %ge3A_293, %add3A_290, %mul3A_296 : vector<16xi1>, vector<16xf32>
    %exp3A_298 = math.exp %select_n3A_297 : vector<16xf32>
    %swap3A_299 = arith.constant 32 : index
    %swap3A_300 = tpu.vector_load %arg16[%swap3A_299] {strides = array<i32>} : memref<128xf32, #tpu.memory_space<vmem>>, vector<16xf32>,
    tpu.vector_store %arg16[%swap3A_299], %exp3A_298 {strides = array<i32>} : memref<128xf32, #tpu.memory_space<vmem>>, vector<16xf32>,
    %get3A_301 = arith.constant 32 : index
    %get3A_302 = tpu.vector_load %arg12[%get3A_301] {strides = array<i32>} : memref<128xi32, #tpu.memory_space<vmem>>, vector<16xi32>,
    %swap3A_303 = arith.constant 32 : index
    %swap3A_304 = tpu.vector_load %arg15[%swap3A_303] {strides = array<i32>} : memref<128xi32, #tpu.memory_space<vmem>>, vector<16xi32>,
    tpu.vector_store %arg15[%swap3A_303], %get3A_302 {strides = array<i32>} : memref<128xi32, #tpu.memory_space<vmem>>, vector<16xi32>,
    %get3A_305 = arith.constant 48 : index
    %get3A_306 = tpu.vector_load %arg19[%get3A_305] {strides = array<i32>} : memref<128xf32, #tpu.memory_space<vmem>>, vector<16xf32>,
    %get3A_307 = arith.constant 48 : index
    %get3A_308 = tpu.vector_load %arg20[%get3A_307] {strides = array<i32>} : memref<128xf32, #tpu.memory_space<vmem>>, vector<16xf32>,
    %add3A_309 = arith.addf %get3A_306, %get3A_308 : vector<16xf32>
    %ge3A_310 = arith.constant 0.000000e+00 : f32
    %ge3A_311 = vector.broadcast %ge3A_310 : f32 to vector<16xf32>
    %ge3A_312 = arith.cmpf oge, %add3A_309, %ge3A_311 : vector<16xf32>
    %mul3A_313 = arith.constant 2.000000e-01 : f32
    %mul3A_314 = vector.broadcast %mul3A_313 : f32 to vector<16xf32>
    %mul3A_315 = arith.mulf %mul3A_314, %add3A_309 : vector<16xf32>
    %select_n3A_316 = arith.select %ge3A_312, %add3A_309, %mul3A_315 : vector<16xi1>, vector<16xf32>
    %exp3A_317 = math.exp %select_n3A_316 : vector<16xf32>
    %swap3A_318 = arith.constant 48 : index
    %swap3A_319 = tpu.vector_load %arg16[%swap3A_318] {strides = array<i32>} : memref<128xf32, #tpu.memory_space<vmem>>, vector<16xf32>,
    tpu.vector_store %arg16[%swap3A_318], %exp3A_317 {strides = array<i32>} : memref<128xf32, #tpu.memory_space<vmem>>, vector<16xf32>,
    %get3A_320 = arith.constant 48 : index
    %get3A_321 = tpu.vector_load %arg12[%get3A_320] {strides = array<i32>} : memref<128xi32, #tpu.memory_space<vmem>>, vector<16xi32>,
    %swap3A_322 = arith.constant 48 : index
    %swap3A_323 = tpu.vector_load %arg15[%swap3A_322] {strides = array<i32>} : memref<128xi32, #tpu.memory_space<vmem>>, vector<16xi32>,
    tpu.vector_store %arg15[%swap3A_322], %get3A_321 {strides = array<i32>} : memref<128xi32, #tpu.memory_space<vmem>>, vector<16xi32>,
    %get3A_324 = arith.constant 64 : index
    %get3A_325 = tpu.vector_load %arg19[%get3A_324] {strides = array<i32>} : memref<128xf32, #tpu.memory_space<vmem>>, vector<16xf32>,
    %get3A_326 = arith.constant 64 : index
    %get3A_327 = tpu.vector_load %arg20[%get3A_326] {strides = array<i32>} : memref<128xf32, #tpu.memory_space<vmem>>, vector<16xf32>,
    %add3A_328 = arith.addf %get3A_325, %get3A_327 : vector<16xf32>
    %ge3A_329 = arith.constant 0.000000e+00 : f32
    %ge3A_330 = vector.broadcast %ge3A_329 : f32 to vector<16xf32>
    %ge3A_331 = arith.cmpf oge, %add3A_328, %ge3A_330 : vector<16xf32>
    %mul3A_332 = arith.constant 2.000000e-01 : f32
    %mul3A_333 = vector.broadcast %mul3A_332 : f32 to vector<16xf32>
    %mul3A_334 = arith.mulf %mul3A_333, %add3A_328 : vector<16xf32>
    %select_n3A_335 = arith.select %ge3A_331, %add3A_328, %mul3A_334 : vector<16xi1>, vector<16xf32>
    %exp3A_336 = math.exp %select_n3A_335 : vector<16xf32>
    %swap3A_337 = arith.constant 64 : index
    %swap3A_338 = tpu.vector_load %arg16[%swap3A_337] {strides = array<i32>} : memref<128xf32, #tpu.memory_space<vmem>>, vector<16xf32>,
    tpu.vector_store %arg16[%swap3A_337], %exp3A_336 {strides = array<i32>} : memref<128xf32, #tpu.memory_space<vmem>>, vector<16xf32>,
    %get3A_339 = arith.constant 64 : index
    %get3A_340 = tpu.vector_load %arg12[%get3A_339] {strides = array<i32>} : memref<128xi32, #tpu.memory_space<vmem>>, vector<16xi32>,
    %swap3A_341 = arith.constant 64 : index
    %swap3A_342 = tpu.vector_load %arg15[%swap3A_341] {strides = array<i32>} : memref<128xi32, #tpu.memory_space<vmem>>, vector<16xi32>,
    tpu.vector_store %arg15[%swap3A_341], %get3A_340 {strides = array<i32>} : memref<128xi32, #tpu.memory_space<vmem>>, vector<16xi32>,
    %get3A_343 = arith.constant 80 : index
    %get3A_344 = tpu.vector_load %arg19[%get3A_343] {strides = array<i32>} : memref<128xf32, #tpu.memory_space<vmem>>, vector<16xf32>,
    %get3A_345 = arith.constant 80 : index
    %get3A_346 = tpu.vector_load %arg20[%get3A_345] {strides = array<i32>} : memref<128xf32, #tpu.memory_space<vmem>>, vector<16xf32>,
    %add3A_347 = arith.addf %get3A_344, %get3A_346 : vector<16xf32>
    %ge3A_348 = arith.constant 0.000000e+00 : f32
    %ge3A_349 = vector.broadcast %ge3A_348 : f32 to vector<16xf32>
    %ge3A_350 = arith.cmpf oge, %add3A_347, %ge3A_349 : vector<16xf32>
    %mul3A_351 = arith.constant 2.000000e-01 : f32
    %mul3A_352 = vector.broadcast %mul3A_351 : f32 to vector<16xf32>
    %mul3A_353 = arith.mulf %mul3A_352, %add3A_347 : vector<16xf32>
    %select_n3A_354 = arith.select %ge3A_350, %add3A_347, %mul3A_353 : vector<16xi1>, vector<16xf32>
    %exp3A_355 = math.exp %select_n3A_354 : vector<16xf32>
    %swap3A_356 = arith.constant 80 : index
    %swap3A_357 = tpu.vector_load %arg16[%swap3A_356] {strides = array<i32>} : memref<128xf32, #tpu.memory_space<vmem>>, vector<16xf32>,
    tpu.vector_store %arg16[%swap3A_356], %exp3A_355 {strides = array<i32>} : memref<128xf32, #tpu.memory_space<vmem>>, vector<16xf32>,
    %get3A_358 = arith.constant 80 : index
    %get3A_359 = tpu.vector_load %arg12[%get3A_358] {strides = array<i32>} : memref<128xi32, #tpu.memory_space<vmem>>, vector<16xi32>,
    %swap3A_360 = arith.constant 80 : index
    %swap3A_361 = tpu.vector_load %arg15[%swap3A_360] {strides = array<i32>} : memref<128xi32, #tpu.memory_space<vmem>>, vector<16xi32>,
    tpu.vector_store %arg15[%swap3A_360], %get3A_359 {strides = array<i32>} : memref<128xi32, #tpu.memory_space<vmem>>, vector<16xi32>,
    %get3A_362 = arith.constant 96 : index
    %get3A_363 = tpu.vector_load %arg19[%get3A_362] {strides = array<i32>} : memref<128xf32, #tpu.memory_space<vmem>>, vector<16xf32>,
    %get3A_364 = arith.constant 96 : index
    %get3A_365 = tpu.vector_load %arg20[%get3A_364] {strides = array<i32>} : memref<128xf32, #tpu.memory_space<vmem>>, vector<16xf32>,
    %add3A_366 = arith.addf %get3A_363, %get3A_365 : vector<16xf32>
    %ge3A_367 = arith.constant 0.000000e+00 : f32
    %ge3A_368 = vector.broadcast %ge3A_367 : f32 to vector<16xf32>
    %ge3A_369 = arith.cmpf oge, %add3A_366, %ge3A_368 : vector<16xf32>
    %mul3A_370 = arith.constant 2.000000e-01 : f32
    %mul3A_371 = vector.broadcast %mul3A_370 : f32 to vector<16xf32>
    %mul3A_372 = arith.mulf %mul3A_371, %add3A_366 : vector<16xf32>
    %select_n3A_373 = arith.select %ge3A_369, %add3A_366, %mul3A_372 : vector<16xi1>, vector<16xf32>
    %exp3A_374 = math.exp %select_n3A_373 : vector<16xf32>
    %swap3A_375 = arith.constant 96 : index
    %swap3A_376 = tpu.vector_load %arg16[%swap3A_375] {strides = array<i32>} : memref<128xf32, #tpu.memory_space<vmem>>, vector<16xf32>,
    tpu.vector_store %arg16[%swap3A_375], %exp3A_374 {strides = array<i32>} : memref<128xf32, #tpu.memory_space<vmem>>, vector<16xf32>,
    %get3A_377 = arith.constant 96 : index
    %get3A_378 = tpu.vector_load %arg12[%get3A_377] {strides = array<i32>} : memref<128xi32, #tpu.memory_space<vmem>>, vector<16xi32>,
    %swap3A_379 = arith.constant 96 : index
    %swap3A_380 = tpu.vector_load %arg15[%swap3A_379] {strides = array<i32>} : memref<128xi32, #tpu.memory_space<vmem>>, vector<16xi32>,
    tpu.vector_store %arg15[%swap3A_379], %get3A_378 {strides = array<i32>} : memref<128xi32, #tpu.memory_space<vmem>>, vector<16xi32>,
    %get3A_381 = arith.constant 112 : index
    %get3A_382 = tpu.vector_load %arg19[%get3A_381] {strides = array<i32>} : memref<128xf32, #tpu.memory_space<vmem>>, vector<16xf32>,
    %get3A_383 = arith.constant 112 : index
    %get3A_384 = tpu.vector_load %arg20[%get3A_383] {strides = array<i32>} : memref<128xf32, #tpu.memory_space<vmem>>, vector<16xf32>,
    %add3A_385 = arith.addf %get3A_382, %get3A_384 : vector<16xf32>
    %ge3A_386 = arith.constant 0.000000e+00 : f32
    %ge3A_387 = vector.broadcast %ge3A_386 : f32 to vector<16xf32>
    %ge3A_388 = arith.cmpf oge, %add3A_385, %ge3A_387 : vector<16xf32>
    %mul3A_389 = arith.constant 2.000000e-01 : f32
    %mul3A_390 = vector.broadcast %mul3A_389 : f32 to vector<16xf32>
    %mul3A_391 = arith.mulf %mul3A_390, %add3A_385 : vector<16xf32>
    %select_n3A_392 = arith.select %ge3A_388, %add3A_385, %mul3A_391 : vector<16xi1>, vector<16xf32>
    %exp3A_393 = math.exp %select_n3A_392 : vector<16xf32>
    %swap3A_394 = arith.constant 112 : index
    %swap3A_395 = tpu.vector_load %arg16[%swap3A_394] {strides = array<i32>} : memref<128xf32, #tpu.memory_space<vmem>>, vector<16xf32>,
    tpu.vector_store %arg16[%swap3A_394], %exp3A_393 {strides = array<i32>} : memref<128xf32, #tpu.memory_space<vmem>>, vector<16xf32>,
    %get3A_396 = arith.constant 112 : index
    %get3A_397 = tpu.vector_load %arg12[%get3A_396] {strides = array<i32>} : memref<128xi32, #tpu.memory_space<vmem>>, vector<16xi32>,
    %swap3A_398 = arith.constant 112 : index
    %swap3A_399 = tpu.vector_load %arg15[%swap3A_398] {strides = array<i32>} : memref<128xi32, #tpu.memory_space<vmem>>, vector<16xi32>,
    tpu.vector_store %arg15[%swap3A_398], %get3A_397 {strides = array<i32>} : memref<128xi32, #tpu.memory_space<vmem>>, vector<16xi32>,
    %parallel_loop3A_400 = arith.constant 0 : i32
    %parallel_loop3A_401 = arith.constant 128 : i32
    %parallel_loop3A_402 = arith.constant 1 : i32
    scf.for %parallel_loop3A_585 = %parallel_loop3A_400 to %parallel_loop3A_401 step %parallel_loop3A_402  : i32 {
      %parallel_loop3A_586 = vector.broadcast %parallel_loop3A_585 : i32 to vector<16xi32>
      %parallel_loop3A_587 = tpu.vector_load_idx %arg16[%parallel_loop3A_586] : memref<128xf32, #tpu.memory_space<vmem>>[vector<16xi32>], vector<16xf32>,
      %parallel_loop3A_588 = arith.index_cast %parallel_loop3A_585 : i32 to index
      %parallel_loop3A_589 = arith.constant 0 : index
      %parallel_loop3A_590 = tpu.vector_load %arg14[%parallel_loop3A_588, %parallel_loop3A_589] {strides = array<i32>} : memref<128x144xf32, #tpu.memory_space<vmem>>, vector<16xf32>,
      %parallel_loop3A_591 = arith.mulf %parallel_loop3A_590, %parallel_loop3A_587 : vector<16xf32>
      %parallel_loop3A_592 = arith.index_cast %parallel_loop3A_585 : i32 to index
      %parallel_loop3A_593 = arith.constant 0 : index
      %parallel_loop3A_594 = tpu.vector_load %arg14[%parallel_loop3A_592, %parallel_loop3A_593] {strides = array<i32>} : memref<128x144xf32, #tpu.memory_space<vmem>>, vector<16xf32>,
      tpu.vector_store %arg14[%parallel_loop3A_592, %parallel_loop3A_593], %parallel_loop3A_591 {strides = array<i32>} : memref<128x144xf32, #tpu.memory_space<vmem>>, vector<16xf32>,
      %parallel_loop3A_595 = arith.index_cast %parallel_loop3A_585 : i32 to index
      %parallel_loop3A_596 = arith.constant 16 : index
      %parallel_loop3A_597 = tpu.vector_load %arg14[%parallel_loop3A_595, %parallel_loop3A_596] {strides = array<i32>} : memref<128x144xf32, #tpu.memory_space<vmem>>, vector<16xf32>,
      %parallel_loop3A_598 = arith.mulf %parallel_loop3A_597, %parallel_loop3A_587 : vector<16xf32>
      %parallel_loop3A_599 = arith.index_cast %parallel_loop3A_585 : i32 to index
      %parallel_loop3A_600 = arith.constant 16 : index
      %parallel_loop3A_601 = tpu.vector_load %arg14[%parallel_loop3A_599, %parallel_loop3A_600] {strides = array<i32>} : memref<128x144xf32, #tpu.memory_space<vmem>>, vector<16xf32>,
      tpu.vector_store %arg14[%parallel_loop3A_599, %parallel_loop3A_600], %parallel_loop3A_598 {strides = array<i32>} : memref<128x144xf32, #tpu.memory_space<vmem>>, vector<16xf32>,
      %parallel_loop3A_602 = arith.index_cast %parallel_loop3A_585 : i32 to index
      %parallel_loop3A_603 = arith.constant 32 : index
      %parallel_loop3A_604 = tpu.vector_load %arg14[%parallel_loop3A_602, %parallel_loop3A_603] {strides = array<i32>} : memref<128x144xf32, #tpu.memory_space<vmem>>, vector<16xf32>,
      %parallel_loop3A_605 = arith.mulf %parallel_loop3A_604, %parallel_loop3A_587 : vector<16xf32>
      %parallel_loop3A_606 = arith.index_cast %parallel_loop3A_585 : i32 to index
      %parallel_loop3A_607 = arith.constant 32 : index
      %parallel_loop3A_608 = tpu.vector_load %arg14[%parallel_loop3A_606, %parallel_loop3A_607] {strides = array<i32>} : memref<128x144xf32, #tpu.memory_space<vmem>>, vector<16xf32>,
      tpu.vector_store %arg14[%parallel_loop3A_606, %parallel_loop3A_607], %parallel_loop3A_605 {strides = array<i32>} : memref<128x144xf32, #tpu.memory_space<vmem>>, vector<16xf32>,
      %parallel_loop3A_609 = arith.index_cast %parallel_loop3A_585 : i32 to index
      %parallel_loop3A_610 = arith.constant 48 : index
      %parallel_loop3A_611 = tpu.vector_load %arg14[%parallel_loop3A_609, %parallel_loop3A_610] {strides = array<i32>} : memref<128x144xf32, #tpu.memory_space<vmem>>, vector<16xf32>,
      %parallel_loop3A_612 = arith.mulf %parallel_loop3A_611, %parallel_loop3A_587 : vector<16xf32>
      %parallel_loop3A_613 = arith.index_cast %parallel_loop3A_585 : i32 to index
      %parallel_loop3A_614 = arith.constant 48 : index
      %parallel_loop3A_615 = tpu.vector_load %arg14[%parallel_loop3A_613, %parallel_loop3A_614] {strides = array<i32>} : memref<128x144xf32, #tpu.memory_space<vmem>>, vector<16xf32>,
      tpu.vector_store %arg14[%parallel_loop3A_613, %parallel_loop3A_614], %parallel_loop3A_612 {strides = array<i32>} : memref<128x144xf32, #tpu.memory_space<vmem>>, vector<16xf32>,
      %parallel_loop3A_616 = arith.index_cast %parallel_loop3A_585 : i32 to index
      %parallel_loop3A_617 = arith.constant 64 : index
      %parallel_loop3A_618 = tpu.vector_load %arg14[%parallel_loop3A_616, %parallel_loop3A_617] {strides = array<i32>} : memref<128x144xf32, #tpu.memory_space<vmem>>, vector<16xf32>,
      %parallel_loop3A_619 = arith.mulf %parallel_loop3A_618, %parallel_loop3A_587 : vector<16xf32>
      %parallel_loop3A_620 = arith.index_cast %parallel_loop3A_585 : i32 to index
      %parallel_loop3A_621 = arith.constant 64 : index
      %parallel_loop3A_622 = tpu.vector_load %arg14[%parallel_loop3A_620, %parallel_loop3A_621] {strides = array<i32>} : memref<128x144xf32, #tpu.memory_space<vmem>>, vector<16xf32>,
      tpu.vector_store %arg14[%parallel_loop3A_620, %parallel_loop3A_621], %parallel_loop3A_619 {strides = array<i32>} : memref<128x144xf32, #tpu.memory_space<vmem>>, vector<16xf32>,
      %parallel_loop3A_623 = arith.index_cast %parallel_loop3A_585 : i32 to index
      %parallel_loop3A_624 = arith.constant 80 : index
      %parallel_loop3A_625 = tpu.vector_load %arg14[%parallel_loop3A_623, %parallel_loop3A_624] {strides = array<i32>} : memref<128x144xf32, #tpu.memory_space<vmem>>, vector<16xf32>,
      %parallel_loop3A_626 = arith.mulf %parallel_loop3A_625, %parallel_loop3A_587 : vector<16xf32>
      %parallel_loop3A_627 = arith.index_cast %parallel_loop3A_585 : i32 to index
      %parallel_loop3A_628 = arith.constant 80 : index
      %parallel_loop3A_629 = tpu.vector_load %arg14[%parallel_loop3A_627, %parallel_loop3A_628] {strides = array<i32>} : memref<128x144xf32, #tpu.memory_space<vmem>>, vector<16xf32>,
      tpu.vector_store %arg14[%parallel_loop3A_627, %parallel_loop3A_628], %parallel_loop3A_626 {strides = array<i32>} : memref<128x144xf32, #tpu.memory_space<vmem>>, vector<16xf32>,
      %parallel_loop3A_630 = arith.index_cast %parallel_loop3A_585 : i32 to index
      %parallel_loop3A_631 = arith.constant 96 : index
      %parallel_loop3A_632 = tpu.vector_load %arg14[%parallel_loop3A_630, %parallel_loop3A_631] {strides = array<i32>} : memref<128x144xf32, #tpu.memory_space<vmem>>, vector<16xf32>,
      %parallel_loop3A_633 = arith.mulf %parallel_loop3A_632, %parallel_loop3A_587 : vector<16xf32>
      %parallel_loop3A_634 = arith.index_cast %parallel_loop3A_585 : i32 to index
      %parallel_loop3A_635 = arith.constant 96 : index
      %parallel_loop3A_636 = tpu.vector_load %arg14[%parallel_loop3A_634, %parallel_loop3A_635] {strides = array<i32>} : memref<128x144xf32, #tpu.memory_space<vmem>>, vector<16xf32>,
      tpu.vector_store %arg14[%parallel_loop3A_634, %parallel_loop3A_635], %parallel_loop3A_633 {strides = array<i32>} : memref<128x144xf32, #tpu.memory_space<vmem>>, vector<16xf32>,
      %parallel_loop3A_637 = arith.index_cast %parallel_loop3A_585 : i32 to index
      %parallel_loop3A_638 = arith.constant 112 : index
      %parallel_loop3A_639 = tpu.vector_load %arg14[%parallel_loop3A_637, %parallel_loop3A_638] {strides = array<i32>} : memref<128x144xf32, #tpu.memory_space<vmem>>, vector<16xf32>,
      %parallel_loop3A_640 = arith.mulf %parallel_loop3A_639, %parallel_loop3A_587 : vector<16xf32>
      %parallel_loop3A_641 = arith.index_cast %parallel_loop3A_585 : i32 to index
      %parallel_loop3A_642 = arith.constant 112 : index
      %parallel_loop3A_643 = tpu.vector_load %arg14[%parallel_loop3A_641, %parallel_loop3A_642] {strides = array<i32>} : memref<128x144xf32, #tpu.memory_space<vmem>>, vector<16xf32>,
      tpu.vector_store %arg14[%parallel_loop3A_641, %parallel_loop3A_642], %parallel_loop3A_640 {strides = array<i32>} : memref<128x144xf32, #tpu.memory_space<vmem>>, vector<16xf32>,
      %parallel_loop3A_644 = arith.index_cast %parallel_loop3A_585 : i32 to index
      %parallel_loop3A_645 = arith.constant 128 : index
      %parallel_loop3A_646 = tpu.vector_load %arg14[%parallel_loop3A_644, %parallel_loop3A_645] {strides = array<i32>} : memref<128x144xf32, #tpu.memory_space<vmem>>, vector<16xf32>,
      %parallel_loop3A_647 = arith.mulf %parallel_loop3A_646, %parallel_loop3A_587 : vector<16xf32>
      %parallel_loop3A_648 = arith.index_cast %parallel_loop3A_585 : i32 to index
      %parallel_loop3A_649 = arith.constant 128 : index
      %parallel_loop3A_650 = tpu.vector_load %arg14[%parallel_loop3A_648, %parallel_loop3A_649] {strides = array<i32>} : memref<128x144xf32, #tpu.memory_space<vmem>>, vector<16xf32>,
      tpu.vector_store %arg14[%parallel_loop3A_648, %parallel_loop3A_649], %parallel_loop3A_647 {strides = array<i32>} : memref<128x144xf32, #tpu.memory_space<vmem>>, vector<16xf32>,
    } {sc.loop_unroll_factor = 2 : i64, sc.parallel_access}
    %dma_start3A_403 = arith.constant 0 : i32
    %dma_start3A_404 = arith.constant 0 : i32
    %dma_start3A_405 = tpu.memref_slice %arg21[%dma_start3A_403, %dma_start3A_404] : memref<10016x144xf32, #tpu.memory_space<vmem_shared>> -> memref<10016x144xf32, #tpu.memory_space<vmem_shared>>
    tpu.enqueue_indirect_dma source(%arg14 : memref<128x144xf32, #tpu.memory_space<vmem>>) target(%dma_start3A_405 : memref<10016x144xf32, #tpu.memory_space<vmem_shared>>) offsets(%arg15 : memref<128xi32, #tpu.memory_space<vmem>>) semaphore(%arg24 : memref<!tpu.dma_semaphore, #tpu.memory_space<semaphore_mem>>) {add = true}
    %dma_wait3A_406 = arith.constant 0 : i32
    %dma_wait3A_407 = arith.constant 0 : i32
    %dma_wait3A_408 = tpu.memref_slice %arg21[%dma_wait3A_406, %dma_wait3A_407] : memref<10016x144xf32, #tpu.memory_space<vmem_shared>> -> memref<10016x144xf32, #tpu.memory_space<vmem_shared>>
    tpu.wait_indirect_dma semaphore(%arg24 : memref<!tpu.dma_semaphore, #tpu.memory_space<semaphore_mem>>) src(%arg14 : memref<128x144xf32, #tpu.memory_space<vmem>>) dst(%dma_wait3A_408 : memref<10016x144xf32, #tpu.memory_space<vmem_shared>>)
    %dma_wait3A_409 = arith.constant 0 : i32
    %dma_wait3A_410 = arith.constant 0 : i32
    %dma_wait3A_411 = tpu.memref_slice %arg2[%dma_wait3A_409, %dma_wait3A_410] : memref<10016x144xf32, #tpu.memory_space<hbm>> -> memref<10016x144xf32, #tpu.memory_space<hbm>>
    tpu.wait_indirect_dma semaphore(%arg22 : memref<!tpu.dma_semaphore, #tpu.memory_space<semaphore_mem>>) src(%dma_wait3A_411 : memref<10016x144xf32, #tpu.memory_space<hbm>>) dst(%arg13 : memref<128x144xf32, #tpu.memory_space<vmem>>)
    %dma_wait3A_412 = arith.constant 0 : i32
    %dma_wait3A_413 = tpu.memref_slice %arg3[%dma_wait3A_412] : memref<10016xf32, #tpu.memory_space<hbm>> -> memref<10016xf32, #tpu.memory_space<hbm>>
    tpu.wait_indirect_dma semaphore(%arg22 : memref<!tpu.dma_semaphore, #tpu.memory_space<semaphore_mem>>) src(%dma_wait3A_413 : memref<10016xf32, #tpu.memory_space<hbm>>) dst(%arg17 : memref<128xf32, #tpu.memory_space<vmem>>)
    %dma_wait3A_414 = arith.constant 0 : i32
    %dma_wait3A_415 = tpu.memref_slice %arg4[%dma_wait3A_414] : memref<10016xf32, #tpu.memory_space<hbm>> -> memref<10016xf32, #tpu.memory_space<hbm>>
    tpu.wait_indirect_dma semaphore(%arg22 : memref<!tpu.dma_semaphore, #tpu.memory_space<semaphore_mem>>) src(%dma_wait3A_415 : memref<10016xf32, #tpu.memory_space<hbm>>) dst(%arg18 : memref<128xf32, #tpu.memory_space<vmem>>)
    %get3A_416 = arith.constant 0 : index
    %get3A_417 = tpu.vector_load %arg17[%get3A_416] {strides = array<i32>} : memref<128xf32, #tpu.memory_space<vmem>>, vector<16xf32>,
    %get3A_418 = arith.constant 0 : index
    %get3A_419 = tpu.vector_load %arg18[%get3A_418] {strides = array<i32>} : memref<128xf32, #tpu.memory_space<vmem>>, vector<16xf32>,
    %add3A_420 = arith.addf %get3A_417, %get3A_419 : vector<16xf32>
    %ge3A_421 = arith.constant 0.000000e+00 : f32
    %ge3A_422 = vector.broadcast %ge3A_421 : f32 to vector<16xf32>
    %ge3A_423 = arith.cmpf oge, %add3A_420, %ge3A_422 : vector<16xf32>
    %mul3A_424 = arith.constant 2.000000e-01 : f32
    %mul3A_425 = vector.broadcast %mul3A_424 : f32 to vector<16xf32>
    %mul3A_426 = arith.mulf %mul3A_425, %add3A_420 : vector<16xf32>
    %select_n3A_427 = arith.select %ge3A_423, %add3A_420, %mul3A_426 : vector<16xi1>, vector<16xf32>
    %exp3A_428 = math.exp %select_n3A_427 : vector<16xf32>
    %swap3A_429 = arith.constant 0 : index
    %swap3A_430 = tpu.vector_load %arg16[%swap3A_429] {strides = array<i32>} : memref<128xf32, #tpu.memory_space<vmem>>, vector<16xf32>,
    tpu.vector_store %arg16[%swap3A_429], %exp3A_428 {strides = array<i32>} : memref<128xf32, #tpu.memory_space<vmem>>, vector<16xf32>,
    %get3A_431 = arith.constant 0 : index
    %get3A_432 = tpu.vector_load %arg10[%get3A_431] {strides = array<i32>} : memref<128xi32, #tpu.memory_space<vmem>>, vector<16xi32>,
    %swap3A_433 = arith.constant 0 : index
    %swap3A_434 = tpu.vector_load %arg15[%swap3A_433] {strides = array<i32>} : memref<128xi32, #tpu.memory_space<vmem>>, vector<16xi32>,
    tpu.vector_store %arg15[%swap3A_433], %get3A_432 {strides = array<i32>} : memref<128xi32, #tpu.memory_space<vmem>>, vector<16xi32>,
    %get3A_435 = arith.constant 16 : index
    %get3A_436 = tpu.vector_load %arg17[%get3A_435] {strides = array<i32>} : memref<128xf32, #tpu.memory_space<vmem>>, vector<16xf32>,
    %get3A_437 = arith.constant 16 : index
    %get3A_438 = tpu.vector_load %arg18[%get3A_437] {strides = array<i32>} : memref<128xf32, #tpu.memory_space<vmem>>, vector<16xf32>,
    %add3A_439 = arith.addf %get3A_436, %get3A_438 : vector<16xf32>
    %ge3A_440 = arith.constant 0.000000e+00 : f32
    %ge3A_441 = vector.broadcast %ge3A_440 : f32 to vector<16xf32>
    %ge3A_442 = arith.cmpf oge, %add3A_439, %ge3A_441 : vector<16xf32>
    %mul3A_443 = arith.constant 2.000000e-01 : f32
    %mul3A_444 = vector.broadcast %mul3A_443 : f32 to vector<16xf32>
    %mul3A_445 = arith.mulf %mul3A_444, %add3A_439 : vector<16xf32>
    %select_n3A_446 = arith.select %ge3A_442, %add3A_439, %mul3A_445 : vector<16xi1>, vector<16xf32>
    %exp3A_447 = math.exp %select_n3A_446 : vector<16xf32>
    %swap3A_448 = arith.constant 16 : index
    %swap3A_449 = tpu.vector_load %arg16[%swap3A_448] {strides = array<i32>} : memref<128xf32, #tpu.memory_space<vmem>>, vector<16xf32>,
    tpu.vector_store %arg16[%swap3A_448], %exp3A_447 {strides = array<i32>} : memref<128xf32, #tpu.memory_space<vmem>>, vector<16xf32>,
    %get3A_450 = arith.constant 16 : index
    %get3A_451 = tpu.vector_load %arg10[%get3A_450] {strides = array<i32>} : memref<128xi32, #tpu.memory_space<vmem>>, vector<16xi32>,
    %swap3A_452 = arith.constant 16 : index
    %swap3A_453 = tpu.vector_load %arg15[%swap3A_452] {strides = array<i32>} : memref<128xi32, #tpu.memory_space<vmem>>, vector<16xi32>,
    tpu.vector_store %arg15[%swap3A_452], %get3A_451 {strides = array<i32>} : memref<128xi32, #tpu.memory_space<vmem>>, vector<16xi32>,
    %get3A_454 = arith.constant 32 : index
    %get3A_455 = tpu.vector_load %arg17[%get3A_454] {strides = array<i32>} : memref<128xf32, #tpu.memory_space<vmem>>, vector<16xf32>,
    %get3A_456 = arith.constant 32 : index
    %get3A_457 = tpu.vector_load %arg18[%get3A_456] {strides = array<i32>} : memref<128xf32, #tpu.memory_space<vmem>>, vector<16xf32>,
    %add3A_458 = arith.addf %get3A_455, %get3A_457 : vector<16xf32>
    %ge3A_459 = arith.constant 0.000000e+00 : f32
    %ge3A_460 = vector.broadcast %ge3A_459 : f32 to vector<16xf32>
    %ge3A_461 = arith.cmpf oge, %add3A_458, %ge3A_460 : vector<16xf32>
    %mul3A_462 = arith.constant 2.000000e-01 : f32
    %mul3A_463 = vector.broadcast %mul3A_462 : f32 to vector<16xf32>
    %mul3A_464 = arith.mulf %mul3A_463, %add3A_458 : vector<16xf32>
    %select_n3A_465 = arith.select %ge3A_461, %add3A_458, %mul3A_464 : vector<16xi1>, vector<16xf32>
    %exp3A_466 = math.exp %select_n3A_465 : vector<16xf32>
    %swap3A_467 = arith.constant 32 : index
    %swap3A_468 = tpu.vector_load %arg16[%swap3A_467] {strides = array<i32>} : memref<128xf32, #tpu.memory_space<vmem>>, vector<16xf32>,
    tpu.vector_store %arg16[%swap3A_467], %exp3A_466 {strides = array<i32>} : memref<128xf32, #tpu.memory_space<vmem>>, vector<16xf32>,
    %get3A_469 = arith.constant 32 : index
    %get3A_470 = tpu.vector_load %arg10[%get3A_469] {strides = array<i32>} : memref<128xi32, #tpu.memory_space<vmem>>, vector<16xi32>,
    %swap3A_471 = arith.constant 32 : index
    %swap3A_472 = tpu.vector_load %arg15[%swap3A_471] {strides = array<i32>} : memref<128xi32, #tpu.memory_space<vmem>>, vector<16xi32>,
    tpu.vector_store %arg15[%swap3A_471], %get3A_470 {strides = array<i32>} : memref<128xi32, #tpu.memory_space<vmem>>, vector<16xi32>,
    %get3A_473 = arith.constant 48 : index
    %get3A_474 = tpu.vector_load %arg17[%get3A_473] {strides = array<i32>} : memref<128xf32, #tpu.memory_space<vmem>>, vector<16xf32>,
    %get3A_475 = arith.constant 48 : index
    %get3A_476 = tpu.vector_load %arg18[%get3A_475] {strides = array<i32>} : memref<128xf32, #tpu.memory_space<vmem>>, vector<16xf32>,
    %add3A_477 = arith.addf %get3A_474, %get3A_476 : vector<16xf32>
    %ge3A_478 = arith.constant 0.000000e+00 : f32
    %ge3A_479 = vector.broadcast %ge3A_478 : f32 to vector<16xf32>
    %ge3A_480 = arith.cmpf oge, %add3A_477, %ge3A_479 : vector<16xf32>
    %mul3A_481 = arith.constant 2.000000e-01 : f32
    %mul3A_482 = vector.broadcast %mul3A_481 : f32 to vector<16xf32>
    %mul3A_483 = arith.mulf %mul3A_482, %add3A_477 : vector<16xf32>
    %select_n3A_484 = arith.select %ge3A_480, %add3A_477, %mul3A_483 : vector<16xi1>, vector<16xf32>
    %exp3A_485 = math.exp %select_n3A_484 : vector<16xf32>
    %swap3A_486 = arith.constant 48 : index
    %swap3A_487 = tpu.vector_load %arg16[%swap3A_486] {strides = array<i32>} : memref<128xf32, #tpu.memory_space<vmem>>, vector<16xf32>,
    tpu.vector_store %arg16[%swap3A_486], %exp3A_485 {strides = array<i32>} : memref<128xf32, #tpu.memory_space<vmem>>, vector<16xf32>,
    %get3A_488 = arith.constant 48 : index
    %get3A_489 = tpu.vector_load %arg10[%get3A_488] {strides = array<i32>} : memref<128xi32, #tpu.memory_space<vmem>>, vector<16xi32>,
    %swap3A_490 = arith.constant 48 : index
    %swap3A_491 = tpu.vector_load %arg15[%swap3A_490] {strides = array<i32>} : memref<128xi32, #tpu.memory_space<vmem>>, vector<16xi32>,
    tpu.vector_store %arg15[%swap3A_490], %get3A_489 {strides = array<i32>} : memref<128xi32, #tpu.memory_space<vmem>>, vector<16xi32>,
    %get3A_492 = arith.constant 64 : index
    %get3A_493 = tpu.vector_load %arg17[%get3A_492] {strides = array<i32>} : memref<128xf32, #tpu.memory_space<vmem>>, vector<16xf32>,
    %get3A_494 = arith.constant 64 : index
    %get3A_495 = tpu.vector_load %arg18[%get3A_494] {strides = array<i32>} : memref<128xf32, #tpu.memory_space<vmem>>, vector<16xf32>,
    %add3A_496 = arith.addf %get3A_493, %get3A_495 : vector<16xf32>
    %ge3A_497 = arith.constant 0.000000e+00 : f32
    %ge3A_498 = vector.broadcast %ge3A_497 : f32 to vector<16xf32>
    %ge3A_499 = arith.cmpf oge, %add3A_496, %ge3A_498 : vector<16xf32>
    %mul3A_500 = arith.constant 2.000000e-01 : f32
    %mul3A_501 = vector.broadcast %mul3A_500 : f32 to vector<16xf32>
    %mul3A_502 = arith.mulf %mul3A_501, %add3A_496 : vector<16xf32>
    %select_n3A_503 = arith.select %ge3A_499, %add3A_496, %mul3A_502 : vector<16xi1>, vector<16xf32>
    %exp3A_504 = math.exp %select_n3A_503 : vector<16xf32>
    %swap3A_505 = arith.constant 64 : index
    %swap3A_506 = tpu.vector_load %arg16[%swap3A_505] {strides = array<i32>} : memref<128xf32, #tpu.memory_space<vmem>>, vector<16xf32>,
    tpu.vector_store %arg16[%swap3A_505], %exp3A_504 {strides = array<i32>} : memref<128xf32, #tpu.memory_space<vmem>>, vector<16xf32>,
    %get3A_507 = arith.constant 64 : index
    %get3A_508 = tpu.vector_load %arg10[%get3A_507] {strides = array<i32>} : memref<128xi32, #tpu.memory_space<vmem>>, vector<16xi32>,
    %swap3A_509 = arith.constant 64 : index
    %swap3A_510 = tpu.vector_load %arg15[%swap3A_509] {strides = array<i32>} : memref<128xi32, #tpu.memory_space<vmem>>, vector<16xi32>,
    tpu.vector_store %arg15[%swap3A_509], %get3A_508 {strides = array<i32>} : memref<128xi32, #tpu.memory_space<vmem>>, vector<16xi32>,
    %get3A_511 = arith.constant 80 : index
    %get3A_512 = tpu.vector_load %arg17[%get3A_511] {strides = array<i32>} : memref<128xf32, #tpu.memory_space<vmem>>, vector<16xf32>,
    %get3A_513 = arith.constant 80 : index
    %get3A_514 = tpu.vector_load %arg18[%get3A_513] {strides = array<i32>} : memref<128xf32, #tpu.memory_space<vmem>>, vector<16xf32>,
    %add3A_515 = arith.addf %get3A_512, %get3A_514 : vector<16xf32>
    %ge3A_516 = arith.constant 0.000000e+00 : f32
    %ge3A_517 = vector.broadcast %ge3A_516 : f32 to vector<16xf32>
    %ge3A_518 = arith.cmpf oge, %add3A_515, %ge3A_517 : vector<16xf32>
    %mul3A_519 = arith.constant 2.000000e-01 : f32
    %mul3A_520 = vector.broadcast %mul3A_519 : f32 to vector<16xf32>
    %mul3A_521 = arith.mulf %mul3A_520, %add3A_515 : vector<16xf32>
    %select_n3A_522 = arith.select %ge3A_518, %add3A_515, %mul3A_521 : vector<16xi1>, vector<16xf32>
    %exp3A_523 = math.exp %select_n3A_522 : vector<16xf32>
    %swap3A_524 = arith.constant 80 : index
    %swap3A_525 = tpu.vector_load %arg16[%swap3A_524] {strides = array<i32>} : memref<128xf32, #tpu.memory_space<vmem>>, vector<16xf32>,
    tpu.vector_store %arg16[%swap3A_524], %exp3A_523 {strides = array<i32>} : memref<128xf32, #tpu.memory_space<vmem>>, vector<16xf32>,
    %get3A_526 = arith.constant 80 : index
    %get3A_527 = tpu.vector_load %arg10[%get3A_526] {strides = array<i32>} : memref<128xi32, #tpu.memory_space<vmem>>, vector<16xi32>,
    %swap3A_528 = arith.constant 80 : index
    %swap3A_529 = tpu.vector_load %arg15[%swap3A_528] {strides = array<i32>} : memref<128xi32, #tpu.memory_space<vmem>>, vector<16xi32>,
    tpu.vector_store %arg15[%swap3A_528], %get3A_527 {strides = array<i32>} : memref<128xi32, #tpu.memory_space<vmem>>, vector<16xi32>,
    %get3A_530 = arith.constant 96 : index
    %get3A_531 = tpu.vector_load %arg17[%get3A_530] {strides = array<i32>} : memref<128xf32, #tpu.memory_space<vmem>>, vector<16xf32>,
    %get3A_532 = arith.constant 96 : index
    %get3A_533 = tpu.vector_load %arg18[%get3A_532] {strides = array<i32>} : memref<128xf32, #tpu.memory_space<vmem>>, vector<16xf32>,
    %add3A_534 = arith.addf %get3A_531, %get3A_533 : vector<16xf32>
    %ge3A_535 = arith.constant 0.000000e+00 : f32
    %ge3A_536 = vector.broadcast %ge3A_535 : f32 to vector<16xf32>
    %ge3A_537 = arith.cmpf oge, %add3A_534, %ge3A_536 : vector<16xf32>
    %mul3A_538 = arith.constant 2.000000e-01 : f32
    %mul3A_539 = vector.broadcast %mul3A_538 : f32 to vector<16xf32>
    %mul3A_540 = arith.mulf %mul3A_539, %add3A_534 : vector<16xf32>
    %select_n3A_541 = arith.select %ge3A_537, %add3A_534, %mul3A_540 : vector<16xi1>, vector<16xf32>
    %exp3A_542 = math.exp %select_n3A_541 : vector<16xf32>
    %swap3A_543 = arith.constant 96 : index
    %swap3A_544 = tpu.vector_load %arg16[%swap3A_543] {strides = array<i32>} : memref<128xf32, #tpu.memory_space<vmem>>, vector<16xf32>,
    tpu.vector_store %arg16[%swap3A_543], %exp3A_542 {strides = array<i32>} : memref<128xf32, #tpu.memory_space<vmem>>, vector<16xf32>,
    %get3A_545 = arith.constant 96 : index
    %get3A_546 = tpu.vector_load %arg10[%get3A_545] {strides = array<i32>} : memref<128xi32, #tpu.memory_space<vmem>>, vector<16xi32>,
    %swap3A_547 = arith.constant 96 : index
    %swap3A_548 = tpu.vector_load %arg15[%swap3A_547] {strides = array<i32>} : memref<128xi32, #tpu.memory_space<vmem>>, vector<16xi32>,
    tpu.vector_store %arg15[%swap3A_547], %get3A_546 {strides = array<i32>} : memref<128xi32, #tpu.memory_space<vmem>>, vector<16xi32>,
    %get3A_549 = arith.constant 112 : index
    %get3A_550 = tpu.vector_load %arg17[%get3A_549] {strides = array<i32>} : memref<128xf32, #tpu.memory_space<vmem>>, vector<16xf32>,
    %get3A_551 = arith.constant 112 : index
    %get3A_552 = tpu.vector_load %arg18[%get3A_551] {strides = array<i32>} : memref<128xf32, #tpu.memory_space<vmem>>, vector<16xf32>,
    %add3A_553 = arith.addf %get3A_550, %get3A_552 : vector<16xf32>
    %ge3A_554 = arith.constant 0.000000e+00 : f32
    %ge3A_555 = vector.broadcast %ge3A_554 : f32 to vector<16xf32>
    %ge3A_556 = arith.cmpf oge, %add3A_553, %ge3A_555 : vector<16xf32>
    %mul3A_557 = arith.constant 2.000000e-01 : f32
    %mul3A_558 = vector.broadcast %mul3A_557 : f32 to vector<16xf32>
    %mul3A_559 = arith.mulf %mul3A_558, %add3A_553 : vector<16xf32>
    %select_n3A_560 = arith.select %ge3A_556, %add3A_553, %mul3A_559 : vector<16xi1>, vector<16xf32>
    %exp3A_561 = math.exp %select_n3A_560 : vector<16xf32>
    %swap3A_562 = arith.constant 112 : index
    %swap3A_563 = tpu.vector_load %arg16[%swap3A_562] {strides = array<i32>} : memref<128xf32, #tpu.memory_space<vmem>>, vector<16xf32>,
    tpu.vector_store %arg16[%swap3A_562], %exp3A_561 {strides = array<i32>} : memref<128xf32, #tpu.memory_space<vmem>>, vector<16xf32>,
    %get3A_564 = arith.constant 112 : index
    %get3A_565 = tpu.vector_load %arg10[%get3A_564] {strides = array<i32>} : memref<128xi32, #tpu.memory_space<vmem>>, vector<16xi32>,
    %swap3A_566 = arith.constant 112 : index
    %swap3A_567 = tpu.vector_load %arg15[%swap3A_566] {strides = array<i32>} : memref<128xi32, #tpu.memory_space<vmem>>, vector<16xi32>,
    tpu.vector_store %arg15[%swap3A_566], %get3A_565 {strides = array<i32>} : memref<128xi32, #tpu.memory_space<vmem>>, vector<16xi32>,
    %parallel_loop3A_568 = arith.constant 0 : i32
    %parallel_loop3A_569 = arith.constant 128 : i32
    %parallel_loop3A_570 = arith.constant 1 : i32
    scf.for %parallel_loop3A_585 = %parallel_loop3A_568 to %parallel_loop3A_569 step %parallel_loop3A_570  : i32 {
      %parallel_loop3A_586 = vector.broadcast %parallel_loop3A_585 : i32 to vector<16xi32>
      %parallel_loop3A_587 = tpu.vector_load_idx %arg16[%parallel_loop3A_586] : memref<128xf32, #tpu.memory_space<vmem>>[vector<16xi32>], vector<16xf32>,
      %parallel_loop3A_588 = arith.index_cast %parallel_loop3A_585 : i32 to index
      %parallel_loop3A_589 = arith.constant 0 : index
      %parallel_loop3A_590 = tpu.vector_load %arg13[%parallel_loop3A_588, %parallel_loop3A_589] {strides = array<i32>} : memref<128x144xf32, #tpu.memory_space<vmem>>, vector<16xf32>,
      %parallel_loop3A_591 = arith.mulf %parallel_loop3A_590, %parallel_loop3A_587 : vector<16xf32>
      %parallel_loop3A_592 = arith.index_cast %parallel_loop3A_585 : i32 to index
      %parallel_loop3A_593 = arith.constant 0 : index
      %parallel_loop3A_594 = tpu.vector_load %arg13[%parallel_loop3A_592, %parallel_loop3A_593] {strides = array<i32>} : memref<128x144xf32, #tpu.memory_space<vmem>>, vector<16xf32>,
      tpu.vector_store %arg13[%parallel_loop3A_592, %parallel_loop3A_593], %parallel_loop3A_591 {strides = array<i32>} : memref<128x144xf32, #tpu.memory_space<vmem>>, vector<16xf32>,
      %parallel_loop3A_595 = arith.index_cast %parallel_loop3A_585 : i32 to index
      %parallel_loop3A_596 = arith.constant 16 : index
      %parallel_loop3A_597 = tpu.vector_load %arg13[%parallel_loop3A_595, %parallel_loop3A_596] {strides = array<i32>} : memref<128x144xf32, #tpu.memory_space<vmem>>, vector<16xf32>,
      %parallel_loop3A_598 = arith.mulf %parallel_loop3A_597, %parallel_loop3A_587 : vector<16xf32>
      %parallel_loop3A_599 = arith.index_cast %parallel_loop3A_585 : i32 to index
      %parallel_loop3A_600 = arith.constant 16 : index
      %parallel_loop3A_601 = tpu.vector_load %arg13[%parallel_loop3A_599, %parallel_loop3A_600] {strides = array<i32>} : memref<128x144xf32, #tpu.memory_space<vmem>>, vector<16xf32>,
      tpu.vector_store %arg13[%parallel_loop3A_599, %parallel_loop3A_600], %parallel_loop3A_598 {strides = array<i32>} : memref<128x144xf32, #tpu.memory_space<vmem>>, vector<16xf32>,
      %parallel_loop3A_602 = arith.index_cast %parallel_loop3A_585 : i32 to index
      %parallel_loop3A_603 = arith.constant 32 : index
      %parallel_loop3A_604 = tpu.vector_load %arg13[%parallel_loop3A_602, %parallel_loop3A_603] {strides = array<i32>} : memref<128x144xf32, #tpu.memory_space<vmem>>, vector<16xf32>,
      %parallel_loop3A_605 = arith.mulf %parallel_loop3A_604, %parallel_loop3A_587 : vector<16xf32>
      %parallel_loop3A_606 = arith.index_cast %parallel_loop3A_585 : i32 to index
      %parallel_loop3A_607 = arith.constant 32 : index
      %parallel_loop3A_608 = tpu.vector_load %arg13[%parallel_loop3A_606, %parallel_loop3A_607] {strides = array<i32>} : memref<128x144xf32, #tpu.memory_space<vmem>>, vector<16xf32>,
      tpu.vector_store %arg13[%parallel_loop3A_606, %parallel_loop3A_607], %parallel_loop3A_605 {strides = array<i32>} : memref<128x144xf32, #tpu.memory_space<vmem>>, vector<16xf32>,
      %parallel_loop3A_609 = arith.index_cast %parallel_loop3A_585 : i32 to index
      %parallel_loop3A_610 = arith.constant 48 : index
      %parallel_loop3A_611 = tpu.vector_load %arg13[%parallel_loop3A_609, %parallel_loop3A_610] {strides = array<i32>} : memref<128x144xf32, #tpu.memory_space<vmem>>, vector<16xf32>,
      %parallel_loop3A_612 = arith.mulf %parallel_loop3A_611, %parallel_loop3A_587 : vector<16xf32>
      %parallel_loop3A_613 = arith.index_cast %parallel_loop3A_585 : i32 to index
      %parallel_loop3A_614 = arith.constant 48 : index
      %parallel_loop3A_615 = tpu.vector_load %arg13[%parallel_loop3A_613, %parallel_loop3A_614] {strides = array<i32>} : memref<128x144xf32, #tpu.memory_space<vmem>>, vector<16xf32>,
      tpu.vector_store %arg13[%parallel_loop3A_613, %parallel_loop3A_614], %parallel_loop3A_612 {strides = array<i32>} : memref<128x144xf32, #tpu.memory_space<vmem>>, vector<16xf32>,
      %parallel_loop3A_616 = arith.index_cast %parallel_loop3A_585 : i32 to index
      %parallel_loop3A_617 = arith.constant 64 : index
      %parallel_loop3A_618 = tpu.vector_load %arg13[%parallel_loop3A_616, %parallel_loop3A_617] {strides = array<i32>} : memref<128x144xf32, #tpu.memory_space<vmem>>, vector<16xf32>,
      %parallel_loop3A_619 = arith.mulf %parallel_loop3A_618, %parallel_loop3A_587 : vector<16xf32>
      %parallel_loop3A_620 = arith.index_cast %parallel_loop3A_585 : i32 to index
      %parallel_loop3A_621 = arith.constant 64 : index
      %parallel_loop3A_622 = tpu.vector_load %arg13[%parallel_loop3A_620, %parallel_loop3A_621] {strides = array<i32>} : memref<128x144xf32, #tpu.memory_space<vmem>>, vector<16xf32>,
      tpu.vector_store %arg13[%parallel_loop3A_620, %parallel_loop3A_621], %parallel_loop3A_619 {strides = array<i32>} : memref<128x144xf32, #tpu.memory_space<vmem>>, vector<16xf32>,
      %parallel_loop3A_623 = arith.index_cast %parallel_loop3A_585 : i32 to index
      %parallel_loop3A_624 = arith.constant 80 : index
      %parallel_loop3A_625 = tpu.vector_load %arg13[%parallel_loop3A_623, %parallel_loop3A_624] {strides = array<i32>} : memref<128x144xf32, #tpu.memory_space<vmem>>, vector<16xf32>,
      %parallel_loop3A_626 = arith.mulf %parallel_loop3A_625, %parallel_loop3A_587 : vector<16xf32>
      %parallel_loop3A_627 = arith.index_cast %parallel_loop3A_585 : i32 to index
      %parallel_loop3A_628 = arith.constant 80 : index
      %parallel_loop3A_629 = tpu.vector_load %arg13[%parallel_loop3A_627, %parallel_loop3A_628] {strides = array<i32>} : memref<128x144xf32, #tpu.memory_space<vmem>>, vector<16xf32>,
      tpu.vector_store %arg13[%parallel_loop3A_627, %parallel_loop3A_628], %parallel_loop3A_626 {strides = array<i32>} : memref<128x144xf32, #tpu.memory_space<vmem>>, vector<16xf32>,
      %parallel_loop3A_630 = arith.index_cast %parallel_loop3A_585 : i32 to index
      %parallel_loop3A_631 = arith.constant 96 : index
      %parallel_loop3A_632 = tpu.vector_load %arg13[%parallel_loop3A_630, %parallel_loop3A_631] {strides = array<i32>} : memref<128x144xf32, #tpu.memory_space<vmem>>, vector<16xf32>,
      %parallel_loop3A_633 = arith.mulf %parallel_loop3A_632, %parallel_loop3A_587 : vector<16xf32>
      %parallel_loop3A_634 = arith.index_cast %parallel_loop3A_585 : i32 to index
      %parallel_loop3A_635 = arith.constant 96 : index
      %parallel_loop3A_636 = tpu.vector_load %arg13[%parallel_loop3A_634, %parallel_loop3A_635] {strides = array<i32>} : memref<128x144xf32, #tpu.memory_space<vmem>>, vector<16xf32>,
      tpu.vector_store %arg13[%parallel_loop3A_634, %parallel_loop3A_635], %parallel_loop3A_633 {strides = array<i32>} : memref<128x144xf32, #tpu.memory_space<vmem>>, vector<16xf32>,
      %parallel_loop3A_637 = arith.index_cast %parallel_loop3A_585 : i32 to index
      %parallel_loop3A_638 = arith.constant 112 : index
      %parallel_loop3A_639 = tpu.vector_load %arg13[%parallel_loop3A_637, %parallel_loop3A_638] {strides = array<i32>} : memref<128x144xf32, #tpu.memory_space<vmem>>, vector<16xf32>,
      %parallel_loop3A_640 = arith.mulf %parallel_loop3A_639, %parallel_loop3A_587 : vector<16xf32>
      %parallel_loop3A_641 = arith.index_cast %parallel_loop3A_585 : i32 to index
      %parallel_loop3A_642 = arith.constant 112 : index
      %parallel_loop3A_643 = tpu.vector_load %arg13[%parallel_loop3A_641, %parallel_loop3A_642] {strides = array<i32>} : memref<128x144xf32, #tpu.memory_space<vmem>>, vector<16xf32>,
      tpu.vector_store %arg13[%parallel_loop3A_641, %parallel_loop3A_642], %parallel_loop3A_640 {strides = array<i32>} : memref<128x144xf32, #tpu.memory_space<vmem>>, vector<16xf32>,
      %parallel_loop3A_644 = arith.index_cast %parallel_loop3A_585 : i32 to index
      %parallel_loop3A_645 = arith.constant 128 : index
      %parallel_loop3A_646 = tpu.vector_load %arg13[%parallel_loop3A_644, %parallel_loop3A_645] {strides = array<i32>} : memref<128x144xf32, #tpu.memory_space<vmem>>, vector<16xf32>,
      %parallel_loop3A_647 = arith.mulf %parallel_loop3A_646, %parallel_loop3A_587 : vector<16xf32>
      %parallel_loop3A_648 = arith.index_cast %parallel_loop3A_585 : i32 to index
      %parallel_loop3A_649 = arith.constant 128 : index
      %parallel_loop3A_650 = tpu.vector_load %arg13[%parallel_loop3A_648, %parallel_loop3A_649] {strides = array<i32>} : memref<128x144xf32, #tpu.memory_space<vmem>>, vector<16xf32>,
      tpu.vector_store %arg13[%parallel_loop3A_648, %parallel_loop3A_649], %parallel_loop3A_647 {strides = array<i32>} : memref<128x144xf32, #tpu.memory_space<vmem>>, vector<16xf32>,
    } {sc.loop_unroll_factor = 2 : i64, sc.parallel_access}
    %dma_start3A_571 = arith.constant 0 : i32
    %dma_start3A_572 = arith.constant 0 : i32
    %dma_start3A_573 = tpu.memref_slice %arg21[%dma_start3A_571, %dma_start3A_572] : memref<10016x144xf32, #tpu.memory_space<vmem_shared>> -> memref<10016x144xf32, #tpu.memory_space<vmem_shared>>
    tpu.enqueue_indirect_dma source(%arg13 : memref<128x144xf32, #tpu.memory_space<vmem>>) target(%dma_start3A_573 : memref<10016x144xf32, #tpu.memory_space<vmem_shared>>) offsets(%arg15 : memref<128xi32, #tpu.memory_space<vmem>>) semaphore(%arg24 : memref<!tpu.dma_semaphore, #tpu.memory_space<semaphore_mem>>) {add = true}
    %dma_wait3A_574 = arith.constant 0 : i32
    %dma_wait3A_575 = arith.constant 0 : i32
    %dma_wait3A_576 = tpu.memref_slice %arg21[%dma_wait3A_574, %dma_wait3A_575] : memref<10016x144xf32, #tpu.memory_space<vmem_shared>> -> memref<10016x144xf32, #tpu.memory_space<vmem_shared>>
    tpu.wait_indirect_dma semaphore(%arg24 : memref<!tpu.dma_semaphore, #tpu.memory_space<semaphore_mem>>) src(%arg13 : memref<128x144xf32, #tpu.memory_space<vmem>>) dst(%dma_wait3A_576 : memref<10016x144xf32, #tpu.memory_space<vmem_shared>>)
    %barrier3A_577 = arith.constant 0 : index
    tpu.barrier barrier_id(%barrier3A_577)
    %mul3A_578 = arith.constant 626 : i32
    %mul3A_579 = arith.muli %arg1, %mul3A_578 : i32
    %mul3A_580 = arith.constant 10016 : i32
    %mul3A_581 = arith.muli %arg0, %mul3A_580 : i32
    %mul3A_582 = arith.constant 626 : i32
    %mul3A_583 = arith.muli %arg1, %mul3A_582 : i32
    %add3A_584 = arith.addi %mul3A_581, %mul3A_583 : i32
    "tpu.region"() ({
      %run_scoped3A = tpu.sem_alloc : memref<!tpu.dma_semaphore, #tpu.memory_space<semaphore_mem>>
      %dma_start3A_585 = arith.constant 0 : i32
      %dma_start3A_586 = tpu.memref_slice %arg8[%add3A_584, %dma_start3A_585] : memref<20032x144xf32, #tpu.memory_space<hbm>> -> memref<626x144xf32, #tpu.memory_space<hbm>>
      %dma_start3A_587 = arith.constant 0 : i32
      %dma_start3A_588 = tpu.memref_slice %arg21[%mul3A_579, %dma_start3A_587] : memref<10016x144xf32, #tpu.memory_space<vmem_shared>> -> memref<626x144xf32, #tpu.memory_space<vmem_shared>>
      tpu.enqueue_dma source(%dma_start3A_588 : memref<626x144xf32, #tpu.memory_space<vmem_shared>>) target(%dma_start3A_586 : memref<626x144xf32, #tpu.memory_space<hbm>>) target_semaphore(%run_scoped3A : memref<!tpu.dma_semaphore, #tpu.memory_space<semaphore_mem>>)
      %dma_wait3A_589 = arith.constant 0 : i32
      %dma_wait3A_590 = tpu.memref_slice %arg8[%add3A_584, %dma_wait3A_589] : memref<20032x144xf32, #tpu.memory_space<hbm>> -> memref<626x144xf32, #tpu.memory_space<hbm>>
      %dma_wait3A_591 = arith.constant 0 : i32
      %dma_wait3A_592 = tpu.memref_slice %arg21[%mul3A_579, %dma_wait3A_591] : memref<10016x144xf32, #tpu.memory_space<vmem_shared>> -> memref<626x144xf32, #tpu.memory_space<vmem_shared>>
      tpu.wait_dma2 semaphore(%run_scoped3A : memref<!tpu.dma_semaphore, #tpu.memory_space<semaphore_mem>>) src(%dma_wait3A_592 : memref<626x144xf32, #tpu.memory_space<vmem_shared>>) dst(%dma_wait3A_590 : memref<626x144xf32, #tpu.memory_space<hbm>>)
      tpu.yield
    }) : () -> ()
    return
  }
}

module attributes {stable_mosaic.version = 14 : i64} {
  func.func @_tc_first_body(%arg0: memref<10016x128xf32, #tpu.memory_space<vmem>>, %arg1: memref<128x128xf32, #tpu.memory_space<vmem>>, %arg2: memref<1x128xf32, #tpu.memory_space<vmem>>, %arg3: memref<1x128xf32, #tpu.memory_space<vmem>>, %arg4: memref<10016x144xf32, #tpu.memory_space<vmem>>, %arg5: memref<1x10016xf32, #tpu.memory_space<vmem>>, %arg6: memref<1x10016xf32, #tpu.memory_space<vmem>>) attributes {dimension_semantics = [], scalar_prefetch = 0 : i64, scratch_operands = 0 : i64, tpu.core_type = #tpu.core_type<tc>} {
    %get3A = arith.constant 0 : index
    %get3A_0 = arith.constant 0 : index
    %get3A_1 = vector.load %arg0[%get3A, %get3A_0] : memref<10016x128xf32, #tpu.memory_space<vmem>>, vector<10016x128xf32>
    %get3A_2 = arith.constant 0 : index
    %get3A_3 = arith.constant 0 : index
    %get3A_4 = vector.load %arg1[%get3A_2, %get3A_3] : memref<128x128xf32, #tpu.memory_space<vmem>>, vector<128x128xf32>
    %dot_general3A = arith.constant dense<0.000000e+00> : vector<10016x128xf32>
    %dot_general3A_5 = tpu.matmul %get3A_1, %get3A_4, %dot_general3A {dimension_numbers = #tpu.dot_dimension_numbers<[1], [0], [0], [1], [0, 0, 1, 1], [], []>, transpose_lhs_hint = false} : vector<10016x128xf32>, vector<128x128xf32>, vector<10016x128xf32> -> vector<10016x128xf32>
    %get3A_6 = arith.constant 0 : index
    %get3A_7 = arith.constant 0 : index
    %get3A_8 = vector.load %arg2[%get3A_6, %get3A_7] : memref<1x128xf32, #tpu.memory_space<vmem>>, vector<1x128xf32>
    %get3A_9 = arith.constant 0 : index
    %get3A_10 = arith.constant 0 : index
    %get3A_11 = vector.load %arg3[%get3A_9, %get3A_10] : memref<1x128xf32, #tpu.memory_space<vmem>>, vector<1x128xf32>
    %broadcast_in_dim3A = arith.constant 1.000000e+00 : f32
    %broadcast_in_dim3A_12 = vector.broadcast %broadcast_in_dim3A : f32 to vector<10016x1xf32>
    %broadcast_in_dim3A_13 = arith.constant 0.000000e+00 : f32
    %broadcast_in_dim3A_14 = vector.broadcast %broadcast_in_dim3A_13 : f32 to vector<10016x15xf32>
    %concatenate3A = tpu.concatenate %dot_general3A_5, %broadcast_in_dim3A_12, %broadcast_in_dim3A_14 in 1 : vector<10016x128xf32>, vector<10016x1xf32>, vector<10016x15xf32> -> vector<10016x144xf32>
    %swap3A = arith.constant 0 : index
    %swap3A_15 = arith.constant 0 : index
    %swap3A_16 = vector.load %arg4[%swap3A, %swap3A_15] : memref<10016x144xf32, #tpu.memory_space<vmem>>, vector<10016x144xf32>
    tpu.vector_store %arg4[%swap3A, %swap3A_15], %concatenate3A {strides = array<i32>} : memref<10016x144xf32, #tpu.memory_space<vmem>>, vector<10016x144xf32>,
    %iota3A = tpu.iota {dimensions = array<i32: 1>} : vector<1x10016xi32>
    %lt3A = arith.constant 10000 : i32
    %lt3A_17 = vector.broadcast %lt3A : i32 to vector<1x10016xi32>
    %lt3A_18 = arith.cmpi slt, %iota3A, %lt3A_17 : vector<1x10016xi32>
    %mul3A = vector.broadcast %get3A_8 : vector<1x128xf32> to vector<10016x128xf32>
    %mul3A_19 = arith.mulf %dot_general3A_5, %mul3A : vector<10016x128xf32>
    %reduce_sum3A = arith.constant dense<0.000000e+00> : vector<10016xf32>
    %reduce_sum3A_20 = vector.multi_reduction <add>, %mul3A_19, %reduce_sum3A [1] : vector<10016x128xf32> to vector<10016xf32>
    %reshape3A = vector.shape_cast %reduce_sum3A_20 : vector<10016xf32> to vector<1x10016xf32>
    %mul3A_21 = vector.broadcast %get3A_11 : vector<1x128xf32> to vector<10016x128xf32>
    %mul3A_22 = arith.mulf %dot_general3A_5, %mul3A_21 : vector<10016x128xf32>
    %reduce_sum3A_23 = arith.constant dense<0.000000e+00> : vector<10016xf32>
    %reduce_sum3A_24 = vector.multi_reduction <add>, %mul3A_22, %reduce_sum3A_23 [1] : vector<10016x128xf32> to vector<10016xf32>
    %reshape3A_25 = vector.shape_cast %reduce_sum3A_24 : vector<10016xf32> to vector<1x10016xf32>
    %jit3A = arith.constant -1.000000e+30 : f32
    %broadcast_in_dim3A_26 = vector.broadcast %jit3A : f32 to vector<1x10016xf32>
    %select_n3A = arith.select %lt3A_18, %reshape3A, %broadcast_in_dim3A_26 : vector<1x10016xi1>, vector<1x10016xf32>
    %swap3A_27 = arith.constant 0 : index
    %swap3A_28 = arith.constant 0 : index
    %swap3A_29 = vector.load %arg5[%swap3A_27, %swap3A_28] : memref<1x10016xf32, #tpu.memory_space<vmem>>, vector<1x10016xf32>
    tpu.vector_store %arg5[%swap3A_27, %swap3A_28], %select_n3A {strides = array<i32>} : memref<1x10016xf32, #tpu.memory_space<vmem>>, vector<1x10016xf32>,
    %jit3A_30 = arith.constant -1.000000e+30 : f32
    %broadcast_in_dim3A_31 = vector.broadcast %jit3A_30 : f32 to vector<1x10016xf32>
    %select_n3A_32 = arith.select %lt3A_18, %reshape3A_25, %broadcast_in_dim3A_31 : vector<1x10016xi1>, vector<1x10016xf32>
    %swap3A_33 = arith.constant 0 : index
    %swap3A_34 = arith.constant 0 : index
    %swap3A_35 = vector.load %arg6[%swap3A_33, %swap3A_34] : memref<1x10016xf32, #tpu.memory_space<vmem>>, vector<1x10016xf32>
    tpu.vector_store %arg6[%swap3A_33, %swap3A_34], %select_n3A_32 {strides = array<i32>} : memref<1x10016xf32, #tpu.memory_space<vmem>>, vector<1x10016xf32>,
    return
  }
}

module attributes {stable_mosaic.version = 14 : i64} {
  func.func @_tc_mid_body(%arg0: memref<2x10016x144xf32, #tpu.memory_space<vmem>>, %arg1: memref<1x128xf32, #tpu.memory_space<vmem>>, %arg2: memref<128x128xf32, #tpu.memory_space<vmem>>, %arg3: memref<1x128xf32, #tpu.memory_space<vmem>>, %arg4: memref<1x128xf32, #tpu.memory_space<vmem>>, %arg5: memref<10016x144xf32, #tpu.memory_space<vmem>>, %arg6: memref<1x10016xf32, #tpu.memory_space<vmem>>, %arg7: memref<1x10016xf32, #tpu.memory_space<vmem>>) attributes {dimension_semantics = [], scalar_prefetch = 0 : i64, scratch_operands = 0 : i64, tpu.core_type = #tpu.core_type<tc>} {
    %get3A = arith.constant 0 : index
    %get3A_0 = arith.constant 0 : index
    %get3A_1 = arith.constant 0 : index
    %get3A_2 = vector.load %arg0[%get3A, %get3A_0, %get3A_1] : memref<2x10016x144xf32, #tpu.memory_space<vmem>>, vector<2x10016x144xf32>
    %slice3A = vector.extract_strided_slice %get3A_2 {offsets = [0, 0, 0], sizes = [1, 10016, 144], strides = [1, 1, 1]} : vector<2x10016x144xf32> to vector<1x10016x144xf32>
    %squeeze3A = vector.shape_cast %slice3A : vector<1x10016x144xf32> to vector<10016x144xf32>
    %slice3A_3 = vector.extract_strided_slice %get3A_2 {offsets = [1, 0, 0], sizes = [1, 10016, 144], strides = [1, 1, 1]} : vector<2x10016x144xf32> to vector<1x10016x144xf32>
    %squeeze3A_4 = vector.shape_cast %slice3A_3 : vector<1x10016x144xf32> to vector<10016x144xf32>
    %add3A = arith.addf %squeeze3A, %squeeze3A_4 : vector<10016x144xf32>
    %slice3A_5 = vector.extract_strided_slice %add3A {offsets = [0, 0], sizes = [10016, 128], strides = [1, 1]} : vector<10016x144xf32> to vector<10016x128xf32>
    %slice3A_6 = vector.extract_strided_slice %add3A {offsets = [0, 128], sizes = [10016, 16], strides = [1, 1]} : vector<10016x144xf32> to vector<10016x16xf32>
    %reduce_sum3A = arith.constant dense<0.000000e+00> : vector<10016xf32>
    %reduce_sum3A_7 = vector.multi_reduction <add>, %slice3A_6, %reduce_sum3A [1] : vector<10016x16xf32> to vector<10016xf32>
    %broadcast_in_dim3A = vector.shape_cast %reduce_sum3A_7 : vector<10016xf32> to vector<10016x1xf32>
    %add3A_8 = arith.constant 1.000000e-16 : f32
    %add3A_9 = vector.broadcast %add3A_8 : f32 to vector<10016x1xf32>
    %add3A_10 = arith.addf %broadcast_in_dim3A, %add3A_9 : vector<10016x1xf32>
    %div3A = vector.broadcast %add3A_10 : vector<10016x1xf32> to vector<10016x128xf32>
    %div3A_11 = arith.divf %slice3A_5, %div3A : vector<10016x128xf32>
    %get3A_12 = arith.constant 0 : index
    %get3A_13 = arith.constant 0 : index
    %get3A_14 = vector.load %arg1[%get3A_12, %get3A_13] : memref<1x128xf32, #tpu.memory_space<vmem>>, vector<1x128xf32>
    %add3A_15 = vector.broadcast %get3A_14 : vector<1x128xf32> to vector<10016x128xf32>
    %add3A_16 = arith.addf %div3A_11, %add3A_15 : vector<10016x128xf32>
    %ge3A = arith.constant 0.000000e+00 : f32
    %ge3A_17 = vector.broadcast %ge3A : f32 to vector<10016x128xf32>
    %ge3A_18 = arith.cmpf oge, %add3A_16, %ge3A_17 : vector<10016x128xf32>
    %mul3A = arith.constant 0.00999999977 : f32
    %mul3A_19 = vector.broadcast %mul3A : f32 to vector<10016x128xf32>
    %mul3A_20 = arith.mulf %mul3A_19, %add3A_16 : vector<10016x128xf32>
    %select_n3A = arith.select %ge3A_18, %add3A_16, %mul3A_20 : vector<10016x128xi1>, vector<10016x128xf32>
    %get3A_21 = arith.constant 0 : index
    %get3A_22 = arith.constant 0 : index
    %get3A_23 = vector.load %arg2[%get3A_21, %get3A_22] : memref<128x128xf32, #tpu.memory_space<vmem>>, vector<128x128xf32>
    %dot_general3A = arith.constant dense<0.000000e+00> : vector<10016x128xf32>
    %dot_general3A_24 = tpu.matmul %select_n3A, %get3A_23, %dot_general3A {dimension_numbers = #tpu.dot_dimension_numbers<[1], [0], [0], [1], [0, 0, 1, 1], [], []>, transpose_lhs_hint = false} : vector<10016x128xf32>, vector<128x128xf32>, vector<10016x128xf32> -> vector<10016x128xf32>
    %get3A_25 = arith.constant 0 : index
    %get3A_26 = arith.constant 0 : index
    %get3A_27 = vector.load %arg3[%get3A_25, %get3A_26] : memref<1x128xf32, #tpu.memory_space<vmem>>, vector<1x128xf32>
    %get3A_28 = arith.constant 0 : index
    %get3A_29 = arith.constant 0 : index
    %get3A_30 = vector.load %arg4[%get3A_28, %get3A_29] : memref<1x128xf32, #tpu.memory_space<vmem>>, vector<1x128xf32>
    %broadcast_in_dim3A_31 = arith.constant 1.000000e+00 : f32
    %broadcast_in_dim3A_32 = vector.broadcast %broadcast_in_dim3A_31 : f32 to vector<10016x1xf32>
    %broadcast_in_dim3A_33 = arith.constant 0.000000e+00 : f32
    %broadcast_in_dim3A_34 = vector.broadcast %broadcast_in_dim3A_33 : f32 to vector<10016x15xf32>
    %concatenate3A = tpu.concatenate %dot_general3A_24, %broadcast_in_dim3A_32, %broadcast_in_dim3A_34 in 1 : vector<10016x128xf32>, vector<10016x1xf32>, vector<10016x15xf32> -> vector<10016x144xf32>
    %swap3A = arith.constant 0 : index
    %swap3A_35 = arith.constant 0 : index
    %swap3A_36 = vector.load %arg5[%swap3A, %swap3A_35] : memref<10016x144xf32, #tpu.memory_space<vmem>>, vector<10016x144xf32>
    tpu.vector_store %arg5[%swap3A, %swap3A_35], %concatenate3A {strides = array<i32>} : memref<10016x144xf32, #tpu.memory_space<vmem>>, vector<10016x144xf32>,
    %iota3A = tpu.iota {dimensions = array<i32: 1>} : vector<1x10016xi32>
    %lt3A = arith.constant 10000 : i32
    %lt3A_37 = vector.broadcast %lt3A : i32 to vector<1x10016xi32>
    %lt3A_38 = arith.cmpi slt, %iota3A, %lt3A_37 : vector<1x10016xi32>
    %mul3A_39 = vector.broadcast %get3A_27 : vector<1x128xf32> to vector<10016x128xf32>
    %mul3A_40 = arith.mulf %dot_general3A_24, %mul3A_39 : vector<10016x128xf32>
    %reduce_sum3A_41 = arith.constant dense<0.000000e+00> : vector<10016xf32>
    %reduce_sum3A_42 = vector.multi_reduction <add>, %mul3A_40, %reduce_sum3A_41 [1] : vector<10016x128xf32> to vector<10016xf32>
    %reshape3A = vector.shape_cast %reduce_sum3A_42 : vector<10016xf32> to vector<1x10016xf32>
    %mul3A_43 = vector.broadcast %get3A_30 : vector<1x128xf32> to vector<10016x128xf32>
    %mul3A_44 = arith.mulf %dot_general3A_24, %mul3A_43 : vector<10016x128xf32>
    %reduce_sum3A_45 = arith.constant dense<0.000000e+00> : vector<10016xf32>
    %reduce_sum3A_46 = vector.multi_reduction <add>, %mul3A_44, %reduce_sum3A_45 [1] : vector<10016x128xf32> to vector<10016xf32>
    %reshape3A_47 = vector.shape_cast %reduce_sum3A_46 : vector<10016xf32> to vector<1x10016xf32>
    %jit3A = arith.constant -1.000000e+30 : f32
    %broadcast_in_dim3A_48 = vector.broadcast %jit3A : f32 to vector<1x10016xf32>
    %select_n3A_49 = arith.select %lt3A_38, %reshape3A, %broadcast_in_dim3A_48 : vector<1x10016xi1>, vector<1x10016xf32>
    %swap3A_50 = arith.constant 0 : index
    %swap3A_51 = arith.constant 0 : index
    %swap3A_52 = vector.load %arg6[%swap3A_50, %swap3A_51] : memref<1x10016xf32, #tpu.memory_space<vmem>>, vector<1x10016xf32>
    tpu.vector_store %arg6[%swap3A_50, %swap3A_51], %select_n3A_49 {strides = array<i32>} : memref<1x10016xf32, #tpu.memory_space<vmem>>, vector<1x10016xf32>,
    %jit3A_53 = arith.constant -1.000000e+30 : f32
    %broadcast_in_dim3A_54 = vector.broadcast %jit3A_53 : f32 to vector<1x10016xf32>
    %select_n3A_55 = arith.select %lt3A_38, %reshape3A_47, %broadcast_in_dim3A_54 : vector<1x10016xi1>, vector<1x10016xf32>
    %swap3A_56 = arith.constant 0 : index
    %swap3A_57 = arith.constant 0 : index
    %swap3A_58 = vector.load %arg7[%swap3A_56, %swap3A_57] : memref<1x10016xf32, #tpu.memory_space<vmem>>, vector<1x10016xf32>
    tpu.vector_store %arg7[%swap3A_56, %swap3A_57], %select_n3A_55 {strides = array<i32>} : memref<1x10016xf32, #tpu.memory_space<vmem>>, vector<1x10016xf32>,
    return
  }
}

module attributes {stable_mosaic.version = 14 : i64} {
  func.func @_tc_last_body(%arg0: memref<2x10016x144xf32, #tpu.memory_space<vmem>>, %arg1: memref<1x128xf32, #tpu.memory_space<vmem>>, %arg2: memref<10016x128xf32, #tpu.memory_space<vmem>>) attributes {dimension_semantics = [], scalar_prefetch = 0 : i64, scratch_operands = 0 : i64, tpu.core_type = #tpu.core_type<tc>} {
    %get3A = arith.constant 0 : index
    %get3A_0 = arith.constant 0 : index
    %get3A_1 = arith.constant 0 : index
    %get3A_2 = vector.load %arg0[%get3A, %get3A_0, %get3A_1] : memref<2x10016x144xf32, #tpu.memory_space<vmem>>, vector<2x10016x144xf32>
    %slice3A = vector.extract_strided_slice %get3A_2 {offsets = [0, 0, 0], sizes = [1, 10016, 144], strides = [1, 1, 1]} : vector<2x10016x144xf32> to vector<1x10016x144xf32>
    %squeeze3A = vector.shape_cast %slice3A : vector<1x10016x144xf32> to vector<10016x144xf32>
    %slice3A_3 = vector.extract_strided_slice %get3A_2 {offsets = [1, 0, 0], sizes = [1, 10016, 144], strides = [1, 1, 1]} : vector<2x10016x144xf32> to vector<1x10016x144xf32>
    %squeeze3A_4 = vector.shape_cast %slice3A_3 : vector<1x10016x144xf32> to vector<10016x144xf32>
    %add3A = arith.addf %squeeze3A, %squeeze3A_4 : vector<10016x144xf32>
    %slice3A_5 = vector.extract_strided_slice %add3A {offsets = [0, 0], sizes = [10016, 128], strides = [1, 1]} : vector<10016x144xf32> to vector<10016x128xf32>
    %slice3A_6 = vector.extract_strided_slice %add3A {offsets = [0, 128], sizes = [10016, 16], strides = [1, 1]} : vector<10016x144xf32> to vector<10016x16xf32>
    %reduce_sum3A = arith.constant dense<0.000000e+00> : vector<10016xf32>
    %reduce_sum3A_7 = vector.multi_reduction <add>, %slice3A_6, %reduce_sum3A [1] : vector<10016x16xf32> to vector<10016xf32>
    %broadcast_in_dim3A = vector.shape_cast %reduce_sum3A_7 : vector<10016xf32> to vector<10016x1xf32>
    %add3A_8 = arith.constant 1.000000e-16 : f32
    %add3A_9 = vector.broadcast %add3A_8 : f32 to vector<10016x1xf32>
    %add3A_10 = arith.addf %broadcast_in_dim3A, %add3A_9 : vector<10016x1xf32>
    %div3A = vector.broadcast %add3A_10 : vector<10016x1xf32> to vector<10016x128xf32>
    %div3A_11 = arith.divf %slice3A_5, %div3A : vector<10016x128xf32>
    %get3A_12 = arith.constant 0 : index
    %get3A_13 = arith.constant 0 : index
    %get3A_14 = vector.load %arg1[%get3A_12, %get3A_13] : memref<1x128xf32, #tpu.memory_space<vmem>>, vector<1x128xf32>
    %add3A_15 = vector.broadcast %get3A_14 : vector<1x128xf32> to vector<10016x128xf32>
    %add3A_16 = arith.addf %div3A_11, %add3A_15 : vector<10016x128xf32>
    %swap3A = arith.constant 0 : index
    %swap3A_17 = arith.constant 0 : index
    %swap3A_18 = vector.load %arg2[%swap3A, %swap3A_17] : memref<10016x128xf32, #tpu.memory_space<vmem>>, vector<10016x128xf32>
    tpu.vector_store %arg2[%swap3A, %swap3A_17], %add3A_16 {strides = array<i32>} : memref<10016x128xf32, #tpu.memory_space<vmem>>, vector<10016x128xf32>,
    return
  }
}

</mosaic_0001>

<sc_bundles>
// kernel: kernel.10.cloned.1.call-start
scs
__scs_entry_jumppad:
0x0: {  	(pc) =	sbr.rel $0x88, $3  }
0x1: {  	(tag) =	ssettag $0x0;
	lr =	simm.s32 $0x1  }
0x2: {  	[smem:$0x3F97] =	sst lr;
	_ =	strace $0xD0000000  }
0x3: {  	_ = 	snop  }
0x4: {  	_ = 	snop  }
0x5: {  	_ = 	snop  }
0x6: {  	_ = 	snop  }
0x7: {  	_ = 	snop  }
__scs_overlays_trampoline_lowered:
0x8: {  	[smem:$0x3FA6] =	sst s0  }
0x9: {  	[smem:$0x3FA7] =	sst s1  }
0xa: {  	[smem:$0x3FA8] =	sst s2  }
0xb: {  	[smem:$0x3FA9] =	sst s3  }
0xc: {  	[smem:$0x3FAA] =	sst s4  }
0xd: {  	[smem:$0x3FAB] =	sst s5  }
0xe: {  	[smem:$0x3FAC] =	sst s6  }
0xf: {  	[smem:$0x3FAD] =	sst s7  }
0x10: {  	[smem:$0x3FAE] =	sst s8  }
0x11: {  	[smem:$0x3FAF] =	sst s9;
	s0 =	simm.s32 @!p0 $0x0  }
0x12: {  	s1 =	sld [smem:$0x3F95];
	s0 =	simm.s32 @p0 $0x1  }
0x13: {  	[smem:$0x3FB0] =	sst s0;
	s0 =	simm.s32 @!p1 $0x0  }
0x14: {  	s2 =	sld [smem:$0x3F94];
	s0 =	simm.s32 @p1 $0x1  }
0x15: {  	[smem:$0x3FB1] =	sst s0;
	s0 =	simm.s32 @!p2 $0x0  }
0x16: {  	s3 =	sld [smem:$0x3FDB];
	s0 =	simm.s32 @p2 $0x1  }
0x17: {  	s4 =	simm.s32 $0x1BF5;
	[smem:$0x3FB3] =	sst s0  }
0x18: {  	s0 =	sld [smem:$0x3F96];
	_ =	swait.ge [sflag:s4], $0x0  }
0x19: {  	s7 =	sld [smem:$0x3F97]  }
0x1a: {  	s8 =	sadd.s32 $0xFFFFE003, lr  }
0x1b: {  	s9 =	sadd.s32 $0xFFFFFEF7, lr;
	s5 =	simm.s32 $0xFFFFFFFF;
	p2 =	slt.u32 s8, $0xFFFFF086  }
0x1c: {  	p1 =	slt.u32 s9, $0xF7A;
	s5 =	simm.s32 @!p2 $0x0  }
0x1d: {  	s5 =	simm.s32 @p1 $0x1;
	p0 =	seq.s32 s7, s2  }
0x1e: {  	s7 =	smul.u32 @!p0 $0xF7A, s2;
	p2 =	seq.s32 @!p0 s5, $0x0  }
0x1f: {  	s9 =	smul.u32 $0xF7A, s1;
	s8 =	simm.s32 @!p0 $0x1BF5;
	p2 =	por !p2, p0  }
0x20: {  	[sflag:s8] =	ssyncset.s32 @!p0 $0xFFFFF086;
	s6 =	sadd.s32 @!p0 s3, s7;
	s7 =	simm.s32 @!p0 $0x108  }
0x21: {  	s3 =	sadd.s32 s3, s9;
	s6 =	sadd.s32 @!p0 $0x88, s6;
	s7 =	simm.s32 @p2 $0x1082  }
0x22: {  	[simem:s7], [sflag:s8] =	dma.local @!p0 [hbm:s6], $0xF7A  }
0x23: {  	s9 =	sor.u32 $0xD0000000, s2;
	s6 =	simm.s32 $0x108;
	_ =	swait.ge @!p0 [sflag:s8], $0x0  }
0x24: {  	s3 =	sadd.s32 $0x88, s3;
	s6 =	simm.s32 @!p1 $0x1082;
	[sflag:s4] =	ssyncset.s32 $0xFFFFF086  }
0x25: {  	[simem:s6], [sflag:s4] =	dma.local [hbm:s3], $0xF7A  }
0x26: {  	[smem:$0x3F97] =	sst s1;
	(tag) =	ssettag s2;
	_ =	strace s9  }
0x27: {  	s1 =	sld [smem:$0x3FA7]  }
0x28: {  	s2 =	sld [smem:$0x3FA8]  }
0x29: {  	s4 =	sld [smem:$0x3FAA]  }
0x2a: {  	p0 =	seq.s32 s5, $0x0;
	s5 =	sld [smem:$0x3FAB]  }
0x2b: {  	s6 =	sld [smem:$0x3FAC]  }
0x2c: {  	s7 =	sld [smem:$0x3FAD]  }
0x2d: {  	s3 =	simm.s32 $0x108;
	s8 =	sld [smem:$0x3FAE]  }
0x2e: {  	s3 =	simm.s32 @!p0 $0x1082;
	s9 =	sld [smem:$0x3FAF]  }
0x2f: {  	lr =	sadd.s32 s0, s3;
	s0 =	sld [smem:$0x3FA6]  }
0x30: {  	s3 =	sld [smem:$0x3FA9]  }
0x31: {  	[smem:$0x3FB2] =	sst s10  }
0x32: {  	s10 =	sld [smem:$0x3FB0];
	_ =	sdelay $0x3  }
0x33: {  	p0 =	seq.s32 s10, $0x1;
	s10 =	sld [smem:$0x3FB2];
	_ =	sdelay $0x3  }
0x34: {  	[smem:$0x3FB2] =	sst s10  }
0x35: {  	s10 =	sld [smem:$0x3FB1];
	_ =	sdelay $0x3  }
0x36: {  	p1 =	seq.s32 s10, $0x1;
	s10 =	sld [smem:$0x3FB2];
	_ =	sdelay $0x3  }
0x37: {  	[smem:$0x3FB2] =	sst s10  }
0x38: {  	s10 =	sld [smem:$0x3FB3]  }
0x39: {  	_ = 	snop;
	(pc) =	sbr.ind lr, $3  }
0x3a: {  	_ = 	snop  }
0x3b: {  	_ = 	snop  }
0x3c: {  	p2 =	seq.s32 s10, $0x1;
	s10 =	sld [smem:$0x3FB2]  }
0x3d: {  	_ =	shalt  }
0x3e: {  	_ =	shalt  }
0x3f: {  	_ =	shalt  }
0x40: {  	_ =	shalt  }
0x41: {  	_ =	shalt  }
0x42: {  	_ =	shalt  }
0x43: {  	_ =	shalt  }
0x44: {  	_ =	shalt  }
0x45: {  	_ =	shalt  }
0x46: {  	_ =	shalt  }
0x47: {  	_ =	shalt  }
0x48: {  	_ =	shalt  }
0x49: {  	_ =	shalt  }
0x4a: {  	_ =	shalt  }
0x4b: {  	_ =	shalt  }
0x4c: {  	_ =	shalt  }
0x4d: {  	_ =	shalt  }
0x4e: {  	_ =	shalt  }
0x4f: {  	_ =	shalt  }
0x50: {  	_ =	shalt  }
0x51: {  	_ =	shalt  }
0x52: {  	_ =	shalt  }
0x53: {  	_ =	shalt  }
0x54: {  	_ =	shalt  }
0x55: {  	_ =	shalt  }
0x56: {  	_ =	shalt  }
0x57: {  	_ =	shalt  }
0x58: {  	_ =	shalt  }
0x59: {  	_ =	shalt  }
0x5a: {  	_ =	shalt  }
0x5b: {  	_ =	shalt  }
0x5c: {  	_ =	shalt  }
0x5d: {  	_ =	shalt  }
0x5e: {  	_ =	shalt  }
0x5f: {  	_ =	shalt  }
0x60: {  	_ =	shalt  }
0x61: {  	_ =	shalt  }
0x62: {  	_ =	shalt  }
0x63: {  	_ =	shalt  }
0x64: {  	_ =	shalt  }
0x65: {  	_ =	shalt  }
0x66: {  	_ =	shalt  }
0x67: {  	_ =	shalt  }
0x68: {  	_ =	shalt  }
0x69: {  	_ =	shalt  }
0x6a: {  	_ =	shalt  }
0x6b: {  	_ =	shalt  }
0x6c: {  	_ =	shalt  }
0x6d: {  	_ =	shalt  }
0x6e: {  	_ =	shalt  }
0x6f: {  	_ =	shalt  }
0x70: {  	_ =	shalt  }
0x71: {  	_ =	shalt  }
0x72: {  	_ =	shalt  }
0x73: {  	_ =	shalt  }
0x74: {  	_ =	shalt  }
0x75: {  	_ =	shalt  }
0x76: {  	_ =	shalt  }
0x77: {  	_ =	shalt  }
0x78: {  	_ =	shalt  }
0x79: {  	_ =	shalt  }
0x7a: {  	_ =	shalt  }
0x7b: {  	_ =	shalt  }
0x7c: {  	_ =	shalt  }
0x7d: {  	_ =	shalt  }
0x7e: {  	_ =	shalt  }
0x7f: {  	_ =	shalt  }
0x80: {  	_ =	shalt  }
0x81: {  	_ =	shalt  }
0x82: {  	_ =	shalt  }
0x83: {  	_ =	shalt  }
0x84: {  	_ =	shalt  }
0x85: {  	_ =	shalt  }
0x86: {  	_ =	shalt  }
0x87: {  	_ =	shalt  }
.Lfunc_end0:
.L_simem_size_0:
called_computation.1_lowered:
.L_overlay_start_0:
0x88: {  	s2 =	sld [smem:$0x3FD9]  }
0x89: {  	s3 =	sld [smem:$0x3FFE];
	_ =	sdelay $0x1  }
0x8a: {  	s1 =	srdreg.scid  }
0x8b: {  	s0 =	sand.u32 $0x1, s1  }
0x8c: {  	s17 =	sshll.u32 s0, $0xA;
	s2 =	sadd.s32 s3, s2  }
0x8d: {  	s2 =	sadd.s32 s2, s17  }
0x8e: {  	[smem:$0x3FBE] =	sst s2  }
0x8f: {  	_ = 	snop  }
0x90: {  	s2 =	sld [smem:$0x3FD0];
	(tm) =	ssettm $0x1  }
0x91: {  	s18 =	sld [smem:$0x3FFB];
	_ =	sdelay $0x3  }
0x92: {  	_ =	strace s18  }
0x93: {  	s3 =	sld [smem:$0x3FFC];
	_ =	sdelay $0x3  }
0x94: {  	_ =	strace s3  }
0x95: {  	s3 =	sld [smem:$0x3FFD];
	_ =	sdelay $0x3  }
0x96: {  	_ =	strace s3  }
0x97: {  	_ =	strace $0x8FFFFFFF  }
0x98: {  	s19 =	sld [smem:$0x3FDB];
	_ =	sdelay $0x1  }
0x99: {  	s4 =	simm.s32 $_scs_section_size  }
0x9a: {  	s5 =	simm.s32 $_size__tile_overlayer_lowered;
	s6 =	simm.s32 $_tile_overlayer_lowered  }
0x9b: {  	s22 =	simm.s32 $0x1BFF;
	s21 =	sshll.u32 s6, $0x1;
	s3 =	sadd.s32 s4, s19  }
0x9c: {  	s7 =	simm.s32 $0x0;
	s20 =	sshll.u32 s5, $0x1;
	s5 =	sadd.s32 s21, s3  }
0x9d: {  	[timem:s7], [sflag:s22] =	dma.local [hbm:s5], s20  }
0x9e: {  	_ =	swait.ge [sflag:s22], s20  }
0x9f: {  	s4 =	ssub.s32 $0x0, s20;
	[sflag:s22] =	ssyncset.done $0x0  }
0xa0: {  	[sflag:s22] =	ssyncadd.s32 s4;
	_ =	sdelay $0x1  }
0xa1: {  	s23 =	simm.s32 $0x1B8B  }
0xa2: {  	_ =	swait.ge [sflag:s23], $0x1  }
0xa3: {  	[sflag:s23] =	ssyncset.done $0x0  }
0xa4: {  	s25 =	simm.s32 $0x1B8E;
	s24 =	sld [smem:$0x3FFE];
	[sflag:s23] =	ssyncadd.s32 $0xFFFFFFFF  }
0xa5: {  	s26 =	simm.s32 $execute0_lowered;
	[smem:$0x3FD2] =	sst s25  }
0xa6: {  	s5 =	sshll.u32 s26, $0x1;
	_ =	strace $0x80000049;
	[dreg:$0x1] =	wrdreg $0xFFFFFFFF  }
0xa7: {  	s28 =	simm.s32 $_size_execute0_lowered;
	s3 =	sadd.s32 s3, s5;
	[dreg:$0x0] =	wrdreg $0x0  }
0xa8: {  	s5 =	sshll.u32 s28, $0x1;
	[dreg:$0x2] =	wrdreg s3  }
0xa9: {  	[dreg:$0x3] =	wrdreg s5  }
0xaa: {  	[dreg:$0x4] =	wrdreg $0xC0  }
0xab: {  	_ =	task [dreg:s7], $0x5FFFF  }
0xac: {  	[dreg:$0x1] =	wrdreg $0xFFFFFFFF  }
0xad: {  	[dreg:$0x0] =	wrdreg $0x60  }
0xae: {  	[dreg:$0x2] =	wrdreg s24  }
0xaf: {  	[dreg:$0x3] =	wrdreg s2  }
0xb0: {  	[dreg:$0x4] =	wrdreg $0x95000  }
0xb1: {  	[dreg:$0x5] =	wrdreg $0x9  }
0xb2: {  	_ =	task.clear_ibuf [dreg:s7], $0x6FFFF;
	_ =	strace $0x90000049  }
0xb3: {  	s29 =	simm.s32 $0x9;
	_ =	strace $0x8000004B  }
0xb4: {  	_ =	swait.ge [sflag:s29], $0x1  }
0xb5: {  	[sflag:s29] =	ssyncadd.s32 $0xFFFFFFFF  }
0xb6: {  	_ =	strace $0x9000004B  }
0xb7: {  	_ =	sfence  }
0xb8: {  	s30 =	sld [smem:$0x0];
	_ =	sdelay $0x2  }
0xb9: {  	s31 =	sshll.u32 s1, $0xD;
	s1 =	sshrl.u32 s1, $0x2  }
0xba: {  	s3 =	sand.u32 $0x4000, s31;
	s1 =	sadd.s32 s1, s30  }
0xbb: {  	s0 =	sor.u32 s3, s0;
	s1 =	sshll.u32 s1, $0x11  }
0xbc: {  	s0 =	sor.u32 s1, s0  }
0xbd: {  	s0 =	sadd.s32 $0x8F2B, s0  }
0xbe: {  	[sflag:s0] =	ssyncadd.remote.s32 $0x1  }
0xbf: {  	_ =	sfence.sel $0xFFFF  }
0xc0: {  	[dreg:$0x0] =	wrdreg $0xFFFFFFFF;
	(pc) =	sbr.abs _section_cstart, $3  }
0xc1: {  	[dreg:$0x1] =	wrdreg $0xFFFFFFFF  }
0xc2: {  	_ =	task.clear_ibuf [dreg:s7], $0x2FFFF;
	_ =	strace $0x9FFFFFFF  }
0xc3: {  	(tm) =	ssettm $0x7FFFFFFF  }
tec
execute0_lowered:
.L_overlay_start_1:
0x0: {  	(tag) =	ssettag $0x1  }
0x1: {  	s1 =	rddreg [dreg:$0x0]  }
0x2: {  	s2 =	rddreg [dreg:$0x1]  }
0x3: {  	s3 =	rddreg [dreg:$0x2]  }
0x4: {  	s0 =	simm.s32 $0x0;
	s14 =	stileid.u32;
	s4 =	srdreg.scid  }
0x5: {  	s28 =	simm.s32 $0x9380;
	s29 =	simm.s32 $0x100;
	s30 =	simm.s32 $0x180  }
0x6: {  	s31 =	simm.s32 $0x4A00;
	[smem:$0x7FF] =	sst s0;
	s6 =	sadd.s32 $0xA200, s1  }
0x7: {  	s15 =	smul.u32 $0x16020, s14;
	s7 =	sadd.s32 $0x36400, s1;
	s4 =	sand.u32 $0x1, s4  }
0x8: {  	s5 =	smul.u32 $0x2C04, s14;
	s11 =	sshll.u32 s14, $0x1;
	s8 =	sadd.s32 $0x36A00, s1  }
0x9: {  	s18 =	sshll.u32 s14, $0x6;
	s10 =	smul.u32 $0x2C040, s4;
	s11 =	sor.u32 s4, s11  }
0xa: {  	s14 =	simm.s32 $0x2;
	_ =	strace $0x8000004A;
	s16 =	smul.u32 $0x51, s11  }
0xb: {  	s4 =	ssub.s32 $0x2, s4;
	s9 =	sshrl.u32 s15, $0x3;
	s13 =	smul.u32 $0x2880, s11  }
0xc: {  	s12 =	sshrl.u32 s4, $0x1;
	s0 =	sadd.s32 s15, s3;
	s17 =	smul.u32 $0x510, s11  }
0xd: {  	s15 =	sor.u32 $0x1C05, s18;
	s11 =	simm.s32 $0x5;
	s9 =	sadd.s32 s9, s1  }
0xe: {  	s5 =	sadd.s32 s5, s10;
	s4 =	ssub.s32 s4, s12;
	[dreg:$0x4] =	wrdreg s0  }
0xf: {  	s10 =	simm.s32 $0x9280;
	s12 =	simm.s32 $0x9200;
	[dreg:$0x6] =	wrdreg s15  }
0x10: {  	s5 =	sadd.s32 s5, s1;
	s9 =	sadd.s32 $0x37000, s9;
	s19 =	sshrl.u32 s13, $0x3  }
0x11: {  	s20 =	sadd.s32 s2, s17;
	s0 =	sadd.s32 s1, s17;
	[dreg:$0x5] =	wrdreg s9  }
0x12: {  	s18 =	sadd.s32 $0x3, s16;
	s26 =	smax.u32 s4, $0x1;
	[dreg:$0x7] =	wrdreg s20  }
0x13: {  	s4 =	simm.s32 $0x9480;
	s13 =	simm.s32 $0x3;
	[dreg:$0x8] =	wrdreg s0  }
0x14: {  	s21 =	sadd.s32 $0x10, s19;
	s25 =	sadd.s32 $0x63200, s5;
	[dreg:$0xe] =	wrdreg s26  }
0x15: {  	s23 =	sadd.s32 $0x20, s19;
	s22 =	sadd.s32 s2, s21;
	[dreg:$0xd] =	wrdreg s25  }
0x16: {  	s19 =	sadd.s32 $0x4, s16;
	s9 =	sadd.s32 s1, s21;
	[dreg:$0x9] =	wrdreg s22  }
0x17: {  	s26 =	simm.s32 $0x9300;
	s24 =	sadd.s32 s2, s23;
	[dreg:$0xa] =	wrdreg s9  }
0x18: {  	s16 =	simm.s32 $0x0;
	s0 =	sadd.s32 s1, s23;
	[dreg:$0xb] =	wrdreg s24  }
0x19: {  	s23 =	simm.s32 $0x80;
	s25 =	simm.s32 $0x200;
	[dreg:$0xc] =	wrdreg s0  }
0x1a: {  	s24 =	simm.s32 $0x4;
	s0 =	simm.s32 $0x9400;
	s9 =	simm.s32 $0x1  }
.LBB2_1:
0x1b: {  	[dreg:$0xf] =	wrdreg s16  }
0x1c: {  	s5 =	rddreg [dreg:$0x4]  }
0x1d: {  	s21 =	rddreg [dreg:$0x5];
	s20 =	sshrl.u32 s5, $0x3  }
0x1e: {  	[dreg:$0x10] =	wrdreg s20  }
0x1f: {  	[spmem:s20], [sflag:s15] =	dma.local [hbm:s21], $0x2C04  }
0x20: {  	_ =	swait.ge [sflag:s11], $0x2C04  }
0x21: {  	[sflag:s11] =	ssyncset.done $0x0  }
0x22: {  	[sflag:s11] =	ssyncadd.s32 $0xFFFFD3FC  }
0x23: {  	[bflag:$0x0] =	sbarrier.arrive $0xFFFF  }
0x24: {  	s5 =	simm.s32 $0x0;
	s22 =	rddreg [dreg:$0x7]  }
0x25: {  	[tilespmem:s5], [sflag:$0x4] =	stream.linear.gather [hbm4b:s22+s5], $0x80, $0x38;
	[tilespmem:$0x1F520] =	vst v63  }
0x26: {  	s15 =	rddreg [dreg:$0x8]  }
0x27: {  	[tilespmem:s23], [sflag:$0x4] =	stream.linear.gather [hbm4b:s15+s5], $0x80, $0x38;
	[tilespmem:$0x1F520] =	vst v63  }
0x28: {  	_ =	swait.ge [sflag:s24], $0x80  }
0x29: {  	[sflag:s24] =	ssyncset.done $0x0  }
0x2a: {  	[sflag:s24] =	ssyncadd.s32 $0xFFFFFF80  }
0x2b: {  	_ =	swait.ge [sflag:s24], $0x80  }
0x2c: {  	[sflag:s24] =	ssyncset.done $0x0  }
0x2d: {  	[sflag:s24] =	ssyncadd.s32 $0xFFFFFF80  }
0x2e: {  	[tilespmem:s25], [sflag:$0x1] =	stream.indirect.gather [hbm4b:s6+s23], $0x90, s5, s23, $0xb8;
	[tilespmem:$0x1F520] =	vst v63  }
0x2f: {  	_ = 	snop  }
0x30: {  	[tilespmem:s26], [sflag:$0x1] =	stream.indirect.gather [hbm4b:s7+s23], $0x1, s5, s23, $0xb8;
	[tilespmem:$0x1F520] =	vst v63  }
0x31: {  	_ = 	snop  }
0x32: {  	[tilespmem:s28], [sflag:$0x1] =	stream.indirect.gather [hbm4b:s8+s23], $0x1, s23, s23, $0xb8;
	[tilespmem:$0x1F520] =	vst v63  }
0x33: {  	s16 =	rddreg [dreg:$0x9]  }
0x34: {  	[tilespmem:s29], [sflag:$0x4] =	stream.linear.gather [hbm4b:s16+s5], $0x80, $0x38;
	[tilespmem:$0x1F520] =	vst v63  }
0x35: {  	s17 =	rddreg [dreg:$0xa]  }
0x36: {  	[tilespmem:s30], [sflag:$0x4] =	stream.linear.gather [hbm4b:s17+s5], $0x80, $0x38;
	[tilespmem:$0x1F520] =	vst v63  }
0x37: {  	_ =	swait.ge [sflag:s24], $0x80  }
0x38: {  	[sflag:s24] =	ssyncset.done $0x0  }
0x39: {  	[sflag:s24] =	ssyncadd.s32 $0xFFFFFF80  }
0x3a: {  	_ =	swait.ge [sflag:s24], $0x80  }
0x3b: {  	[sflag:s24] =	ssyncset.done $0x0  }
0x3c: {  	[sflag:s24] =	ssyncadd.s32 $0xFFFFFF80  }
0x3d: {  	[tilespmem:s31], [sflag:$0x2] =	stream.indirect.gather [hbm4b:s6+s23], $0x90, s29, s23, $0xb8;
	[tilespmem:$0x1F520] =	vst v63  }
0x3e: {  	_ = 	snop  }
0x3f: {  	[tilespmem:s0], [sflag:$0x2] =	stream.indirect.gather [hbm4b:s7+s23], $0x1, s29, s23, $0xb8;
	[tilespmem:$0x1F520] =	vst v63  }
0x40: {  	_ = 	snop  }
0x41: {  	[tilespmem:s4], [sflag:$0x2] =	stream.indirect.gather [hbm4b:s8+s23], $0x1, s30, s23, $0xb8;
	[tilespmem:$0x1F520] =	vst v63  }
0x42: {  	_ =	swait.ge [sflag:s9], $0x4800  }
0x43: {  	[sflag:s9] =	ssyncset.done $0x0  }
0x44: {  	[sflag:s9] =	ssyncadd.s32 $0xFFFFB800  }
0x45: {  	_ =	swait.ge [sflag:s9], $0x80  }
0x46: {  	[sflag:s9] =	ssyncset.done $0x0  }
0x47: {  	[sflag:s9] =	ssyncadd.s32 $0xFFFFFF80  }
0x48: {  	_ =	swait.ge [sflag:s9], $0x80  }
0x49: {  	[sflag:s9] =	ssyncset.done $0x0  }
0x4a: {  	[sflag:s9] =	ssyncadd.s32 $0xFFFFFF80  }
0x4b: {  	v0 =	vld [tilespmem:$0x9300]  }
0x4c: {  	v1 =	vld [tilespmem:$0x9380]  }
0x4d: {  	v2 =	vld [tilespmem:$0x9310]  }
0x4e: {  	v3 =	vld [tilespmem:$0x9390]  }
0x4f: {  	v4 =	vld [tilespmem:$0x9320]  }
0x50: {  	v5 =	vld [tilespmem:$0x93A0]  }
0x51: {  	v6 =	vld [tilespmem:$0x93B0];
	v0 =	vadd.f32 v1, v0  }
0x52: {  	v1 =	vld [tilespmem:$0x9330]  }
0x53: {  	v8 =	vld [tilespmem:$0x93C0];
	v2 =	vadd.f32 v3, v2;
	v7 =	vmul.f32 $2.000000030e-01, v0  }
0x54: {  	v3 =	vld [tilespmem:$0x9340];
	vm0 =	vge.f32 v0, $0.0e+00  }
0x55: {  	v9 =	vld [tilespmem:$0x93D0];
	v4 =	vadd.f32 v5, v4;
	v0 =	vsel vm0, v0, v7;
	v7 =	vmul.f32 $2.000000030e-01, v2  }
0x56: {  	v5 =	vld [tilespmem:$0x9350];
	vm9 =	vge.f32 v2, $0.0e+00;
	v0 =	vmul.f32 $1.442695020e+00, v0  }
0x57: {  	v1 =	vadd.f32 v6, v1;
	v6 =	vld [tilespmem:$0x9360];
	v2 =	vsel vm9, v2, v7;
	v7 =	vmul.f32 $2.000000030e-01, v4  }
0x58: {  	vm10 =	vge.f32 v4, $0.0e+00;
	(erf) = vpow2.f32 v0;
	v0 =	vmul.f32 $1.442695020e+00, v2;
	v2 =	vld [tilespmem:$0x93E0]  }
0x59: {  	v3 =	vadd.f32 v8, v3;
	v8 =	vld [tilespmem:$0x9370];
	v4 =	vsel vm10, v4, v7;
	v7 =	vmul.f32 $2.000000030e-01, v1  }
0x5a: {  	vm11 =	vge.f32 v1, $0.0e+00;
	(erf) = vpow2.f32 v0;
	v0 =	vmul.f32 $1.442695020e+00, v4;
	v4 =	vld [tilespmem:$0x93F0]  }
0x5b: {  	v5 =	vadd.f32 v9, v5;
	v1 =	vsel vm11, v1, v7;
	v7 =	vmul.f32 $2.000000030e-01, v3  }
0x5c: {  	vm12 =	vge.f32 v3, $0.0e+00;
	(erf) = vpow2.f32 v0;
	v0 =	vmul.f32 $1.442695020e+00, v1  }
0x5d: {  	v1 =	vsel vm12, v3, v7;
	v3 =	vmul.f32 $2.000000030e-01, v5;
	v2 =	vadd.f32 v2, v6  }
0x5e: {  	vm13 =	vge.f32 v5, $0.0e+00;
	(erf) = vpow2.f32 v0;
	v0 =	vmul.f32 $1.442695020e+00, v1  }
0x5f: {  	v6 =	vld [tilespmem:$0x80];
	v1 =	vsel vm13, v5, v3;
	v3 =	vmul.f32 $2.000000030e-01, v2;
	v4 =	vadd.f32 v4, v8  }
0x60: {  	vm14 =	vge.f32 v2, $0.0e+00;
	(erf) = vpow2.f32 v0;
	v0 =	vmul.f32 $1.442695020e+00, v1  }
0x61: {  	v5 =	vld [tilespmem:$0x90];
	v2 =	vsel vm14, v2, v3;
	v3 =	vmul.f32 $2.000000030e-01, v4  }
0x62: {  	vm15 =	vge.f32 v4, $0.0e+00;
	v1 =	vpop (erf);
	(erf) = vpow2.f32 v0;
	v0 =	vmul.f32 $1.442695020e+00, v2  }
0x63: {  	[tilespmem:$0x9280] =	vst v1;
	v1 =	vld [tilespmem:$0xA0];
	v3 =	vsel vm15, v4, v3  }
0x64: {  	[tilespmem:$0x9200] =	vst v6;
	v2 =	vpop (erf);
	(erf) = vpow2.f32 v0;
	v0 =	vmul.f32 $1.442695020e+00, v3  }
0x65: {  	[tilespmem:$0x9290] =	vst v2;
	v2 =	vld [tilespmem:$0xB0]  }
0x66: {  	[tilespmem:$0x9210] =	vst v5;
	v3 =	vpop (erf)  }
0x67: {  	(erf) = vpow2.f32 v0;
	[tilespmem:$0x92A0] =	vst v3;
	v3 =	vld [tilespmem:$0xC0]  }
0x68: {  	v0 =	vpop (erf);
	[tilespmem:$0x9220] =	vst v1  }
0x69: {  	[tilespmem:$0x92B0] =	vst v0;
	v0 =	vld [tilespmem:$0xD0]  }
0x6a: {  	v1 =	vpop (erf);
	[tilespmem:$0x9230] =	vst v2  }
0x6b: {  	[tilespmem:$0x92C0] =	vst v1;
	v1 =	vld [tilespmem:$0xE0]  }
0x6c: {  	v2 =	vpop (erf);
	[tilespmem:$0x9240] =	vst v3  }
0x6d: {  	[tilespmem:$0x92D0] =	vst v2;
	v2 =	vld [tilespmem:$0xF0]  }
0x6e: {  	v3 =	vpop (erf);
	[tilespmem:$0x9250] =	vst v0  }
0x6f: {  	v0 =	vmov s5;
	[tilespmem:$0x92E0] =	vst v3  }
0x70: {  	v0 =	vand.u32 $0xFFFFFFFE, v0;
	[tilespmem:$0x9260] =	vst v1;
	v1 =	vpop (erf)  }
0x71: {  	v0 =	vbroadcast v0, $0x0;
	[tilespmem:$0x92F0] =	vst v1  }
0x72: {  	s20 =	rddreg [dreg:$0xb];
	[tilespmem:$0x9270] =	vst v2  }
0x73: {  	[tilespmem:s5], [sflag:$0x4] =	stream.linear.gather [hbm4b:s20+s5], $0x80, $0x38;
	[tilespmem:$0x1F520] =	vst v63  }
0x74: {  	s17 =	simm.s32 $0x290;
	s21 =	rddreg [dreg:$0xc]  }
0x75: {  	[tilespmem:s23], [sflag:$0x4] =	stream.linear.gather [hbm4b:s21+s5], $0x80, $0x38;
	[tilespmem:$0x1F520] =	vst v63  }
0x76: {  	v2 =	vld [tilespmem:s17+$0xFFFFFF70]  }
0x77: {  	v1 =	vld.idx.msk [tilespmem:v0+s10+$0x0], $0xffff  }
0x78: {  	v0 =	vld [tilespmem:s17+$0xFFFFFFF0]  }
0x79: {  	s22 =	simm.s32 $0x1;
	v3 =	vld [tilespmem:s17+$0xFFFFFF80]  }
0x7a: {  	v5 =	vmov s22;
	v4 =	vld [tilespmem:s17+$0xFFFFFF90]  }
0x7b: {  	v6 =	vld [tilespmem:s17+$0xFFFFFFA0]  }
0x7c: {  	v7 =	vld [tilespmem:s17+$0xFFFFFFB0]  }
0x7d: {  	v10 =	vld [tilespmem:s17+$0xFFFFFFC0];
	v0 =	vmul.f32 v0, v1  }
0x7e: {  	v8 =	vmul.f32 v2, v1;
	v2 =	vld [tilespmem:s17+$0xFFFFFFD0]  }
0x7f: {  	v4 =	vmul.f32 v4, v1;
	[tilespmem:s17+$0xFFFFFFF0] =	vst v0;
	v0 =	vld.idx.msk [tilespmem:v5+s10+$0x0], $0xffff  }
0x80: {  	v5 =	vmul.f32 v3, v1;
	[tilespmem:s17+$0xFFFFFF70] =	vst v8;
	v3 =	vld [tilespmem:s17+$0xFFFFFFE0]  }
0x81: {  	v11 =	vmul.f32 v6, v1;
	v6 =	vld [tilespmem:s17+$0x0];
	[tilespmem:s17+$0xFFFFFF90] =	vst v4  }
0x82: {  	s20 =	simm.s32 $0x2;
	v8 =	vmul.f32 v7, v1;
	[tilespmem:s17+$0xFFFFFF80] =	vst v5;
	v5 =	vld [tilespmem:s17+$0x10]  }
0x83: {  	s11 =	simm.s32 $0x290;
	s16 =	simm.s32 $0x4;
	v9 =	vmov s20;
	[tilespmem:s17+$0xFFFFFFA0] =	vst v11;
	v7 =	vmul.f32 v10, v1;
	v4 =	vld [tilespmem:s17+$0x20]  }
.LBB2_2:
0x84: {  	p0 =	slt.u32 s16, $0x7E;
	v9 =	vand.u32 $0xFFFFFFFE, v9;
	s5 =	sadd.s32 $0x1, s20;
	[tilespmem:s17+$0xFFFFFFB0] =	vst v8;
	v2 =	vmul.f32 v2, v1;
	v8 =	vld [tilespmem:s17+$0x30];
	s20 =	smov.u32 s16  }
0x85: {  	v9 =	vbroadcast v9, $0x0;
	v10 =	vmov s5;
	[tilespmem:s17+$0xFFFFFFC0] =	vst v7;
	v1 =	vmul.f32 v3, v1;
	v3 =	vld [tilespmem:s17+$0x40]  }
0x86: {  	[tilespmem:s17+$0xFFFFFFD0] =	vst v2;
	v2 =	vmul.f32 v6, v0;
	v6 =	vld [tilespmem:s17+$0x50]  }
0x87: {  	[tilespmem:s17+$0xFFFFFFE0] =	vst v1;
	v1 =	vmul.f32 v5, v0;
	v5 =	vld [tilespmem:s17+$0x60]  }
0x88: {  	[tilespmem:s17+$0x0] =	vst v2;
	v2 =	vmul.f32 v4, v0;
	v4 =	vld [tilespmem:s17+$0x70]  }
0x89: {  	[tilespmem:s17+$0x10] =	vst v1;
	v7 =	vmul.f32 v8, v0;
	v8 =	vld [tilespmem:s17+$0x80]  }
0x8a: {  	v10 =	vld.idx.msk [tilespmem:v10+s10+$0x0], $0xffff;
	[tilespmem:s17+$0x20] =	vst v2;
	v2 =	vmul.f32 v3, v0  }
0x8b: {  	s17 =	sadd.s32 $0x120, s17;
	v1 =	vld.idx.msk [tilespmem:v9+s10+$0x0], $0xffff;
	[tilespmem:s11+$0x30] =	vst v7;
	v3 =	vmul.f32 v6, v0  }
0x8c: {  	v6 =	vld [tilespmem:s17+$0xFFFFFFF0];
	[tilespmem:s11+$0x40] =	vst v2;
	v2 =	vmul.f32 v5, v0  }
0x8d: {  	v5 =	vld [tilespmem:s17+$0xFFFFFF70];
	[tilespmem:s11+$0x50] =	vst v3;
	v3 =	vmul.f32 v4, v0  }
0x8e: {  	v4 =	vld [tilespmem:s17+$0xFFFFFF80];
	[tilespmem:s11+$0x60] =	vst v2;
	v2 =	vmul.f32 v8, v0  }
0x8f: {  	v7 =	vld [tilespmem:s17+$0xFFFFFF90];
	[tilespmem:s11+$0x70] =	vst v3  }
0x90: {  	v0 =	vmov v10;
	v8 =	vld [tilespmem:s17+$0xFFFFFFA0];
	[tilespmem:s11+$0x80] =	vst v2;
	s11 =	smov.u32 s17  }
0x91: {  	v9 =	vld [tilespmem:s17+$0xFFFFFFB0];
	v3 =	vmul.f32 v6, v1  }
0x92: {  	v5 =	vmul.f32 v5, v1;
	v10 =	vld [tilespmem:s17+$0xFFFFFFC0]  }
.Ltmp0:
0x93: {  	v4 =	vmul.f32 v4, v1;
	v2 =	vld [tilespmem:s17+$0xFFFFFFD0];
	[tilespmem:s17+$0xFFFFFFF0] =	vst v3;
	(pc) =	sbr.rel @p0 .LBB2_2-.Ltmp0, $4  }
0x94: {  	[tilespmem:s17+$0xFFFFFF70] =	vst v5;
	v5 =	vmul.f32 v7, v1;
	v3 =	vld [tilespmem:s17+$0xFFFFFFE0]  }
0x95: {  	[tilespmem:s17+$0xFFFFFF80] =	vst v4;
	v4 =	vmul.f32 v8, v1;
	v6 =	vld [tilespmem:s17+$0x0]  }
0x96: {  	[tilespmem:s17+$0xFFFFFF90] =	vst v5;
	v8 =	vmul.f32 v9, v1;
	v5 =	vld [tilespmem:s17+$0x10]  }
0x97: {  	s16 =	sadd.s32 $0x2, s16;
	v9 =	vmov s20;
	[tilespmem:s17+$0xFFFFFFA0] =	vst v4;
	v7 =	vmul.f32 v10, v1;
	v4 =	vld [tilespmem:s17+$0x20]  }
0x98: {  	v10 =	vld [tilespmem:s17+$0x30]  }
0x99: {  	v11 =	vld [tilespmem:s17+$0x40]  }
0x9a: {  	s5 =	sadd.s32 $0x1, s20;
	v12 =	vld [tilespmem:s17+$0x50];
	[tilespmem:s17+$0xFFFFFFB0] =	vst v8;
	v2 =	vmul.f32 v2, v1  }
0x9b: {  	v14 =	vld [tilespmem:s17+$0x60];
	v13 =	vmov s5;
	[tilespmem:s17+$0xFFFFFFC0] =	vst v7;
	v19 =	vmul.f32 v3, v1  }
0x9c: {  	v18 =	vld [tilespmem:s17+$0x70];
	v6 =	vmul.f32 v6, v0;
	[tilespmem:s17+$0xFFFFFFD0] =	vst v2  }
0x9d: {  	v20 =	vld [tilespmem:s17+$0x80];
	s22 =	sadd.s32 $0x120, s17;
	v5 =	vmul.f32 v5, v0;
	[tilespmem:s17+$0xFFFFFFE0] =	vst v19  }
0x9e: {  	v26 =	vld [tilespmem:s22+$0xFFFFFFF0];
	[tilespmem:s17+$0x0] =	vst v6;
	v21 =	vmul.f32 v4, v0  }
0x9f: {  	v43 =	vld [tilespmem:s22+$0x0];
	[tilespmem:s17+$0x10] =	vst v5;
	v23 =	vmul.f32 v10, v0  }
0xa0: {  	v25 =	vmul.f32 v11, v0;
	v22 =	vld.idx.msk [tilespmem:v13+s10+$0x0], $0xffff;
	[tilespmem:s17+$0x20] =	vst v21  }
0xa1: {  	v45 =	vld [tilespmem:s22+$0x10];
	v27 =	vmul.f32 v12, v0;
	[tilespmem:s11+$0x30] =	vst v23  }
0xa2: {  	v9 =	vand.u32 $0xFFFFFFFE, v9;
	v47 =	vld [tilespmem:s22+$0x20];
	v29 =	vmul.f32 v14, v0;
	[tilespmem:s11+$0x40] =	vst v25  }
0xa3: {  	v9 =	vbroadcast v9, $0x0;
	v49 =	vld [tilespmem:s22+$0x30];
	v31 =	vmul.f32 v18, v0;
	[tilespmem:s11+$0x50] =	vst v27  }
0xa4: {  	v51 =	vld [tilespmem:s22+$0x40];
	v33 =	vmul.f32 v20, v0;
	[tilespmem:s11+$0x60] =	vst v29  }
0xa5: {  	v53 =	vld [tilespmem:s22+$0x50];
	[tilespmem:s11+$0x70] =	vst v31;
	v52 =	vmul.f32 v43, v22  }
0xa6: {  	v54 =	vld [tilespmem:s22+$0x60];
	[tilespmem:s11+$0x80] =	vst v33;
	v1 =	vmul.f32 v45, v22  }
0xa7: {  	v56 =	vld [tilespmem:s22+$0x70];
	v55 =	vmul.f32 v47, v22;
	[tilespmem:s22+$0x0] =	vst v52  }
0xa8: {  	v58 =	vld [tilespmem:s22+$0x80];
	v57 =	vmul.f32 v49, v22;
	[tilespmem:s22+$0x10] =	vst v1  }
0xa9: {  	v24 =	vld.idx.msk [tilespmem:v9+s10+$0x0], $0xffff;
	v59 =	vmul.f32 v51, v22;
	[tilespmem:s22+$0x20] =	vst v55  }
0xaa: {  	v28 =	vld [tilespmem:s22+$0xFFFFFF70];
	v60 =	vmul.f32 v53, v22;
	[tilespmem:s22+$0x30] =	vst v57  }
0xab: {  	v30 =	vld [tilespmem:s22+$0xFFFFFF80];
	v61 =	vmul.f32 v54, v22;
	[tilespmem:s22+$0x40] =	vst v59  }
0xac: {  	v32 =	vld [tilespmem:s22+$0xFFFFFF90];
	v62 =	vmul.f32 v56, v22;
	[tilespmem:s22+$0x50] =	vst v60  }
0xad: {  	v34 =	vld [tilespmem:s22+$0xFFFFFFA0];
	v63 =	vmul.f32 v58, v22;
	[tilespmem:s22+$0x60] =	vst v61  }
0xae: {  	v35 =	vld [tilespmem:s22+$0xFFFFFFB0];
	v36 =	vmul.f32 v26, v24;
	[tilespmem:s22+$0x70] =	vst v62  }
0xaf: {  	v38 =	vld [tilespmem:s22+$0xFFFFFFC0];
	v37 =	vmul.f32 v28, v24;
	[tilespmem:s22+$0x80] =	vst v63  }
0xb0: {  	v40 =	vld [tilespmem:s22+$0xFFFFFFD0];
	v39 =	vmul.f32 v30, v24;
	[tilespmem:s22+$0xFFFFFFF0] =	vst v36  }
0xb1: {  	v42 =	vld [tilespmem:s22+$0xFFFFFFE0];
	v41 =	vmul.f32 v32, v24;
	[tilespmem:s22+$0xFFFFFF70] =	vst v37  }
0xb2: {  	v2 =	vmul.f32 v34, v24;
	[tilespmem:s22+$0xFFFFFF80] =	vst v39  }
0xb3: {  	v44 =	vmul.f32 v35, v24;
	[tilespmem:s22+$0xFFFFFF90] =	vst v41  }
0xb4: {  	v46 =	vmul.f32 v38, v24;
	[tilespmem:s22+$0xFFFFFFA0] =	vst v2  }
0xb5: {  	v48 =	vmul.f32 v40, v24;
	[tilespmem:s22+$0xFFFFFFB0] =	vst v44  }
0xb6: {  	v50 =	vmul.f32 v42, v24;
	[tilespmem:s22+$0xFFFFFFC0] =	vst v46  }
0xb7: {  	[tilespmem:s22+$0xFFFFFFD0] =	vst v48  }
0xb8: {  	s20 =	simm.s32 $0x0;
	s17 =	simm.s32 $0x0;
	[tilespmem:s22+$0xFFFFFFE0] =	vst v50  }
0xb9: {  	[spmem:s3] =	stream.indirect.scatter.add.f32 [tilespmem:s25], [sflag:$0x3], $0x90, s12, s23, $0xb8;
	[tilespmem:$0x1F520] =	vst v63  }
.LBB2_4:
0xba: {  	_ =	swait.ge [sflag:s13], $0x4800  }
0xbb: {  	[sflag:s13] =	ssyncset.done $0x0  }
0xbc: {  	[sflag:s13] =	ssyncadd.s32 $0xFFFFB800  }
0xbd: {  	_ =	swait.ge [sflag:s24], $0x80  }
0xbe: {  	[sflag:s24] =	ssyncset.done $0x0  }
0xbf: {  	[sflag:s24] =	ssyncadd.s32 $0xFFFFFF80  }
0xc0: {  	_ =	swait.ge [sflag:s24], $0x80  }
0xc1: {  	[sflag:s24] =	ssyncset.done $0x0  }
0xc2: {  	[sflag:s24] =	ssyncadd.s32 $0xFFFFFF80  }
0xc3: {  	[tilespmem:s25], [sflag:$0x1] =	stream.indirect.gather [hbm4b:s6+s23], $0x90, s17, s23, $0xb8;
	[tilespmem:$0x1F520] =	vst v63  }
0xc4: {  	_ = 	snop  }
0xc5: {  	[tilespmem:s26], [sflag:$0x1] =	stream.indirect.gather [hbm4b:s7+s23], $0x1, s17, s23, $0xb8;
	[tilespmem:$0x1F520] =	vst v63  }
0xc6: {  	_ = 	snop  }
0xc7: {  	[tilespmem:s28], [sflag:$0x1] =	stream.indirect.gather [hbm4b:s8+s23], $0x1, s23, s23, $0xb8;
	[tilespmem:$0x1F520] =	vst v63  }
0xc8: {  	_ =	swait.ge [sflag:s14], $0x4800  }
0xc9: {  	[sflag:s14] =	ssyncset.done $0x0  }
0xca: {  	[sflag:s14] =	ssyncadd.s32 $0xFFFFB800  }
0xcb: {  	_ =	swait.ge [sflag:s14], $0x80  }
0xcc: {  	[sflag:s14] =	ssyncset.done $0x0  }
0xcd: {  	[sflag:s14] =	ssyncadd.s32 $0xFFFFFF80  }
0xce: {  	_ =	swait.ge [sflag:s14], $0x80  }
0xcf: {  	[sflag:s14] =	ssyncset.done $0x0  }
0xd0: {  	[sflag:s14] =	ssyncadd.s32 $0xFFFFFF80  }
0xd1: {  	v0 =	vld [tilespmem:$0x9400]  }
0xd2: {  	v1 =	vld [tilespmem:$0x9480]  }
0xd3: {  	v2 =	vld [tilespmem:$0x9410]  }
0xd4: {  	v3 =	vld [tilespmem:$0x9490]  }
0xd5: {  	v4 =	vld [tilespmem:$0x9420]  }
0xd6: {  	v5 =	vld [tilespmem:$0x94A0]  }
0xd7: {  	v6 =	vld [tilespmem:$0x94B0];
	v0 =	vadd.f32 v1, v0  }
0xd8: {  	v1 =	vld [tilespmem:$0x9430]  }
0xd9: {  	v8 =	vld [tilespmem:$0x94C0];
	v2 =	vadd.f32 v3, v2;
	v7 =	vmul.f32 $2.000000030e-01, v0  }
0xda: {  	v3 =	vld [tilespmem:$0x9440];
	vm0 =	vge.f32 v0, $0.0e+00  }
0xdb: {  	v9 =	vld [tilespmem:$0x94D0];
	v4 =	vadd.f32 v5, v4;
	v0 =	vsel vm0, v0, v7;
	v7 =	vmul.f32 $2.000000030e-01, v2  }
0xdc: {  	v5 =	vld [tilespmem:$0x9450];
	vm9 =	vge.f32 v2, $0.0e+00;
	v0 =	vmul.f32 $1.442695020e+00, v0  }
0xdd: {  	v1 =	vadd.f32 v6, v1;
	v6 =	vld [tilespmem:$0x9460];
	v2 =	vsel vm9, v2, v7;
	v7 =	vmul.f32 $2.000000030e-01, v4  }
0xde: {  	vm10 =	vge.f32 v4, $0.0e+00;
	(erf) = vpow2.f32 v0;
	v0 =	vmul.f32 $1.442695020e+00, v2;
	v2 =	vld [tilespmem:$0x94E0]  }
0xdf: {  	v3 =	vadd.f32 v8, v3;
	v8 =	vld [tilespmem:$0x9470];
	v4 =	vsel vm10, v4, v7;
	v7 =	vmul.f32 $2.000000030e-01, v1  }
0xe0: {  	vm11 =	vge.f32 v1, $0.0e+00;
	(erf) = vpow2.f32 v0;
	v0 =	vmul.f32 $1.442695020e+00, v4;
	v4 =	vld [tilespmem:$0x94F0]  }
0xe1: {  	v5 =	vadd.f32 v9, v5;
	v1 =	vsel vm11, v1, v7;
	v7 =	vmul.f32 $2.000000030e-01, v3  }
0xe2: {  	vm12 =	vge.f32 v3, $0.0e+00;
	(erf) = vpow2.f32 v0;
	v0 =	vmul.f32 $1.442695020e+00, v1  }
0xe3: {  	v1 =	vsel vm12, v3, v7;
	v3 =	vmul.f32 $2.000000030e-01, v5;
	v2 =	vadd.f32 v2, v6  }
0xe4: {  	vm13 =	vge.f32 v5, $0.0e+00;
	(erf) = vpow2.f32 v0;
	v0 =	vmul.f32 $1.442695020e+00, v1  }
0xe5: {  	v6 =	vld [tilespmem:$0x180];
	v1 =	vsel vm13, v5, v3;
	v3 =	vmul.f32 $2.000000030e-01, v2;
	v4 =	vadd.f32 v4, v8  }
0xe6: {  	vm14 =	vge.f32 v2, $0.0e+00;
	(erf) = vpow2.f32 v0;
	v0 =	vmul.f32 $1.442695020e+00, v1  }
0xe7: {  	v5 =	vld [tilespmem:$0x190];
	v2 =	vsel vm14, v2, v3;
	v3 =	vmul.f32 $2.000000030e-01, v4  }
0xe8: {  	vm15 =	vge.f32 v4, $0.0e+00;
	v1 =	vpop (erf);
	(erf) = vpow2.f32 v0;
	v0 =	vmul.f32 $1.442695020e+00, v2  }
0xe9: {  	[tilespmem:$0x9280] =	vst v1;
	v1 =	vld [tilespmem:$0x1A0];
	v3 =	vsel vm15, v4, v3  }
0xea: {  	[tilespmem:$0x9200] =	vst v6;
	v2 =	vpop (erf);
	(erf) = vpow2.f32 v0;
	v0 =	vmul.f32 $1.442695020e+00, v3  }
0xeb: {  	[tilespmem:$0x9290] =	vst v2;
	v2 =	vld [tilespmem:$0x1B0]  }
0xec: {  	[tilespmem:$0x9210] =	vst v5;
	v3 =	vpop (erf)  }
0xed: {  	(erf) = vpow2.f32 v0;
	[tilespmem:$0x92A0] =	vst v3;
	v3 =	vld [tilespmem:$0x1C0]  }
0xee: {  	v0 =	vpop (erf);
	[tilespmem:$0x9220] =	vst v1  }
0xef: {  	[tilespmem:$0x92B0] =	vst v0;
	v0 =	vld [tilespmem:$0x1D0]  }
0xf0: {  	v1 =	vpop (erf);
	[tilespmem:$0x9230] =	vst v2  }
0xf1: {  	[tilespmem:$0x92C0] =	vst v1;
	v1 =	vld [tilespmem:$0x1E0]  }
0xf2: {  	v2 =	vpop (erf);
	[tilespmem:$0x9240] =	vst v3  }
0xf3: {  	[tilespmem:$0x92D0] =	vst v2;
	v2 =	vld [tilespmem:$0x1F0]  }
0xf4: {  	s21 =	sshll.u32 s20, $0x1;
	v3 =	vpop (erf);
	[tilespmem:$0x9250] =	vst v0  }
0xf5: {  	s5 =	sadd.s32 s21, s18;
	v0 =	vmov s17;
	[tilespmem:$0x92E0] =	vst v3  }
0xf6: {  	s5 =	sshll.u32 s5, $0x4;
	v0 =	vand.u32 $0xFFFFFFFE, v0;
	[tilespmem:$0x9260] =	vst v1;
	v1 =	vpop (erf)  }
0xf7: {  	s5 =	sand.u32 $0x1FFFFFF0, s5;
	v0 =	vbroadcast v0, $0x0;
	[tilespmem:$0x92F0] =	vst v1  }
0xf8: {  	s11 =	sadd.s32 s2, s5;
	[tilespmem:$0x9270] =	vst v2  }
0xf9: {  	[tilespmem:s29], [sflag:$0x4] =	stream.linear.gather [hbm4b:s11+s17], $0x80, $0x38;
	[tilespmem:$0x1F520] =	vst v63  }
0xfa: {  	s5 =	sadd.s32 s1, s5;
	s11 =	simm.s32 $0x4A90  }
0xfb: {  	[tilespmem:s30], [sflag:$0x4] =	stream.linear.gather [hbm4b:s5+s17], $0x80, $0x38;
	[tilespmem:$0x1F520] =	vst v63  }
0xfc: {  	v2 =	vld [tilespmem:s11+$0xFFFFFF70]  }
0xfd: {  	v1 =	vld.idx.msk [tilespmem:v0+s10+$0x0], $0xffff  }
0xfe: {  	v0 =	vld [tilespmem:s11+$0xFFFFFFF0]  }
0xff: {  	s22 =	simm.s32 $0x1;
	v3 =	vld [tilespmem:s11+$0xFFFFFF80]  }
0x100: {  	v5 =	vmov s22;
	v4 =	vld [tilespmem:s11+$0xFFFFFF90]  }
0x101: {  	v6 =	vld [tilespmem:s11+$0xFFFFFFA0]  }
0x102: {  	v7 =	vld [tilespmem:s11+$0xFFFFFFB0]  }
0x103: {  	v10 =	vld [tilespmem:s11+$0xFFFFFFC0];
	v0 =	vmul.f32 v0, v1  }
0x104: {  	v8 =	vmul.f32 v2, v1;
	v2 =	vld [tilespmem:s11+$0xFFFFFFD0]  }
0x105: {  	v4 =	vmul.f32 v4, v1;
	[tilespmem:s11+$0xFFFFFFF0] =	vst v0;
	v0 =	vld.idx.msk [tilespmem:v5+s10+$0x0], $0xffff  }
0x106: {  	v5 =	vmul.f32 v3, v1;
	[tilespmem:s11+$0xFFFFFF70] =	vst v8;
	v3 =	vld [tilespmem:s11+$0xFFFFFFE0]  }
0x107: {  	v11 =	vmul.f32 v6, v1;
	v6 =	vld [tilespmem:s11+$0x0];
	[tilespmem:s11+$0xFFFFFF90] =	vst v4  }
0x108: {  	s16 =	simm.s32 $0x2;
	v8 =	vmul.f32 v7, v1;
	[tilespmem:s11+$0xFFFFFF80] =	vst v5;
	v5 =	vld [tilespmem:s11+$0x10]  }
0x109: {  	v9 =	vmov s16;
	s22 =	simm.s32 $0x4A90;
	s5 =	simm.s32 $0x4;
	[tilespmem:s11+$0xFFFFFFA0] =	vst v11;
	v7 =	vmul.f32 v10, v1;
	v4 =	vld [tilespmem:s11+$0x20]  }
.LBB2_5:
0x10a: {  	p0 =	slt.u32 s5, $0x7E;
	v9 =	vand.u32 $0xFFFFFFFE, v9;
	s15 =	sadd.s32 $0x1, s16;
	[tilespmem:s11+$0xFFFFFFB0] =	vst v8;
	v2 =	vmul.f32 v2, v1;
	v8 =	vld [tilespmem:s11+$0x30];
	s16 =	smov.u32 s5  }
0x10b: {  	v9 =	vbroadcast v9, $0x0;
	v10 =	vmov s15;
	[tilespmem:s11+$0xFFFFFFC0] =	vst v7;
	v1 =	vmul.f32 v3, v1;
	v3 =	vld [tilespmem:s11+$0x40]  }
0x10c: {  	[tilespmem:s11+$0xFFFFFFD0] =	vst v2;
	v2 =	vmul.f32 v6, v0;
	v6 =	vld [tilespmem:s11+$0x50]  }
0x10d: {  	[tilespmem:s11+$0xFFFFFFE0] =	vst v1;
	v1 =	vmul.f32 v5, v0;
	v5 =	vld [tilespmem:s11+$0x60]  }
0x10e: {  	[tilespmem:s11+$0x0] =	vst v2;
	v2 =	vmul.f32 v4, v0;
	v4 =	vld [tilespmem:s11+$0x70]  }
0x10f: {  	[tilespmem:s11+$0x10] =	vst v1;
	v7 =	vmul.f32 v8, v0;
	v8 =	vld [tilespmem:s11+$0x80]  }
0x110: {  	v10 =	vld.idx.msk [tilespmem:v10+s10+$0x0], $0xffff;
	[tilespmem:s11+$0x20] =	vst v2;
	v2 =	vmul.f32 v3, v0  }
0x111: {  	s11 =	sadd.s32 $0x120, s11;
	v1 =	vld.idx.msk [tilespmem:v9+s10+$0x0], $0xffff;
	[tilespmem:s22+$0x30] =	vst v7;
	v3 =	vmul.f32 v6, v0  }
0x112: {  	v6 =	vld [tilespmem:s11+$0xFFFFFFF0];
	[tilespmem:s22+$0x40] =	vst v2;
	v2 =	vmul.f32 v5, v0  }
0x113: {  	v5 =	vld [tilespmem:s11+$0xFFFFFF70];
	[tilespmem:s22+$0x50] =	vst v3;
	v3 =	vmul.f32 v4, v0  }
0x114: {  	v4 =	vld [tilespmem:s11+$0xFFFFFF80];
	[tilespmem:s22+$0x60] =	vst v2;
	v2 =	vmul.f32 v8, v0  }
0x115: {  	v7 =	vld [tilespmem:s11+$0xFFFFFF90];
	[tilespmem:s22+$0x70] =	vst v3  }
0x116: {  	v0 =	vmov v10;
	v8 =	vld [tilespmem:s11+$0xFFFFFFA0];
	[tilespmem:s22+$0x80] =	vst v2;
	s22 =	smov.u32 s11  }
0x117: {  	v9 =	vld [tilespmem:s11+$0xFFFFFFB0];
	v3 =	vmul.f32 v6, v1  }
0x118: {  	v5 =	vmul.f32 v5, v1;
	v10 =	vld [tilespmem:s11+$0xFFFFFFC0]  }
.Ltmp1:
0x119: {  	v4 =	vmul.f32 v4, v1;
	v2 =	vld [tilespmem:s11+$0xFFFFFFD0];
	[tilespmem:s11+$0xFFFFFFF0] =	vst v3;
	(pc) =	sbr.rel @p0 .LBB2_5-.Ltmp1, $4  }
0x11a: {  	[tilespmem:s11+$0xFFFFFF70] =	vst v5;
	v5 =	vmul.f32 v7, v1;
	v3 =	vld [tilespmem:s11+$0xFFFFFFE0]  }
0x11b: {  	[tilespmem:s11+$0xFFFFFF80] =	vst v4;
	v4 =	vmul.f32 v8, v1;
	v6 =	vld [tilespmem:s11+$0x0]  }
0x11c: {  	[tilespmem:s11+$0xFFFFFF90] =	vst v5;
	v8 =	vmul.f32 v9, v1;
	v5 =	vld [tilespmem:s11+$0x10]  }
0x11d: {  	s5 =	sadd.s32 $0x2, s5;
	v9 =	vmov s16;
	[tilespmem:s11+$0xFFFFFFA0] =	vst v4;
	v7 =	vmul.f32 v10, v1;
	v4 =	vld [tilespmem:s11+$0x20]  }
0x11e: {  	v10 =	vld [tilespmem:s11+$0x30]  }
0x11f: {  	v11 =	vld [tilespmem:s11+$0x40];
	v9 =	vand.u32 $0xFFFFFFFE, v9  }
0x120: {  	v12 =	vld [tilespmem:s11+$0x50];
	[tilespmem:s11+$0xFFFFFFB0] =	vst v8;
	v2 =	vmul.f32 v2, v1;
	v9 =	vbroadcast v9, $0x0  }
0x121: {  	s5 =	sadd.s32 $0x1, s16;
	v14 =	vld [tilespmem:s11+$0x60];
	[tilespmem:s11+$0xFFFFFFC0] =	vst v7;
	v1 =	vmul.f32 v3, v1  }
0x122: {  	s15 =	sadd.s32 $0x120, s11;
	v13 =	vmov s5;
	v3 =	vld [tilespmem:s11+$0x80];
	v6 =	vmul.f32 v6, v0;
	[tilespmem:s11+$0xFFFFFFD0] =	vst v2  }
0x123: {  	v7 =	vld [tilespmem:s15+$0xFFFFFFF0];
	v5 =	vmul.f32 v5, v0;
	[tilespmem:s11+$0xFFFFFFE0] =	vst v1  }
0x124: {  	[tilespmem:s11+$0x0] =	vst v6;
	v6 =	vld [tilespmem:s11+$0x70];
	v2 =	vmul.f32 v4, v0  }
0x125: {  	v8 =	vld [tilespmem:s15+$0xFFFFFF70];
	[tilespmem:s11+$0x10] =	vst v5;
	v1 =	vmul.f32 v10, v0  }
0x126: {  	[tilespmem:s11+$0x20] =	vst v2;
	v2 =	vmul.f32 v11, v0;
	v5 =	vld.idx.msk [tilespmem:v9+s10+$0x0], $0xffff  }
0x127: {  	v4 =	vld.idx.msk [tilespmem:v13+s10+$0x0], $0xffff;
	[tilespmem:s22+$0x30] =	vst v1;
	v1 =	vmul.f32 v12, v0  }
0x128: {  	v9 =	vld [tilespmem:s15+$0xFFFFFF80];
	[tilespmem:s22+$0x40] =	vst v2;
	v2 =	vmul.f32 v14, v0  }
0x129: {  	[tilespmem:s22+$0x50] =	vst v1;
	v1 =	vmul.f32 v6, v0;
	v6 =	vld [tilespmem:s15+$0xFFFFFF90]  }
0x12a: {  	v0 =	vmul.f32 v3, v0;
	[tilespmem:s22+$0x60] =	vst v2;
	v2 =	vld [tilespmem:s15+$0xFFFFFFA0]  }
0x12b: {  	[tilespmem:s22+$0x70] =	vst v1;
	v1 =	vld [tilespmem:s15+$0xFFFFFFB0];
	v3 =	vmul.f32 v7, v5  }
0x12c: {  	[tilespmem:s22+$0x80] =	vst v0;
	v0 =	vmul.f32 v8, v5;
	v7 =	vld [tilespmem:s15+$0xFFFFFFC0]  }
0x12d: {  	v8 =	vmul.f32 v9, v5;
	v9 =	vld [tilespmem:s15+$0xFFFFFFD0];
	[tilespmem:s15+$0xFFFFFFF0] =	vst v3  }
0x12e: {  	[tilespmem:s15+$0xFFFFFF70] =	vst v0;
	v0 =	vmul.f32 v6, v5;
	v3 =	vld [tilespmem:s15+$0xFFFFFFE0]  }
0x12f: {  	[tilespmem:s15+$0xFFFFFF80] =	vst v8;
	v6 =	vld [tilespmem:s15+$0x0];
	v2 =	vmul.f32 v2, v5  }
0x130: {  	[tilespmem:s15+$0xFFFFFF90] =	vst v0;
	v0 =	vmul.f32 v1, v5;
	v1 =	vld [tilespmem:s15+$0x10]  }
0x131: {  	[tilespmem:s15+$0xFFFFFFA0] =	vst v2;
	v2 =	vmul.f32 v7, v5;
	v7 =	vld [tilespmem:s15+$0x20]  }
0x132: {  	v8 =	vld [tilespmem:s15+$0x30];
	[tilespmem:s15+$0xFFFFFFB0] =	vst v0;
	v0 =	vmul.f32 v9, v5  }
0x133: {  	[tilespmem:s15+$0xFFFFFFC0] =	vst v2;
	v2 =	vmul.f32 v3, v5;
	v3 =	vld [tilespmem:s15+$0x40]  }
0x134: {  	v5 =	vld [tilespmem:s15+$0x50];
	[tilespmem:s15+$0xFFFFFFD0] =	vst v0;
	v0 =	vmul.f32 v6, v4  }
0x135: {  	[tilespmem:s15+$0xFFFFFFE0] =	vst v2;
	v1 =	vmul.f32 v1, v4;
	v2 =	vld [tilespmem:s15+$0x60]  }
0x136: {  	v6 =	vld [tilespmem:s15+$0x70];
	[tilespmem:s15+$0x0] =	vst v0;
	v0 =	vmul.f32 v7, v4  }
0x137: {  	v7 =	vld [tilespmem:s15+$0x80];
	[tilespmem:s15+$0x10] =	vst v1;
	v1 =	vmul.f32 v8, v4  }
0x138: {  	[tilespmem:s15+$0x20] =	vst v0;
	v0 =	vmul.f32 v3, v4  }
0x139: {  	[tilespmem:s15+$0x30] =	vst v1;
	v1 =	vmul.f32 v5, v4  }
0x13a: {  	[tilespmem:s15+$0x40] =	vst v0;
	v0 =	vmul.f32 v2, v4  }
0x13b: {  	[tilespmem:s15+$0x50] =	vst v1;
	v1 =	vmul.f32 v6, v4  }
0x13c: {  	[tilespmem:s15+$0x60] =	vst v0;
	v0 =	vmul.f32 v7, v4  }
0x13d: {  	[tilespmem:s15+$0x70] =	vst v1  }
0x13e: {  	[tilespmem:s15+$0x80] =	vst v0  }
0x13f: {  	[spmem:s3] =	stream.indirect.scatter.add.f32 [tilespmem:s31], [sflag:$0x3], $0x90, s12, s23, $0xb8;
	[tilespmem:$0x1F520] =	vst v63  }
0x140: {  	_ =	swait.ge [sflag:s13], $0x4800  }
0x141: {  	[sflag:s13] =	ssyncset.done $0x0  }
0x142: {  	[sflag:s13] =	ssyncadd.s32 $0xFFFFB800  }
0x143: {  	_ =	swait.ge [sflag:s24], $0x80  }
0x144: {  	[sflag:s24] =	ssyncset.done $0x0  }
0x145: {  	[sflag:s24] =	ssyncadd.s32 $0xFFFFFF80  }
0x146: {  	_ =	swait.ge [sflag:s24], $0x80  }
0x147: {  	[sflag:s24] =	ssyncset.done $0x0  }
0x148: {  	[sflag:s24] =	ssyncadd.s32 $0xFFFFFF80  }
0x149: {  	[tilespmem:s31], [sflag:$0x2] =	stream.indirect.gather [hbm4b:s6+s23], $0x90, s29, s23, $0xb8;
	[tilespmem:$0x1F520] =	vst v63  }
0x14a: {  	_ = 	snop  }
0x14b: {  	[tilespmem:s0], [sflag:$0x2] =	stream.indirect.gather [hbm4b:s7+s23], $0x1, s29, s23, $0xb8;
	[tilespmem:$0x1F520] =	vst v63  }
0x14c: {  	_ = 	snop  }
0x14d: {  	[tilespmem:s4], [sflag:$0x2] =	stream.indirect.gather [hbm4b:s8+s23], $0x1, s30, s23, $0xb8;
	[tilespmem:$0x1F520] =	vst v63  }
0x14e: {  	_ =	swait.ge [sflag:s9], $0x4800  }
0x14f: {  	[sflag:s9] =	ssyncset.done $0x0  }
0x150: {  	[sflag:s9] =	ssyncadd.s32 $0xFFFFB800  }
0x151: {  	_ =	swait.ge [sflag:s9], $0x80  }
0x152: {  	[sflag:s9] =	ssyncset.done $0x0  }
0x153: {  	[sflag:s9] =	ssyncadd.s32 $0xFFFFFF80  }
0x154: {  	_ =	swait.ge [sflag:s9], $0x80  }
0x155: {  	[sflag:s9] =	ssyncset.done $0x0  }
0x156: {  	[sflag:s9] =	ssyncadd.s32 $0xFFFFFF80  }
0x157: {  	v0 =	vld [tilespmem:$0x9300]  }
0x158: {  	v1 =	vld [tilespmem:$0x9380]  }
0x159: {  	v2 =	vld [tilespmem:$0x9310]  }
0x15a: {  	v3 =	vld [tilespmem:$0x9390]  }
0x15b: {  	v4 =	vld [tilespmem:$0x9320]  }
0x15c: {  	v5 =	vld [tilespmem:$0x93A0]  }
0x15d: {  	v6 =	vld [tilespmem:$0x93B0];
	v0 =	vadd.f32 v1, v0  }
0x15e: {  	v1 =	vld [tilespmem:$0x9330]  }
0x15f: {  	v8 =	vld [tilespmem:$0x93C0];
	v2 =	vadd.f32 v3, v2;
	v7 =	vmul.f32 $2.000000030e-01, v0  }
0x160: {  	v3 =	vld [tilespmem:$0x9340];
	vm0 =	vge.f32 v0, $0.0e+00  }
0x161: {  	v9 =	vld [tilespmem:$0x93D0];
	v4 =	vadd.f32 v5, v4;
	v0 =	vsel vm0, v0, v7;
	v7 =	vmul.f32 $2.000000030e-01, v2  }
0x162: {  	v5 =	vld [tilespmem:$0x9350];
	vm9 =	vge.f32 v2, $0.0e+00;
	v0 =	vmul.f32 $1.442695020e+00, v0  }
0x163: {  	v1 =	vadd.f32 v6, v1;
	v6 =	vld [tilespmem:$0x9360];
	v2 =	vsel vm9, v2, v7;
	v7 =	vmul.f32 $2.000000030e-01, v4  }
0x164: {  	vm10 =	vge.f32 v4, $0.0e+00;
	(erf) = vpow2.f32 v0;
	v0 =	vmul.f32 $1.442695020e+00, v2;
	v2 =	vld [tilespmem:$0x93E0]  }
0x165: {  	v3 =	vadd.f32 v8, v3;
	v8 =	vld [tilespmem:$0x9370];
	v4 =	vsel vm10, v4, v7;
	v7 =	vmul.f32 $2.000000030e-01, v1  }
0x166: {  	vm11 =	vge.f32 v1, $0.0e+00;
	(erf) = vpow2.f32 v0;
	v0 =	vmul.f32 $1.442695020e+00, v4;
	v4 =	vld [tilespmem:$0x93F0]  }
0x167: {  	v5 =	vadd.f32 v9, v5;
	v1 =	vsel vm11, v1, v7;
	v7 =	vmul.f32 $2.000000030e-01, v3  }
0x168: {  	vm12 =	vge.f32 v3, $0.0e+00;
	(erf) = vpow2.f32 v0;
	v0 =	vmul.f32 $1.442695020e+00, v1  }
0x169: {  	v1 =	vsel vm12, v3, v7;
	v3 =	vmul.f32 $2.000000030e-01, v5;
	v2 =	vadd.f32 v2, v6  }
0x16a: {  	vm13 =	vge.f32 v5, $0.0e+00;
	(erf) = vpow2.f32 v0;
	v0 =	vmul.f32 $1.442695020e+00, v1  }
0x16b: {  	v6 =	vld [tilespmem:$0x80];
	v1 =	vsel vm13, v5, v3;
	v3 =	vmul.f32 $2.000000030e-01, v2;
	v4 =	vadd.f32 v4, v8  }
0x16c: {  	vm14 =	vge.f32 v2, $0.0e+00;
	(erf) = vpow2.f32 v0;
	v0 =	vmul.f32 $1.442695020e+00, v1  }
0x16d: {  	v5 =	vld [tilespmem:$0x90];
	v2 =	vsel vm14, v2, v3;
	v3 =	vmul.f32 $2.000000030e-01, v4  }
0x16e: {  	vm15 =	vge.f32 v4, $0.0e+00;
	v1 =	vpop (erf);
	(erf) = vpow2.f32 v0;
	v0 =	vmul.f32 $1.442695020e+00, v2  }
0x16f: {  	[tilespmem:$0x9280] =	vst v1;
	v1 =	vld [tilespmem:$0xA0];
	v3 =	vsel vm15, v4, v3  }
0x170: {  	[tilespmem:$0x9200] =	vst v6;
	v2 =	vpop (erf);
	(erf) = vpow2.f32 v0;
	v0 =	vmul.f32 $1.442695020e+00, v3  }
0x171: {  	[tilespmem:$0x9290] =	vst v2;
	v2 =	vld [tilespmem:$0xB0]  }
0x172: {  	[tilespmem:$0x9210] =	vst v5;
	v3 =	vpop (erf)  }
0x173: {  	(erf) = vpow2.f32 v0;
	[tilespmem:$0x92A0] =	vst v3;
	v3 =	vld [tilespmem:$0xC0]  }
0x174: {  	v0 =	vpop (erf);
	[tilespmem:$0x9220] =	vst v1  }
0x175: {  	[tilespmem:$0x92B0] =	vst v0;
	v0 =	vld [tilespmem:$0xD0]  }
0x176: {  	v1 =	vpop (erf);
	[tilespmem:$0x9230] =	vst v2  }
0x177: {  	[tilespmem:$0x92C0] =	vst v1;
	v1 =	vld [tilespmem:$0xE0]  }
0x178: {  	v2 =	vpop (erf);
	[tilespmem:$0x9240] =	vst v3  }
0x179: {  	[tilespmem:$0x92D0] =	vst v2;
	v2 =	vld [tilespmem:$0xF0]  }
0x17a: {  	v3 =	vpop (erf);
	[tilespmem:$0x9250] =	vst v0  }
0x17b: {  	s16 =	simm.s32 $0x0;
	s21 =	sadd.s32 s21, s19;
	[tilespmem:$0x92E0] =	vst v3  }
0x17c: {  	s11 =	sshll.u32 s21, $0x4;
	v0 =	vmov s16;
	[tilespmem:$0x9260] =	vst v1;
	v1 =	vpop (erf)  }
0x17d: {  	s11 =	sand.u32 $0x1FFFFFF0, s11;
	v0 =	vand.u32 $0xFFFFFFFE, v0;
	[tilespmem:$0x92F0] =	vst v1  }
0x17e: {  	s15 =	sadd.s32 s2, s11;
	v0 =	vbroadcast v0, $0x0;
	[tilespmem:$0x9270] =	vst v2  }
0x17f: {  	[tilespmem:s16], [sflag:$0x4] =	stream.linear.gather [hbm4b:s15+s16], $0x80, $0x38;
	[tilespmem:$0x1F520] =	vst v63  }
0x180: {  	s11 =	sadd.s32 s1, s11  }
0x181: {  	[tilespmem:s23], [sflag:$0x4] =	stream.linear.gather [hbm4b:s11+s16], $0x80, $0x38;
	[tilespmem:$0x1F520] =	vst v63  }
0x182: {  	s11 =	simm.s32 $0x290  }
0x183: {  	v2 =	vld [tilespmem:s11+$0xFFFFFF70]  }
0x184: {  	v1 =	vld.idx.msk [tilespmem:v0+s10+$0x0], $0xffff  }
0x185: {  	v0 =	vld [tilespmem:s11+$0xFFFFFFF0]  }
0x186: {  	s22 =	simm.s32 $0x1;
	v3 =	vld [tilespmem:s11+$0xFFFFFF80]  }
0x187: {  	v5 =	vmov s22;
	v4 =	vld [tilespmem:s11+$0xFFFFFF90]  }
0x188: {  	v6 =	vld [tilespmem:s11+$0xFFFFFFA0]  }
0x189: {  	v7 =	vld [tilespmem:s11+$0xFFFFFFB0]  }
0x18a: {  	v10 =	vld [tilespmem:s11+$0xFFFFFFC0];
	v0 =	vmul.f32 v0, v1  }
0x18b: {  	v8 =	vmul.f32 v2, v1;
	v2 =	vld [tilespmem:s11+$0xFFFFFFD0]  }
0x18c: {  	v4 =	vmul.f32 v4, v1;
	[tilespmem:s11+$0xFFFFFFF0] =	vst v0;
	v0 =	vld.idx.msk [tilespmem:v5+s10+$0x0], $0xffff  }
0x18d: {  	v5 =	vmul.f32 v3, v1;
	[tilespmem:s11+$0xFFFFFF70] =	vst v8;
	v3 =	vld [tilespmem:s11+$0xFFFFFFE0]  }
0x18e: {  	v11 =	vmul.f32 v6, v1;
	v6 =	vld [tilespmem:s11+$0x0];
	[tilespmem:s11+$0xFFFFFF90] =	vst v4  }
0x18f: {  	s16 =	simm.s32 $0x2;
	v8 =	vmul.f32 v7, v1;
	[tilespmem:s11+$0xFFFFFF80] =	vst v5;
	v5 =	vld [tilespmem:s11+$0x10]  }
0x190: {  	s5 =	simm.s32 $0x4;
	s21 =	simm.s32 $0x290;
	v9 =	vmov s16;
	[tilespmem:s11+$0xFFFFFFA0] =	vst v11;
	v7 =	vmul.f32 v10, v1;
	v4 =	vld [tilespmem:s11+$0x20]  }
.LBB2_7:
0x191: {  	p0 =	slt.u32 s5, $0x7E;
	v9 =	vand.u32 $0xFFFFFFFE, v9;
	s15 =	sadd.s32 $0x1, s16;
	[tilespmem:s11+$0xFFFFFFB0] =	vst v8;
	v2 =	vmul.f32 v2, v1;
	v8 =	vld [tilespmem:s11+$0x30];
	s16 =	smov.u32 s5  }
0x192: {  	v9 =	vbroadcast v9, $0x0;
	v10 =	vmov s15;
	[tilespmem:s11+$0xFFFFFFC0] =	vst v7;
	v1 =	vmul.f32 v3, v1;
	v3 =	vld [tilespmem:s11+$0x40]  }
0x193: {  	[tilespmem:s11+$0xFFFFFFD0] =	vst v2;
	v2 =	vmul.f32 v6, v0;
	v6 =	vld [tilespmem:s11+$0x50]  }
0x194: {  	[tilespmem:s11+$0xFFFFFFE0] =	vst v1;
	v1 =	vmul.f32 v5, v0;
	v5 =	vld [tilespmem:s11+$0x60]  }
0x195: {  	[tilespmem:s11+$0x0] =	vst v2;
	v2 =	vmul.f32 v4, v0;
	v4 =	vld [tilespmem:s11+$0x70]  }
0x196: {  	[tilespmem:s11+$0x10] =	vst v1;
	v7 =	vmul.f32 v8, v0;
	v8 =	vld [tilespmem:s11+$0x80]  }
0x197: {  	v10 =	vld.idx.msk [tilespmem:v10+s10+$0x0], $0xffff;
	[tilespmem:s11+$0x20] =	vst v2;
	v2 =	vmul.f32 v3, v0  }
0x198: {  	s11 =	sadd.s32 $0x120, s11;
	v1 =	vld.idx.msk [tilespmem:v9+s10+$0x0], $0xffff;
	[tilespmem:s21+$0x30] =	vst v7;
	v3 =	vmul.f32 v6, v0  }
0x199: {  	v6 =	vld [tilespmem:s11+$0xFFFFFFF0];
	[tilespmem:s21+$0x40] =	vst v2;
	v2 =	vmul.f32 v5, v0  }
0x19a: {  	v5 =	vld [tilespmem:s11+$0xFFFFFF70];
	[tilespmem:s21+$0x50] =	vst v3;
	v3 =	vmul.f32 v4, v0  }
0x19b: {  	v4 =	vld [tilespmem:s11+$0xFFFFFF80];
	[tilespmem:s21+$0x60] =	vst v2;
	v2 =	vmul.f32 v8, v0  }
0x19c: {  	v7 =	vld [tilespmem:s11+$0xFFFFFF90];
	[tilespmem:s21+$0x70] =	vst v3  }
0x19d: {  	v0 =	vmov v10;
	v8 =	vld [tilespmem:s11+$0xFFFFFFA0];
	[tilespmem:s21+$0x80] =	vst v2;
	s21 =	smov.u32 s11  }
0x19e: {  	v9 =	vld [tilespmem:s11+$0xFFFFFFB0];
	v3 =	vmul.f32 v6, v1  }
0x19f: {  	v5 =	vmul.f32 v5, v1;
	v10 =	vld [tilespmem:s11+$0xFFFFFFC0]  }
.Ltmp2:
0x1a0: {  	v4 =	vmul.f32 v4, v1;
	v2 =	vld [tilespmem:s11+$0xFFFFFFD0];
	[tilespmem:s11+$0xFFFFFFF0] =	vst v3;
	(pc) =	sbr.rel @p0 .LBB2_7-.Ltmp2, $4  }
0x1a1: {  	[tilespmem:s11+$0xFFFFFF70] =	vst v5;
	v5 =	vmul.f32 v7, v1;
	v3 =	vld [tilespmem:s11+$0xFFFFFFE0]  }
0x1a2: {  	[tilespmem:s11+$0xFFFFFF80] =	vst v4;
	v4 =	vmul.f32 v8, v1;
	v6 =	vld [tilespmem:s11+$0x0]  }
0x1a3: {  	[tilespmem:s11+$0xFFFFFF90] =	vst v5;
	v8 =	vmul.f32 v9, v1;
	v5 =	vld [tilespmem:s11+$0x10]  }
0x1a4: {  	s5 =	sadd.s32 $0x2, s5;
	v9 =	vmov s16;
	[tilespmem:s11+$0xFFFFFFA0] =	vst v4;
	v7 =	vmul.f32 v10, v1;
	v4 =	vld [tilespmem:s11+$0x20]  }
0x1a5: {  	v10 =	vld [tilespmem:s11+$0x30]  }
0x1a6: {  	v11 =	vld [tilespmem:s11+$0x40]  }
0x1a7: {  	s5 =	sadd.s32 $0x1, s16;
	v12 =	vld [tilespmem:s11+$0x50];
	[tilespmem:s11+$0xFFFFFFB0] =	vst v8;
	v2 =	vmul.f32 v2, v1  }
0x1a8: {  	v14 =	vld [tilespmem:s11+$0x60];
	v13 =	vmov s5;
	[tilespmem:s11+$0xFFFFFFC0] =	vst v7;
	v19 =	vmul.f32 v3, v1  }
0x1a9: {  	v18 =	vld [tilespmem:s11+$0x70];
	v6 =	vmul.f32 v6, v0;
	[tilespmem:s11+$0xFFFFFFD0] =	vst v2  }
0x1aa: {  	v20 =	vld [tilespmem:s11+$0x80];
	s22 =	sadd.s32 $0x120, s11;
	v5 =	vmul.f32 v5, v0;
	[tilespmem:s11+$0xFFFFFFE0] =	vst v19  }
0x1ab: {  	v26 =	vld [tilespmem:s22+$0xFFFFFFF0];
	[tilespmem:s11+$0x0] =	vst v6;
	v21 =	vmul.f32 v4, v0  }
0x1ac: {  	v43 =	vld [tilespmem:s22+$0x0];
	[tilespmem:s11+$0x10] =	vst v5;
	v23 =	vmul.f32 v10, v0  }
0x1ad: {  	v25 =	vmul.f32 v11, v0;
	v22 =	vld.idx.msk [tilespmem:v13+s10+$0x0], $0xffff;
	[tilespmem:s11+$0x20] =	vst v21  }
0x1ae: {  	v45 =	vld [tilespmem:s22+$0x10];
	v27 =	vmul.f32 v12, v0;
	[tilespmem:s21+$0x30] =	vst v23  }
0x1af: {  	v9 =	vand.u32 $0xFFFFFFFE, v9;
	v47 =	vld [tilespmem:s22+$0x20];
	v29 =	vmul.f32 v14, v0;
	[tilespmem:s21+$0x40] =	vst v25  }
0x1b0: {  	v9 =	vbroadcast v9, $0x0;
	v49 =	vld [tilespmem:s22+$0x30];
	v31 =	vmul.f32 v18, v0;
	[tilespmem:s21+$0x50] =	vst v27  }
0x1b1: {  	v51 =	vld [tilespmem:s22+$0x40];
	v33 =	vmul.f32 v20, v0;
	[tilespmem:s21+$0x60] =	vst v29  }
0x1b2: {  	v53 =	vld [tilespmem:s22+$0x50];
	[tilespmem:s21+$0x70] =	vst v31;
	v52 =	vmul.f32 v43, v22  }
0x1b3: {  	v54 =	vld [tilespmem:s22+$0x60];
	[tilespmem:s21+$0x80] =	vst v33;
	v1 =	vmul.f32 v45, v22  }
0x1b4: {  	v56 =	vld [tilespmem:s22+$0x70];
	v55 =	vmul.f32 v47, v22;
	[tilespmem:s22+$0x0] =	vst v52  }
0x1b5: {  	v58 =	vld [tilespmem:s22+$0x80];
	v57 =	vmul.f32 v49, v22;
	[tilespmem:s22+$0x10] =	vst v1  }
0x1b6: {  	v24 =	vld.idx.msk [tilespmem:v9+s10+$0x0], $0xffff;
	v59 =	vmul.f32 v51, v22;
	[tilespmem:s22+$0x20] =	vst v55  }
0x1b7: {  	v28 =	vld [tilespmem:s22+$0xFFFFFF70];
	v60 =	vmul.f32 v53, v22;
	[tilespmem:s22+$0x30] =	vst v57  }
0x1b8: {  	v30 =	vld [tilespmem:s22+$0xFFFFFF80];
	v61 =	vmul.f32 v54, v22;
	[tilespmem:s22+$0x40] =	vst v59  }
0x1b9: {  	v32 =	vld [tilespmem:s22+$0xFFFFFF90];
	v62 =	vmul.f32 v56, v22;
	[tilespmem:s22+$0x50] =	vst v60  }
0x1ba: {  	v34 =	vld [tilespmem:s22+$0xFFFFFFA0];
	v63 =	vmul.f32 v58, v22;
	[tilespmem:s22+$0x60] =	vst v61  }
0x1bb: {  	v35 =	vld [tilespmem:s22+$0xFFFFFFB0];
	v36 =	vmul.f32 v26, v24;
	[tilespmem:s22+$0x70] =	vst v62  }
0x1bc: {  	v38 =	vld [tilespmem:s22+$0xFFFFFFC0];
	v37 =	vmul.f32 v28, v24;
	[tilespmem:s22+$0x80] =	vst v63  }
0x1bd: {  	v40 =	vld [tilespmem:s22+$0xFFFFFFD0];
	v39 =	vmul.f32 v30, v24;
	[tilespmem:s22+$0xFFFFFFF0] =	vst v36  }
0x1be: {  	v42 =	vld [tilespmem:s22+$0xFFFFFFE0];
	v41 =	vmul.f32 v32, v24;
	[tilespmem:s22+$0xFFFFFF70] =	vst v37  }
0x1bf: {  	v2 =	vmul.f32 v34, v24;
	[tilespmem:s22+$0xFFFFFF80] =	vst v39  }
0x1c0: {  	s20 =	sadd.s32 $0x1, s20;
	v44 =	vmul.f32 v35, v24;
	[tilespmem:s22+$0xFFFFFF90] =	vst v41  }
0x1c1: {  	p0 =	sne.s32 s20, $0x27;
	v46 =	vmul.f32 v38, v24;
	[tilespmem:s22+$0xFFFFFFA0] =	vst v2  }
.Ltmp3:
0x1c2: {  	v48 =	vmul.f32 v40, v24;
	[tilespmem:s22+$0xFFFFFFB0] =	vst v44;
	(pc) =	sbr.rel @p0 .LBB2_4-.Ltmp3, $4  }
0x1c3: {  	v50 =	vmul.f32 v42, v24;
	[tilespmem:s22+$0xFFFFFFC0] =	vst v46  }
0x1c4: {  	[tilespmem:s22+$0xFFFFFFD0] =	vst v48  }
0x1c5: {  	[tilespmem:s22+$0xFFFFFFE0] =	vst v50  }
0x1c6: {  	[spmem:s3] =	stream.indirect.scatter.add.f32 [tilespmem:s25], [sflag:$0x3], $0x90, s12, s23, $0xb8;
	[tilespmem:$0x1F520] =	vst v63  }
0x1c7: {  	_ =	swait.ge [sflag:s13], $0x4800  }
0x1c8: {  	[sflag:s13] =	ssyncset.done $0x0  }
0x1c9: {  	[sflag:s13] =	ssyncadd.s32 $0xFFFFB800  }
0x1ca: {  	_ =	swait.ge [sflag:s24], $0x80  }
0x1cb: {  	[sflag:s24] =	ssyncset.done $0x0  }
0x1cc: {  	[sflag:s24] =	ssyncadd.s32 $0xFFFFFF80  }
0x1cd: {  	_ =	swait.ge [sflag:s24], $0x80  }
0x1ce: {  	[sflag:s24] =	ssyncset.done $0x0  }
0x1cf: {  	s11 =	simm.s32 $0x0;
	[sflag:s24] =	ssyncadd.s32 $0xFFFFFF80  }
0x1d0: {  	[tilespmem:s25], [sflag:$0x1] =	stream.indirect.gather [hbm4b:s6+s23], $0x90, s11, s23, $0xb8;
	[tilespmem:$0x1F520] =	vst v63  }
0x1d1: {  	_ = 	snop  }
0x1d2: {  	[tilespmem:s26], [sflag:$0x1] =	stream.indirect.gather [hbm4b:s7+s23], $0x1, s11, s23, $0xb8;
	[tilespmem:$0x1F520] =	vst v63  }
0x1d3: {  	_ = 	snop  }
0x1d4: {  	[tilespmem:s28], [sflag:$0x1] =	stream.indirect.gather [hbm4b:s8+s23], $0x1, s23, s23, $0xb8;
	[tilespmem:$0x1F520] =	vst v63  }
0x1d5: {  	_ =	swait.ge [sflag:s14], $0x4800  }
0x1d6: {  	[sflag:s14] =	ssyncset.done $0x0  }
0x1d7: {  	[sflag:s14] =	ssyncadd.s32 $0xFFFFB800  }
0x1d8: {  	_ =	swait.ge [sflag:s14], $0x80  }
0x1d9: {  	[sflag:s14] =	ssyncset.done $0x0  }
0x1da: {  	[sflag:s14] =	ssyncadd.s32 $0xFFFFFF80  }
0x1db: {  	_ =	swait.ge [sflag:s14], $0x80  }
0x1dc: {  	[sflag:s14] =	ssyncset.done $0x0  }
0x1dd: {  	[sflag:s14] =	ssyncadd.s32 $0xFFFFFF80  }
0x1de: {  	v0 =	vld [tilespmem:$0x9400]  }
0x1df: {  	v1 =	vld [tilespmem:$0x9480]  }
0x1e0: {  	v2 =	vld [tilespmem:$0x9410]  }
0x1e1: {  	v3 =	vld [tilespmem:$0x9490]  }
0x1e2: {  	v4 =	vld [tilespmem:$0x9420]  }
0x1e3: {  	v5 =	vld [tilespmem:$0x94A0]  }
0x1e4: {  	v6 =	vld [tilespmem:$0x94B0];
	v0 =	vadd.f32 v1, v0  }
0x1e5: {  	v1 =	vld [tilespmem:$0x9430]  }
0x1e6: {  	v8 =	vld [tilespmem:$0x94C0];
	v2 =	vadd.f32 v3, v2;
	v7 =	vmul.f32 $2.000000030e-01, v0  }
0x1e7: {  	v3 =	vld [tilespmem:$0x9440];
	vm0 =	vge.f32 v0, $0.0e+00  }
0x1e8: {  	v9 =	vld [tilespmem:$0x94D0];
	v4 =	vadd.f32 v5, v4;
	v0 =	vsel vm0, v0, v7;
	v7 =	vmul.f32 $2.000000030e-01, v2  }
0x1e9: {  	v5 =	vld [tilespmem:$0x9450];
	vm9 =	vge.f32 v2, $0.0e+00;
	v0 =	vmul.f32 $1.442695020e+00, v0  }
0x1ea: {  	v1 =	vadd.f32 v6, v1;
	v6 =	vld [tilespmem:$0x9460];
	v2 =	vsel vm9, v2, v7;
	v7 =	vmul.f32 $2.000000030e-01, v4  }
0x1eb: {  	vm10 =	vge.f32 v4, $0.0e+00;
	(erf) = vpow2.f32 v0;
	v0 =	vmul.f32 $1.442695020e+00, v2;
	v2 =	vld [tilespmem:$0x94E0]  }
0x1ec: {  	v3 =	vadd.f32 v8, v3;
	v8 =	vld [tilespmem:$0x9470];
	v4 =	vsel vm10, v4, v7;
	v7 =	vmul.f32 $2.000000030e-01, v1  }
0x1ed: {  	vm11 =	vge.f32 v1, $0.0e+00;
	(erf) = vpow2.f32 v0;
	v0 =	vmul.f32 $1.442695020e+00, v4;
	v4 =	vld [tilespmem:$0x94F0]  }
0x1ee: {  	v5 =	vadd.f32 v9, v5;
	v1 =	vsel vm11, v1, v7;
	v7 =	vmul.f32 $2.000000030e-01, v3  }
0x1ef: {  	vm12 =	vge.f32 v3, $0.0e+00;
	(erf) = vpow2.f32 v0;
	v0 =	vmul.f32 $1.442695020e+00, v1  }
0x1f0: {  	v1 =	vsel vm12, v3, v7;
	v3 =	vmul.f32 $2.000000030e-01, v5;
	v2 =	vadd.f32 v2, v6  }
0x1f1: {  	vm13 =	vge.f32 v5, $0.0e+00;
	(erf) = vpow2.f32 v0;
	v0 =	vmul.f32 $1.442695020e+00, v1  }
0x1f2: {  	v6 =	vld [tilespmem:$0x180];
	v1 =	vsel vm13, v5, v3;
	v3 =	vmul.f32 $2.000000030e-01, v2;
	v4 =	vadd.f32 v4, v8  }
0x1f3: {  	vm14 =	vge.f32 v2, $0.0e+00;
	(erf) = vpow2.f32 v0;
	v0 =	vmul.f32 $1.442695020e+00, v1  }
0x1f4: {  	v5 =	vld [tilespmem:$0x190];
	v2 =	vsel vm14, v2, v3;
	v3 =	vmul.f32 $2.000000030e-01, v4  }
0x1f5: {  	vm15 =	vge.f32 v4, $0.0e+00;
	v1 =	vpop (erf);
	(erf) = vpow2.f32 v0;
	v0 =	vmul.f32 $1.442695020e+00, v2  }
0x1f6: {  	[tilespmem:$0x9280] =	vst v1;
	v1 =	vld [tilespmem:$0x1A0];
	v3 =	vsel vm15, v4, v3  }
0x1f7: {  	[tilespmem:$0x9200] =	vst v6;
	v2 =	vpop (erf);
	(erf) = vpow2.f32 v0;
	v0 =	vmul.f32 $1.442695020e+00, v3  }
0x1f8: {  	[tilespmem:$0x9290] =	vst v2;
	v2 =	vld [tilespmem:$0x1B0]  }
0x1f9: {  	[tilespmem:$0x9210] =	vst v5;
	v3 =	vpop (erf)  }
0x1fa: {  	(erf) = vpow2.f32 v0;
	[tilespmem:$0x92A0] =	vst v3;
	v3 =	vld [tilespmem:$0x1C0]  }
0x1fb: {  	v0 =	vpop (erf);
	[tilespmem:$0x9220] =	vst v1  }
0x1fc: {  	[tilespmem:$0x92B0] =	vst v0;
	v0 =	vld [tilespmem:$0x1D0]  }
0x1fd: {  	v1 =	vpop (erf);
	[tilespmem:$0x9230] =	vst v2  }
0x1fe: {  	[tilespmem:$0x92C0] =	vst v1;
	v1 =	vld [tilespmem:$0x1E0];
	v2 =	vmov s11  }
0x1ff: {  	v4 =	vpop (erf);
	v2 =	vand.u32 $0xFFFFFFFE, v2;
	[tilespmem:$0x9240] =	vst v3  }
0x200: {  	[tilespmem:$0x92D0] =	vst v4;
	v3 =	vld [tilespmem:$0x1F0];
	v2 =	vbroadcast v2, $0x0  }
0x201: {  	v4 =	vpop (erf);
	[tilespmem:$0x9250] =	vst v0  }
0x202: {  	[tilespmem:$0x92E0] =	vst v4  }
0x203: {  	[tilespmem:$0x9260] =	vst v1;
	v0 =	vpop (erf)  }
0x204: {  	[tilespmem:$0x92F0] =	vst v0  }
0x205: {  	[tilespmem:$0x9270] =	vst v3  }
0x206: {  	s11 =	simm.s32 $0x4A90;
	v1 =	vld.idx.msk [tilespmem:v2+s10+$0x0], $0xffff  }
0x207: {  	v0 =	vld [tilespmem:s11+$0xFFFFFFF0]  }
0x208: {  	v2 =	vld [tilespmem:s11+$0xFFFFFF70]  }
0x209: {  	s5 =	simm.s32 $0x1;
	v3 =	vld [tilespmem:s11+$0xFFFFFF80]  }
0x20a: {  	v5 =	vmov s5;
	v4 =	vld [tilespmem:s11+$0xFFFFFF90]  }
0x20b: {  	v6 =	vld [tilespmem:s11+$0xFFFFFFA0]  }
0x20c: {  	v7 =	vld [tilespmem:s11+$0xFFFFFFB0]  }
0x20d: {  	v10 =	vld [tilespmem:s11+$0xFFFFFFC0];
	v0 =	vmul.f32 v0, v1  }
0x20e: {  	v8 =	vmul.f32 v2, v1;
	v2 =	vld [tilespmem:s11+$0xFFFFFFD0]  }
0x20f: {  	v4 =	vmul.f32 v4, v1;
	[tilespmem:s11+$0xFFFFFFF0] =	vst v0;
	v0 =	vld.idx.msk [tilespmem:v5+s10+$0x0], $0xffff  }
0x210: {  	v5 =	vmul.f32 v3, v1;
	[tilespmem:s11+$0xFFFFFF70] =	vst v8;
	v3 =	vld [tilespmem:s11+$0xFFFFFFE0]  }
0x211: {  	v11 =	vmul.f32 v6, v1;
	v6 =	vld [tilespmem:s11+$0x0];
	[tilespmem:s11+$0xFFFFFF90] =	vst v4  }
0x212: {  	s16 =	simm.s32 $0x2;
	v8 =	vmul.f32 v7, v1;
	[tilespmem:s11+$0xFFFFFF80] =	vst v5;
	v5 =	vld [tilespmem:s11+$0x10]  }
0x213: {  	s17 =	simm.s32 $0x4A90;
	v9 =	vmov s16;
	s5 =	simm.s32 $0x4;
	[tilespmem:s11+$0xFFFFFFA0] =	vst v11;
	v7 =	vmul.f32 v10, v1;
	v4 =	vld [tilespmem:s11+$0x20]  }
.LBB2_10:
0x214: {  	p0 =	slt.u32 s5, $0x7E;
	v9 =	vand.u32 $0xFFFFFFFE, v9;
	s15 =	sadd.s32 $0x1, s16;
	[tilespmem:s11+$0xFFFFFFB0] =	vst v8;
	v2 =	vmul.f32 v2, v1;
	v8 =	vld [tilespmem:s11+$0x30];
	s16 =	smov.u32 s5  }
0x215: {  	v9 =	vbroadcast v9, $0x0;
	v10 =	vmov s15;
	[tilespmem:s11+$0xFFFFFFC0] =	vst v7;
	v1 =	vmul.f32 v3, v1;
	v3 =	vld [tilespmem:s11+$0x40]  }
0x216: {  	[tilespmem:s11+$0xFFFFFFD0] =	vst v2;
	v2 =	vmul.f32 v6, v0;
	v6 =	vld [tilespmem:s11+$0x50]  }
0x217: {  	[tilespmem:s11+$0xFFFFFFE0] =	vst v1;
	v1 =	vmul.f32 v5, v0;
	v5 =	vld [tilespmem:s11+$0x60]  }
0x218: {  	[tilespmem:s11+$0x0] =	vst v2;
	v2 =	vmul.f32 v4, v0;
	v4 =	vld [tilespmem:s11+$0x70]  }
0x219: {  	[tilespmem:s11+$0x10] =	vst v1;
	v7 =	vmul.f32 v8, v0;
	v8 =	vld [tilespmem:s11+$0x80]  }
0x21a: {  	v10 =	vld.idx.msk [tilespmem:v10+s10+$0x0], $0xffff;
	[tilespmem:s11+$0x20] =	vst v2;
	v2 =	vmul.f32 v3, v0  }
0x21b: {  	s11 =	sadd.s32 $0x120, s11;
	v1 =	vld.idx.msk [tilespmem:v9+s10+$0x0], $0xffff;
	[tilespmem:s17+$0x30] =	vst v7;
	v3 =	vmul.f32 v6, v0  }
0x21c: {  	v6 =	vld [tilespmem:s11+$0xFFFFFFF0];
	[tilespmem:s17+$0x40] =	vst v2;
	v2 =	vmul.f32 v5, v0  }
0x21d: {  	v5 =	vld [tilespmem:s11+$0xFFFFFF70];
	[tilespmem:s17+$0x50] =	vst v3;
	v3 =	vmul.f32 v4, v0  }
0x21e: {  	v4 =	vld [tilespmem:s11+$0xFFFFFF80];
	[tilespmem:s17+$0x60] =	vst v2;
	v2 =	vmul.f32 v8, v0  }
0x21f: {  	v7 =	vld [tilespmem:s11+$0xFFFFFF90];
	[tilespmem:s17+$0x70] =	vst v3  }
0x220: {  	v0 =	vmov v10;
	v8 =	vld [tilespmem:s11+$0xFFFFFFA0];
	[tilespmem:s17+$0x80] =	vst v2;
	s17 =	smov.u32 s11  }
0x221: {  	v9 =	vld [tilespmem:s11+$0xFFFFFFB0];
	v3 =	vmul.f32 v6, v1  }
0x222: {  	v5 =	vmul.f32 v5, v1;
	v10 =	vld [tilespmem:s11+$0xFFFFFFC0]  }
.Ltmp4:
0x223: {  	v4 =	vmul.f32 v4, v1;
	v2 =	vld [tilespmem:s11+$0xFFFFFFD0];
	[tilespmem:s11+$0xFFFFFFF0] =	vst v3;
	(pc) =	sbr.rel @p0 .LBB2_10-.Ltmp4, $4  }
0x224: {  	[tilespmem:s11+$0xFFFFFF70] =	vst v5;
	v5 =	vmul.f32 v7, v1;
	v3 =	vld [tilespmem:s11+$0xFFFFFFE0]  }
0x225: {  	[tilespmem:s11+$0xFFFFFF80] =	vst v4;
	v4 =	vmul.f32 v8, v1;
	v6 =	vld [tilespmem:s11+$0x0]  }
0x226: {  	[tilespmem:s11+$0xFFFFFF90] =	vst v5;
	v8 =	vmul.f32 v9, v1;
	v5 =	vld [tilespmem:s11+$0x10]  }
0x227: {  	s5 =	sadd.s32 $0x2, s5;
	v9 =	vmov s16;
	[tilespmem:s11+$0xFFFFFFA0] =	vst v4;
	v7 =	vmul.f32 v10, v1;
	v4 =	vld [tilespmem:s11+$0x20]  }
0x228: {  	v10 =	vld [tilespmem:s11+$0x30]  }
0x229: {  	v11 =	vld [tilespmem:s11+$0x40];
	v9 =	vand.u32 $0xFFFFFFFE, v9  }
0x22a: {  	v12 =	vld [tilespmem:s11+$0x50];
	[tilespmem:s11+$0xFFFFFFB0] =	vst v8;
	v2 =	vmul.f32 v2, v1;
	v9 =	vbroadcast v9, $0x0  }
0x22b: {  	s5 =	sadd.s32 $0x1, s16;
	v14 =	vld [tilespmem:s11+$0x60];
	[tilespmem:s11+$0xFFFFFFC0] =	vst v7;
	v1 =	vmul.f32 v3, v1  }
0x22c: {  	s20 =	sadd.s32 $0x120, s11;
	v13 =	vmov s5;
	v3 =	vld [tilespmem:s11+$0x80];
	v6 =	vmul.f32 v6, v0;
	[tilespmem:s11+$0xFFFFFFD0] =	vst v2  }
0x22d: {  	v7 =	vld [tilespmem:s20+$0xFFFFFFF0];
	v5 =	vmul.f32 v5, v0;
	[tilespmem:s11+$0xFFFFFFE0] =	vst v1  }
0x22e: {  	[tilespmem:s11+$0x0] =	vst v6;
	v6 =	vld [tilespmem:s11+$0x70];
	v2 =	vmul.f32 v4, v0  }
0x22f: {  	v8 =	vld [tilespmem:s20+$0xFFFFFF70];
	[tilespmem:s11+$0x10] =	vst v5;
	v1 =	vmul.f32 v10, v0  }
0x230: {  	[tilespmem:s11+$0x20] =	vst v2;
	v2 =	vmul.f32 v11, v0;
	v5 =	vld.idx.msk [tilespmem:v9+s10+$0x0], $0xffff  }
0x231: {  	v4 =	vld.idx.msk [tilespmem:v13+s10+$0x0], $0xffff;
	[tilespmem:s17+$0x30] =	vst v1;
	v1 =	vmul.f32 v12, v0  }
0x232: {  	v9 =	vld [tilespmem:s20+$0xFFFFFF80];
	[tilespmem:s17+$0x40] =	vst v2;
	v2 =	vmul.f32 v14, v0  }
0x233: {  	[tilespmem:s17+$0x50] =	vst v1;
	v1 =	vmul.f32 v6, v0;
	v6 =	vld [tilespmem:s20+$0xFFFFFF90]  }
0x234: {  	v0 =	vmul.f32 v3, v0;
	[tilespmem:s17+$0x60] =	vst v2;
	v2 =	vld [tilespmem:s20+$0xFFFFFFA0]  }
0x235: {  	[tilespmem:s17+$0x70] =	vst v1;
	v1 =	vld [tilespmem:s20+$0xFFFFFFB0];
	v3 =	vmul.f32 v7, v5  }
0x236: {  	[tilespmem:s17+$0x80] =	vst v0;
	v0 =	vmul.f32 v8, v5;
	v7 =	vld [tilespmem:s20+$0xFFFFFFC0]  }
0x237: {  	v8 =	vmul.f32 v9, v5;
	v9 =	vld [tilespmem:s20+$0xFFFFFFD0];
	[tilespmem:s20+$0xFFFFFFF0] =	vst v3  }
0x238: {  	[tilespmem:s20+$0xFFFFFF70] =	vst v0;
	v0 =	vmul.f32 v6, v5;
	v3 =	vld [tilespmem:s20+$0xFFFFFFE0]  }
0x239: {  	[tilespmem:s20+$0xFFFFFF80] =	vst v8;
	v6 =	vld [tilespmem:s20+$0x0];
	v2 =	vmul.f32 v2, v5  }
0x23a: {  	[tilespmem:s20+$0xFFFFFF90] =	vst v0;
	v0 =	vmul.f32 v1, v5;
	v1 =	vld [tilespmem:s20+$0x10]  }
0x23b: {  	[tilespmem:s20+$0xFFFFFFA0] =	vst v2;
	v2 =	vmul.f32 v7, v5;
	v7 =	vld [tilespmem:s20+$0x20]  }
0x23c: {  	v8 =	vld [tilespmem:s20+$0x30];
	[tilespmem:s20+$0xFFFFFFB0] =	vst v0;
	v0 =	vmul.f32 v9, v5  }
0x23d: {  	[tilespmem:s20+$0xFFFFFFC0] =	vst v2;
	v2 =	vmul.f32 v3, v5;
	v3 =	vld [tilespmem:s20+$0x40]  }
0x23e: {  	v5 =	vld [tilespmem:s20+$0x50];
	[tilespmem:s20+$0xFFFFFFD0] =	vst v0;
	v0 =	vmul.f32 v6, v4  }
0x23f: {  	[tilespmem:s20+$0xFFFFFFE0] =	vst v2;
	v1 =	vmul.f32 v1, v4;
	v2 =	vld [tilespmem:s20+$0x60]  }
0x240: {  	v6 =	vld [tilespmem:s20+$0x70];
	[tilespmem:s20+$0x0] =	vst v0;
	v0 =	vmul.f32 v7, v4  }
0x241: {  	v7 =	vld [tilespmem:s20+$0x80];
	[tilespmem:s20+$0x10] =	vst v1;
	v1 =	vmul.f32 v8, v4  }
0x242: {  	[tilespmem:s20+$0x20] =	vst v0;
	v0 =	vmul.f32 v3, v4  }
0x243: {  	[tilespmem:s20+$0x30] =	vst v1;
	v1 =	vmul.f32 v5, v4  }
0x244: {  	[tilespmem:s20+$0x40] =	vst v0;
	v0 =	vmul.f32 v2, v4  }
0x245: {  	[tilespmem:s20+$0x50] =	vst v1;
	v1 =	vmul.f32 v6, v4  }
0x246: {  	[tilespmem:s20+$0x60] =	vst v0;
	v0 =	vmul.f32 v7, v4  }
0x247: {  	[tilespmem:s20+$0x70] =	vst v1  }
0x248: {  	[tilespmem:s20+$0x80] =	vst v0  }
0x249: {  	[spmem:s3] =	stream.indirect.scatter.add.f32 [tilespmem:s31], [sflag:$0x3], $0x90, s12, s23, $0xb8;
	[tilespmem:$0x1F520] =	vst v63  }
0x24a: {  	_ =	swait.ge [sflag:s13], $0x4800  }
0x24b: {  	[sflag:s13] =	ssyncset.done $0x0  }
0x24c: {  	[sflag:s13] =	ssyncadd.s32 $0xFFFFB800  }
0x24d: {  	_ =	swait.ge [sflag:s9], $0x4800  }
0x24e: {  	[sflag:s9] =	ssyncset.done $0x0  }
0x24f: {  	[sflag:s9] =	ssyncadd.s32 $0xFFFFB800  }
0x250: {  	_ =	swait.ge [sflag:s9], $0x80  }
0x251: {  	[sflag:s9] =	ssyncset.done $0x0  }
0x252: {  	[sflag:s9] =	ssyncadd.s32 $0xFFFFFF80  }
0x253: {  	_ =	swait.ge [sflag:s9], $0x80  }
0x254: {  	[sflag:s9] =	ssyncset.done $0x0  }
0x255: {  	[sflag:s9] =	ssyncadd.s32 $0xFFFFFF80  }
0x256: {  	v0 =	vld [tilespmem:$0x9300]  }
0x257: {  	v1 =	vld [tilespmem:$0x9380]  }
0x258: {  	v2 =	vld [tilespmem:$0x9310]  }
0x259: {  	v3 =	vld [tilespmem:$0x9390]  }
0x25a: {  	v4 =	vld [tilespmem:$0x9320]  }
0x25b: {  	v5 =	vld [tilespmem:$0x93A0]  }
0x25c: {  	v6 =	vld [tilespmem:$0x93B0];
	v0 =	vadd.f32 v1, v0  }
0x25d: {  	v1 =	vld [tilespmem:$0x9330]  }
0x25e: {  	v8 =	vld [tilespmem:$0x93C0];
	v2 =	vadd.f32 v3, v2;
	v7 =	vmul.f32 $2.000000030e-01, v0  }
0x25f: {  	v3 =	vld [tilespmem:$0x9340];
	vm0 =	vge.f32 v0, $0.0e+00  }
0x260: {  	v9 =	vld [tilespmem:$0x93D0];
	v4 =	vadd.f32 v5, v4;
	v0 =	vsel vm0, v0, v7;
	v7 =	vmul.f32 $2.000000030e-01, v2  }
0x261: {  	v5 =	vld [tilespmem:$0x9350];
	vm9 =	vge.f32 v2, $0.0e+00;
	v0 =	vmul.f32 $1.442695020e+00, v0  }
0x262: {  	v1 =	vadd.f32 v6, v1;
	v6 =	vld [tilespmem:$0x9360];
	v2 =	vsel vm9, v2, v7;
	v7 =	vmul.f32 $2.000000030e-01, v4  }
0x263: {  	vm10 =	vge.f32 v4, $0.0e+00;
	(erf) = vpow2.f32 v0;
	v0 =	vmul.f32 $1.442695020e+00, v2;
	v2 =	vld [tilespmem:$0x93E0]  }
0x264: {  	v3 =	vadd.f32 v8, v3;
	v8 =	vld [tilespmem:$0x9370];
	v4 =	vsel vm10, v4, v7;
	v7 =	vmul.f32 $2.000000030e-01, v1  }
0x265: {  	vm11 =	vge.f32 v1, $0.0e+00;
	(erf) = vpow2.f32 v0;
	v0 =	vmul.f32 $1.442695020e+00, v4;
	v4 =	vld [tilespmem:$0x93F0]  }
0x266: {  	v5 =	vadd.f32 v9, v5;
	v1 =	vsel vm11, v1, v7;
	v7 =	vmul.f32 $2.000000030e-01, v3  }
0x267: {  	vm12 =	vge.f32 v3, $0.0e+00;
	(erf) = vpow2.f32 v0;
	v0 =	vmul.f32 $1.442695020e+00, v1  }
0x268: {  	v1 =	vsel vm12, v3, v7;
	v3 =	vmul.f32 $2.000000030e-01, v5;
	v2 =	vadd.f32 v2, v6  }
0x269: {  	vm13 =	vge.f32 v5, $0.0e+00;
	(erf) = vpow2.f32 v0;
	v0 =	vmul.f32 $1.442695020e+00, v1  }
0x26a: {  	v6 =	vld [tilespmem:$0x80];
	v1 =	vsel vm13, v5, v3;
	v3 =	vmul.f32 $2.000000030e-01, v2;
	v4 =	vadd.f32 v4, v8  }
0x26b: {  	vm14 =	vge.f32 v2, $0.0e+00;
	(erf) = vpow2.f32 v0;
	v0 =	vmul.f32 $1.442695020e+00, v1  }
0x26c: {  	v5 =	vld [tilespmem:$0x90];
	v2 =	vsel vm14, v2, v3;
	v3 =	vmul.f32 $2.000000030e-01, v4  }
0x26d: {  	vm15 =	vge.f32 v4, $0.0e+00;
	v1 =	vpop (erf);
	(erf) = vpow2.f32 v0;
	v0 =	vmul.f32 $1.442695020e+00, v2  }
0x26e: {  	[tilespmem:$0x9280] =	vst v1;
	v1 =	vld [tilespmem:$0xA0];
	v3 =	vsel vm15, v4, v3  }
0x26f: {  	[tilespmem:$0x9200] =	vst v6;
	v2 =	vpop (erf);
	(erf) = vpow2.f32 v0;
	v0 =	vmul.f32 $1.442695020e+00, v3  }
0x270: {  	[tilespmem:$0x9290] =	vst v2;
	v2 =	vld [tilespmem:$0xB0]  }
0x271: {  	[tilespmem:$0x9210] =	vst v5;
	v3 =	vpop (erf)  }
0x272: {  	(erf) = vpow2.f32 v0;
	[tilespmem:$0x92A0] =	vst v3;
	v3 =	vld [tilespmem:$0xC0]  }
0x273: {  	v0 =	vpop (erf);
	[tilespmem:$0x9220] =	vst v1  }
0x274: {  	[tilespmem:$0x92B0] =	vst v0;
	v0 =	vld [tilespmem:$0xD0]  }
0x275: {  	s21 =	simm.s32 $0x0;
	v1 =	vpop (erf);
	[tilespmem:$0x9230] =	vst v2  }
0x276: {  	[tilespmem:$0x92C0] =	vst v1;
	v1 =	vld [tilespmem:$0xE0];
	v2 =	vmov s21  }
0x277: {  	v4 =	vpop (erf);
	v2 =	vand.u32 $0xFFFFFFFE, v2;
	[tilespmem:$0x9240] =	vst v3  }
0x278: {  	[tilespmem:$0x92D0] =	vst v4;
	v3 =	vld [tilespmem:$0xF0];
	v2 =	vbroadcast v2, $0x0  }
0x279: {  	v4 =	vpop (erf);
	[tilespmem:$0x9250] =	vst v0  }
0x27a: {  	[tilespmem:$0x92E0] =	vst v4  }
0x27b: {  	[tilespmem:$0x9260] =	vst v1;
	v0 =	vpop (erf)  }
0x27c: {  	[tilespmem:$0x92F0] =	vst v0  }
0x27d: {  	[tilespmem:$0x9270] =	vst v3  }
0x27e: {  	s11 =	simm.s32 $0x290;
	v1 =	vld.idx.msk [tilespmem:v2+s10+$0x0], $0xffff  }
0x27f: {  	v0 =	vld [tilespmem:s11+$0xFFFFFFF0]  }
0x280: {  	v2 =	vld [tilespmem:s11+$0xFFFFFF70]  }
0x281: {  	s22 =	simm.s32 $0x1;
	v3 =	vld [tilespmem:s11+$0xFFFFFF80]  }
0x282: {  	v5 =	vmov s22;
	v4 =	vld [tilespmem:s11+$0xFFFFFF90]  }
0x283: {  	v6 =	vld [tilespmem:s11+$0xFFFFFFA0]  }
0x284: {  	v7 =	vld [tilespmem:s11+$0xFFFFFFB0]  }
0x285: {  	v10 =	vld [tilespmem:s11+$0xFFFFFFC0];
	v0 =	vmul.f32 v0, v1  }
0x286: {  	v8 =	vmul.f32 v2, v1;
	v2 =	vld [tilespmem:s11+$0xFFFFFFD0]  }
0x287: {  	v4 =	vmul.f32 v4, v1;
	[tilespmem:s11+$0xFFFFFFF0] =	vst v0;
	v0 =	vld.idx.msk [tilespmem:v5+s10+$0x0], $0xffff  }
0x288: {  	v5 =	vmul.f32 v3, v1;
	[tilespmem:s11+$0xFFFFFF70] =	vst v8;
	v3 =	vld [tilespmem:s11+$0xFFFFFFE0]  }
0x289: {  	v11 =	vmul.f32 v6, v1;
	v6 =	vld [tilespmem:s11+$0x0];
	[tilespmem:s11+$0xFFFFFF90] =	vst v4  }
0x28a: {  	s16 =	simm.s32 $0x2;
	v8 =	vmul.f32 v7, v1;
	[tilespmem:s11+$0xFFFFFF80] =	vst v5;
	v5 =	vld [tilespmem:s11+$0x10]  }
0x28b: {  	s5 =	simm.s32 $0x4;
	s17 =	simm.s32 $0x290;
	v9 =	vmov s16;
	[tilespmem:s11+$0xFFFFFFA0] =	vst v11;
	v7 =	vmul.f32 v10, v1;
	v4 =	vld [tilespmem:s11+$0x20]  }
.LBB2_12:
0x28c: {  	p0 =	slt.u32 s5, $0x7E;
	v9 =	vand.u32 $0xFFFFFFFE, v9;
	s15 =	sadd.s32 $0x1, s16;
	[tilespmem:s11+$0xFFFFFFB0] =	vst v8;
	v2 =	vmul.f32 v2, v1;
	v8 =	vld [tilespmem:s11+$0x30];
	s16 =	smov.u32 s5  }
0x28d: {  	v9 =	vbroadcast v9, $0x0;
	v10 =	vmov s15;
	[tilespmem:s11+$0xFFFFFFC0] =	vst v7;
	v1 =	vmul.f32 v3, v1;
	v3 =	vld [tilespmem:s11+$0x40]  }
0x28e: {  	[tilespmem:s11+$0xFFFFFFD0] =	vst v2;
	v2 =	vmul.f32 v6, v0;
	v6 =	vld [tilespmem:s11+$0x50]  }
0x28f: {  	[tilespmem:s11+$0xFFFFFFE0] =	vst v1;
	v1 =	vmul.f32 v5, v0;
	v5 =	vld [tilespmem:s11+$0x60]  }
0x290: {  	[tilespmem:s11+$0x0] =	vst v2;
	v2 =	vmul.f32 v4, v0;
	v4 =	vld [tilespmem:s11+$0x70]  }
0x291: {  	[tilespmem:s11+$0x10] =	vst v1;
	v7 =	vmul.f32 v8, v0;
	v8 =	vld [tilespmem:s11+$0x80]  }
0x292: {  	v10 =	vld.idx.msk [tilespmem:v10+s10+$0x0], $0xffff;
	[tilespmem:s11+$0x20] =	vst v2;
	v2 =	vmul.f32 v3, v0  }
0x293: {  	s11 =	sadd.s32 $0x120, s11;
	v1 =	vld.idx.msk [tilespmem:v9+s10+$0x0], $0xffff;
	[tilespmem:s17+$0x30] =	vst v7;
	v3 =	vmul.f32 v6, v0  }
0x294: {  	v6 =	vld [tilespmem:s11+$0xFFFFFFF0];
	[tilespmem:s17+$0x40] =	vst v2;
	v2 =	vmul.f32 v5, v0  }
0x295: {  	v5 =	vld [tilespmem:s11+$0xFFFFFF70];
	[tilespmem:s17+$0x50] =	vst v3;
	v3 =	vmul.f32 v4, v0  }
0x296: {  	v4 =	vld [tilespmem:s11+$0xFFFFFF80];
	[tilespmem:s17+$0x60] =	vst v2;
	v2 =	vmul.f32 v8, v0  }
0x297: {  	v7 =	vld [tilespmem:s11+$0xFFFFFF90];
	[tilespmem:s17+$0x70] =	vst v3  }
0x298: {  	v0 =	vmov v10;
	v8 =	vld [tilespmem:s11+$0xFFFFFFA0];
	[tilespmem:s17+$0x80] =	vst v2;
	s17 =	smov.u32 s11  }
0x299: {  	v9 =	vld [tilespmem:s11+$0xFFFFFFB0];
	v3 =	vmul.f32 v6, v1  }
0x29a: {  	v5 =	vmul.f32 v5, v1;
	v10 =	vld [tilespmem:s11+$0xFFFFFFC0]  }
.Ltmp5:
0x29b: {  	v4 =	vmul.f32 v4, v1;
	v2 =	vld [tilespmem:s11+$0xFFFFFFD0];
	[tilespmem:s11+$0xFFFFFFF0] =	vst v3;
	(pc) =	sbr.rel @p0 .LBB2_12-.Ltmp5, $4  }
0x29c: {  	[tilespmem:s11+$0xFFFFFF70] =	vst v5;
	v5 =	vmul.f32 v7, v1;
	v3 =	vld [tilespmem:s11+$0xFFFFFFE0]  }
0x29d: {  	[tilespmem:s11+$0xFFFFFF80] =	vst v4;
	v4 =	vmul.f32 v8, v1;
	v6 =	vld [tilespmem:s11+$0x0]  }
0x29e: {  	[tilespmem:s11+$0xFFFFFF90] =	vst v5;
	v8 =	vmul.f32 v9, v1;
	v5 =	vld [tilespmem:s11+$0x10]  }
0x29f: {  	s5 =	sadd.s32 $0x2, s5;
	v9 =	vmov s16;
	[tilespmem:s11+$0xFFFFFFA0] =	vst v4;
	v7 =	vmul.f32 v10, v1;
	v4 =	vld [tilespmem:s11+$0x20]  }
0x2a0: {  	v10 =	vld [tilespmem:s11+$0x30]  }
0x2a1: {  	v11 =	vld [tilespmem:s11+$0x40]  }
0x2a2: {  	s5 =	sadd.s32 $0x1, s16;
	v12 =	vld [tilespmem:s11+$0x50];
	[tilespmem:s11+$0xFFFFFFB0] =	vst v8;
	v2 =	vmul.f32 v2, v1  }
0x2a3: {  	v14 =	vld [tilespmem:s11+$0x60];
	v13 =	vmov s5;
	[tilespmem:s11+$0xFFFFFFC0] =	vst v7;
	v19 =	vmul.f32 v3, v1  }
0x2a4: {  	v18 =	vld [tilespmem:s11+$0x70];
	v6 =	vmul.f32 v6, v0;
	[tilespmem:s11+$0xFFFFFFD0] =	vst v2  }
0x2a5: {  	v20 =	vld [tilespmem:s11+$0x80];
	s16 =	sadd.s32 $0x120, s11;
	v5 =	vmul.f32 v5, v0;
	[tilespmem:s11+$0xFFFFFFE0] =	vst v19  }
0x2a6: {  	v26 =	vld [tilespmem:s16+$0xFFFFFFF0];
	[tilespmem:s11+$0x0] =	vst v6;
	v21 =	vmul.f32 v4, v0  }
0x2a7: {  	v43 =	vld [tilespmem:s16+$0x0];
	[tilespmem:s11+$0x10] =	vst v5;
	v23 =	vmul.f32 v10, v0  }
0x2a8: {  	v25 =	vmul.f32 v11, v0;
	v22 =	vld.idx.msk [tilespmem:v13+s10+$0x0], $0xffff;
	[tilespmem:s11+$0x20] =	vst v21  }
0x2a9: {  	v45 =	vld [tilespmem:s16+$0x10];
	v27 =	vmul.f32 v12, v0;
	[tilespmem:s17+$0x30] =	vst v23  }
0x2aa: {  	v9 =	vand.u32 $0xFFFFFFFE, v9;
	v47 =	vld [tilespmem:s16+$0x20];
	v29 =	vmul.f32 v14, v0;
	[tilespmem:s17+$0x40] =	vst v25  }
0x2ab: {  	v9 =	vbroadcast v9, $0x0;
	v49 =	vld [tilespmem:s16+$0x30];
	v31 =	vmul.f32 v18, v0;
	[tilespmem:s17+$0x50] =	vst v27  }
0x2ac: {  	v51 =	vld [tilespmem:s16+$0x40];
	v33 =	vmul.f32 v20, v0;
	[tilespmem:s17+$0x60] =	vst v29  }
0x2ad: {  	v53 =	vld [tilespmem:s16+$0x50];
	[tilespmem:s17+$0x70] =	vst v31;
	v52 =	vmul.f32 v43, v22  }
0x2ae: {  	v54 =	vld [tilespmem:s16+$0x60];
	[tilespmem:s17+$0x80] =	vst v33;
	v1 =	vmul.f32 v45, v22  }
0x2af: {  	v56 =	vld [tilespmem:s16+$0x70];
	v55 =	vmul.f32 v47, v22;
	[tilespmem:s16+$0x0] =	vst v52  }
0x2b0: {  	v58 =	vld [tilespmem:s16+$0x80];
	v57 =	vmul.f32 v49, v22;
	[tilespmem:s16+$0x10] =	vst v1  }
0x2b1: {  	v24 =	vld.idx.msk [tilespmem:v9+s10+$0x0], $0xffff;
	v59 =	vmul.f32 v51, v22;
	[tilespmem:s16+$0x20] =	vst v55  }
0x2b2: {  	v28 =	vld [tilespmem:s16+$0xFFFFFF70];
	v60 =	vmul.f32 v53, v22;
	[tilespmem:s16+$0x30] =	vst v57  }
0x2b3: {  	v30 =	vld [tilespmem:s16+$0xFFFFFF80];
	v61 =	vmul.f32 v54, v22;
	[tilespmem:s16+$0x40] =	vst v59  }
0x2b4: {  	v32 =	vld [tilespmem:s16+$0xFFFFFF90];
	v62 =	vmul.f32 v56, v22;
	[tilespmem:s16+$0x50] =	vst v60  }
0x2b5: {  	v34 =	vld [tilespmem:s16+$0xFFFFFFA0];
	v63 =	vmul.f32 v58, v22;
	[tilespmem:s16+$0x60] =	vst v61  }
0x2b6: {  	v35 =	vld [tilespmem:s16+$0xFFFFFFB0];
	v36 =	vmul.f32 v26, v24;
	[tilespmem:s16+$0x70] =	vst v62  }
0x2b7: {  	v38 =	vld [tilespmem:s16+$0xFFFFFFC0];
	v37 =	vmul.f32 v28, v24;
	[tilespmem:s16+$0x80] =	vst v63  }
0x2b8: {  	v40 =	vld [tilespmem:s16+$0xFFFFFFD0];
	v39 =	vmul.f32 v30, v24;
	[tilespmem:s16+$0xFFFFFFF0] =	vst v36  }
0x2b9: {  	v42 =	vld [tilespmem:s16+$0xFFFFFFE0];
	v41 =	vmul.f32 v32, v24;
	[tilespmem:s16+$0xFFFFFF70] =	vst v37  }
0x2ba: {  	v2 =	vmul.f32 v34, v24;
	[tilespmem:s16+$0xFFFFFF80] =	vst v39  }
0x2bb: {  	v44 =	vmul.f32 v35, v24;
	[tilespmem:s16+$0xFFFFFF90] =	vst v41  }
0x2bc: {  	v46 =	vmul.f32 v38, v24;
	[tilespmem:s16+$0xFFFFFFA0] =	vst v2  }
0x2bd: {  	v48 =	vmul.f32 v40, v24;
	[tilespmem:s16+$0xFFFFFFB0] =	vst v44  }
0x2be: {  	v50 =	vmul.f32 v42, v24;
	[tilespmem:s16+$0xFFFFFFC0] =	vst v46  }
0x2bf: {  	[tilespmem:s16+$0xFFFFFFD0] =	vst v48  }
0x2c0: {  	[tilespmem:s16+$0xFFFFFFE0] =	vst v50  }
0x2c1: {  	[spmem:s3] =	stream.indirect.scatter.add.f32 [tilespmem:s25], [sflag:$0x3], $0x90, s12, s23, $0xb8;
	[tilespmem:$0x1F520] =	vst v63  }
0x2c2: {  	_ =	swait.ge [sflag:s13], $0x4800  }
0x2c3: {  	[sflag:s13] =	ssyncset.done $0x0  }
0x2c4: {  	[sflag:s13] =	ssyncadd.s32 $0xFFFFB800  }
0x2c5: {  	[bflag:$0x0] =	sbarrier.arrive $0xFFFF  }
0x2c6: {  	s15 =	rddreg [dreg:$0x6]  }
0x2c7: {  	s17 =	rddreg [dreg:$0xd]  }
0x2c8: {  	s11 =	simm.s32 $0x5;
	s20 =	rddreg [dreg:$0x10]  }
0x2c9: {  	[hbm:s17], [sflag:s15] =	dma.local [spmem:s20], $0x2C04  }
0x2ca: {  	_ =	swait.ge [sflag:s11], $0x2C04  }
0x2cb: {  	s21 =	rddreg [dreg:$0xf]  }
0x2cc: {  	s22 =	rddreg [dreg:$0xe];
	s16 =	sadd.s32 $0x1, s21  }
0x2cd: {  	p0 =	sne.s32 s16, s22  }
.Ltmp6:
0x2ce: {  	_ = 	snop;
	(pc) =	sbr.rel @p0 .LBB2_1-.Ltmp6, $3  }
0x2cf: {  	_ =	sdelay $0x1  }
0x2d0: {  	[sflag:s11] =	ssyncset.done $0x0  }
0x2d1: {  	[sflag:s11] =	ssyncadd.s32 $0xFFFFD3FC  }
0x2d2: {  	_ =	sfence.sel $0x180000  }
0x2d3: {  	[bflag:$0x0] =	sbarrier.arrive $0xFFFF  }
0x2d4: {  	_ =	strace $0x9000004A  }
0x2d5: {  	s0 =	stileid.u32;
	[bflag:$0x2] =	sbarrier.arrive $0xFFFF  }
0x2d6: {  	p0 =	sne.s32 s0, $0x0;
	s0 =	rddreg [dreg:$0x3]  }
0x2d7: {  	s0 =	sadd.s32 @!p0 $0x100000, s0  }
0x2d8: {  	[sflag:s0] =	ssyncadd.tile.s32 @!p0 $0x1;
	_ =	shalt  }
.Lfunc_end2:
_tile_overlayer_lowered:
.L_overlay_start_2:
0x2d9: {  	(tag) =	ssettag $0x2  }
0x2da: {  	s0 =	rddreg [dreg:$0x0];
	s2 =	stileid.u32  }
0x2db: {  	s1 =	rddreg [dreg:$0x1];
	p0 =	sne.s32 s2, $0x0  }
0x2dc: {  	s3 =	rddreg [dreg:$0x2];
	[bflag:$0x3] =	sbarrier.arrive $0xFFFF;
	s2 =	simm.s32 @!p0 $0x1C05  }
0x2dd: {  	[timem:s3], [sflag:s2] =	dma.local @!p0 [hbm:s0], s1  }
0x2de: {  	s0 =	simm.s32 @!p0 $0x5  }
0x2df: {  	_ =	swait.ge @!p0 [sflag:s0], s1  }
0x2e0: {  	s1 =	ssub.s32 @!p0 $0x0, s1;
	[sflag:s0] =	ssyncset.done @!p0 $0x0  }
0x2e1: {  	[sflag:s0] =	ssyncadd.s32 @!p0 s1  }
0x2e2: {  	[bflag:$0x3] =	sbarrier.arrive $0xFFFF  }
0x2e3: {  	_ =	shalt  }

// kernel: kernel.7.cloned.1.call-start
scs
__scs_entry_jumppad:
0x0: {  	(pc) =	sbr.rel $0x88, $3  }
0x1: {  	(tag) =	ssettag $0x0;
	lr =	simm.s32 $0x1  }
0x2: {  	[smem:$0x3F97] =	sst lr;
	_ =	strace $0xD0000000  }
0x3: {  	_ = 	snop  }
0x4: {  	_ = 	snop  }
0x5: {  	_ = 	snop  }
0x6: {  	_ = 	snop  }
0x7: {  	_ = 	snop  }
__scs_overlays_trampoline_lowered:
0x8: {  	[smem:$0x3FA6] =	sst s0  }
0x9: {  	[smem:$0x3FA7] =	sst s1  }
0xa: {  	[smem:$0x3FA8] =	sst s2  }
0xb: {  	[smem:$0x3FA9] =	sst s3  }
0xc: {  	[smem:$0x3FAA] =	sst s4  }
0xd: {  	[smem:$0x3FAB] =	sst s5  }
0xe: {  	[smem:$0x3FAC] =	sst s6  }
0xf: {  	[smem:$0x3FAD] =	sst s7  }
0x10: {  	[smem:$0x3FAE] =	sst s8  }
0x11: {  	[smem:$0x3FAF] =	sst s9;
	s0 =	simm.s32 @!p0 $0x0  }
0x12: {  	s1 =	sld [smem:$0x3F95];
	s0 =	simm.s32 @p0 $0x1  }
0x13: {  	[smem:$0x3FB0] =	sst s0;
	s0 =	simm.s32 @!p1 $0x0  }
0x14: {  	s2 =	sld [smem:$0x3F94];
	s0 =	simm.s32 @p1 $0x1  }
0x15: {  	[smem:$0x3FB1] =	sst s0;
	s0 =	simm.s32 @!p2 $0x0  }
0x16: {  	s3 =	sld [smem:$0x3FDB];
	s0 =	simm.s32 @p2 $0x1  }
0x17: {  	s4 =	simm.s32 $0x1BF5;
	[smem:$0x3FB3] =	sst s0  }
0x18: {  	s0 =	sld [smem:$0x3F96];
	_ =	swait.ge [sflag:s4], $0x0  }
0x19: {  	s7 =	sld [smem:$0x3F97]  }
0x1a: {  	s8 =	sadd.s32 $0xFFFFE003, lr  }
0x1b: {  	s9 =	sadd.s32 $0xFFFFFEF7, lr;
	s5 =	simm.s32 $0xFFFFFFFF;
	p2 =	slt.u32 s8, $0xFFFFF086  }
0x1c: {  	p1 =	slt.u32 s9, $0xF7A;
	s5 =	simm.s32 @!p2 $0x0  }
0x1d: {  	s5 =	simm.s32 @p1 $0x1;
	p0 =	seq.s32 s7, s2  }
0x1e: {  	s7 =	smul.u32 @!p0 $0xF7A, s2;
	p2 =	seq.s32 @!p0 s5, $0x0  }
0x1f: {  	s9 =	smul.u32 $0xF7A, s1;
	s8 =	simm.s32 @!p0 $0x1BF5;
	p2 =	por !p2, p0  }
0x20: {  	[sflag:s8] =	ssyncset.s32 @!p0 $0xFFFFF086;
	s6 =	sadd.s32 @!p0 s3, s7;
	s7 =	simm.s32 @!p0 $0x108  }
0x21: {  	s3 =	sadd.s32 s3, s9;
	s6 =	sadd.s32 @!p0 $0x88, s6;
	s7 =	simm.s32 @p2 $0x1082  }
0x22: {  	[simem:s7], [sflag:s8] =	dma.local @!p0 [hbm:s6], $0xF7A  }
0x23: {  	s9 =	sor.u32 $0xD0000000, s2;
	s6 =	simm.s32 $0x108;
	_ =	swait.ge @!p0 [sflag:s8], $0x0  }
0x24: {  	s3 =	sadd.s32 $0x88, s3;
	s6 =	simm.s32 @!p1 $0x1082;
	[sflag:s4] =	ssyncset.s32 $0xFFFFF086  }
0x25: {  	[simem:s6], [sflag:s4] =	dma.local [hbm:s3], $0xF7A  }
0x26: {  	[smem:$0x3F97] =	sst s1;
	(tag) =	ssettag s2;
	_ =	strace s9  }
0x27: {  	s1 =	sld [smem:$0x3FA7]  }
0x28: {  	s2 =	sld [smem:$0x3FA8]  }
0x29: {  	s4 =	sld [smem:$0x3FAA]  }
0x2a: {  	p0 =	seq.s32 s5, $0x0;
	s5 =	sld [smem:$0x3FAB]  }
0x2b: {  	s6 =	sld [smem:$0x3FAC]  }
0x2c: {  	s7 =	sld [smem:$0x3FAD]  }
0x2d: {  	s3 =	simm.s32 $0x108;
	s8 =	sld [smem:$0x3FAE]  }
0x2e: {  	s3 =	simm.s32 @!p0 $0x1082;
	s9 =	sld [smem:$0x3FAF]  }
0x2f: {  	lr =	sadd.s32 s0, s3;
	s0 =	sld [smem:$0x3FA6]  }
0x30: {  	s3 =	sld [smem:$0x3FA9]  }
0x31: {  	[smem:$0x3FB2] =	sst s10  }
0x32: {  	s10 =	sld [smem:$0x3FB0];
	_ =	sdelay $0x3  }
0x33: {  	p0 =	seq.s32 s10, $0x1;
	s10 =	sld [smem:$0x3FB2];
	_ =	sdelay $0x3  }
0x34: {  	[smem:$0x3FB2] =	sst s10  }
0x35: {  	s10 =	sld [smem:$0x3FB1];
	_ =	sdelay $0x3  }
0x36: {  	p1 =	seq.s32 s10, $0x1;
	s10 =	sld [smem:$0x3FB2];
	_ =	sdelay $0x3  }
0x37: {  	[smem:$0x3FB2] =	sst s10  }
0x38: {  	s10 =	sld [smem:$0x3FB3]  }
0x39: {  	_ = 	snop;
	(pc) =	sbr.ind lr, $3  }
0x3a: {  	_ = 	snop  }
0x3b: {  	_ = 	snop  }
0x3c: {  	p2 =	seq.s32 s10, $0x1;
	s10 =	sld [smem:$0x3FB2]  }
0x3d: {  	_ =	shalt  }
0x3e: {  	_ =	shalt  }
0x3f: {  	_ =	shalt  }
0x40: {  	_ =	shalt  }
0x41: {  	_ =	shalt  }
0x42: {  	_ =	shalt  }
0x43: {  	_ =	shalt  }
0x44: {  	_ =	shalt  }
0x45: {  	_ =	shalt  }
0x46: {  	_ =	shalt  }
0x47: {  	_ =	shalt  }
0x48: {  	_ =	shalt  }
0x49: {  	_ =	shalt  }
0x4a: {  	_ =	shalt  }
0x4b: {  	_ =	shalt  }
0x4c: {  	_ =	shalt  }
0x4d: {  	_ =	shalt  }
0x4e: {  	_ =	shalt  }
0x4f: {  	_ =	shalt  }
0x50: {  	_ =	shalt  }
0x51: {  	_ =	shalt  }
0x52: {  	_ =	shalt  }
0x53: {  	_ =	shalt  }
0x54: {  	_ =	shalt  }
0x55: {  	_ =	shalt  }
0x56: {  	_ =	shalt  }
0x57: {  	_ =	shalt  }
0x58: {  	_ =	shalt  }
0x59: {  	_ =	shalt  }
0x5a: {  	_ =	shalt  }
0x5b: {  	_ =	shalt  }
0x5c: {  	_ =	shalt  }
0x5d: {  	_ =	shalt  }
0x5e: {  	_ =	shalt  }
0x5f: {  	_ =	shalt  }
0x60: {  	_ =	shalt  }
0x61: {  	_ =	shalt  }
0x62: {  	_ =	shalt  }
0x63: {  	_ =	shalt  }
0x64: {  	_ =	shalt  }
0x65: {  	_ =	shalt  }
0x66: {  	_ =	shalt  }
0x67: {  	_ =	shalt  }
0x68: {  	_ =	shalt  }
0x69: {  	_ =	shalt  }
0x6a: {  	_ =	shalt  }
0x6b: {  	_ =	shalt  }
0x6c: {  	_ =	shalt  }
0x6d: {  	_ =	shalt  }
0x6e: {  	_ =	shalt  }
0x6f: {  	_ =	shalt  }
0x70: {  	_ =	shalt  }
0x71: {  	_ =	shalt  }
0x72: {  	_ =	shalt  }
0x73: {  	_ =	shalt  }
0x74: {  	_ =	shalt  }
0x75: {  	_ =	shalt  }
0x76: {  	_ =	shalt  }
0x77: {  	_ =	shalt  }
0x78: {  	_ =	shalt  }
0x79: {  	_ =	shalt  }
0x7a: {  	_ =	shalt  }
0x7b: {  	_ =	shalt  }
0x7c: {  	_ =	shalt  }
0x7d: {  	_ =	shalt  }
0x7e: {  	_ =	shalt  }
0x7f: {  	_ =	shalt  }
0x80: {  	_ =	shalt  }
0x81: {  	_ =	shalt  }
0x82: {  	_ =	shalt  }
0x83: {  	_ =	shalt  }
0x84: {  	_ =	shalt  }
0x85: {  	_ =	shalt  }
0x86: {  	_ =	shalt  }
0x87: {  	_ =	shalt  }
.Lfunc_end0:
.L_simem_size_0:
called_computation_lowered:
.L_overlay_start_0:
0x88: {  	s2 =	sld [smem:$0x3FD9]  }
0x89: {  	s3 =	sld [smem:$0x3FFE];
	_ =	sdelay $0x1  }
0x8a: {  	s1 =	srdreg.scid  }
0x8b: {  	s0 =	sand.u32 $0x1, s1  }
0x8c: {  	s17 =	sshll.u32 s0, $0xA;
	s2 =	sadd.s32 s3, s2  }
0x8d: {  	s2 =	sadd.s32 s2, s17  }
0x8e: {  	[smem:$0x3FBE] =	sst s2  }
0x8f: {  	_ = 	snop  }
0x90: {  	s2 =	sld [smem:$0x3FD0];
	(tm) =	ssettm $0x1  }
0x91: {  	s18 =	sld [smem:$0x3FFB];
	_ =	sdelay $0x3  }
0x92: {  	_ =	strace s18  }
0x93: {  	s3 =	sld [smem:$0x3FFC];
	_ =	sdelay $0x3  }
0x94: {  	_ =	strace s3  }
0x95: {  	s3 =	sld [smem:$0x3FFD];
	_ =	sdelay $0x3  }
0x96: {  	_ =	strace s3  }
0x97: {  	_ =	strace $0x8FFFFFFF  }
0x98: {  	s19 =	sld [smem:$0x3FDB];
	_ =	sdelay $0x1  }
0x99: {  	s4 =	simm.s32 $_scs_section_size  }
0x9a: {  	s5 =	simm.s32 $_size__tile_overlayer_lowered;
	s6 =	simm.s32 $_tile_overlayer_lowered  }
0x9b: {  	s22 =	simm.s32 $0x1BFF;
	s21 =	sshll.u32 s6, $0x1;
	s3 =	sadd.s32 s4, s19  }
0x9c: {  	s7 =	simm.s32 $0x0;
	s20 =	sshll.u32 s5, $0x1;
	s5 =	sadd.s32 s21, s3  }
0x9d: {  	[timem:s7], [sflag:s22] =	dma.local [hbm:s5], s20  }
0x9e: {  	_ =	swait.ge [sflag:s22], s20  }
0x9f: {  	s4 =	ssub.s32 $0x0, s20;
	[sflag:s22] =	ssyncset.done $0x0  }
0xa0: {  	[sflag:s22] =	ssyncadd.s32 s4;
	_ =	sdelay $0x1  }
0xa1: {  	s23 =	simm.s32 $0x1B8B  }
0xa2: {  	_ =	swait.ge [sflag:s23], $0x1  }
0xa3: {  	[sflag:s23] =	ssyncset.done $0x0  }
0xa4: {  	s25 =	simm.s32 $0x1B8E;
	s24 =	sld [smem:$0x3FFE];
	[sflag:s23] =	ssyncadd.s32 $0xFFFFFFFF  }
0xa5: {  	s26 =	simm.s32 $execute0_lowered;
	[smem:$0x3FD2] =	sst s25  }
0xa6: {  	s5 =	sshll.u32 s26, $0x1;
	_ =	strace $0x80000046;
	[dreg:$0x1] =	wrdreg $0xFFFFFFFF  }
0xa7: {  	s28 =	simm.s32 $_size_execute0_lowered;
	s3 =	sadd.s32 s3, s5;
	[dreg:$0x0] =	wrdreg $0x0  }
0xa8: {  	s5 =	sshll.u32 s28, $0x1;
	[dreg:$0x2] =	wrdreg s3  }
0xa9: {  	[dreg:$0x3] =	wrdreg s5  }
0xaa: {  	[dreg:$0x4] =	wrdreg $0xC0  }
0xab: {  	_ =	task [dreg:s7], $0x5FFFF  }
0xac: {  	[dreg:$0x1] =	wrdreg $0xFFFFFFFF  }
0xad: {  	[dreg:$0x0] =	wrdreg $0x60  }
0xae: {  	[dreg:$0x2] =	wrdreg s24  }
0xaf: {  	[dreg:$0x3] =	wrdreg s2  }
0xb0: {  	[dreg:$0x4] =	wrdreg $0x95000  }
0xb1: {  	[dreg:$0x5] =	wrdreg $0x9  }
0xb2: {  	_ =	task.clear_ibuf [dreg:s7], $0x6FFFF;
	_ =	strace $0x90000046  }
0xb3: {  	s29 =	simm.s32 $0x9;
	_ =	strace $0x80000048  }
0xb4: {  	_ =	swait.ge [sflag:s29], $0x1  }
0xb5: {  	[sflag:s29] =	ssyncadd.s32 $0xFFFFFFFF  }
0xb6: {  	_ =	strace $0x90000048  }
0xb7: {  	_ =	sfence  }
0xb8: {  	s30 =	sld [smem:$0x0];
	_ =	sdelay $0x2  }
0xb9: {  	s31 =	sshll.u32 s1, $0xD;
	s1 =	sshrl.u32 s1, $0x2  }
0xba: {  	s3 =	sand.u32 $0x4000, s31;
	s1 =	sadd.s32 s1, s30  }
0xbb: {  	s0 =	sor.u32 s3, s0;
	s1 =	sshll.u32 s1, $0x11  }
0xbc: {  	s0 =	sor.u32 s1, s0  }
0xbd: {  	s0 =	sadd.s32 $0x8F2B, s0  }
0xbe: {  	[sflag:s0] =	ssyncadd.remote.s32 $0x1  }
0xbf: {  	_ =	sfence.sel $0xFFFF  }
0xc0: {  	[dreg:$0x0] =	wrdreg $0xFFFFFFFF;
	(pc) =	sbr.abs _section_cstart, $3  }
0xc1: {  	[dreg:$0x1] =	wrdreg $0xFFFFFFFF  }
0xc2: {  	_ =	task.clear_ibuf [dreg:s7], $0x2FFFF;
	_ =	strace $0x9FFFFFFF  }
0xc3: {  	(tm) =	ssettm $0x7FFFFFFF  }
tec
execute0_lowered:
.L_overlay_start_1:
0x0: {  	(tag) =	ssettag $0x1  }
0x1: {  	s1 =	rddreg [dreg:$0x0]  }
0x2: {  	s2 =	rddreg [dreg:$0x1]  }
0x3: {  	s3 =	rddreg [dreg:$0x2]  }
0x4: {  	s0 =	simm.s32 $0x0;
	s14 =	stileid.u32;
	s4 =	srdreg.scid  }
0x5: {  	s28 =	simm.s32 $0x9380;
	s29 =	simm.s32 $0x100;
	s30 =	simm.s32 $0x180  }
0x6: {  	s31 =	simm.s32 $0x4A00;
	[smem:$0x7FF] =	sst s0;
	s6 =	sadd.s32 $0xA200, s1  }
0x7: {  	s15 =	smul.u32 $0x16020, s14;
	s7 =	sadd.s32 $0x36400, s1;
	s4 =	sand.u32 $0x1, s4  }
0x8: {  	s5 =	smul.u32 $0x2C04, s14;
	s11 =	sshll.u32 s14, $0x1;
	s8 =	sadd.s32 $0x36A00, s1  }
0x9: {  	s18 =	sshll.u32 s14, $0x6;
	s10 =	smul.u32 $0x2C040, s4;
	s11 =	sor.u32 s4, s11  }
0xa: {  	s14 =	simm.s32 $0x2;
	_ =	strace $0x80000047;
	s16 =	smul.u32 $0x51, s11  }
0xb: {  	s4 =	ssub.s32 $0x2, s4;
	s9 =	sshrl.u32 s15, $0x3;
	s13 =	smul.u32 $0x2880, s11  }
0xc: {  	s12 =	sshrl.u32 s4, $0x1;
	s0 =	sadd.s32 s15, s3;
	s17 =	smul.u32 $0x510, s11  }
0xd: {  	s15 =	sor.u32 $0x1C05, s18;
	s11 =	simm.s32 $0x5;
	s9 =	sadd.s32 s9, s1  }
0xe: {  	s5 =	sadd.s32 s5, s10;
	s4 =	ssub.s32 s4, s12;
	[dreg:$0x4] =	wrdreg s0  }
0xf: {  	s10 =	simm.s32 $0x9280;
	s12 =	simm.s32 $0x9200;
	[dreg:$0x6] =	wrdreg s15  }
0x10: {  	s5 =	sadd.s32 s5, s1;
	s9 =	sadd.s32 $0x37000, s9;
	s19 =	sshrl.u32 s13, $0x3  }
0x11: {  	s20 =	sadd.s32 s2, s17;
	s0 =	sadd.s32 s1, s17;
	[dreg:$0x5] =	wrdreg s9  }
0x12: {  	s18 =	sadd.s32 $0x3, s16;
	s26 =	smax.u32 s4, $0x1;
	[dreg:$0x7] =	wrdreg s20  }
0x13: {  	s4 =	simm.s32 $0x9480;
	s13 =	simm.s32 $0x3;
	[dreg:$0x8] =	wrdreg s0  }
0x14: {  	s21 =	sadd.s32 $0x10, s19;
	s25 =	sadd.s32 $0x63200, s5;
	[dreg:$0xe] =	wrdreg s26  }
0x15: {  	s23 =	sadd.s32 $0x20, s19;
	s22 =	sadd.s32 s2, s21;
	[dreg:$0xd] =	wrdreg s25  }
0x16: {  	s19 =	sadd.s32 $0x4, s16;
	s9 =	sadd.s32 s1, s21;
	[dreg:$0x9] =	wrdreg s22  }
0x17: {  	s26 =	simm.s32 $0x9300;
	s24 =	sadd.s32 s2, s23;
	[dreg:$0xa] =	wrdreg s9  }
0x18: {  	s16 =	simm.s32 $0x0;
	s0 =	sadd.s32 s1, s23;
	[dreg:$0xb] =	wrdreg s24  }
0x19: {  	s23 =	simm.s32 $0x80;
	s25 =	simm.s32 $0x200;
	[dreg:$0xc] =	wrdreg s0  }
0x1a: {  	s24 =	simm.s32 $0x4;
	s0 =	simm.s32 $0x9400;
	s9 =	simm.s32 $0x1  }
.LBB2_1:
0x1b: {  	[dreg:$0xf] =	wrdreg s16  }
0x1c: {  	s5 =	rddreg [dreg:$0x4]  }
0x1d: {  	s21 =	rddreg [dreg:$0x5];
	s20 =	sshrl.u32 s5, $0x3  }
0x1e: {  	[dreg:$0x10] =	wrdreg s20  }
0x1f: {  	[spmem:s20], [sflag:s15] =	dma.local [hbm:s21], $0x2C04  }
0x20: {  	_ =	swait.ge [sflag:s11], $0x2C04  }
0x21: {  	[sflag:s11] =	ssyncset.done $0x0  }
0x22: {  	[sflag:s11] =	ssyncadd.s32 $0xFFFFD3FC  }
0x23: {  	[bflag:$0x0] =	sbarrier.arrive $0xFFFF  }
0x24: {  	s5 =	simm.s32 $0x0;
	s22 =	rddreg [dreg:$0x7]  }
0x25: {  	[tilespmem:s5], [sflag:$0x4] =	stream.linear.gather [hbm4b:s22+s5], $0x80, $0x38;
	[tilespmem:$0x1F520] =	vst v63  }
0x26: {  	s15 =	rddreg [dreg:$0x8]  }
0x27: {  	[tilespmem:s23], [sflag:$0x4] =	stream.linear.gather [hbm4b:s15+s5], $0x80, $0x38;
	[tilespmem:$0x1F520] =	vst v63  }
0x28: {  	_ =	swait.ge [sflag:s24], $0x80  }
0x29: {  	[sflag:s24] =	ssyncset.done $0x0  }
0x2a: {  	[sflag:s24] =	ssyncadd.s32 $0xFFFFFF80  }
0x2b: {  	_ =	swait.ge [sflag:s24], $0x80  }
0x2c: {  	[sflag:s24] =	ssyncset.done $0x0  }
0x2d: {  	[sflag:s24] =	ssyncadd.s32 $0xFFFFFF80  }
0x2e: {  	[tilespmem:s25], [sflag:$0x1] =	stream.indirect.gather [hbm4b:s6+s23], $0x90, s5, s23, $0xb8;
	[tilespmem:$0x1F520] =	vst v63  }
0x2f: {  	_ = 	snop  }
0x30: {  	[tilespmem:s26], [sflag:$0x1] =	stream.indirect.gather [hbm4b:s7+s23], $0x1, s5, s23, $0xb8;
	[tilespmem:$0x1F520] =	vst v63  }
0x31: {  	_ = 	snop  }
0x32: {  	[tilespmem:s28], [sflag:$0x1] =	stream.indirect.gather [hbm4b:s8+s23], $0x1, s23, s23, $0xb8;
	[tilespmem:$0x1F520] =	vst v63  }
0x33: {  	s16 =	rddreg [dreg:$0x9]  }
0x34: {  	[tilespmem:s29], [sflag:$0x4] =	stream.linear.gather [hbm4b:s16+s5], $0x80, $0x38;
	[tilespmem:$0x1F520] =	vst v63  }
0x35: {  	s17 =	rddreg [dreg:$0xa]  }
0x36: {  	[tilespmem:s30], [sflag:$0x4] =	stream.linear.gather [hbm4b:s17+s5], $0x80, $0x38;
	[tilespmem:$0x1F520] =	vst v63  }
0x37: {  	_ =	swait.ge [sflag:s24], $0x80  }
0x38: {  	[sflag:s24] =	ssyncset.done $0x0  }
0x39: {  	[sflag:s24] =	ssyncadd.s32 $0xFFFFFF80  }
0x3a: {  	_ =	swait.ge [sflag:s24], $0x80  }
0x3b: {  	[sflag:s24] =	ssyncset.done $0x0  }
0x3c: {  	[sflag:s24] =	ssyncadd.s32 $0xFFFFFF80  }
0x3d: {  	[tilespmem:s31], [sflag:$0x2] =	stream.indirect.gather [hbm4b:s6+s23], $0x90, s29, s23, $0xb8;
	[tilespmem:$0x1F520] =	vst v63  }
0x3e: {  	_ = 	snop  }
0x3f: {  	[tilespmem:s0], [sflag:$0x2] =	stream.indirect.gather [hbm4b:s7+s23], $0x1, s29, s23, $0xb8;
	[tilespmem:$0x1F520] =	vst v63  }
0x40: {  	_ = 	snop  }
0x41: {  	[tilespmem:s4], [sflag:$0x2] =	stream.indirect.gather [hbm4b:s8+s23], $0x1, s30, s23, $0xb8;
	[tilespmem:$0x1F520] =	vst v63  }
0x42: {  	_ =	swait.ge [sflag:s9], $0x4800  }
0x43: {  	[sflag:s9] =	ssyncset.done $0x0  }
0x44: {  	[sflag:s9] =	ssyncadd.s32 $0xFFFFB800  }
0x45: {  	_ =	swait.ge [sflag:s9], $0x80  }
0x46: {  	[sflag:s9] =	ssyncset.done $0x0  }
0x47: {  	[sflag:s9] =	ssyncadd.s32 $0xFFFFFF80  }
0x48: {  	_ =	swait.ge [sflag:s9], $0x80  }
0x49: {  	[sflag:s9] =	ssyncset.done $0x0  }
0x4a: {  	[sflag:s9] =	ssyncadd.s32 $0xFFFFFF80  }
0x4b: {  	v0 =	vld [tilespmem:$0x9300]  }
0x4c: {  	v1 =	vld [tilespmem:$0x9380]  }
0x4d: {  	v2 =	vld [tilespmem:$0x9310]  }
0x4e: {  	v3 =	vld [tilespmem:$0x9390]  }
0x4f: {  	v4 =	vld [tilespmem:$0x9320]  }
0x50: {  	v5 =	vld [tilespmem:$0x93A0]  }
0x51: {  	v6 =	vld [tilespmem:$0x93B0];
	v0 =	vadd.f32 v1, v0  }
0x52: {  	v1 =	vld [tilespmem:$0x9330]  }
0x53: {  	v8 =	vld [tilespmem:$0x93C0];
	v2 =	vadd.f32 v3, v2;
	v7 =	vmul.f32 $2.000000030e-01, v0  }
0x54: {  	v3 =	vld [tilespmem:$0x9340];
	vm0 =	vge.f32 v0, $0.0e+00  }
0x55: {  	v9 =	vld [tilespmem:$0x93D0];
	v4 =	vadd.f32 v5, v4;
	v0 =	vsel vm0, v0, v7;
	v7 =	vmul.f32 $2.000000030e-01, v2  }
0x56: {  	v5 =	vld [tilespmem:$0x9350];
	vm9 =	vge.f32 v2, $0.0e+00;
	v0 =	vmul.f32 $1.442695020e+00, v0  }
0x57: {  	v1 =	vadd.f32 v6, v1;
	v6 =	vld [tilespmem:$0x9360];
	v2 =	vsel vm9, v2, v7;
	v7 =	vmul.f32 $2.000000030e-01, v4  }
0x58: {  	vm10 =	vge.f32 v4, $0.0e+00;
	(erf) = vpow2.f32 v0;
	v0 =	vmul.f32 $1.442695020e+00, v2;
	v2 =	vld [tilespmem:$0x93E0]  }
0x59: {  	v3 =	vadd.f32 v8, v3;
	v8 =	vld [tilespmem:$0x9370];
	v4 =	vsel vm10, v4, v7;
	v7 =	vmul.f32 $2.000000030e-01, v1  }
0x5a: {  	vm11 =	vge.f32 v1, $0.0e+00;
	(erf) = vpow2.f32 v0;
	v0 =	vmul.f32 $1.442695020e+00, v4;
	v4 =	vld [tilespmem:$0x93F0]  }
0x5b: {  	v5 =	vadd.f32 v9, v5;
	v1 =	vsel vm11, v1, v7;
	v7 =	vmul.f32 $2.000000030e-01, v3  }
0x5c: {  	vm12 =	vge.f32 v3, $0.0e+00;
	(erf) = vpow2.f32 v0;
	v0 =	vmul.f32 $1.442695020e+00, v1  }
0x5d: {  	v1 =	vsel vm12, v3, v7;
	v3 =	vmul.f32 $2.000000030e-01, v5;
	v2 =	vadd.f32 v2, v6  }
0x5e: {  	vm13 =	vge.f32 v5, $0.0e+00;
	(erf) = vpow2.f32 v0;
	v0 =	vmul.f32 $1.442695020e+00, v1  }
0x5f: {  	v6 =	vld [tilespmem:$0x80];
	v1 =	vsel vm13, v5, v3;
	v3 =	vmul.f32 $2.000000030e-01, v2;
	v4 =	vadd.f32 v4, v8  }
0x60: {  	vm14 =	vge.f32 v2, $0.0e+00;
	(erf) = vpow2.f32 v0;
	v0 =	vmul.f32 $1.442695020e+00, v1  }
0x61: {  	v5 =	vld [tilespmem:$0x90];
	v2 =	vsel vm14, v2, v3;
	v3 =	vmul.f32 $2.000000030e-01, v4  }
0x62: {  	vm15 =	vge.f32 v4, $0.0e+00;
	v1 =	vpop (erf);
	(erf) = vpow2.f32 v0;
	v0 =	vmul.f32 $1.442695020e+00, v2  }
0x63: {  	[tilespmem:$0x9280] =	vst v1;
	v1 =	vld [tilespmem:$0xA0];
	v3 =	vsel vm15, v4, v3  }
0x64: {  	[tilespmem:$0x9200] =	vst v6;
	v2 =	vpop (erf);
	(erf) = vpow2.f32 v0;
	v0 =	vmul.f32 $1.442695020e+00, v3  }
0x65: {  	[tilespmem:$0x9290] =	vst v2;
	v2 =	vld [tilespmem:$0xB0]  }
0x66: {  	[tilespmem:$0x9210] =	vst v5;
	v3 =	vpop (erf)  }
0x67: {  	(erf) = vpow2.f32 v0;
	[tilespmem:$0x92A0] =	vst v3;
	v3 =	vld [tilespmem:$0xC0]  }
0x68: {  	v0 =	vpop (erf);
	[tilespmem:$0x9220] =	vst v1  }
0x69: {  	[tilespmem:$0x92B0] =	vst v0;
	v0 =	vld [tilespmem:$0xD0]  }
0x6a: {  	v1 =	vpop (erf);
	[tilespmem:$0x9230] =	vst v2  }
0x6b: {  	[tilespmem:$0x92C0] =	vst v1;
	v1 =	vld [tilespmem:$0xE0]  }
0x6c: {  	v2 =	vpop (erf);
	[tilespmem:$0x9240] =	vst v3  }
0x6d: {  	[tilespmem:$0x92D0] =	vst v2;
	v2 =	vld [tilespmem:$0xF0]  }
0x6e: {  	v3 =	vpop (erf);
	[tilespmem:$0x9250] =	vst v0  }
0x6f: {  	v0 =	vmov s5;
	[tilespmem:$0x92E0] =	vst v3  }
0x70: {  	v0 =	vand.u32 $0xFFFFFFFE, v0;
	[tilespmem:$0x9260] =	vst v1;
	v1 =	vpop (erf)  }
0x71: {  	v0 =	vbroadcast v0, $0x0;
	[tilespmem:$0x92F0] =	vst v1  }
0x72: {  	s20 =	rddreg [dreg:$0xb];
	[tilespmem:$0x9270] =	vst v2  }
0x73: {  	[tilespmem:s5], [sflag:$0x4] =	stream.linear.gather [hbm4b:s20+s5], $0x80, $0x38;
	[tilespmem:$0x1F520] =	vst v63  }
0x74: {  	s17 =	simm.s32 $0x290;
	s21 =	rddreg [dreg:$0xc]  }
0x75: {  	[tilespmem:s23], [sflag:$0x4] =	stream.linear.gather [hbm4b:s21+s5], $0x80, $0x38;
	[tilespmem:$0x1F520] =	vst v63  }
0x76: {  	v2 =	vld [tilespmem:s17+$0xFFFFFF70]  }
0x77: {  	v1 =	vld.idx.msk [tilespmem:v0+s10+$0x0], $0xffff  }
0x78: {  	v0 =	vld [tilespmem:s17+$0xFFFFFFF0]  }
0x79: {  	s22 =	simm.s32 $0x1;
	v3 =	vld [tilespmem:s17+$0xFFFFFF80]  }
0x7a: {  	v5 =	vmov s22;
	v4 =	vld [tilespmem:s17+$0xFFFFFF90]  }
0x7b: {  	v6 =	vld [tilespmem:s17+$0xFFFFFFA0]  }
0x7c: {  	v7 =	vld [tilespmem:s17+$0xFFFFFFB0]  }
0x7d: {  	v10 =	vld [tilespmem:s17+$0xFFFFFFC0];
	v0 =	vmul.f32 v0, v1  }
0x7e: {  	v8 =	vmul.f32 v2, v1;
	v2 =	vld [tilespmem:s17+$0xFFFFFFD0]  }
0x7f: {  	v4 =	vmul.f32 v4, v1;
	[tilespmem:s17+$0xFFFFFFF0] =	vst v0;
	v0 =	vld.idx.msk [tilespmem:v5+s10+$0x0], $0xffff  }
0x80: {  	v5 =	vmul.f32 v3, v1;
	[tilespmem:s17+$0xFFFFFF70] =	vst v8;
	v3 =	vld [tilespmem:s17+$0xFFFFFFE0]  }
0x81: {  	v11 =	vmul.f32 v6, v1;
	v6 =	vld [tilespmem:s17+$0x0];
	[tilespmem:s17+$0xFFFFFF90] =	vst v4  }
0x82: {  	s20 =	simm.s32 $0x2;
	v8 =	vmul.f32 v7, v1;
	[tilespmem:s17+$0xFFFFFF80] =	vst v5;
	v5 =	vld [tilespmem:s17+$0x10]  }
0x83: {  	s11 =	simm.s32 $0x290;
	s16 =	simm.s32 $0x4;
	v9 =	vmov s20;
	[tilespmem:s17+$0xFFFFFFA0] =	vst v11;
	v7 =	vmul.f32 v10, v1;
	v4 =	vld [tilespmem:s17+$0x20]  }
.LBB2_2:
0x84: {  	p0 =	slt.u32 s16, $0x7E;
	v9 =	vand.u32 $0xFFFFFFFE, v9;
	s5 =	sadd.s32 $0x1, s20;
	[tilespmem:s17+$0xFFFFFFB0] =	vst v8;
	v2 =	vmul.f32 v2, v1;
	v8 =	vld [tilespmem:s17+$0x30];
	s20 =	smov.u32 s16  }
0x85: {  	v9 =	vbroadcast v9, $0x0;
	v10 =	vmov s5;
	[tilespmem:s17+$0xFFFFFFC0] =	vst v7;
	v1 =	vmul.f32 v3, v1;
	v3 =	vld [tilespmem:s17+$0x40]  }
0x86: {  	[tilespmem:s17+$0xFFFFFFD0] =	vst v2;
	v2 =	vmul.f32 v6, v0;
	v6 =	vld [tilespmem:s17+$0x50]  }
0x87: {  	[tilespmem:s17+$0xFFFFFFE0] =	vst v1;
	v1 =	vmul.f32 v5, v0;
	v5 =	vld [tilespmem:s17+$0x60]  }
0x88: {  	[tilespmem:s17+$0x0] =	vst v2;
	v2 =	vmul.f32 v4, v0;
	v4 =	vld [tilespmem:s17+$0x70]  }
0x89: {  	[tilespmem:s17+$0x10] =	vst v1;
	v7 =	vmul.f32 v8, v0;
	v8 =	vld [tilespmem:s17+$0x80]  }
0x8a: {  	v10 =	vld.idx.msk [tilespmem:v10+s10+$0x0], $0xffff;
	[tilespmem:s17+$0x20] =	vst v2;
	v2 =	vmul.f32 v3, v0  }
0x8b: {  	s17 =	sadd.s32 $0x120, s17;
	v1 =	vld.idx.msk [tilespmem:v9+s10+$0x0], $0xffff;
	[tilespmem:s11+$0x30] =	vst v7;
	v3 =	vmul.f32 v6, v0  }
0x8c: {  	v6 =	vld [tilespmem:s17+$0xFFFFFFF0];
	[tilespmem:s11+$0x40] =	vst v2;
	v2 =	vmul.f32 v5, v0  }
0x8d: {  	v5 =	vld [tilespmem:s17+$0xFFFFFF70];
	[tilespmem:s11+$0x50] =	vst v3;
	v3 =	vmul.f32 v4, v0  }
0x8e: {  	v4 =	vld [tilespmem:s17+$0xFFFFFF80];
	[tilespmem:s11+$0x60] =	vst v2;
	v2 =	vmul.f32 v8, v0  }
0x8f: {  	v7 =	vld [tilespmem:s17+$0xFFFFFF90];
	[tilespmem:s11+$0x70] =	vst v3  }
0x90: {  	v0 =	vmov v10;
	v8 =	vld [tilespmem:s17+$0xFFFFFFA0];
	[tilespmem:s11+$0x80] =	vst v2;
	s11 =	smov.u32 s17  }
0x91: {  	v9 =	vld [tilespmem:s17+$0xFFFFFFB0];
	v3 =	vmul.f32 v6, v1  }
0x92: {  	v5 =	vmul.f32 v5, v1;
	v10 =	vld [tilespmem:s17+$0xFFFFFFC0]  }
.Ltmp0:
0x93: {  	v4 =	vmul.f32 v4, v1;
	v2 =	vld [tilespmem:s17+$0xFFFFFFD0];
	[tilespmem:s17+$0xFFFFFFF0] =	vst v3;
	(pc) =	sbr.rel @p0 .LBB2_2-.Ltmp0, $4  }
0x94: {  	[tilespmem:s17+$0xFFFFFF70] =	vst v5;
	v5 =	vmul.f32 v7, v1;
	v3 =	vld [tilespmem:s17+$0xFFFFFFE0]  }
0x95: {  	[tilespmem:s17+$0xFFFFFF80] =	vst v4;
	v4 =	vmul.f32 v8, v1;
	v6 =	vld [tilespmem:s17+$0x0]  }
0x96: {  	[tilespmem:s17+$0xFFFFFF90] =	vst v5;
	v8 =	vmul.f32 v9, v1;
	v5 =	vld [tilespmem:s17+$0x10]  }
0x97: {  	s16 =	sadd.s32 $0x2, s16;
	v9 =	vmov s20;
	[tilespmem:s17+$0xFFFFFFA0] =	vst v4;
	v7 =	vmul.f32 v10, v1;
	v4 =	vld [tilespmem:s17+$0x20]  }
0x98: {  	v10 =	vld [tilespmem:s17+$0x30]  }
0x99: {  	v11 =	vld [tilespmem:s17+$0x40]  }
0x9a: {  	s5 =	sadd.s32 $0x1, s20;
	v12 =	vld [tilespmem:s17+$0x50];
	[tilespmem:s17+$0xFFFFFFB0] =	vst v8;
	v2 =	vmul.f32 v2, v1  }
0x9b: {  	v14 =	vld [tilespmem:s17+$0x60];
	v13 =	vmov s5;
	[tilespmem:s17+$0xFFFFFFC0] =	vst v7;
	v19 =	vmul.f32 v3, v1  }
0x9c: {  	v18 =	vld [tilespmem:s17+$0x70];
	v6 =	vmul.f32 v6, v0;
	[tilespmem:s17+$0xFFFFFFD0] =	vst v2  }
0x9d: {  	v20 =	vld [tilespmem:s17+$0x80];
	s22 =	sadd.s32 $0x120, s17;
	v5 =	vmul.f32 v5, v0;
	[tilespmem:s17+$0xFFFFFFE0] =	vst v19  }
0x9e: {  	v26 =	vld [tilespmem:s22+$0xFFFFFFF0];
	[tilespmem:s17+$0x0] =	vst v6;
	v21 =	vmul.f32 v4, v0  }
0x9f: {  	v43 =	vld [tilespmem:s22+$0x0];
	[tilespmem:s17+$0x10] =	vst v5;
	v23 =	vmul.f32 v10, v0  }
0xa0: {  	v25 =	vmul.f32 v11, v0;
	v22 =	vld.idx.msk [tilespmem:v13+s10+$0x0], $0xffff;
	[tilespmem:s17+$0x20] =	vst v21  }
0xa1: {  	v45 =	vld [tilespmem:s22+$0x10];
	v27 =	vmul.f32 v12, v0;
	[tilespmem:s11+$0x30] =	vst v23  }
0xa2: {  	v9 =	vand.u32 $0xFFFFFFFE, v9;
	v47 =	vld [tilespmem:s22+$0x20];
	v29 =	vmul.f32 v14, v0;
	[tilespmem:s11+$0x40] =	vst v25  }
0xa3: {  	v9 =	vbroadcast v9, $0x0;
	v49 =	vld [tilespmem:s22+$0x30];
	v31 =	vmul.f32 v18, v0;
	[tilespmem:s11+$0x50] =	vst v27  }
0xa4: {  	v51 =	vld [tilespmem:s22+$0x40];
	v33 =	vmul.f32 v20, v0;
	[tilespmem:s11+$0x60] =	vst v29  }
0xa5: {  	v53 =	vld [tilespmem:s22+$0x50];
	[tilespmem:s11+$0x70] =	vst v31;
	v52 =	vmul.f32 v43, v22  }
0xa6: {  	v54 =	vld [tilespmem:s22+$0x60];
	[tilespmem:s11+$0x80] =	vst v33;
	v1 =	vmul.f32 v45, v22  }
0xa7: {  	v56 =	vld [tilespmem:s22+$0x70];
	v55 =	vmul.f32 v47, v22;
	[tilespmem:s22+$0x0] =	vst v52  }
0xa8: {  	v58 =	vld [tilespmem:s22+$0x80];
	v57 =	vmul.f32 v49, v22;
	[tilespmem:s22+$0x10] =	vst v1  }
0xa9: {  	v24 =	vld.idx.msk [tilespmem:v9+s10+$0x0], $0xffff;
	v59 =	vmul.f32 v51, v22;
	[tilespmem:s22+$0x20] =	vst v55  }
0xaa: {  	v28 =	vld [tilespmem:s22+$0xFFFFFF70];
	v60 =	vmul.f32 v53, v22;
	[tilespmem:s22+$0x30] =	vst v57  }
0xab: {  	v30 =	vld [tilespmem:s22+$0xFFFFFF80];
	v61 =	vmul.f32 v54, v22;
	[tilespmem:s22+$0x40] =	vst v59  }
0xac: {  	v32 =	vld [tilespmem:s22+$0xFFFFFF90];
	v62 =	vmul.f32 v56, v22;
	[tilespmem:s22+$0x50] =	vst v60  }
0xad: {  	v34 =	vld [tilespmem:s22+$0xFFFFFFA0];
	v63 =	vmul.f32 v58, v22;
	[tilespmem:s22+$0x60] =	vst v61  }
0xae: {  	v35 =	vld [tilespmem:s22+$0xFFFFFFB0];
	v36 =	vmul.f32 v26, v24;
	[tilespmem:s22+$0x70] =	vst v62  }
0xaf: {  	v38 =	vld [tilespmem:s22+$0xFFFFFFC0];
	v37 =	vmul.f32 v28, v24;
	[tilespmem:s22+$0x80] =	vst v63  }
0xb0: {  	v40 =	vld [tilespmem:s22+$0xFFFFFFD0];
	v39 =	vmul.f32 v30, v24;
	[tilespmem:s22+$0xFFFFFFF0] =	vst v36  }
0xb1: {  	v42 =	vld [tilespmem:s22+$0xFFFFFFE0];
	v41 =	vmul.f32 v32, v24;
	[tilespmem:s22+$0xFFFFFF70] =	vst v37  }
0xb2: {  	v2 =	vmul.f32 v34, v24;
	[tilespmem:s22+$0xFFFFFF80] =	vst v39  }
0xb3: {  	v44 =	vmul.f32 v35, v24;
	[tilespmem:s22+$0xFFFFFF90] =	vst v41  }
0xb4: {  	v46 =	vmul.f32 v38, v24;
	[tilespmem:s22+$0xFFFFFFA0] =	vst v2  }
0xb5: {  	v48 =	vmul.f32 v40, v24;
	[tilespmem:s22+$0xFFFFFFB0] =	vst v44  }
0xb6: {  	v50 =	vmul.f32 v42, v24;
	[tilespmem:s22+$0xFFFFFFC0] =	vst v46  }
0xb7: {  	[tilespmem:s22+$0xFFFFFFD0] =	vst v48  }
0xb8: {  	s20 =	simm.s32 $0x0;
	s17 =	simm.s32 $0x0;
	[tilespmem:s22+$0xFFFFFFE0] =	vst v50  }
0xb9: {  	[spmem:s3] =	stream.indirect.scatter.add.f32 [tilespmem:s25], [sflag:$0x3], $0x90, s12, s23, $0xb8;
	[tilespmem:$0x1F520] =	vst v63  }
.LBB2_4:
0xba: {  	_ =	swait.ge [sflag:s13], $0x4800  }
0xbb: {  	[sflag:s13] =	ssyncset.done $0x0  }
0xbc: {  	[sflag:s13] =	ssyncadd.s32 $0xFFFFB800  }
0xbd: {  	_ =	swait.ge [sflag:s24], $0x80  }
0xbe: {  	[sflag:s24] =	ssyncset.done $0x0  }
0xbf: {  	[sflag:s24] =	ssyncadd.s32 $0xFFFFFF80  }
0xc0: {  	_ =	swait.ge [sflag:s24], $0x80  }
0xc1: {  	[sflag:s24] =	ssyncset.done $0x0  }
0xc2: {  	[sflag:s24] =	ssyncadd.s32 $0xFFFFFF80  }
0xc3: {  	[tilespmem:s25], [sflag:$0x1] =	stream.indirect.gather [hbm4b:s6+s23], $0x90, s17, s23, $0xb8;
	[tilespmem:$0x1F520] =	vst v63  }
0xc4: {  	_ = 	snop  }
0xc5: {  	[tilespmem:s26], [sflag:$0x1] =	stream.indirect.gather [hbm4b:s7+s23], $0x1, s17, s23, $0xb8;
	[tilespmem:$0x1F520] =	vst v63  }
0xc6: {  	_ = 	snop  }
0xc7: {  	[tilespmem:s28], [sflag:$0x1] =	stream.indirect.gather [hbm4b:s8+s23], $0x1, s23, s23, $0xb8;
	[tilespmem:$0x1F520] =	vst v63  }
0xc8: {  	_ =	swait.ge [sflag:s14], $0x4800  }
0xc9: {  	[sflag:s14] =	ssyncset.done $0x0  }
0xca: {  	[sflag:s14] =	ssyncadd.s32 $0xFFFFB800  }
0xcb: {  	_ =	swait.ge [sflag:s14], $0x80  }
0xcc: {  	[sflag:s14] =	ssyncset.done $0x0  }
0xcd: {  	[sflag:s14] =	ssyncadd.s32 $0xFFFFFF80  }
0xce: {  	_ =	swait.ge [sflag:s14], $0x80  }
0xcf: {  	[sflag:s14] =	ssyncset.done $0x0  }
0xd0: {  	[sflag:s14] =	ssyncadd.s32 $0xFFFFFF80  }
0xd1: {  	v0 =	vld [tilespmem:$0x9400]  }
0xd2: {  	v1 =	vld [tilespmem:$0x9480]  }
0xd3: {  	v2 =	vld [tilespmem:$0x9410]  }
0xd4: {  	v3 =	vld [tilespmem:$0x9490]  }
0xd5: {  	v4 =	vld [tilespmem:$0x9420]  }
0xd6: {  	v5 =	vld [tilespmem:$0x94A0]  }
0xd7: {  	v6 =	vld [tilespmem:$0x94B0];
	v0 =	vadd.f32 v1, v0  }
0xd8: {  	v1 =	vld [tilespmem:$0x9430]  }
0xd9: {  	v8 =	vld [tilespmem:$0x94C0];
	v2 =	vadd.f32 v3, v2;
	v7 =	vmul.f32 $2.000000030e-01, v0  }
0xda: {  	v3 =	vld [tilespmem:$0x9440];
	vm0 =	vge.f32 v0, $0.0e+00  }
0xdb: {  	v9 =	vld [tilespmem:$0x94D0];
	v4 =	vadd.f32 v5, v4;
	v0 =	vsel vm0, v0, v7;
	v7 =	vmul.f32 $2.000000030e-01, v2  }
0xdc: {  	v5 =	vld [tilespmem:$0x9450];
	vm9 =	vge.f32 v2, $0.0e+00;
	v0 =	vmul.f32 $1.442695020e+00, v0  }
0xdd: {  	v1 =	vadd.f32 v6, v1;
	v6 =	vld [tilespmem:$0x9460];
	v2 =	vsel vm9, v2, v7;
	v7 =	vmul.f32 $2.000000030e-01, v4  }
0xde: {  	vm10 =	vge.f32 v4, $0.0e+00;
	(erf) = vpow2.f32 v0;
	v0 =	vmul.f32 $1.442695020e+00, v2;
	v2 =	vld [tilespmem:$0x94E0]  }
0xdf: {  	v3 =	vadd.f32 v8, v3;
	v8 =	vld [tilespmem:$0x9470];
	v4 =	vsel vm10, v4, v7;
	v7 =	vmul.f32 $2.000000030e-01, v1  }
0xe0: {  	vm11 =	vge.f32 v1, $0.0e+00;
	(erf) = vpow2.f32 v0;
	v0 =	vmul.f32 $1.442695020e+00, v4;
	v4 =	vld [tilespmem:$0x94F0]  }
0xe1: {  	v5 =	vadd.f32 v9, v5;
	v1 =	vsel vm11, v1, v7;
	v7 =	vmul.f32 $2.000000030e-01, v3  }
0xe2: {  	vm12 =	vge.f32 v3, $0.0e+00;
	(erf) = vpow2.f32 v0;
	v0 =	vmul.f32 $1.442695020e+00, v1  }
0xe3: {  	v1 =	vsel vm12, v3, v7;
	v3 =	vmul.f32 $2.000000030e-01, v5;
	v2 =	vadd.f32 v2, v6  }
0xe4: {  	vm13 =	vge.f32 v5, $0.0e+00;
	(erf) = vpow2.f32 v0;
	v0 =	vmul.f32 $1.442695020e+00, v1  }
0xe5: {  	v6 =	vld [tilespmem:$0x180];
	v1 =	vsel vm13, v5, v3;
	v3 =	vmul.f32 $2.000000030e-01, v2;
	v4 =	vadd.f32 v4, v8  }
0xe6: {  	vm14 =	vge.f32 v2, $0.0e+00;
	(erf) = vpow2.f32 v0;
	v0 =	vmul.f32 $1.442695020e+00, v1  }
0xe7: {  	v5 =	vld [tilespmem:$0x190];
	v2 =	vsel vm14, v2, v3;
	v3 =	vmul.f32 $2.000000030e-01, v4  }
0xe8: {  	vm15 =	vge.f32 v4, $0.0e+00;
	v1 =	vpop (erf);
	(erf) = vpow2.f32 v0;
	v0 =	vmul.f32 $1.442695020e+00, v2  }
0xe9: {  	[tilespmem:$0x9280] =	vst v1;
	v1 =	vld [tilespmem:$0x1A0];
	v3 =	vsel vm15, v4, v3  }
0xea: {  	[tilespmem:$0x9200] =	vst v6;
	v2 =	vpop (erf);
	(erf) = vpow2.f32 v0;
	v0 =	vmul.f32 $1.442695020e+00, v3  }
0xeb: {  	[tilespmem:$0x9290] =	vst v2;
	v2 =	vld [tilespmem:$0x1B0]  }
0xec: {  	[tilespmem:$0x9210] =	vst v5;
	v3 =	vpop (erf)  }
0xed: {  	(erf) = vpow2.f32 v0;
	[tilespmem:$0x92A0] =	vst v3;
	v3 =	vld [tilespmem:$0x1C0]  }
0xee: {  	v0 =	vpop (erf);
	[tilespmem:$0x9220] =	vst v1  }
0xef: {  	[tilespmem:$0x92B0] =	vst v0;
	v0 =	vld [tilespmem:$0x1D0]  }
0xf0: {  	v1 =	vpop (erf);
	[tilespmem:$0x9230] =	vst v2  }
0xf1: {  	[tilespmem:$0x92C0] =	vst v1;
	v1 =	vld [tilespmem:$0x1E0]  }
0xf2: {  	v2 =	vpop (erf);
	[tilespmem:$0x9240] =	vst v3  }
0xf3: {  	[tilespmem:$0x92D0] =	vst v2;
	v2 =	vld [tilespmem:$0x1F0]  }
0xf4: {  	s21 =	sshll.u32 s20, $0x1;
	v3 =	vpop (erf);
	[tilespmem:$0x9250] =	vst v0  }
0xf5: {  	s5 =	sadd.s32 s21, s18;
	v0 =	vmov s17;
	[tilespmem:$0x92E0] =	vst v3  }
0xf6: {  	s5 =	sshll.u32 s5, $0x4;
	v0 =	vand.u32 $0xFFFFFFFE, v0;
	[tilespmem:$0x9260] =	vst v1;
	v1 =	vpop (erf)  }
0xf7: {  	s5 =	sand.u32 $0x1FFFFFF0, s5;
	v0 =	vbroadcast v0, $0x0;
	[tilespmem:$0x92F0] =	vst v1  }
0xf8: {  	s11 =	sadd.s32 s2, s5;
	[tilespmem:$0x9270] =	vst v2  }
0xf9: {  	[tilespmem:s29], [sflag:$0x4] =	stream.linear.gather [hbm4b:s11+s17], $0x80, $0x38;
	[tilespmem:$0x1F520] =	vst v63  }
0xfa: {  	s5 =	sadd.s32 s1, s5;
	s11 =	simm.s32 $0x4A90  }
0xfb: {  	[tilespmem:s30], [sflag:$0x4] =	stream.linear.gather [hbm4b:s5+s17], $0x80, $0x38;
	[tilespmem:$0x1F520] =	vst v63  }
0xfc: {  	v2 =	vld [tilespmem:s11+$0xFFFFFF70]  }
0xfd: {  	v1 =	vld.idx.msk [tilespmem:v0+s10+$0x0], $0xffff  }
0xfe: {  	v0 =	vld [tilespmem:s11+$0xFFFFFFF0]  }
0xff: {  	s22 =	simm.s32 $0x1;
	v3 =	vld [tilespmem:s11+$0xFFFFFF80]  }
0x100: {  	v5 =	vmov s22;
	v4 =	vld [tilespmem:s11+$0xFFFFFF90]  }
0x101: {  	v6 =	vld [tilespmem:s11+$0xFFFFFFA0]  }
0x102: {  	v7 =	vld [tilespmem:s11+$0xFFFFFFB0]  }
0x103: {  	v10 =	vld [tilespmem:s11+$0xFFFFFFC0];
	v0 =	vmul.f32 v0, v1  }
0x104: {  	v8 =	vmul.f32 v2, v1;
	v2 =	vld [tilespmem:s11+$0xFFFFFFD0]  }
0x105: {  	v4 =	vmul.f32 v4, v1;
	[tilespmem:s11+$0xFFFFFFF0] =	vst v0;
	v0 =	vld.idx.msk [tilespmem:v5+s10+$0x0], $0xffff  }
0x106: {  	v5 =	vmul.f32 v3, v1;
	[tilespmem:s11+$0xFFFFFF70] =	vst v8;
	v3 =	vld [tilespmem:s11+$0xFFFFFFE0]  }
0x107: {  	v11 =	vmul.f32 v6, v1;
	v6 =	vld [tilespmem:s11+$0x0];
	[tilespmem:s11+$0xFFFFFF90] =	vst v4  }
0x108: {  	s16 =	simm.s32 $0x2;
	v8 =	vmul.f32 v7, v1;
	[tilespmem:s11+$0xFFFFFF80] =	vst v5;
	v5 =	vld [tilespmem:s11+$0x10]  }
0x109: {  	v9 =	vmov s16;
	s22 =	simm.s32 $0x4A90;
	s5 =	simm.s32 $0x4;
	[tilespmem:s11+$0xFFFFFFA0] =	vst v11;
	v7 =	vmul.f32 v10, v1;
	v4 =	vld [tilespmem:s11+$0x20]  }
.LBB2_5:
0x10a: {  	p0 =	slt.u32 s5, $0x7E;
	v9 =	vand.u32 $0xFFFFFFFE, v9;
	s15 =	sadd.s32 $0x1, s16;
	[tilespmem:s11+$0xFFFFFFB0] =	vst v8;
	v2 =	vmul.f32 v2, v1;
	v8 =	vld [tilespmem:s11+$0x30];
	s16 =	smov.u32 s5  }
0x10b: {  	v9 =	vbroadcast v9, $0x0;
	v10 =	vmov s15;
	[tilespmem:s11+$0xFFFFFFC0] =	vst v7;
	v1 =	vmul.f32 v3, v1;
	v3 =	vld [tilespmem:s11+$0x40]  }
0x10c: {  	[tilespmem:s11+$0xFFFFFFD0] =	vst v2;
	v2 =	vmul.f32 v6, v0;
	v6 =	vld [tilespmem:s11+$0x50]  }
0x10d: {  	[tilespmem:s11+$0xFFFFFFE0] =	vst v1;
	v1 =	vmul.f32 v5, v0;
	v5 =	vld [tilespmem:s11+$0x60]  }
0x10e: {  	[tilespmem:s11+$0x0] =	vst v2;
	v2 =	vmul.f32 v4, v0;
	v4 =	vld [tilespmem:s11+$0x70]  }
0x10f: {  	[tilespmem:s11+$0x10] =	vst v1;
	v7 =	vmul.f32 v8, v0;
	v8 =	vld [tilespmem:s11+$0x80]  }
0x110: {  	v10 =	vld.idx.msk [tilespmem:v10+s10+$0x0], $0xffff;
	[tilespmem:s11+$0x20] =	vst v2;
	v2 =	vmul.f32 v3, v0  }
0x111: {  	s11 =	sadd.s32 $0x120, s11;
	v1 =	vld.idx.msk [tilespmem:v9+s10+$0x0], $0xffff;
	[tilespmem:s22+$0x30] =	vst v7;
	v3 =	vmul.f32 v6, v0  }
0x112: {  	v6 =	vld [tilespmem:s11+$0xFFFFFFF0];
	[tilespmem:s22+$0x40] =	vst v2;
	v2 =	vmul.f32 v5, v0  }
0x113: {  	v5 =	vld [tilespmem:s11+$0xFFFFFF70];
	[tilespmem:s22+$0x50] =	vst v3;
	v3 =	vmul.f32 v4, v0  }
0x114: {  	v4 =	vld [tilespmem:s11+$0xFFFFFF80];
	[tilespmem:s22+$0x60] =	vst v2;
	v2 =	vmul.f32 v8, v0  }
0x115: {  	v7 =	vld [tilespmem:s11+$0xFFFFFF90];
	[tilespmem:s22+$0x70] =	vst v3  }
0x116: {  	v0 =	vmov v10;
	v8 =	vld [tilespmem:s11+$0xFFFFFFA0];
	[tilespmem:s22+$0x80] =	vst v2;
	s22 =	smov.u32 s11  }
0x117: {  	v9 =	vld [tilespmem:s11+$0xFFFFFFB0];
	v3 =	vmul.f32 v6, v1  }
0x118: {  	v5 =	vmul.f32 v5, v1;
	v10 =	vld [tilespmem:s11+$0xFFFFFFC0]  }
.Ltmp1:
0x119: {  	v4 =	vmul.f32 v4, v1;
	v2 =	vld [tilespmem:s11+$0xFFFFFFD0];
	[tilespmem:s11+$0xFFFFFFF0] =	vst v3;
	(pc) =	sbr.rel @p0 .LBB2_5-.Ltmp1, $4  }
0x11a: {  	[tilespmem:s11+$0xFFFFFF70] =	vst v5;
	v5 =	vmul.f32 v7, v1;
	v3 =	vld [tilespmem:s11+$0xFFFFFFE0]  }
0x11b: {  	[tilespmem:s11+$0xFFFFFF80] =	vst v4;
	v4 =	vmul.f32 v8, v1;
	v6 =	vld [tilespmem:s11+$0x0]  }
0x11c: {  	[tilespmem:s11+$0xFFFFFF90] =	vst v5;
	v8 =	vmul.f32 v9, v1;
	v5 =	vld [tilespmem:s11+$0x10]  }
0x11d: {  	s5 =	sadd.s32 $0x2, s5;
	v9 =	vmov s16;
	[tilespmem:s11+$0xFFFFFFA0] =	vst v4;
	v7 =	vmul.f32 v10, v1;
	v4 =	vld [tilespmem:s11+$0x20]  }
0x11e: {  	v10 =	vld [tilespmem:s11+$0x30]  }
0x11f: {  	v11 =	vld [tilespmem:s11+$0x40];
	v9 =	vand.u32 $0xFFFFFFFE, v9  }
0x120: {  	v12 =	vld [tilespmem:s11+$0x50];
	[tilespmem:s11+$0xFFFFFFB0] =	vst v8;
	v2 =	vmul.f32 v2, v1;
	v9 =	vbroadcast v9, $0x0  }
0x121: {  	s5 =	sadd.s32 $0x1, s16;
	v14 =	vld [tilespmem:s11+$0x60];
	[tilespmem:s11+$0xFFFFFFC0] =	vst v7;
	v1 =	vmul.f32 v3, v1  }
0x122: {  	s15 =	sadd.s32 $0x120, s11;
	v13 =	vmov s5;
	v3 =	vld [tilespmem:s11+$0x80];
	v6 =	vmul.f32 v6, v0;
	[tilespmem:s11+$0xFFFFFFD0] =	vst v2  }
0x123: {  	v7 =	vld [tilespmem:s15+$0xFFFFFFF0];
	v5 =	vmul.f32 v5, v0;
	[tilespmem:s11+$0xFFFFFFE0] =	vst v1  }
0x124: {  	[tilespmem:s11+$0x0] =	vst v6;
	v6 =	vld [tilespmem:s11+$0x70];
	v2 =	vmul.f32 v4, v0  }
0x125: {  	v8 =	vld [tilespmem:s15+$0xFFFFFF70];
	[tilespmem:s11+$0x10] =	vst v5;
	v1 =	vmul.f32 v10, v0  }
0x126: {  	[tilespmem:s11+$0x20] =	vst v2;
	v2 =	vmul.f32 v11, v0;
	v5 =	vld.idx.msk [tilespmem:v9+s10+$0x0], $0xffff  }
0x127: {  	v4 =	vld.idx.msk [tilespmem:v13+s10+$0x0], $0xffff;
	[tilespmem:s22+$0x30] =	vst v1;
	v1 =	vmul.f32 v12, v0  }
0x128: {  	v9 =	vld [tilespmem:s15+$0xFFFFFF80];
	[tilespmem:s22+$0x40] =	vst v2;
	v2 =	vmul.f32 v14, v0  }
0x129: {  	[tilespmem:s22+$0x50] =	vst v1;
	v1 =	vmul.f32 v6, v0;
	v6 =	vld [tilespmem:s15+$0xFFFFFF90]  }
0x12a: {  	v0 =	vmul.f32 v3, v0;
	[tilespmem:s22+$0x60] =	vst v2;
	v2 =	vld [tilespmem:s15+$0xFFFFFFA0]  }
0x12b: {  	[tilespmem:s22+$0x70] =	vst v1;
	v1 =	vld [tilespmem:s15+$0xFFFFFFB0];
	v3 =	vmul.f32 v7, v5  }
0x12c: {  	[tilespmem:s22+$0x80] =	vst v0;
	v0 =	vmul.f32 v8, v5;
	v7 =	vld [tilespmem:s15+$0xFFFFFFC0]  }
0x12d: {  	v8 =	vmul.f32 v9, v5;
	v9 =	vld [tilespmem:s15+$0xFFFFFFD0];
	[tilespmem:s15+$0xFFFFFFF0] =	vst v3  }
0x12e: {  	[tilespmem:s15+$0xFFFFFF70] =	vst v0;
	v0 =	vmul.f32 v6, v5;
	v3 =	vld [tilespmem:s15+$0xFFFFFFE0]  }
0x12f: {  	[tilespmem:s15+$0xFFFFFF80] =	vst v8;
	v6 =	vld [tilespmem:s15+$0x0];
	v2 =	vmul.f32 v2, v5  }
0x130: {  	[tilespmem:s15+$0xFFFFFF90] =	vst v0;
	v0 =	vmul.f32 v1, v5;
	v1 =	vld [tilespmem:s15+$0x10]  }
0x131: {  	[tilespmem:s15+$0xFFFFFFA0] =	vst v2;
	v2 =	vmul.f32 v7, v5;
	v7 =	vld [tilespmem:s15+$0x20]  }
0x132: {  	v8 =	vld [tilespmem:s15+$0x30];
	[tilespmem:s15+$0xFFFFFFB0] =	vst v0;
	v0 =	vmul.f32 v9, v5  }
0x133: {  	[tilespmem:s15+$0xFFFFFFC0] =	vst v2;
	v2 =	vmul.f32 v3, v5;
	v3 =	vld [tilespmem:s15+$0x40]  }
0x134: {  	v5 =	vld [tilespmem:s15+$0x50];
	[tilespmem:s15+$0xFFFFFFD0] =	vst v0;
	v0 =	vmul.f32 v6, v4  }
0x135: {  	[tilespmem:s15+$0xFFFFFFE0] =	vst v2;
	v1 =	vmul.f32 v1, v4;
	v2 =	vld [tilespmem:s15+$0x60]  }
0x136: {  	v6 =	vld [tilespmem:s15+$0x70];
	[tilespmem:s15+$0x0] =	vst v0;
	v0 =	vmul.f32 v7, v4  }
0x137: {  	v7 =	vld [tilespmem:s15+$0x80];
	[tilespmem:s15+$0x10] =	vst v1;
	v1 =	vmul.f32 v8, v4  }
0x138: {  	[tilespmem:s15+$0x20] =	vst v0;
	v0 =	vmul.f32 v3, v4  }
0x139: {  	[tilespmem:s15+$0x30] =	vst v1;
	v1 =	vmul.f32 v5, v4  }
0x13a: {  	[tilespmem:s15+$0x40] =	vst v0;
	v0 =	vmul.f32 v2, v4  }
0x13b: {  	[tilespmem:s15+$0x50] =	vst v1;
	v1 =	vmul.f32 v6, v4  }
0x13c: {  	[tilespmem:s15+$0x60] =	vst v0;
	v0 =	vmul.f32 v7, v4  }
0x13d: {  	[tilespmem:s15+$0x70] =	vst v1  }
0x13e: {  	[tilespmem:s15+$0x80] =	vst v0  }
0x13f: {  	[spmem:s3] =	stream.indirect.scatter.add.f32 [tilespmem:s31], [sflag:$0x3], $0x90, s12, s23, $0xb8;
	[tilespmem:$0x1F520] =	vst v63  }
0x140: {  	_ =	swait.ge [sflag:s13], $0x4800  }
0x141: {  	[sflag:s13] =	ssyncset.done $0x0  }
0x142: {  	[sflag:s13] =	ssyncadd.s32 $0xFFFFB800  }
0x143: {  	_ =	swait.ge [sflag:s24], $0x80  }
0x144: {  	[sflag:s24] =	ssyncset.done $0x0  }
0x145: {  	[sflag:s24] =	ssyncadd.s32 $0xFFFFFF80  }
0x146: {  	_ =	swait.ge [sflag:s24], $0x80  }
0x147: {  	[sflag:s24] =	ssyncset.done $0x0  }
0x148: {  	[sflag:s24] =	ssyncadd.s32 $0xFFFFFF80  }
0x149: {  	[tilespmem:s31], [sflag:$0x2] =	stream.indirect.gather [hbm4b:s6+s23], $0x90, s29, s23, $0xb8;
	[tilespmem:$0x1F520] =	vst v63  }
0x14a: {  	_ = 	snop  }
0x14b: {  	[tilespmem:s0], [sflag:$0x2] =	stream.indirect.gather [hbm4b:s7+s23], $0x1, s29, s23, $0xb8;
	[tilespmem:$0x1F520] =	vst v63  }
0x14c: {  	_ = 	snop  }
0x14d: {  	[tilespmem:s4], [sflag:$0x2] =	stream.indirect.gather [hbm4b:s8+s23], $0x1, s30, s23, $0xb8;
	[tilespmem:$0x1F520] =	vst v63  }
0x14e: {  	_ =	swait.ge [sflag:s9], $0x4800  }
0x14f: {  	[sflag:s9] =	ssyncset.done $0x0  }
0x150: {  	[sflag:s9] =	ssyncadd.s32 $0xFFFFB800  }
0x151: {  	_ =	swait.ge [sflag:s9], $0x80  }
0x152: {  	[sflag:s9] =	ssyncset.done $0x0  }
0x153: {  	[sflag:s9] =	ssyncadd.s32 $0xFFFFFF80  }
0x154: {  	_ =	swait.ge [sflag:s9], $0x80  }
0x155: {  	[sflag:s9] =	ssyncset.done $0x0  }
0x156: {  	[sflag:s9] =	ssyncadd.s32 $0xFFFFFF80  }
0x157: {  	v0 =	vld [tilespmem:$0x9300]  }
0x158: {  	v1 =	vld [tilespmem:$0x9380]  }
0x159: {  	v2 =	vld [tilespmem:$0x9310]  }
0x15a: {  	v3 =	vld [tilespmem:$0x9390]  }
0x15b: {  	v4 =	vld [tilespmem:$0x9320]  }
0x15c: {  	v5 =	vld [tilespmem:$0x93A0]  }
0x15d: {  	v6 =	vld [tilespmem:$0x93B0];
	v0 =	vadd.f32 v1, v0  }
0x15e: {  	v1 =	vld [tilespmem:$0x9330]  }
0x15f: {  	v8 =	vld [tilespmem:$0x93C0];
	v2 =	vadd.f32 v3, v2;
	v7 =	vmul.f32 $2.000000030e-01, v0  }
0x160: {  	v3 =	vld [tilespmem:$0x9340];
	vm0 =	vge.f32 v0, $0.0e+00  }
0x161: {  	v9 =	vld [tilespmem:$0x93D0];
	v4 =	vadd.f32 v5, v4;
	v0 =	vsel vm0, v0, v7;
	v7 =	vmul.f32 $2.000000030e-01, v2  }
0x162: {  	v5 =	vld [tilespmem:$0x9350];
	vm9 =	vge.f32 v2, $0.0e+00;
	v0 =	vmul.f32 $1.442695020e+00, v0  }
0x163: {  	v1 =	vadd.f32 v6, v1;
	v6 =	vld [tilespmem:$0x9360];
	v2 =	vsel vm9, v2, v7;
	v7 =	vmul.f32 $2.000000030e-01, v4  }
0x164: {  	vm10 =	vge.f32 v4, $0.0e+00;
	(erf) = vpow2.f32 v0;
	v0 =	vmul.f32 $1.442695020e+00, v2;
	v2 =	vld [tilespmem:$0x93E0]  }
0x165: {  	v3 =	vadd.f32 v8, v3;
	v8 =	vld [tilespmem:$0x9370];
	v4 =	vsel vm10, v4, v7;
	v7 =	vmul.f32 $2.000000030e-01, v1  }
0x166: {  	vm11 =	vge.f32 v1, $0.0e+00;
	(erf) = vpow2.f32 v0;
	v0 =	vmul.f32 $1.442695020e+00, v4;
	v4 =	vld [tilespmem:$0x93F0]  }
0x167: {  	v5 =	vadd.f32 v9, v5;
	v1 =	vsel vm11, v1, v7;
	v7 =	vmul.f32 $2.000000030e-01, v3  }
0x168: {  	vm12 =	vge.f32 v3, $0.0e+00;
	(erf) = vpow2.f32 v0;
	v0 =	vmul.f32 $1.442695020e+00, v1  }
0x169: {  	v1 =	vsel vm12, v3, v7;
	v3 =	vmul.f32 $2.000000030e-01, v5;
	v2 =	vadd.f32 v2, v6  }
0x16a: {  	vm13 =	vge.f32 v5, $0.0e+00;
	(erf) = vpow2.f32 v0;
	v0 =	vmul.f32 $1.442695020e+00, v1  }
0x16b: {  	v6 =	vld [tilespmem:$0x80];
	v1 =	vsel vm13, v5, v3;
	v3 =	vmul.f32 $2.000000030e-01, v2;
	v4 =	vadd.f32 v4, v8  }
0x16c: {  	vm14 =	vge.f32 v2, $0.0e+00;
	(erf) = vpow2.f32 v0;
	v0 =	vmul.f32 $1.442695020e+00, v1  }
0x16d: {  	v5 =	vld [tilespmem:$0x90];
	v2 =	vsel vm14, v2, v3;
	v3 =	vmul.f32 $2.000000030e-01, v4  }
0x16e: {  	vm15 =	vge.f32 v4, $0.0e+00;
	v1 =	vpop (erf);
	(erf) = vpow2.f32 v0;
	v0 =	vmul.f32 $1.442695020e+00, v2  }
0x16f: {  	[tilespmem:$0x9280] =	vst v1;
	v1 =	vld [tilespmem:$0xA0];
	v3 =	vsel vm15, v4, v3  }
0x170: {  	[tilespmem:$0x9200] =	vst v6;
	v2 =	vpop (erf);
	(erf) = vpow2.f32 v0;
	v0 =	vmul.f32 $1.442695020e+00, v3  }
0x171: {  	[tilespmem:$0x9290] =	vst v2;
	v2 =	vld [tilespmem:$0xB0]  }
0x172: {  	[tilespmem:$0x9210] =	vst v5;
	v3 =	vpop (erf)  }
0x173: {  	(erf) = vpow2.f32 v0;
	[tilespmem:$0x92A0] =	vst v3;
	v3 =	vld [tilespmem:$0xC0]  }
0x174: {  	v0 =	vpop (erf);
	[tilespmem:$0x9220] =	vst v1  }
0x175: {  	[tilespmem:$0x92B0] =	vst v0;
	v0 =	vld [tilespmem:$0xD0]  }
0x176: {  	v1 =	vpop (erf);
	[tilespmem:$0x9230] =	vst v2  }
0x177: {  	[tilespmem:$0x92C0] =	vst v1;
	v1 =	vld [tilespmem:$0xE0]  }
0x178: {  	v2 =	vpop (erf);
	[tilespmem:$0x9240] =	vst v3  }
0x179: {  	[tilespmem:$0x92D0] =	vst v2;
	v2 =	vld [tilespmem:$0xF0]  }
0x17a: {  	v3 =	vpop (erf);
	[tilespmem:$0x9250] =	vst v0  }
0x17b: {  	s16 =	simm.s32 $0x0;
	s21 =	sadd.s32 s21, s19;
	[tilespmem:$0x92E0] =	vst v3  }
0x17c: {  	s11 =	sshll.u32 s21, $0x4;
	v0 =	vmov s16;
	[tilespmem:$0x9260] =	vst v1;
	v1 =	vpop (erf)  }
0x17d: {  	s11 =	sand.u32 $0x1FFFFFF0, s11;
	v0 =	vand.u32 $0xFFFFFFFE, v0;
	[tilespmem:$0x92F0] =	vst v1  }
0x17e: {  	s15 =	sadd.s32 s2, s11;
	v0 =	vbroadcast v0, $0x0;
	[tilespmem:$0x9270] =	vst v2  }
0x17f: {  	[tilespmem:s16], [sflag:$0x4] =	stream.linear.gather [hbm4b:s15+s16], $0x80, $0x38;
	[tilespmem:$0x1F520] =	vst v63  }
0x180: {  	s11 =	sadd.s32 s1, s11  }
0x181: {  	[tilespmem:s23], [sflag:$0x4] =	stream.linear.gather [hbm4b:s11+s16], $0x80, $0x38;
	[tilespmem:$0x1F520] =	vst v63  }
0x182: {  	s11 =	simm.s32 $0x290  }
0x183: {  	v2 =	vld [tilespmem:s11+$0xFFFFFF70]  }
0x184: {  	v1 =	vld.idx.msk [tilespmem:v0+s10+$0x0], $0xffff  }
0x185: {  	v0 =	vld [tilespmem:s11+$0xFFFFFFF0]  }
0x186: {  	s22 =	simm.s32 $0x1;
	v3 =	vld [tilespmem:s11+$0xFFFFFF80]  }
0x187: {  	v5 =	vmov s22;
	v4 =	vld [tilespmem:s11+$0xFFFFFF90]  }
0x188: {  	v6 =	vld [tilespmem:s11+$0xFFFFFFA0]  }
0x189: {  	v7 =	vld [tilespmem:s11+$0xFFFFFFB0]  }
0x18a: {  	v10 =	vld [tilespmem:s11+$0xFFFFFFC0];
	v0 =	vmul.f32 v0, v1  }
0x18b: {  	v8 =	vmul.f32 v2, v1;
	v2 =	vld [tilespmem:s11+$0xFFFFFFD0]  }
0x18c: {  	v4 =	vmul.f32 v4, v1;
	[tilespmem:s11+$0xFFFFFFF0] =	vst v0;
	v0 =	vld.idx.msk [tilespmem:v5+s10+$0x0], $0xffff  }
0x18d: {  	v5 =	vmul.f32 v3, v1;
	[tilespmem:s11+$0xFFFFFF70] =	vst v8;
	v3 =	vld [tilespmem:s11+$0xFFFFFFE0]  }
0x18e: {  	v11 =	vmul.f32 v6, v1;
	v6 =	vld [tilespmem:s11+$0x0];
	[tilespmem:s11+$0xFFFFFF90] =	vst v4  }
0x18f: {  	s16 =	simm.s32 $0x2;
	v8 =	vmul.f32 v7, v1;
	[tilespmem:s11+$0xFFFFFF80] =	vst v5;
	v5 =	vld [tilespmem:s11+$0x10]  }
0x190: {  	s5 =	simm.s32 $0x4;
	s21 =	simm.s32 $0x290;
	v9 =	vmov s16;
	[tilespmem:s11+$0xFFFFFFA0] =	vst v11;
	v7 =	vmul.f32 v10, v1;
	v4 =	vld [tilespmem:s11+$0x20]  }
.LBB2_7:
0x191: {  	p0 =	slt.u32 s5, $0x7E;
	v9 =	vand.u32 $0xFFFFFFFE, v9;
	s15 =	sadd.s32 $0x1, s16;
	[tilespmem:s11+$0xFFFFFFB0] =	vst v8;
	v2 =	vmul.f32 v2, v1;
	v8 =	vld [tilespmem:s11+$0x30];
	s16 =	smov.u32 s5  }
0x192: {  	v9 =	vbroadcast v9, $0x0;
	v10 =	vmov s15;
	[tilespmem:s11+$0xFFFFFFC0] =	vst v7;
	v1 =	vmul.f32 v3, v1;
	v3 =	vld [tilespmem:s11+$0x40]  }
0x193: {  	[tilespmem:s11+$0xFFFFFFD0] =	vst v2;
	v2 =	vmul.f32 v6, v0;
	v6 =	vld [tilespmem:s11+$0x50]  }
0x194: {  	[tilespmem:s11+$0xFFFFFFE0] =	vst v1;
	v1 =	vmul.f32 v5, v0;
	v5 =	vld [tilespmem:s11+$0x60]  }
0x195: {  	[tilespmem:s11+$0x0] =	vst v2;
	v2 =	vmul.f32 v4, v0;
	v4 =	vld [tilespmem:s11+$0x70]  }
0x196: {  	[tilespmem:s11+$0x10] =	vst v1;
	v7 =	vmul.f32 v8, v0;
	v8 =	vld [tilespmem:s11+$0x80]  }
0x197: {  	v10 =	vld.idx.msk [tilespmem:v10+s10+$0x0], $0xffff;
	[tilespmem:s11+$0x20] =	vst v2;
	v2 =	vmul.f32 v3, v0  }
0x198: {  	s11 =	sadd.s32 $0x120, s11;
	v1 =	vld.idx.msk [tilespmem:v9+s10+$0x0], $0xffff;
	[tilespmem:s21+$0x30] =	vst v7;
	v3 =	vmul.f32 v6, v0  }
0x199: {  	v6 =	vld [tilespmem:s11+$0xFFFFFFF0];
	[tilespmem:s21+$0x40] =	vst v2;
	v2 =	vmul.f32 v5, v0  }
0x19a: {  	v5 =	vld [tilespmem:s11+$0xFFFFFF70];
	[tilespmem:s21+$0x50] =	vst v3;
	v3 =	vmul.f32 v4, v0  }
0x19b: {  	v4 =	vld [tilespmem:s11+$0xFFFFFF80];
	[tilespmem:s21+$0x60] =	vst v2;
	v2 =	vmul.f32 v8, v0  }
0x19c: {  	v7 =	vld [tilespmem:s11+$0xFFFFFF90];
	[tilespmem:s21+$0x70] =	vst v3  }
0x19d: {  	v0 =	vmov v10;
	v8 =	vld [tilespmem:s11+$0xFFFFFFA0];
	[tilespmem:s21+$0x80] =	vst v2;
	s21 =	smov.u32 s11  }
0x19e: {  	v9 =	vld [tilespmem:s11+$0xFFFFFFB0];
	v3 =	vmul.f32 v6, v1  }
0x19f: {  	v5 =	vmul.f32 v5, v1;
	v10 =	vld [tilespmem:s11+$0xFFFFFFC0]  }
.Ltmp2:
0x1a0: {  	v4 =	vmul.f32 v4, v1;
	v2 =	vld [tilespmem:s11+$0xFFFFFFD0];
	[tilespmem:s11+$0xFFFFFFF0] =	vst v3;
	(pc) =	sbr.rel @p0 .LBB2_7-.Ltmp2, $4  }
0x1a1: {  	[tilespmem:s11+$0xFFFFFF70] =	vst v5;
	v5 =	vmul.f32 v7, v1;
	v3 =	vld [tilespmem:s11+$0xFFFFFFE0]  }
0x1a2: {  	[tilespmem:s11+$0xFFFFFF80] =	vst v4;
	v4 =	vmul.f32 v8, v1;
	v6 =	vld [tilespmem:s11+$0x0]  }
0x1a3: {  	[tilespmem:s11+$0xFFFFFF90] =	vst v5;
	v8 =	vmul.f32 v9, v1;
	v5 =	vld [tilespmem:s11+$0x10]  }
0x1a4: {  	s5 =	sadd.s32 $0x2, s5;
	v9 =	vmov s16;
	[tilespmem:s11+$0xFFFFFFA0] =	vst v4;
	v7 =	vmul.f32 v10, v1;
	v4 =	vld [tilespmem:s11+$0x20]  }
0x1a5: {  	v10 =	vld [tilespmem:s11+$0x30]  }
0x1a6: {  	v11 =	vld [tilespmem:s11+$0x40]  }
0x1a7: {  	s5 =	sadd.s32 $0x1, s16;
	v12 =	vld [tilespmem:s11+$0x50];
	[tilespmem:s11+$0xFFFFFFB0] =	vst v8;
	v2 =	vmul.f32 v2, v1  }
0x1a8: {  	v14 =	vld [tilespmem:s11+$0x60];
	v13 =	vmov s5;
	[tilespmem:s11+$0xFFFFFFC0] =	vst v7;
	v19 =	vmul.f32 v3, v1  }
0x1a9: {  	v18 =	vld [tilespmem:s11+$0x70];
	v6 =	vmul.f32 v6, v0;
	[tilespmem:s11+$0xFFFFFFD0] =	vst v2  }
0x1aa: {  	v20 =	vld [tilespmem:s11+$0x80];
	s22 =	sadd.s32 $0x120, s11;
	v5 =	vmul.f32 v5, v0;
	[tilespmem:s11+$0xFFFFFFE0] =	vst v19  }
0x1ab: {  	v26 =	vld [tilespmem:s22+$0xFFFFFFF0];
	[tilespmem:s11+$0x0] =	vst v6;
	v21 =	vmul.f32 v4, v0  }
0x1ac: {  	v43 =	vld [tilespmem:s22+$0x0];
	[tilespmem:s11+$0x10] =	vst v5;
	v23 =	vmul.f32 v10, v0  }
0x1ad: {  	v25 =	vmul.f32 v11, v0;
	v22 =	vld.idx.msk [tilespmem:v13+s10+$0x0], $0xffff;
	[tilespmem:s11+$0x20] =	vst v21  }
0x1ae: {  	v45 =	vld [tilespmem:s22+$0x10];
	v27 =	vmul.f32 v12, v0;
	[tilespmem:s21+$0x30] =	vst v23  }
0x1af: {  	v9 =	vand.u32 $0xFFFFFFFE, v9;
	v47 =	vld [tilespmem:s22+$0x20];
	v29 =	vmul.f32 v14, v0;
	[tilespmem:s21+$0x40] =	vst v25  }
0x1b0: {  	v9 =	vbroadcast v9, $0x0;
	v49 =	vld [tilespmem:s22+$0x30];
	v31 =	vmul.f32 v18, v0;
	[tilespmem:s21+$0x50] =	vst v27  }
0x1b1: {  	v51 =	vld [tilespmem:s22+$0x40];
	v33 =	vmul.f32 v20, v0;
	[tilespmem:s21+$0x60] =	vst v29  }
0x1b2: {  	v53 =	vld [tilespmem:s22+$0x50];
	[tilespmem:s21+$0x70] =	vst v31;
	v52 =	vmul.f32 v43, v22  }
0x1b3: {  	v54 =	vld [tilespmem:s22+$0x60];
	[tilespmem:s21+$0x80] =	vst v33;
	v1 =	vmul.f32 v45, v22  }
0x1b4: {  	v56 =	vld [tilespmem:s22+$0x70];
	v55 =	vmul.f32 v47, v22;
	[tilespmem:s22+$0x0] =	vst v52  }
0x1b5: {  	v58 =	vld [tilespmem:s22+$0x80];
	v57 =	vmul.f32 v49, v22;
	[tilespmem:s22+$0x10] =	vst v1  }
0x1b6: {  	v24 =	vld.idx.msk [tilespmem:v9+s10+$0x0], $0xffff;
	v59 =	vmul.f32 v51, v22;
	[tilespmem:s22+$0x20] =	vst v55  }
0x1b7: {  	v28 =	vld [tilespmem:s22+$0xFFFFFF70];
	v60 =	vmul.f32 v53, v22;
	[tilespmem:s22+$0x30] =	vst v57  }
0x1b8: {  	v30 =	vld [tilespmem:s22+$0xFFFFFF80];
	v61 =	vmul.f32 v54, v22;
	[tilespmem:s22+$0x40] =	vst v59  }
0x1b9: {  	v32 =	vld [tilespmem:s22+$0xFFFFFF90];
	v62 =	vmul.f32 v56, v22;
	[tilespmem:s22+$0x50] =	vst v60  }
0x1ba: {  	v34 =	vld [tilespmem:s22+$0xFFFFFFA0];
	v63 =	vmul.f32 v58, v22;
	[tilespmem:s22+$0x60] =	vst v61  }
0x1bb: {  	v35 =	vld [tilespmem:s22+$0xFFFFFFB0];
	v36 =	vmul.f32 v26, v24;
	[tilespmem:s22+$0x70] =	vst v62  }
0x1bc: {  	v38 =	vld [tilespmem:s22+$0xFFFFFFC0];
	v37 =	vmul.f32 v28, v24;
	[tilespmem:s22+$0x80] =	vst v63  }
0x1bd: {  	v40 =	vld [tilespmem:s22+$0xFFFFFFD0];
	v39 =	vmul.f32 v30, v24;
	[tilespmem:s22+$0xFFFFFFF0] =	vst v36  }
0x1be: {  	v42 =	vld [tilespmem:s22+$0xFFFFFFE0];
	v41 =	vmul.f32 v32, v24;
	[tilespmem:s22+$0xFFFFFF70] =	vst v37  }
0x1bf: {  	v2 =	vmul.f32 v34, v24;
	[tilespmem:s22+$0xFFFFFF80] =	vst v39  }
0x1c0: {  	s20 =	sadd.s32 $0x1, s20;
	v44 =	vmul.f32 v35, v24;
	[tilespmem:s22+$0xFFFFFF90] =	vst v41  }
0x1c1: {  	p0 =	sne.s32 s20, $0x27;
	v46 =	vmul.f32 v38, v24;
	[tilespmem:s22+$0xFFFFFFA0] =	vst v2  }
.Ltmp3:
0x1c2: {  	v48 =	vmul.f32 v40, v24;
	[tilespmem:s22+$0xFFFFFFB0] =	vst v44;
	(pc) =	sbr.rel @p0 .LBB2_4-.Ltmp3, $4  }
0x1c3: {  	v50 =	vmul.f32 v42, v24;
	[tilespmem:s22+$0xFFFFFFC0] =	vst v46  }
0x1c4: {  	[tilespmem:s22+$0xFFFFFFD0] =	vst v48  }
0x1c5: {  	[tilespmem:s22+$0xFFFFFFE0] =	vst v50  }
0x1c6: {  	[spmem:s3] =	stream.indirect.scatter.add.f32 [tilespmem:s25], [sflag:$0x3], $0x90, s12, s23, $0xb8;
	[tilespmem:$0x1F520] =	vst v63  }
0x1c7: {  	_ =	swait.ge [sflag:s13], $0x4800  }
0x1c8: {  	[sflag:s13] =	ssyncset.done $0x0  }
0x1c9: {  	[sflag:s13] =	ssyncadd.s32 $0xFFFFB800  }
0x1ca: {  	_ =	swait.ge [sflag:s24], $0x80  }
0x1cb: {  	[sflag:s24] =	ssyncset.done $0x0  }
0x1cc: {  	[sflag:s24] =	ssyncadd.s32 $0xFFFFFF80  }
0x1cd: {  	_ =	swait.ge [sflag:s24], $0x80  }
0x1ce: {  	[sflag:s24] =	ssyncset.done $0x0  }
0x1cf: {  	s11 =	simm.s32 $0x0;
	[sflag:s24] =	ssyncadd.s32 $0xFFFFFF80  }
0x1d0: {  	[tilespmem:s25], [sflag:$0x1] =	stream.indirect.gather [hbm4b:s6+s23], $0x90, s11, s23, $0xb8;
	[tilespmem:$0x1F520] =	vst v63  }
0x1d1: {  	_ = 	snop  }
0x1d2: {  	[tilespmem:s26], [sflag:$0x1] =	stream.indirect.gather [hbm4b:s7+s23], $0x1, s11, s23, $0xb8;
	[tilespmem:$0x1F520] =	vst v63  }
0x1d3: {  	_ = 	snop  }
0x1d4: {  	[tilespmem:s28], [sflag:$0x1] =	stream.indirect.gather [hbm4b:s8+s23], $0x1, s23, s23, $0xb8;
	[tilespmem:$0x1F520] =	vst v63  }
0x1d5: {  	_ =	swait.ge [sflag:s14], $0x4800  }
0x1d6: {  	[sflag:s14] =	ssyncset.done $0x0  }
0x1d7: {  	[sflag:s14] =	ssyncadd.s32 $0xFFFFB800  }
0x1d8: {  	_ =	swait.ge [sflag:s14], $0x80  }
0x1d9: {  	[sflag:s14] =	ssyncset.done $0x0  }
0x1da: {  	[sflag:s14] =	ssyncadd.s32 $0xFFFFFF80  }
0x1db: {  	_ =	swait.ge [sflag:s14], $0x80  }
0x1dc: {  	[sflag:s14] =	ssyncset.done $0x0  }
0x1dd: {  	[sflag:s14] =	ssyncadd.s32 $0xFFFFFF80  }
0x1de: {  	v0 =	vld [tilespmem:$0x9400]  }
0x1df: {  	v1 =	vld [tilespmem:$0x9480]  }
0x1e0: {  	v2 =	vld [tilespmem:$0x9410]  }
0x1e1: {  	v3 =	vld [tilespmem:$0x9490]  }
0x1e2: {  	v4 =	vld [tilespmem:$0x9420]  }
0x1e3: {  	v5 =	vld [tilespmem:$0x94A0]  }
0x1e4: {  	v6 =	vld [tilespmem:$0x94B0];
	v0 =	vadd.f32 v1, v0  }
0x1e5: {  	v1 =	vld [tilespmem:$0x9430]  }
0x1e6: {  	v8 =	vld [tilespmem:$0x94C0];
	v2 =	vadd.f32 v3, v2;
	v7 =	vmul.f32 $2.000000030e-01, v0  }
0x1e7: {  	v3 =	vld [tilespmem:$0x9440];
	vm0 =	vge.f32 v0, $0.0e+00  }
0x1e8: {  	v9 =	vld [tilespmem:$0x94D0];
	v4 =	vadd.f32 v5, v4;
	v0 =	vsel vm0, v0, v7;
	v7 =	vmul.f32 $2.000000030e-01, v2  }
0x1e9: {  	v5 =	vld [tilespmem:$0x9450];
	vm9 =	vge.f32 v2, $0.0e+00;
	v0 =	vmul.f32 $1.442695020e+00, v0  }
0x1ea: {  	v1 =	vadd.f32 v6, v1;
	v6 =	vld [tilespmem:$0x9460];
	v2 =	vsel vm9, v2, v7;
	v7 =	vmul.f32 $2.000000030e-01, v4  }
0x1eb: {  	vm10 =	vge.f32 v4, $0.0e+00;
	(erf) = vpow2.f32 v0;
	v0 =	vmul.f32 $1.442695020e+00, v2;
	v2 =	vld [tilespmem:$0x94E0]  }
0x1ec: {  	v3 =	vadd.f32 v8, v3;
	v8 =	vld [tilespmem:$0x9470];
	v4 =	vsel vm10, v4, v7;
	v7 =	vmul.f32 $2.000000030e-01, v1  }
0x1ed: {  	vm11 =	vge.f32 v1, $0.0e+00;
	(erf) = vpow2.f32 v0;
	v0 =	vmul.f32 $1.442695020e+00, v4;
	v4 =	vld [tilespmem:$0x94F0]  }
0x1ee: {  	v5 =	vadd.f32 v9, v5;
	v1 =	vsel vm11, v1, v7;
	v7 =	vmul.f32 $2.000000030e-01, v3  }
0x1ef: {  	vm12 =	vge.f32 v3, $0.0e+00;
	(erf) = vpow2.f32 v0;
	v0 =	vmul.f32 $1.442695020e+00, v1  }
0x1f0: {  	v1 =	vsel vm12, v3, v7;
	v3 =	vmul.f32 $2.000000030e-01, v5;
	v2 =	vadd.f32 v2, v6  }
0x1f1: {  	vm13 =	vge.f32 v5, $0.0e+00;
	(erf) = vpow2.f32 v0;
	v0 =	vmul.f32 $1.442695020e+00, v1  }
0x1f2: {  	v6 =	vld [tilespmem:$0x180];
	v1 =	vsel vm13, v5, v3;
	v3 =	vmul.f32 $2.000000030e-01, v2;
	v4 =	vadd.f32 v4, v8  }
0x1f3: {  	vm14 =	vge.f32 v2, $0.0e+00;
	(erf) = vpow2.f32 v0;
	v0 =	vmul.f32 $1.442695020e+00, v1  }
0x1f4: {  	v5 =	vld [tilespmem:$0x190];
	v2 =	vsel vm14, v2, v3;
	v3 =	vmul.f32 $2.000000030e-01, v4  }
0x1f5: {  	vm15 =	vge.f32 v4, $0.0e+00;
	v1 =	vpop (erf);
	(erf) = vpow2.f32 v0;
	v0 =	vmul.f32 $1.442695020e+00, v2  }
0x1f6: {  	[tilespmem:$0x9280] =	vst v1;
	v1 =	vld [tilespmem:$0x1A0];
	v3 =	vsel vm15, v4, v3  }
0x1f7: {  	[tilespmem:$0x9200] =	vst v6;
	v2 =	vpop (erf);
	(erf) = vpow2.f32 v0;
	v0 =	vmul.f32 $1.442695020e+00, v3  }
0x1f8: {  	[tilespmem:$0x9290] =	vst v2;
	v2 =	vld [tilespmem:$0x1B0]  }
0x1f9: {  	[tilespmem:$0x9210] =	vst v5;
	v3 =	vpop (erf)  }
0x1fa: {  	(erf) = vpow2.f32 v0;
	[tilespmem:$0x92A0] =	vst v3;
	v3 =	vld [tilespmem:$0x1C0]  }
0x1fb: {  	v0 =	vpop (erf);
	[tilespmem:$0x9220] =	vst v1  }
0x1fc: {  	[tilespmem:$0x92B0] =	vst v0;
	v0 =	vld [tilespmem:$0x1D0]  }
0x1fd: {  	v1 =	vpop (erf);
	[tilespmem:$0x9230] =	vst v2  }
0x1fe: {  	[tilespmem:$0x92C0] =	vst v1;
	v1 =	vld [tilespmem:$0x1E0];
	v2 =	vmov s11  }
0x1ff: {  	v4 =	vpop (erf);
	v2 =	vand.u32 $0xFFFFFFFE, v2;
	[tilespmem:$0x9240] =	vst v3  }
0x200: {  	[tilespmem:$0x92D0] =	vst v4;
	v3 =	vld [tilespmem:$0x1F0];
	v2 =	vbroadcast v2, $0x0  }
0x201: {  	v4 =	vpop (erf);
	[tilespmem:$0x9250] =	vst v0  }
0x202: {  	[tilespmem:$0x92E0] =	vst v4  }
0x203: {  	[tilespmem:$0x9260] =	vst v1;
	v0 =	vpop (erf)  }
0x204: {  	[tilespmem:$0x92F0] =	vst v0  }
0x205: {  	[tilespmem:$0x9270] =	vst v3  }
0x206: {  	s11 =	simm.s32 $0x4A90;
	v1 =	vld.idx.msk [tilespmem:v2+s10+$0x0], $0xffff  }
0x207: {  	v0 =	vld [tilespmem:s11+$0xFFFFFFF0]  }
0x208: {  	v2 =	vld [tilespmem:s11+$0xFFFFFF70]  }
0x209: {  	s5 =	simm.s32 $0x1;
	v3 =	vld [tilespmem:s11+$0xFFFFFF80]  }
0x20a: {  	v5 =	vmov s5;
	v4 =	vld [tilespmem:s11+$0xFFFFFF90]  }
0x20b: {  	v6 =	vld [tilespmem:s11+$0xFFFFFFA0]  }
0x20c: {  	v7 =	vld [tilespmem:s11+$0xFFFFFFB0]  }
0x20d: {  	v10 =	vld [tilespmem:s11+$0xFFFFFFC0];
	v0 =	vmul.f32 v0, v1  }
0x20e: {  	v8 =	vmul.f32 v2, v1;
	v2 =	vld [tilespmem:s11+$0xFFFFFFD0]  }
0x20f: {  	v4 =	vmul.f32 v4, v1;
	[tilespmem:s11+$0xFFFFFFF0] =	vst v0;
	v0 =	vld.idx.msk [tilespmem:v5+s10+$0x0], $0xffff  }
0x210: {  	v5 =	vmul.f32 v3, v1;
	[tilespmem:s11+$0xFFFFFF70] =	vst v8;
	v3 =	vld [tilespmem:s11+$0xFFFFFFE0]  }
0x211: {  	v11 =	vmul.f32 v6, v1;
	v6 =	vld [tilespmem:s11+$0x0];
	[tilespmem:s11+$0xFFFFFF90] =	vst v4  }
0x212: {  	s16 =	simm.s32 $0x2;
	v8 =	vmul.f32 v7, v1;
	[tilespmem:s11+$0xFFFFFF80] =	vst v5;
	v5 =	vld [tilespmem:s11+$0x10]  }
0x213: {  	s17 =	simm.s32 $0x4A90;
	v9 =	vmov s16;
	s5 =	simm.s32 $0x4;
	[tilespmem:s11+$0xFFFFFFA0] =	vst v11;
	v7 =	vmul.f32 v10, v1;
	v4 =	vld [tilespmem:s11+$0x20]  }
.LBB2_10:
0x214: {  	p0 =	slt.u32 s5, $0x7E;
	v9 =	vand.u32 $0xFFFFFFFE, v9;
	s15 =	sadd.s32 $0x1, s16;
	[tilespmem:s11+$0xFFFFFFB0] =	vst v8;
	v2 =	vmul.f32 v2, v1;
	v8 =	vld [tilespmem:s11+$0x30];
	s16 =	smov.u32 s5  }
0x215: {  	v9 =	vbroadcast v9, $0x0;
	v10 =	vmov s15;
	[tilespmem:s11+$0xFFFFFFC0] =	vst v7;
	v1 =	vmul.f32 v3, v1;
	v3 =	vld [tilespmem:s11+$0x40]  }
0x216: {  	[tilespmem:s11+$0xFFFFFFD0] =	vst v2;
	v2 =	vmul.f32 v6, v0;
	v6 =	vld [tilespmem:s11+$0x50]  }
0x217: {  	[tilespmem:s11+$0xFFFFFFE0] =	vst v1;
	v1 =	vmul.f32 v5, v0;
	v5 =	vld [tilespmem:s11+$0x60]  }
0x218: {  	[tilespmem:s11+$0x0] =	vst v2;
	v2 =	vmul.f32 v4, v0;
	v4 =	vld [tilespmem:s11+$0x70]  }
0x219: {  	[tilespmem:s11+$0x10] =	vst v1;
	v7 =	vmul.f32 v8, v0;
	v8 =	vld [tilespmem:s11+$0x80]  }
0x21a: {  	v10 =	vld.idx.msk [tilespmem:v10+s10+$0x0], $0xffff;
	[tilespmem:s11+$0x20] =	vst v2;
	v2 =	vmul.f32 v3, v0  }
0x21b: {  	s11 =	sadd.s32 $0x120, s11;
	v1 =	vld.idx.msk [tilespmem:v9+s10+$0x0], $0xffff;
	[tilespmem:s17+$0x30] =	vst v7;
	v3 =	vmul.f32 v6, v0  }
0x21c: {  	v6 =	vld [tilespmem:s11+$0xFFFFFFF0];
	[tilespmem:s17+$0x40] =	vst v2;
	v2 =	vmul.f32 v5, v0  }
0x21d: {  	v5 =	vld [tilespmem:s11+$0xFFFFFF70];
	[tilespmem:s17+$0x50] =	vst v3;
	v3 =	vmul.f32 v4, v0  }
0x21e: {  	v4 =	vld [tilespmem:s11+$0xFFFFFF80];
	[tilespmem:s17+$0x60] =	vst v2;
	v2 =	vmul.f32 v8, v0  }
0x21f: {  	v7 =	vld [tilespmem:s11+$0xFFFFFF90];
	[tilespmem:s17+$0x70] =	vst v3  }
0x220: {  	v0 =	vmov v10;
	v8 =	vld [tilespmem:s11+$0xFFFFFFA0];
	[tilespmem:s17+$0x80] =	vst v2;
	s17 =	smov.u32 s11  }
0x221: {  	v9 =	vld [tilespmem:s11+$0xFFFFFFB0];
	v3 =	vmul.f32 v6, v1  }
0x222: {  	v5 =	vmul.f32 v5, v1;
	v10 =	vld [tilespmem:s11+$0xFFFFFFC0]  }
.Ltmp4:
0x223: {  	v4 =	vmul.f32 v4, v1;
	v2 =	vld [tilespmem:s11+$0xFFFFFFD0];
	[tilespmem:s11+$0xFFFFFFF0] =	vst v3;
	(pc) =	sbr.rel @p0 .LBB2_10-.Ltmp4, $4  }
0x224: {  	[tilespmem:s11+$0xFFFFFF70] =	vst v5;
	v5 =	vmul.f32 v7, v1;
	v3 =	vld [tilespmem:s11+$0xFFFFFFE0]  }
0x225: {  	[tilespmem:s11+$0xFFFFFF80] =	vst v4;
	v4 =	vmul.f32 v8, v1;
	v6 =	vld [tilespmem:s11+$0x0]  }
0x226: {  	[tilespmem:s11+$0xFFFFFF90] =	vst v5;
	v8 =	vmul.f32 v9, v1;
	v5 =	vld [tilespmem:s11+$0x10]  }
0x227: {  	s5 =	sadd.s32 $0x2, s5;
	v9 =	vmov s16;
	[tilespmem:s11+$0xFFFFFFA0] =	vst v4;
	v7 =	vmul.f32 v10, v1;
	v4 =	vld [tilespmem:s11+$0x20]  }
0x228: {  	v10 =	vld [tilespmem:s11+$0x30]  }
0x229: {  	v11 =	vld [tilespmem:s11+$0x40];
	v9 =	vand.u32 $0xFFFFFFFE, v9  }
0x22a: {  	v12 =	vld [tilespmem:s11+$0x50];
	[tilespmem:s11+$0xFFFFFFB0] =	vst v8;
	v2 =	vmul.f32 v2, v1;
	v9 =	vbroadcast v9, $0x0  }
0x22b: {  	s5 =	sadd.s32 $0x1, s16;
	v14 =	vld [tilespmem:s11+$0x60];
	[tilespmem:s11+$0xFFFFFFC0] =	vst v7;
	v1 =	vmul.f32 v3, v1  }
0x22c: {  	s20 =	sadd.s32 $0x120, s11;
	v13 =	vmov s5;
	v3 =	vld [tilespmem:s11+$0x80];
	v6 =	vmul.f32 v6, v0;
	[tilespmem:s11+$0xFFFFFFD0] =	vst v2  }
0x22d: {  	v7 =	vld [tilespmem:s20+$0xFFFFFFF0];
	v5 =	vmul.f32 v5, v0;
	[tilespmem:s11+$0xFFFFFFE0] =	vst v1  }
0x22e: {  	[tilespmem:s11+$0x0] =	vst v6;
	v6 =	vld [tilespmem:s11+$0x70];
	v2 =	vmul.f32 v4, v0  }
0x22f: {  	v8 =	vld [tilespmem:s20+$0xFFFFFF70];
	[tilespmem:s11+$0x10] =	vst v5;
	v1 =	vmul.f32 v10, v0  }
0x230: {  	[tilespmem:s11+$0x20] =	vst v2;
	v2 =	vmul.f32 v11, v0;
	v5 =	vld.idx.msk [tilespmem:v9+s10+$0x0], $0xffff  }
0x231: {  	v4 =	vld.idx.msk [tilespmem:v13+s10+$0x0], $0xffff;
	[tilespmem:s17+$0x30] =	vst v1;
	v1 =	vmul.f32 v12, v0  }
0x232: {  	v9 =	vld [tilespmem:s20+$0xFFFFFF80];
	[tilespmem:s17+$0x40] =	vst v2;
	v2 =	vmul.f32 v14, v0  }
0x233: {  	[tilespmem:s17+$0x50] =	vst v1;
	v1 =	vmul.f32 v6, v0;
	v6 =	vld [tilespmem:s20+$0xFFFFFF90]  }
0x234: {  	v0 =	vmul.f32 v3, v0;
	[tilespmem:s17+$0x60] =	vst v2;
	v2 =	vld [tilespmem:s20+$0xFFFFFFA0]  }
0x235: {  	[tilespmem:s17+$0x70] =	vst v1;
	v1 =	vld [tilespmem:s20+$0xFFFFFFB0];
	v3 =	vmul.f32 v7, v5  }
0x236: {  	[tilespmem:s17+$0x80] =	vst v0;
	v0 =	vmul.f32 v8, v5;
	v7 =	vld [tilespmem:s20+$0xFFFFFFC0]  }
0x237: {  	v8 =	vmul.f32 v9, v5;
	v9 =	vld [tilespmem:s20+$0xFFFFFFD0];
	[tilespmem:s20+$0xFFFFFFF0] =	vst v3  }
0x238: {  	[tilespmem:s20+$0xFFFFFF70] =	vst v0;
	v0 =	vmul.f32 v6, v5;
	v3 =	vld [tilespmem:s20+$0xFFFFFFE0]  }
0x239: {  	[tilespmem:s20+$0xFFFFFF80] =	vst v8;
	v6 =	vld [tilespmem:s20+$0x0];
	v2 =	vmul.f32 v2, v5  }
0x23a: {  	[tilespmem:s20+$0xFFFFFF90] =	vst v0;
	v0 =	vmul.f32 v1, v5;
	v1 =	vld [tilespmem:s20+$0x10]  }
0x23b: {  	[tilespmem:s20+$0xFFFFFFA0] =	vst v2;
	v2 =	vmul.f32 v7, v5;
	v7 =	vld [tilespmem:s20+$0x20]  }
0x23c: {  	v8 =	vld [tilespmem:s20+$0x30];
	[tilespmem:s20+$0xFFFFFFB0] =	vst v0;
	v0 =	vmul.f32 v9, v5  }
0x23d: {  	[tilespmem:s20+$0xFFFFFFC0] =	vst v2;
	v2 =	vmul.f32 v3, v5;
	v3 =	vld [tilespmem:s20+$0x40]  }
0x23e: {  	v5 =	vld [tilespmem:s20+$0x50];
	[tilespmem:s20+$0xFFFFFFD0] =	vst v0;
	v0 =	vmul.f32 v6, v4  }
0x23f: {  	[tilespmem:s20+$0xFFFFFFE0] =	vst v2;
	v1 =	vmul.f32 v1, v4;
	v2 =	vld [tilespmem:s20+$0x60]  }
0x240: {  	v6 =	vld [tilespmem:s20+$0x70];
	[tilespmem:s20+$0x0] =	vst v0;
	v0 =	vmul.f32 v7, v4  }
0x241: {  	v7 =	vld [tilespmem:s20+$0x80];
	[tilespmem:s20+$0x10] =	vst v1;
	v1 =	vmul.f32 v8, v4  }
0x242: {  	[tilespmem:s20+$0x20] =	vst v0;
	v0 =	vmul.f32 v3, v4  }
0x243: {  	[tilespmem:s20+$0x30] =	vst v1;
	v1 =	vmul.f32 v5, v4  }
0x244: {  	[tilespmem:s20+$0x40] =	vst v0;
	v0 =	vmul.f32 v2, v4  }
0x245: {  	[tilespmem:s20+$0x50] =	vst v1;
	v1 =	vmul.f32 v6, v4  }
0x246: {  	[tilespmem:s20+$0x60] =	vst v0;
	v0 =	vmul.f32 v7, v4  }
0x247: {  	[tilespmem:s20+$0x70] =	vst v1  }
0x248: {  	[tilespmem:s20+$0x80] =	vst v0  }
0x249: {  	[spmem:s3] =	stream.indirect.scatter.add.f32 [tilespmem:s31], [sflag:$0x3], $0x90, s12, s23, $0xb8;
	[tilespmem:$0x1F520] =	vst v63  }
0x24a: {  	_ =	swait.ge [sflag:s13], $0x4800  }
0x24b: {  	[sflag:s13] =	ssyncset.done $0x0  }
0x24c: {  	[sflag:s13] =	ssyncadd.s32 $0xFFFFB800  }
0x24d: {  	_ =	swait.ge [sflag:s9], $0x4800  }
0x24e: {  	[sflag:s9] =	ssyncset.done $0x0  }
0x24f: {  	[sflag:s9] =	ssyncadd.s32 $0xFFFFB800  }
0x250: {  	_ =	swait.ge [sflag:s9], $0x80  }
0x251: {  	[sflag:s9] =	ssyncset.done $0x0  }
0x252: {  	[sflag:s9] =	ssyncadd.s32 $0xFFFFFF80  }
0x253: {  	_ =	swait.ge [sflag:s9], $0x80  }
0x254: {  	[sflag:s9] =	ssyncset.done $0x0  }
0x255: {  	[sflag:s9] =	ssyncadd.s32 $0xFFFFFF80  }
0x256: {  	v0 =	vld [tilespmem:$0x9300]  }
0x257: {  	v1 =	vld [tilespmem:$0x9380]  }
0x258: {  	v2 =	vld [tilespmem:$0x9310]  }
0x259: {  	v3 =	vld [tilespmem:$0x9390]  }
0x25a: {  	v4 =	vld [tilespmem:$0x9320]  }
0x25b: {  	v5 =	vld [tilespmem:$0x93A0]  }
0x25c: {  	v6 =	vld [tilespmem:$0x93B0];
	v0 =	vadd.f32 v1, v0  }
0x25d: {  	v1 =	vld [tilespmem:$0x9330]  }
0x25e: {  	v8 =	vld [tilespmem:$0x93C0];
	v2 =	vadd.f32 v3, v2;
	v7 =	vmul.f32 $2.000000030e-01, v0  }
0x25f: {  	v3 =	vld [tilespmem:$0x9340];
	vm0 =	vge.f32 v0, $0.0e+00  }
0x260: {  	v9 =	vld [tilespmem:$0x93D0];
	v4 =	vadd.f32 v5, v4;
	v0 =	vsel vm0, v0, v7;
	v7 =	vmul.f32 $2.000000030e-01, v2  }
0x261: {  	v5 =	vld [tilespmem:$0x9350];
	vm9 =	vge.f32 v2, $0.0e+00;
	v0 =	vmul.f32 $1.442695020e+00, v0  }
0x262: {  	v1 =	vadd.f32 v6, v1;
	v6 =	vld [tilespmem:$0x9360];
	v2 =	vsel vm9, v2, v7;
	v7 =	vmul.f32 $2.000000030e-01, v4  }
0x263: {  	vm10 =	vge.f32 v4, $0.0e+00;
	(erf) = vpow2.f32 v0;
	v0 =	vmul.f32 $1.442695020e+00, v2;
	v2 =	vld [tilespmem:$0x93E0]  }
0x264: {  	v3 =	vadd.f32 v8, v3;
	v8 =	vld [tilespmem:$0x9370];
	v4 =	vsel vm10, v4, v7;
	v7 =	vmul.f32 $2.000000030e-01, v1  }
0x265: {  	vm11 =	vge.f32 v1, $0.0e+00;
	(erf) = vpow2.f32 v0;
	v0 =	vmul.f32 $1.442695020e+00, v4;
	v4 =	vld [tilespmem:$0x93F0]  }
0x266: {  	v5 =	vadd.f32 v9, v5;
	v1 =	vsel vm11, v1, v7;
	v7 =	vmul.f32 $2.000000030e-01, v3  }
0x267: {  	vm12 =	vge.f32 v3, $0.0e+00;
	(erf) = vpow2.f32 v0;
	v0 =	vmul.f32 $1.442695020e+00, v1  }
0x268: {  	v1 =	vsel vm12, v3, v7;
	v3 =	vmul.f32 $2.000000030e-01, v5;
	v2 =	vadd.f32 v2, v6  }
0x269: {  	vm13 =	vge.f32 v5, $0.0e+00;
	(erf) = vpow2.f32 v0;
	v0 =	vmul.f32 $1.442695020e+00, v1  }
0x26a: {  	v6 =	vld [tilespmem:$0x80];
	v1 =	vsel vm13, v5, v3;
	v3 =	vmul.f32 $2.000000030e-01, v2;
	v4 =	vadd.f32 v4, v8  }
0x26b: {  	vm14 =	vge.f32 v2, $0.0e+00;
	(erf) = vpow2.f32 v0;
	v0 =	vmul.f32 $1.442695020e+00, v1  }
0x26c: {  	v5 =	vld [tilespmem:$0x90];
	v2 =	vsel vm14, v2, v3;
	v3 =	vmul.f32 $2.000000030e-01, v4  }
0x26d: {  	vm15 =	vge.f32 v4, $0.0e+00;
	v1 =	vpop (erf);
	(erf) = vpow2.f32 v0;
	v0 =	vmul.f32 $1.442695020e+00, v2  }
0x26e: {  	[tilespmem:$0x9280] =	vst v1;
	v1 =	vld [tilespmem:$0xA0];
	v3 =	vsel vm15, v4, v3  }
0x26f: {  	[tilespmem:$0x9200] =	vst v6;
	v2 =	vpop (erf);
	(erf) = vpow2.f32 v0;
	v0 =	vmul.f32 $1.442695020e+00, v3  }
0x270: {  	[tilespmem:$0x9290] =	vst v2;
	v2 =	vld [tilespmem:$0xB0]  }
0x271: {  	[tilespmem:$0x9210] =	vst v5;
	v3 =	vpop (erf)  }
0x272: {  	(erf) = vpow2.f32 v0;
	[tilespmem:$0x92A0] =	vst v3;
	v3 =	vld [tilespmem:$0xC0]  }
0x273: {  	v0 =	vpop (erf);
	[tilespmem:$0x9220] =	vst v1  }
0x274: {  	[tilespmem:$0x92B0] =	vst v0;
	v0 =	vld [tilespmem:$0xD0]  }
0x275: {  	s21 =	simm.s32 $0x0;
	v1 =	vpop (erf);
	[tilespmem:$0x9230] =	vst v2  }
0x276: {  	[tilespmem:$0x92C0] =	vst v1;
	v1 =	vld [tilespmem:$0xE0];
	v2 =	vmov s21  }
0x277: {  	v4 =	vpop (erf);
	v2 =	vand.u32 $0xFFFFFFFE, v2;
	[tilespmem:$0x9240] =	vst v3  }
0x278: {  	[tilespmem:$0x92D0] =	vst v4;
	v3 =	vld [tilespmem:$0xF0];
	v2 =	vbroadcast v2, $0x0  }
0x279: {  	v4 =	vpop (erf);
	[tilespmem:$0x9250] =	vst v0  }
0x27a: {  	[tilespmem:$0x92E0] =	vst v4  }
0x27b: {  	[tilespmem:$0x9260] =	vst v1;
	v0 =	vpop (erf)  }
0x27c: {  	[tilespmem:$0x92F0] =	vst v0  }
0x27d: {  	[tilespmem:$0x9270] =	vst v3  }
0x27e: {  	s11 =	simm.s32 $0x290;
	v1 =	vld.idx.msk [tilespmem:v2+s10+$0x0], $0xffff  }
0x27f: {  	v0 =	vld [tilespmem:s11+$0xFFFFFFF0]  }
0x280: {  	v2 =	vld [tilespmem:s11+$0xFFFFFF70]  }
0x281: {  	s22 =	simm.s32 $0x1;
	v3 =	vld [tilespmem:s11+$0xFFFFFF80]  }
0x282: {  	v5 =	vmov s22;
	v4 =	vld [tilespmem:s11+$0xFFFFFF90]  }
0x283: {  	v6 =	vld [tilespmem:s11+$0xFFFFFFA0]  }
0x284: {  	v7 =	vld [tilespmem:s11+$0xFFFFFFB0]  }
0x285: {  	v10 =	vld [tilespmem:s11+$0xFFFFFFC0];
	v0 =	vmul.f32 v0, v1  }
0x286: {  	v8 =	vmul.f32 v2, v1;
	v2 =	vld [tilespmem:s11+$0xFFFFFFD0]  }
0x287: {  	v4 =	vmul.f32 v4, v1;
	[tilespmem:s11+$0xFFFFFFF0] =	vst v0;
	v0 =	vld.idx.msk [tilespmem:v5+s10+$0x0], $0xffff  }
0x288: {  	v5 =	vmul.f32 v3, v1;
	[tilespmem:s11+$0xFFFFFF70] =	vst v8;
	v3 =	vld [tilespmem:s11+$0xFFFFFFE0]  }
0x289: {  	v11 =	vmul.f32 v6, v1;
	v6 =	vld [tilespmem:s11+$0x0];
	[tilespmem:s11+$0xFFFFFF90] =	vst v4  }
0x28a: {  	s16 =	simm.s32 $0x2;
	v8 =	vmul.f32 v7, v1;
	[tilespmem:s11+$0xFFFFFF80] =	vst v5;
	v5 =	vld [tilespmem:s11+$0x10]  }
0x28b: {  	s5 =	simm.s32 $0x4;
	s17 =	simm.s32 $0x290;
	v9 =	vmov s16;
	[tilespmem:s11+$0xFFFFFFA0] =	vst v11;
	v7 =	vmul.f32 v10, v1;
	v4 =	vld [tilespmem:s11+$0x20]  }
.LBB2_12:
0x28c: {  	p0 =	slt.u32 s5, $0x7E;
	v9 =	vand.u32 $0xFFFFFFFE, v9;
	s15 =	sadd.s32 $0x1, s16;
	[tilespmem:s11+$0xFFFFFFB0] =	vst v8;
	v2 =	vmul.f32 v2, v1;
	v8 =	vld [tilespmem:s11+$0x30];
	s16 =	smov.u32 s5  }
0x28d: {  	v9 =	vbroadcast v9, $0x0;
	v10 =	vmov s15;
	[tilespmem:s11+$0xFFFFFFC0] =	vst v7;
	v1 =	vmul.f32 v3, v1;
	v3 =	vld [tilespmem:s11+$0x40]  }
0x28e: {  	[tilespmem:s11+$0xFFFFFFD0] =	vst v2;
	v2 =	vmul.f32 v6, v0;
	v6 =	vld [tilespmem:s11+$0x50]  }
0x28f: {  	[tilespmem:s11+$0xFFFFFFE0] =	vst v1;
	v1 =	vmul.f32 v5, v0;
	v5 =	vld [tilespmem:s11+$0x60]  }
0x290: {  	[tilespmem:s11+$0x0] =	vst v2;
	v2 =	vmul.f32 v4, v0;
	v4 =	vld [tilespmem:s11+$0x70]  }
0x291: {  	[tilespmem:s11+$0x10] =	vst v1;
	v7 =	vmul.f32 v8, v0;
	v8 =	vld [tilespmem:s11+$0x80]  }
0x292: {  	v10 =	vld.idx.msk [tilespmem:v10+s10+$0x0], $0xffff;
	[tilespmem:s11+$0x20] =	vst v2;
	v2 =	vmul.f32 v3, v0  }
0x293: {  	s11 =	sadd.s32 $0x120, s11;
	v1 =	vld.idx.msk [tilespmem:v9+s10+$0x0], $0xffff;
	[tilespmem:s17+$0x30] =	vst v7;
	v3 =	vmul.f32 v6, v0  }
0x294: {  	v6 =	vld [tilespmem:s11+$0xFFFFFFF0];
	[tilespmem:s17+$0x40] =	vst v2;
	v2 =	vmul.f32 v5, v0  }
0x295: {  	v5 =	vld [tilespmem:s11+$0xFFFFFF70];
	[tilespmem:s17+$0x50] =	vst v3;
	v3 =	vmul.f32 v4, v0  }
0x296: {  	v4 =	vld [tilespmem:s11+$0xFFFFFF80];
	[tilespmem:s17+$0x60] =	vst v2;
	v2 =	vmul.f32 v8, v0  }
0x297: {  	v7 =	vld [tilespmem:s11+$0xFFFFFF90];
	[tilespmem:s17+$0x70] =	vst v3  }
0x298: {  	v0 =	vmov v10;
	v8 =	vld [tilespmem:s11+$0xFFFFFFA0];
	[tilespmem:s17+$0x80] =	vst v2;
	s17 =	smov.u32 s11  }
0x299: {  	v9 =	vld [tilespmem:s11+$0xFFFFFFB0];
	v3 =	vmul.f32 v6, v1  }
0x29a: {  	v5 =	vmul.f32 v5, v1;
	v10 =	vld [tilespmem:s11+$0xFFFFFFC0]  }
.Ltmp5:
0x29b: {  	v4 =	vmul.f32 v4, v1;
	v2 =	vld [tilespmem:s11+$0xFFFFFFD0];
	[tilespmem:s11+$0xFFFFFFF0] =	vst v3;
	(pc) =	sbr.rel @p0 .LBB2_12-.Ltmp5, $4  }
0x29c: {  	[tilespmem:s11+$0xFFFFFF70] =	vst v5;
	v5 =	vmul.f32 v7, v1;
	v3 =	vld [tilespmem:s11+$0xFFFFFFE0]  }
0x29d: {  	[tilespmem:s11+$0xFFFFFF80] =	vst v4;
	v4 =	vmul.f32 v8, v1;
	v6 =	vld [tilespmem:s11+$0x0]  }
0x29e: {  	[tilespmem:s11+$0xFFFFFF90] =	vst v5;
	v8 =	vmul.f32 v9, v1;
	v5 =	vld [tilespmem:s11+$0x10]  }
0x29f: {  	s5 =	sadd.s32 $0x2, s5;
	v9 =	vmov s16;
	[tilespmem:s11+$0xFFFFFFA0] =	vst v4;
	v7 =	vmul.f32 v10, v1;
	v4 =	vld [tilespmem:s11+$0x20]  }
0x2a0: {  	v10 =	vld [tilespmem:s11+$0x30]  }
0x2a1: {  	v11 =	vld [tilespmem:s11+$0x40]  }
0x2a2: {  	s5 =	sadd.s32 $0x1, s16;
	v12 =	vld [tilespmem:s11+$0x50];
	[tilespmem:s11+$0xFFFFFFB0] =	vst v8;
	v2 =	vmul.f32 v2, v1  }
0x2a3: {  	v14 =	vld [tilespmem:s11+$0x60];
	v13 =	vmov s5;
	[tilespmem:s11+$0xFFFFFFC0] =	vst v7;
	v19 =	vmul.f32 v3, v1  }
0x2a4: {  	v18 =	vld [tilespmem:s11+$0x70];
	v6 =	vmul.f32 v6, v0;
	[tilespmem:s11+$0xFFFFFFD0] =	vst v2  }
0x2a5: {  	v20 =	vld [tilespmem:s11+$0x80];
	s16 =	sadd.s32 $0x120, s11;
	v5 =	vmul.f32 v5, v0;
	[tilespmem:s11+$0xFFFFFFE0] =	vst v19  }
0x2a6: {  	v26 =	vld [tilespmem:s16+$0xFFFFFFF0];
	[tilespmem:s11+$0x0] =	vst v6;
	v21 =	vmul.f32 v4, v0  }
0x2a7: {  	v43 =	vld [tilespmem:s16+$0x0];
	[tilespmem:s11+$0x10] =	vst v5;
	v23 =	vmul.f32 v10, v0  }
0x2a8: {  	v25 =	vmul.f32 v11, v0;
	v22 =	vld.idx.msk [tilespmem:v13+s10+$0x0], $0xffff;
	[tilespmem:s11+$0x20] =	vst v21  }
0x2a9: {  	v45 =	vld [tilespmem:s16+$0x10];
	v27 =	vmul.f32 v12, v0;
	[tilespmem:s17+$0x30] =	vst v23  }
0x2aa: {  	v9 =	vand.u32 $0xFFFFFFFE, v9;
	v47 =	vld [tilespmem:s16+$0x20];
	v29 =	vmul.f32 v14, v0;
	[tilespmem:s17+$0x40] =	vst v25  }
0x2ab: {  	v9 =	vbroadcast v9, $0x0;
	v49 =	vld [tilespmem:s16+$0x30];
	v31 =	vmul.f32 v18, v0;
	[tilespmem:s17+$0x50] =	vst v27  }
0x2ac: {  	v51 =	vld [tilespmem:s16+$0x40];
	v33 =	vmul.f32 v20, v0;
	[tilespmem:s17+$0x60] =	vst v29  }
0x2ad: {  	v53 =	vld [tilespmem:s16+$0x50];
	[tilespmem:s17+$0x70] =	vst v31;
	v52 =	vmul.f32 v43, v22  }
0x2ae: {  	v54 =	vld [tilespmem:s16+$0x60];
	[tilespmem:s17+$0x80] =	vst v33;
	v1 =	vmul.f32 v45, v22  }
0x2af: {  	v56 =	vld [tilespmem:s16+$0x70];
	v55 =	vmul.f32 v47, v22;
	[tilespmem:s16+$0x0] =	vst v52  }
0x2b0: {  	v58 =	vld [tilespmem:s16+$0x80];
	v57 =	vmul.f32 v49, v22;
	[tilespmem:s16+$0x10] =	vst v1  }
0x2b1: {  	v24 =	vld.idx.msk [tilespmem:v9+s10+$0x0], $0xffff;
	v59 =	vmul.f32 v51, v22;
	[tilespmem:s16+$0x20] =	vst v55  }
0x2b2: {  	v28 =	vld [tilespmem:s16+$0xFFFFFF70];
	v60 =	vmul.f32 v53, v22;
	[tilespmem:s16+$0x30] =	vst v57  }
0x2b3: {  	v30 =	vld [tilespmem:s16+$0xFFFFFF80];
	v61 =	vmul.f32 v54, v22;
	[tilespmem:s16+$0x40] =	vst v59  }
0x2b4: {  	v32 =	vld [tilespmem:s16+$0xFFFFFF90];
	v62 =	vmul.f32 v56, v22;
	[tilespmem:s16+$0x50] =	vst v60  }
0x2b5: {  	v34 =	vld [tilespmem:s16+$0xFFFFFFA0];
	v63 =	vmul.f32 v58, v22;
	[tilespmem:s16+$0x60] =	vst v61  }
0x2b6: {  	v35 =	vld [tilespmem:s16+$0xFFFFFFB0];
	v36 =	vmul.f32 v26, v24;
	[tilespmem:s16+$0x70] =	vst v62  }
0x2b7: {  	v38 =	vld [tilespmem:s16+$0xFFFFFFC0];
	v37 =	vmul.f32 v28, v24;
	[tilespmem:s16+$0x80] =	vst v63  }
0x2b8: {  	v40 =	vld [tilespmem:s16+$0xFFFFFFD0];
	v39 =	vmul.f32 v30, v24;
	[tilespmem:s16+$0xFFFFFFF0] =	vst v36  }
0x2b9: {  	v42 =	vld [tilespmem:s16+$0xFFFFFFE0];
	v41 =	vmul.f32 v32, v24;
	[tilespmem:s16+$0xFFFFFF70] =	vst v37  }
0x2ba: {  	v2 =	vmul.f32 v34, v24;
	[tilespmem:s16+$0xFFFFFF80] =	vst v39  }
0x2bb: {  	v44 =	vmul.f32 v35, v24;
	[tilespmem:s16+$0xFFFFFF90] =	vst v41  }
0x2bc: {  	v46 =	vmul.f32 v38, v24;
	[tilespmem:s16+$0xFFFFFFA0] =	vst v2  }
0x2bd: {  	v48 =	vmul.f32 v40, v24;
	[tilespmem:s16+$0xFFFFFFB0] =	vst v44  }
0x2be: {  	v50 =	vmul.f32 v42, v24;
	[tilespmem:s16+$0xFFFFFFC0] =	vst v46  }
0x2bf: {  	[tilespmem:s16+$0xFFFFFFD0] =	vst v48  }
0x2c0: {  	[tilespmem:s16+$0xFFFFFFE0] =	vst v50  }
0x2c1: {  	[spmem:s3] =	stream.indirect.scatter.add.f32 [tilespmem:s25], [sflag:$0x3], $0x90, s12, s23, $0xb8;
	[tilespmem:$0x1F520] =	vst v63  }
0x2c2: {  	_ =	swait.ge [sflag:s13], $0x4800  }
0x2c3: {  	[sflag:s13] =	ssyncset.done $0x0  }
0x2c4: {  	[sflag:s13] =	ssyncadd.s32 $0xFFFFB800  }
0x2c5: {  	[bflag:$0x0] =	sbarrier.arrive $0xFFFF  }
0x2c6: {  	s15 =	rddreg [dreg:$0x6]  }
0x2c7: {  	s17 =	rddreg [dreg:$0xd]  }
0x2c8: {  	s11 =	simm.s32 $0x5;
	s20 =	rddreg [dreg:$0x10]  }
0x2c9: {  	[hbm:s17], [sflag:s15] =	dma.local [spmem:s20], $0x2C04  }
0x2ca: {  	_ =	swait.ge [sflag:s11], $0x2C04  }
0x2cb: {  	s21 =	rddreg [dreg:$0xf]  }
0x2cc: {  	s22 =	rddreg [dreg:$0xe];
	s16 =	sadd.s32 $0x1, s21  }
0x2cd: {  	p0 =	sne.s32 s16, s22  }
.Ltmp6:
0x2ce: {  	_ = 	snop;
	(pc) =	sbr.rel @p0 .LBB2_1-.Ltmp6, $3  }
0x2cf: {  	_ =	sdelay $0x1  }
0x2d0: {  	[sflag:s11] =	ssyncset.done $0x0  }
0x2d1: {  	[sflag:s11] =	ssyncadd.s32 $0xFFFFD3FC  }
0x2d2: {  	_ =	sfence.sel $0x180000  }
0x2d3: {  	[bflag:$0x0] =	sbarrier.arrive $0xFFFF  }
0x2d4: {  	_ =	strace $0x90000047  }
0x2d5: {  	s0 =	stileid.u32;
	[bflag:$0x2] =	sbarrier.arrive $0xFFFF  }
0x2d6: {  	p0 =	sne.s32 s0, $0x0;
	s0 =	rddreg [dreg:$0x3]  }
0x2d7: {  	s0 =	sadd.s32 @!p0 $0x100000, s0  }
0x2d8: {  	[sflag:s0] =	ssyncadd.tile.s32 @!p0 $0x1;
	_ =	shalt  }
.Lfunc_end2:
_tile_overlayer_lowered:
.L_overlay_start_2:
0x2d9: {  	(tag) =	ssettag $0x2  }
0x2da: {  	s0 =	rddreg [dreg:$0x0];
	s2 =	stileid.u32  }
0x2db: {  	s1 =	rddreg [dreg:$0x1];
	p0 =	sne.s32 s2, $0x0  }
0x2dc: {  	s3 =	rddreg [dreg:$0x2];
	[bflag:$0x3] =	sbarrier.arrive $0xFFFF;
	s2 =	simm.s32 @!p0 $0x1C05  }
0x2dd: {  	[timem:s3], [sflag:s2] =	dma.local @!p0 [hbm:s0], s1  }
0x2de: {  	s0 =	simm.s32 @!p0 $0x5  }
0x2df: {  	_ =	swait.ge @!p0 [sflag:s0], s1  }
0x2e0: {  	s1 =	ssub.s32 @!p0 $0x0, s1;
	[sflag:s0] =	ssyncset.done @!p0 $0x0  }
0x2e1: {  	[sflag:s0] =	ssyncadd.s32 @!p0 s1  }
0x2e2: {  	[bflag:$0x3] =	sbarrier.arrive $0xFFFF  }
0x2e3: {  	_ =	shalt  }

</sc_bundles>
